<compile_context>
chip_gen: v7x
topology: tpu7x:2x2x1
jax: 0.10.2.dev20260603
libtpu: 0.0.44.dev20260713+nightly
codegen_flags: <defaults>
</compile_context>

<pallas_src>
import functools

import jax
import jax.numpy as jnp
from jax import lax
from jax.experimental import pallas as pl
from jax.experimental.pallas import tpu as pltpu
from jax.experimental.pallas import tpu_sc as plsc

_N = 10000
_E = 320000
_HID = 128
_HEADS = 2
_NG = 64
_VOCAB = 1001

_NP = 10240
_VP = 1024
_BN = 256
_KB = 32
_EP = 331776
_TBLK = _EP // 16 // _KB
_DRW = _NP // 16
_NR = 8
_RNG = _NP // _NR
_TRASH = 32
_ACCR = _RNG + _TRASH
_RPTR = _RNG // 16
_NEG_SLOPE = 0.2
_INV_SQRT2 = 0.7071067811865476


def _sc_gat(h_tab, als, ald, srcs, dsts):
  mesh = plsc.VectorSubcoreMesh(core_axis_name="c", subcore_axis_name="s")

  @functools.partial(
      pl.kernel,
      out_type=(jax.ShapeDtypeStruct((2 * _NP, _HID), jnp.float32),
                jax.ShapeDtypeStruct((32, _DRW, 16), jnp.float32)),
      mesh=mesh,
      compiler_params=pltpu.CompilerParams(needs_layout_passes=False),
      scratch_types=[
          pltpu.VMEM((_NP,), jnp.float32),
          pltpu.VMEM((_NP,), jnp.float32),
          pltpu.VMEM((_DRW, 16), jnp.float32),
          pltpu.VMEM((_KB,), jnp.int32),
          pltpu.VMEM((_KB,), jnp.int32),
          pltpu.VMEM((_KB,), jnp.int32),
          pltpu.VMEM((_KB,), jnp.int32),
          pltpu.VMEM((_KB,), jnp.int32),
          pltpu.VMEM((_KB,), jnp.int32),
          pltpu.VMEM((_KB,), jnp.float32),
          pltpu.VMEM((_KB,), jnp.float32),
          pltpu.VMEM((2 * _KB, _HID), jnp.float32),
          pltpu.VMEM((64, 16), jnp.float32),
          pltpu.VMEM_SHARED((_ACCR, _HID), jnp.float32),
          pltpu.SemaphoreType.DMA,
          pltpu.SemaphoreType.DMA,
      ])
  def k(h_ref, als_ref, ald_ref, src_ref, dst_ref, out_ref, denp_ref,
        als_v, ald_v, den_v, src_v, dst_v, gsrc_a, gsrc_b, dloc_a, dloc_b,
        coef_a, coef_b, rows_v, tmp_v, acc_sh, sem_a, sem_b):
    c = lax.axis_index("c")
    s = lax.axis_index("s")
    z16 = jnp.zeros((16,), jnp.float32)
    iota16 = lax.iota(jnp.int32, 16)

    def zero_rows(i, carry):
      for j in range(_HID // 16):
        rows_v[i, pl.ds(j * 16, 16)] = z16
      return carry

    def zero_den(i, carry):
      den_v[i, :] = z16
      return carry
    lax.fori_loop(0, _DRW, zero_den, 0)

    tab_off = pl.multiple_of(c * _NP, 8)
    pltpu.sync_copy(als_ref.at[pl.ds(tab_off, _NP)], als_v)
    pltpu.sync_copy(ald_ref.at[pl.ds(tab_off, _NP)], ald_v)
    plsc.subcore_barrier()

    def edge_block_ptrs(b):
      return pl.multiple_of((s * _TBLK + b) * _KB, _KB)

    def edge_weights(j):
      sj = src_v[pl.ds(j * 16, 16)]
      dj = dst_v[pl.ds(j * 16, 16)]
      a = plsc.load_gather(als_v, [sj]) + plsc.load_gather(ald_v, [dj])
      a = jnp.where(a >= 0.0, a, _NEG_SLOPE * a)
      ex = jnp.exp(a)
      r = lax.shift_right_logical(dj, 4)
      cl = lax.bitwise_and(dj, 15)
      return sj, dj, r, cl, ex

    def p1(b, carry):
      base = edge_block_ptrs(b)
      pltpu.sync_copy(src_ref.at[pl.ds(base, _KB)], src_v)
      pltpu.sync_copy(dst_ref.at[pl.ds(base, _KB)], dst_v)
      for j in range(_KB // 16):
        _, _, r, cl, ex = edge_weights(j)
        plsc.addupdate_scatter(den_v, [r, cl], ex)
      return carry
    lax.fori_loop(0, _TBLK, p1, 0)

    pltpu.sync_copy(den_v, denp_ref.at[c * 16 + s])
    plsc.subcore_barrier()
    lax.fori_loop(0, _DRW, zero_den, 0)

    def dred(ch, carry):
      base = pl.multiple_of(ch * 64, 8)

      def dslot(t, carry2):
        pltpu.sync_copy(denp_ref.at[c * 16 + t, pl.ds(base, 64), :], tmp_v)

        def dacc(i, carry3):
          den_v[base + i, :] = den_v[base + i, :] + tmp_v[i, :]
          return carry3
        lax.fori_loop(0, 64, dacc, 0)
        return carry2
      lax.fori_loop(0, 16, dslot, 0)
      return carry
    lax.fori_loop(0, _DRW // 64, dred, 0)

    def sweep(rng_i, carry0):
      lo = rng_i * _RNG
      lax.fori_loop(0, 2 * _KB, zero_rows, 0)
      rv = 2 * _KB
      for zc in range(_RPTR // rv):
        pltpu.sync_copy(rows_v, acc_sh.at[pl.ds(s * _RPTR + zc * rv, rv), :])
      if _RPTR % rv:
        pltpu.sync_copy(
            rows_v.at[pl.ds(0, _RPTR % rv), :],
            acc_sh.at[pl.ds(s * _RPTR + (_RPTR // rv) * rv, _RPTR % rv), :])
      plsc.subcore_barrier()

      def prep(b, gsrc_x, dloc_x, coef_x, off, sem_x):
        base = edge_block_ptrs(b)
        pltpu.sync_copy(src_ref.at[pl.ds(base, _KB)], src_v)
        pltpu.sync_copy(dst_ref.at[pl.ds(base, _KB)], dst_v)
        for j in range(_KB // 16):
          sj, dj, r, cl, ex = edge_weights(j)
          den = plsc.load_gather(den_v, [r, cl])
          valid = jnp.logical_and(dj >= lo, dj < lo + _RNG)
          coef_x[pl.ds(j * 16, 16)] = jnp.where(
              valid, ex / (den + 1e-16), 0.0)
          park = _RNG + ((iota16 + j * 16) & (_TRASH - 1))
          dloc_x[pl.ds(j * 16, 16)] = jnp.where(valid, dj - lo, park)
          gsrc_x[pl.ds(j * 16, 16)] = sj + c * _NP
        pltpu.async_copy(h_ref.at[gsrc_x], rows_v.at[pl.ds(off, _KB), :], sem_x)

      def finish(gsrc_x, dloc_x, coef_x, off, sem_x):
        pltpu.make_async_copy(
            h_ref.at[gsrc_x], rows_v.at[pl.ds(off, _KB), :], sem_x).wait()

        def scale(i4, carry2):
          i0 = i4 * 4
          for u in range(4):
            cv = plsc.load_gather(coef_x, [jnp.full((16,), i0 + u, jnp.int32)])
            for j in range(_HID // 16):
              rows_v[off + i0 + u, pl.ds(j * 16, 16)] = (
                  rows_v[off + i0 + u, pl.ds(j * 16, 16)] * cv)
          return carry2
        lax.fori_loop(0, _KB // 4, scale, 0)
        pltpu.sync_copy(rows_v.at[pl.ds(off, _KB), :],
                        acc_sh.at[dloc_x], add=True)

      nb = _TBLK // 2
      prep(0, gsrc_a, dloc_a, coef_a, 0, sem_a)

      def pair(bp, carry):
        prep(bp * 2 + 1, gsrc_b, dloc_b, coef_b, _KB, sem_b)
        finish(gsrc_a, dloc_a, coef_a, 0, sem_a)

        @pl.when(bp < nb - 1)
        def _():
          prep(bp * 2 + 2, gsrc_a, dloc_a, coef_a, 0, sem_a)
        finish(gsrc_b, dloc_b, coef_b, _KB, sem_b)
        return carry
      lax.fori_loop(0, nb, pair, 0)
      plsc.subcore_barrier()

      out_row = pl.multiple_of(c * _NP + lo + s * _RPTR, 8)
      pltpu.sync_copy(
          acc_sh.at[pl.ds(s * _RPTR, _RPTR), :],
          out_ref.at[pl.ds(out_row, _RPTR), :])
      plsc.subcore_barrier()
      return carry0
    lax.fori_loop(0, _NR, sweep, 0)

  return k(h_tab, als, ald, srcs, dsts)[0]


def _dot(a, b):
  return jnp.dot(a, b, preferred_element_type=jnp.float32,
                 precision=lax.Precision.HIGHEST)


def _logits(h0, h1, av):
  als0 = jnp.sum(h0 * av[0:1, :], axis=1)
  als1 = jnp.sum(h1 * av[1:2, :], axis=1)
  ald0 = jnp.sum(h0 * av[2:3, :], axis=1)
  ald1 = jnp.sum(h1 * av[3:4, :], axis=1)
  return jnp.concatenate(
      [als0[None, :], als1[None, :], ald0[None, :], ald1[None, :]], axis=0)


def _tc_layer1(xp, embp, w1a, w1b, avec):
  nblk = _NP // _BN

  def body(x_ref, emb_ref, wa_ref, wb_ref, av_ref, h_ref, al_ref):
    xb = x_ref[:, :]
    ioh = lax.broadcasted_iota(jnp.int32, (_BN, _VP), 1)
    oh = (xb == ioh).astype(jnp.float32)
    xe = _dot(oh, emb_ref[:, :])
    h0 = _dot(xe, wa_ref[:, :])
    h1 = _dot(xe, wb_ref[:, :])
    h_ref[0] = h0
    h_ref[1] = h1
    al_ref[:, :] = _logits(h0, h1, av_ref[:, :])

  return pl.pallas_call(
      body,
      grid=(nblk,),
      in_specs=[
          pl.BlockSpec((_BN, 1), lambda i: (i, 0)),
          pl.BlockSpec((_VP, _HID), lambda i: (0, 0)),
          pl.BlockSpec((_HID, _HID), lambda i: (0, 0)),
          pl.BlockSpec((_HID, _HID), lambda i: (0, 0)),
          pl.BlockSpec((4, _HID), lambda i: (0, 0)),
      ],
      out_specs=[
          pl.BlockSpec((2, _BN, _HID), lambda i: (0, i, 0)),
          pl.BlockSpec((4, _BN), lambda i: (0, i)),
      ],
      out_shape=[
          jax.ShapeDtypeStruct((2, _NP, _HID), jnp.float32),
          jax.ShapeDtypeStruct((4, _NP), jnp.float32),
      ],
  )(xp, embp, w1a, w1b, avec)


def _tc_mid(agg, b1r, lgr, lbr, w2aa, w2ba, w2ab, w2bb, avec2):
  nblk = _NP // _BN

  def body(a_ref, b1_ref, g_ref, lb_ref, waa_ref, wba_ref, wab_ref, wbb_ref,
           av_ref, h_ref, al_ref):
    a0 = a_ref[0] + b1_ref[0:1, :]
    a1 = a_ref[1] + b1_ref[1:2, :]
    mu = (jnp.sum(a0, 1, keepdims=True) +
          jnp.sum(a1, 1, keepdims=True)) * (1.0 / 256.0)
    ms = (jnp.sum(a0 * a0, 1, keepdims=True) +
          jnp.sum(a1 * a1, 1, keepdims=True)) * (1.0 / 256.0)
    inv = lax.rsqrt(ms - mu * mu + 1e-5)
    x0 = (a0 - mu) * inv * g_ref[0:1, :] + lb_ref[0:1, :]
    x1 = (a1 - mu) * inv * g_ref[1:2, :] + lb_ref[1:2, :]
    g0 = 0.5 * x0 * (1.0 + lax.erf(x0 * _INV_SQRT2))
    g1 = 0.5 * x1 * (1.0 + lax.erf(x1 * _INV_SQRT2))
    h0 = _dot(g0, waa_ref[:, :]) + _dot(g1, wba_ref[:, :])
    h1 = _dot(g0, wab_ref[:, :]) + _dot(g1, wbb_ref[:, :])
    h_ref[0] = h0
    h_ref[1] = h1
    al_ref[:, :] = _logits(h0, h1, av_ref[:, :])

  full = lambda shape: pl.BlockSpec(shape, lambda i: tuple(0 for _ in shape))
  return pl.pallas_call(
      body,
      grid=(nblk,),
      in_specs=[
          pl.BlockSpec((2, _BN, _HID), lambda i: (0, i, 0)),
          full((2, _HID)),
          full((2, _HID)),
          full((2, _HID)),
          full((_HID, _HID)),
          full((_HID, _HID)),
          full((_HID, _HID)),
          full((_HID, _HID)),
          full((4, _HID)),
      ],
      out_specs=[
          pl.BlockSpec((2, _BN, _HID), lambda i: (0, i, 0)),
          pl.BlockSpec((4, _BN), lambda i: (0, i)),
      ],
      out_shape=[
          jax.ShapeDtypeStruct((2, _NP, _HID), jnp.float32),
          jax.ShapeDtypeStruct((4, _NP), jnp.float32),
      ],
  )(agg, b1r, lgr, lbr, w2aa, w2ba, w2ab, w2bb, avec2)


def _tc_final(agg2, b2r, w3a, w3b, b3r, bidxp):
  nblk = _NP // _BN

  def body(a_ref, b2_ref, wa_ref, wb_ref, b3_ref, bi_ref, h_ref, z_ref, zacc):
    i = pl.program_id(0)
    a0 = a_ref[0] + b2_ref[0:1, :]
    a1 = a_ref[1] + b2_ref[1:2, :]
    hh = _dot(a0, wa_ref[:, :]) + _dot(a1, wb_ref[:, :]) + b3_ref[0:1, :]
    h_ref[:, :] = hh
    oh = (bi_ref[:, :] ==
          lax.broadcasted_iota(jnp.int32, (_BN, _NG), 1)).astype(jnp.float32)
    aug = jnp.concatenate(
        [hh, jnp.ones((_BN, 1), jnp.float32),
         jnp.zeros((_BN, _HID - 1), jnp.float32)], axis=1)
    part = lax.dot_general(oh, aug, (((0,), (0,)), ((), ())),
                           preferred_element_type=jnp.float32,
                           precision=lax.Precision.HIGHEST)

    @pl.when(i == 0)
    def _():
      zacc[:, :] = part

    @pl.when(i > 0)
    def _():
      zacc[:, :] = zacc[:, :] + part

    @pl.when(i == nblk - 1)
    def _():
      acc = zacc[:, :]
      cnt = jnp.maximum(acc[:, _HID:_HID + 1], 1.0)
      z_ref[:, :] = acc[:, :_HID] / cnt

  full = lambda shape: pl.BlockSpec(shape, lambda i: tuple(0 for _ in shape))
  return pl.pallas_call(
      body,
      grid=(nblk,),
      in_specs=[
          pl.BlockSpec((2, _BN, _HID), lambda i: (0, i, 0)),
          full((2, _HID)),
          full((_HID, _HID)),
          full((_HID, _HID)),
          full((1, _HID)),
          pl.BlockSpec((_BN, 1), lambda i: (i, 0)),
      ],
      out_specs=[
          pl.BlockSpec((_BN, _HID), lambda i: (i, 0)),
          pl.BlockSpec((_NG, _HID), lambda i: (0, 0)),
      ],
      out_shape=[
          jax.ShapeDtypeStruct((_NP, _HID), jnp.float32),
          jax.ShapeDtypeStruct((_NG, _HID), jnp.float32),
      ],
      scratch_shapes=[pltpu.VMEM((_NG, 2 * _HID), jnp.float32)],
  )(agg2, b2r, w3a, w3b, b3r, bidxp)


def kernel(x, edge_index, batch_idx, emb, W1, a_src1, a_dst1, b1, ln_g, ln_b,
           W2, a_src2, a_dst2, b2, W3, b3):
  xp = jnp.pad(x.astype(jnp.int32), ((0, _NP - _N), (0, 0)))
  embp = jnp.pad(emb, ((0, _VP - _VOCAB), (0, 0)))

  loops = jnp.arange(_N, dtype=jnp.int32)
  npad = _EP - (_E + _N)
  pad_src = jnp.zeros((npad,), jnp.int32)
  pad_dst = _N + (jnp.arange(npad, dtype=jnp.int32) % (_NP - _N))
  srcs = jnp.concatenate([edge_index[0].astype(jnp.int32), loops, pad_src])
  dsts = jnp.concatenate([edge_index[1].astype(jnp.int32), loops, pad_dst])

  avec1 = jnp.concatenate([a_src1.reshape(_HEADS, _HID),
                           a_dst1.reshape(_HEADS, _HID)], axis=0)
  avec2 = jnp.concatenate([a_src2.reshape(_HEADS, _HID),
                           a_dst2.reshape(_HEADS, _HID)], axis=0)

  h_tab1, alv1 = _tc_layer1(xp, embp, W1[:, :_HID], W1[:, _HID:], avec1)
  agg1 = _sc_gat(h_tab1.reshape(2 * _NP, _HID),
                 alv1[0:2].reshape(2 * _NP), alv1[2:4].reshape(2 * _NP),
                 srcs, dsts)

  h_tab2, alv2 = _tc_mid(agg1.reshape(2, _NP, _HID), b1.reshape(2, _HID),
                         ln_g.reshape(2, _HID), ln_b.reshape(2, _HID),
                         W2[:_HID, :_HID], W2[_HID:, :_HID],
                         W2[:_HID, _HID:], W2[_HID:, _HID:], avec2)
  agg2 = _sc_gat(h_tab2.reshape(2 * _NP, _HID),
                 alv2[0:2].reshape(2 * _NP), alv2[2:4].reshape(2 * _NP),
                 srcs, dsts)

  bidxp = jnp.concatenate(
      [batch_idx.astype(jnp.int32),
       jnp.full((_NP - _N,), _NG, jnp.int32)]).reshape(_NP, 1)
  h_out, z = _tc_final(agg2.reshape(2, _NP, _HID), b2.reshape(2, _HID),
                       W3[:_HID, :], W3[_HID:, :], b3.reshape(1, _HID), bidxp)
  return (h_out[:_N], z)

# --- scband reference (transcript-rebuilt; emitter-appended) ---
"""Pipeline reference for scband-graph-encoder-29643864277456 (READ-ONLY COPY).

The authoritative reference and input builder live on the scoring server;
editing this copy changes nothing except your own understanding.
"""

import jax, jax.numpy as jnp
import numpy as np

N = 10000
E = 320000
HID = 128
HEADS = 2
NG = 64
VOCAB = 1001


def _gat(x, src, dst, W, a_src, a_dst, b, n):
    h = (x @ W).reshape(n, HEADS, HID)
    al_s = jnp.sum(h * a_src, axis=-1)
    al_d = jnp.sum(h * a_dst, axis=-1)
    alpha = al_s[src] + al_d[dst]
    alpha = jax.nn.leaky_relu(alpha, 0.2)
    amax = jax.ops.segment_max(alpha, dst, num_segments=n)
    amax = jnp.where(jnp.isfinite(amax), amax, 0.0)
    ex = jnp.exp(alpha - amax[dst])
    den = jax.ops.segment_sum(ex, dst, num_segments=n)
    coef = ex / (den[dst] + 1e-16)
    out = jax.ops.segment_sum(h[src] * coef[:, :, None], dst, num_segments=n)
    return out.reshape(n, HEADS * HID) + b


def _layernorm(x, g, b):
    mu = jnp.mean(x, axis=-1, keepdims=True)
    var = jnp.var(x, axis=-1, keepdims=True)
    return (x - mu) / jnp.sqrt(var + 1e-5) * g + b


def setup_inputs(seed: int = 0) -> dict:
    key = jax.random.key(seed)
    ks = jax.random.split(key, 20)
    s = 0.05
    inp = {}
    inp["x"] = jax.random.randint(ks[0], (N, 1), 0, 1000)
    inp["edge_index"] = jax.random.randint(ks[1], (2, E), 0, N)
    inp["batch_idx"] = jnp.sort(jax.random.randint(ks[2], (N,), 0, NG))
    inp["emb"] = jax.random.normal(ks[3], (VOCAB, HID), dtype=jnp.float32) * s
    inp["W1"] = jax.random.normal(ks[4], (HID, HEADS * HID), dtype=jnp.float32) * s
    inp["a_src1"] = jax.random.normal(ks[5], (1, HEADS, HID), dtype=jnp.float32) * s
    inp["a_dst1"] = jax.random.normal(ks[6], (1, HEADS, HID), dtype=jnp.float32) * s
    inp["b1"] = jnp.zeros((HEADS * HID,), dtype=jnp.float32)
    inp["ln_g"] = jnp.ones((HEADS * HID,), dtype=jnp.float32)
    inp["ln_b"] = jnp.zeros((HEADS * HID,), dtype=jnp.float32)
    inp["W2"] = jax.random.normal(ks[7], (HEADS * HID, HEADS * HID), dtype=jnp.float32) * s
    inp["a_src2"] = jax.random.normal(ks[8], (1, HEADS, HID), dtype=jnp.float32) * s
    inp["a_dst2"] = jax.random.normal(ks[9], (1, HEADS, HID), dtype=jnp.float32) * s
    inp["b2"] = jnp.zeros((HEADS * HID,), dtype=jnp.float32)
    inp["W3"] = jax.random.normal(ks[10], (HEADS * HID, HID), dtype=jnp.float32) * s
    inp["b3"] = jnp.zeros((HID,), dtype=jnp.float32)
    return inp


def reference(x, edge_index, batch_idx, emb, W1, a_src1, a_dst1, b1, ln_g, ln_b, W2, a_src2, a_dst2, b2, W3, b3):
    loops = jnp.arange(N)
    src = jnp.concatenate([edge_index[0], loops])
    dst = jnp.concatenate([edge_index[1], loops])
    x_emb = emb[x[:, 0]]
    h = _gat(x_emb, src, dst, W1, a_src1, a_dst1, b1, N)
    h = _layernorm(h, ln_g, ln_b)
    h = jax.nn.gelu(h, approximate=False)
    h = _gat(h, src, dst, W2, a_src2, a_dst2, b2, N)
    h = h @ W3 + b3
    cnt = jax.ops.segment_sum(jnp.ones((N,), dtype=jnp.float32), batch_idx, num_segments=NG)
    z = jax.ops.segment_sum(h, batch_idx, num_segments=NG) / jnp.maximum(cnt, 1.0)[:, None]
    return (h, z)

if __name__ == "__main__":
    import jax
    _d = setup_inputs()
    print(jax.jit(kernel)(*tuple(_d.values())))

</pallas_src>

<mosaic_0001>
#map = affine_map<(d0, d1) -> (0, 0)>
#map1 = affine_map<(d0, d1) -> (0)>
#map2 = affine_map<(d0, d1) -> (0, 0, 0)>
module attributes {stable_mosaic.version = 14 : i64} {
  func.func @k(%arg0: i32, %arg1: i32, %arg2: memref<20480x128xf32, #tpu.memory_space<hbm>>, %arg3: memref<20480xf32, #tpu.memory_space<hbm>>, %arg4: memref<20480xf32, #tpu.memory_space<hbm>>, %arg5: memref<331776xi32, #tpu.memory_space<hbm>>, %arg6: memref<331776xi32, #tpu.memory_space<hbm>>, %arg7: memref<20480x128xf32, #tpu.memory_space<hbm>>, %arg8: memref<32x640x16xf32, #tpu.memory_space<hbm>>, %arg9: memref<10240xf32, #tpu.memory_space<vmem>>, %arg10: memref<10240xf32, #tpu.memory_space<vmem>>, %arg11: memref<640x16xf32, #tpu.memory_space<vmem>>, %arg12: memref<32xi32, #tpu.memory_space<vmem>>, %arg13: memref<32xi32, #tpu.memory_space<vmem>>, %arg14: memref<32xi32, #tpu.memory_space<vmem>>, %arg15: memref<32xi32, #tpu.memory_space<vmem>>, %arg16: memref<32xi32, #tpu.memory_space<vmem>>, %arg17: memref<32xi32, #tpu.memory_space<vmem>>, %arg18: memref<32xf32, #tpu.memory_space<vmem>>, %arg19: memref<32xf32, #tpu.memory_space<vmem>>, %arg20: memref<64x128xf32, #tpu.memory_space<vmem>>, %arg21: memref<64x16xf32, #tpu.memory_space<vmem>>, %arg22: memref<1312x128xf32, #tpu.memory_space<vmem_shared>>, %arg23: memref<!tpu.dma_semaphore, #tpu.memory_space<semaphore_mem>>, %arg24: memref<!tpu.dma_semaphore, #tpu.memory_space<semaphore_mem>>) attributes {dimension_semantics = [#tpu.dimension_semantics<core_parallel>, #tpu.dimension_semantics<subcore_parallel>], iteration_bounds = array<i64: 2, 16>, scalar_prefetch = 0 : i64, scratch_operands = 16 : i64, tpu.core_type = #tpu.core_type<sc_vector_subcore>, window_params = [{transform_indices = #map}, {transform_indices = #map1}, {transform_indices = #map1}, {transform_indices = #map1}, {transform_indices = #map1}, {transform_indices = #map}, {transform_indices = #map2}]} {
    %broadcast_in_dim3A = arith.constant 0.000000e+00 : f32
    %broadcast_in_dim3A_0 = vector.broadcast %broadcast_in_dim3A : f32 to vector<16xf32>
    %iota3A = tpu.iota {dimensions = array<i32: 0>} : vector<16xi32>
    %scan3A = arith.constant 0 : i32
    %scan3A_1 = arith.constant 0 : i32
    %scan3A_2 = arith.constant 640 : i32
    %scan3A_3 = arith.addi %scan3A_1, %scan3A_2 : i32
    %scan3A_4 = arith.constant 1 : i32
    scf.for %scan3A_34 = %scan3A_1 to %scan3A_3 step %scan3A_4  : i32 {
      %swap3A = arith.index_cast %scan3A_34 : i32 to index
      %swap3A_35 = arith.constant 0 : index
      %swap3A_36 = tpu.vector_load %arg11[%swap3A, %swap3A_35] {strides = array<i32>} : memref<640x16xf32, #tpu.memory_space<vmem>>, vector<16xf32>,
      tpu.vector_store %arg11[%swap3A, %swap3A_35], %broadcast_in_dim3A_0 {strides = array<i32>} : memref<640x16xf32, #tpu.memory_space<vmem>>, vector<16xf32>,
    }
    %scan3A_5 = arith.constant 640 : i32
    %mul3A = arith.constant 10240 : i32
    %mul3A_6 = arith.muli %arg0, %mul3A : i32
    %multiple_of3A = tpu.assume_multiple %mul3A_6, 8 : i32
    "tpu.region"() ({
      %run_scoped3A = tpu.sem_alloc : memref<!tpu.dma_semaphore, #tpu.memory_space<semaphore_mem>>
      %dma_start3A = tpu.memref_slice %arg3[%multiple_of3A] : memref<20480xf32, #tpu.memory_space<hbm>> -> memref<10240xf32, #tpu.memory_space<hbm>>
      %dma_start3A_34 = tpu.memref_slice %arg3[%multiple_of3A] : memref<20480xf32, #tpu.memory_space<hbm>> -> memref<10240xf32, #tpu.memory_space<hbm>>
      tpu.enqueue_dma source(%dma_start3A_34 : memref<10240xf32, #tpu.memory_space<hbm>>) target(%arg9 : memref<10240xf32, #tpu.memory_space<vmem>>) target_semaphore(%run_scoped3A : memref<!tpu.dma_semaphore, #tpu.memory_space<semaphore_mem>>)
      %dma_wait3A = tpu.memref_slice %arg3[%multiple_of3A] : memref<20480xf32, #tpu.memory_space<hbm>> -> memref<10240xf32, #tpu.memory_space<hbm>>
      %dma_wait3A_35 = tpu.memref_slice %arg3[%multiple_of3A] : memref<20480xf32, #tpu.memory_space<hbm>> -> memref<10240xf32, #tpu.memory_space<hbm>>
      tpu.wait_dma2 semaphore(%run_scoped3A : memref<!tpu.dma_semaphore, #tpu.memory_space<semaphore_mem>>) src(%dma_wait3A_35 : memref<10240xf32, #tpu.memory_space<hbm>>) dst(%arg9 : memref<10240xf32, #tpu.memory_space<vmem>>)
      tpu.yield
    }) : () -> ()
    "tpu.region"() ({
      %run_scoped3A = tpu.sem_alloc : memref<!tpu.dma_semaphore, #tpu.memory_space<semaphore_mem>>
      %dma_start3A = tpu.memref_slice %arg4[%multiple_of3A] : memref<20480xf32, #tpu.memory_space<hbm>> -> memref<10240xf32, #tpu.memory_space<hbm>>
      %dma_start3A_34 = tpu.memref_slice %arg4[%multiple_of3A] : memref<20480xf32, #tpu.memory_space<hbm>> -> memref<10240xf32, #tpu.memory_space<hbm>>
      tpu.enqueue_dma source(%dma_start3A_34 : memref<10240xf32, #tpu.memory_space<hbm>>) target(%arg10 : memref<10240xf32, #tpu.memory_space<vmem>>) target_semaphore(%run_scoped3A : memref<!tpu.dma_semaphore, #tpu.memory_space<semaphore_mem>>)
      %dma_wait3A = tpu.memref_slice %arg4[%multiple_of3A] : memref<20480xf32, #tpu.memory_space<hbm>> -> memref<10240xf32, #tpu.memory_space<hbm>>
      %dma_wait3A_35 = tpu.memref_slice %arg4[%multiple_of3A] : memref<20480xf32, #tpu.memory_space<hbm>> -> memref<10240xf32, #tpu.memory_space<hbm>>
      tpu.wait_dma2 semaphore(%run_scoped3A : memref<!tpu.dma_semaphore, #tpu.memory_space<semaphore_mem>>) src(%dma_wait3A_35 : memref<10240xf32, #tpu.memory_space<hbm>>) dst(%arg10 : memref<10240xf32, #tpu.memory_space<vmem>>)
      tpu.yield
    }) : () -> ()
    %barrier3A = arith.constant 0 : index
    tpu.barrier barrier_id(%barrier3A)
    %scan3A_7 = arith.constant 0 : i32
    %scan3A_8 = arith.constant 0 : i32
    %scan3A_9 = arith.constant 648 : i32
    %scan3A_10 = arith.addi %scan3A_8, %scan3A_9 : i32
    %scan3A_11 = arith.constant 1 : i32
    scf.for %scan3A_34 = %scan3A_8 to %scan3A_10 step %scan3A_11  : i32 {
      %mul3A_35 = arith.constant 648 : i32
      %mul3A_36 = arith.muli %arg1, %mul3A_35 : i32
      %add3A_37 = arith.addi %mul3A_36, %scan3A_34 : i32
      %mul3A_38 = arith.constant 32 : i32
      %mul3A_39 = arith.muli %add3A_37, %mul3A_38 : i32
      %multiple_of3A_40 = tpu.assume_multiple %mul3A_39, 32 : i32
      "tpu.region"() ({
        %run_scoped3A = tpu.sem_alloc : memref<!tpu.dma_semaphore, #tpu.memory_space<semaphore_mem>>
        %dma_start3A = tpu.memref_slice %arg5[%multiple_of3A_40] : memref<331776xi32, #tpu.memory_space<hbm>> -> memref<32xi32, #tpu.memory_space<hbm>>
        %dma_start3A_76 = tpu.memref_slice %arg5[%multiple_of3A_40] : memref<331776xi32, #tpu.memory_space<hbm>> -> memref<32xi32, #tpu.memory_space<hbm>>
        tpu.enqueue_dma source(%dma_start3A_76 : memref<32xi32, #tpu.memory_space<hbm>>) target(%arg12 : memref<32xi32, #tpu.memory_space<vmem>>) target_semaphore(%run_scoped3A : memref<!tpu.dma_semaphore, #tpu.memory_space<semaphore_mem>>)
        %dma_wait3A = tpu.memref_slice %arg5[%multiple_of3A_40] : memref<331776xi32, #tpu.memory_space<hbm>> -> memref<32xi32, #tpu.memory_space<hbm>>
        %dma_wait3A_77 = tpu.memref_slice %arg5[%multiple_of3A_40] : memref<331776xi32, #tpu.memory_space<hbm>> -> memref<32xi32, #tpu.memory_space<hbm>>
        tpu.wait_dma2 semaphore(%run_scoped3A : memref<!tpu.dma_semaphore, #tpu.memory_space<semaphore_mem>>) src(%dma_wait3A_77 : memref<32xi32, #tpu.memory_space<hbm>>) dst(%arg12 : memref<32xi32, #tpu.memory_space<vmem>>)
        tpu.yield
      }) : () -> ()
      "tpu.region"() ({
        %run_scoped3A = tpu.sem_alloc : memref<!tpu.dma_semaphore, #tpu.memory_space<semaphore_mem>>
        %dma_start3A = tpu.memref_slice %arg6[%multiple_of3A_40] : memref<331776xi32, #tpu.memory_space<hbm>> -> memref<32xi32, #tpu.memory_space<hbm>>
        %dma_start3A_76 = tpu.memref_slice %arg6[%multiple_of3A_40] : memref<331776xi32, #tpu.memory_space<hbm>> -> memref<32xi32, #tpu.memory_space<hbm>>
        tpu.enqueue_dma source(%dma_start3A_76 : memref<32xi32, #tpu.memory_space<hbm>>) target(%arg13 : memref<32xi32, #tpu.memory_space<vmem>>) target_semaphore(%run_scoped3A : memref<!tpu.dma_semaphore, #tpu.memory_space<semaphore_mem>>)
        %dma_wait3A = tpu.memref_slice %arg6[%multiple_of3A_40] : memref<331776xi32, #tpu.memory_space<hbm>> -> memref<32xi32, #tpu.memory_space<hbm>>
        %dma_wait3A_77 = tpu.memref_slice %arg6[%multiple_of3A_40] : memref<331776xi32, #tpu.memory_space<hbm>> -> memref<32xi32, #tpu.memory_space<hbm>>
        tpu.wait_dma2 semaphore(%run_scoped3A : memref<!tpu.dma_semaphore, #tpu.memory_space<semaphore_mem>>) src(%dma_wait3A_77 : memref<32xi32, #tpu.memory_space<hbm>>) dst(%arg13 : memref<32xi32, #tpu.memory_space<vmem>>)
        tpu.yield
      }) : () -> ()
      %get3A = arith.constant 0 : index
      %get3A_41 = tpu.vector_load %arg12[%get3A] {strides = array<i32>} : memref<32xi32, #tpu.memory_space<vmem>>, vector<16xi32>,
      %get3A_42 = arith.constant 0 : index
      %get3A_43 = tpu.vector_load %arg13[%get3A_42] {strides = array<i32>} : memref<32xi32, #tpu.memory_space<vmem>>, vector<16xi32>,
      %gather3A = tpu.vector_load_idx %arg9[%get3A_41] : memref<10240xf32, #tpu.memory_space<vmem>>[vector<16xi32>], vector<16xf32>,
      %gather3A_44 = tpu.vector_load_idx %arg10[%get3A_43] : memref<10240xf32, #tpu.memory_space<vmem>>[vector<16xi32>], vector<16xf32>,
      %add3A_45 = arith.addf %gather3A, %gather3A_44 : vector<16xf32>
      %ge3A = arith.constant 0.000000e+00 : f32
      %ge3A_46 = vector.broadcast %ge3A : f32 to vector<16xf32>
      %ge3A_47 = arith.cmpf oge, %add3A_45, %ge3A_46 : vector<16xf32>
      %mul3A_48 = arith.constant 2.000000e-01 : f32
      %mul3A_49 = vector.broadcast %mul3A_48 : f32 to vector<16xf32>
      %mul3A_50 = arith.mulf %mul3A_49, %add3A_45 : vector<16xf32>
      %select_n3A = arith.select %ge3A_47, %add3A_45, %mul3A_50 : vector<16xi1>, vector<16xf32>
      %exp3A = math.exp %select_n3A : vector<16xf32>
      %shift_right_logical3A = arith.constant 4 : i32
      %shift_right_logical3A_51 = vector.broadcast %shift_right_logical3A : i32 to vector<16xi32>
      %shift_right_logical3A_52 = arith.shrui %get3A_43, %shift_right_logical3A_51 : vector<16xi32>
      %and3A = arith.constant 15 : i32
      %and3A_53 = vector.broadcast %and3A : i32 to vector<16xi32>
      %and3A_54 = arith.andi %get3A_43, %and3A_53 : vector<16xi32>
      tpu.vector_store_idx %arg11[%shift_right_logical3A_52, %and3A_54], %exp3A {add = true} : memref<640x16xf32, #tpu.memory_space<vmem>>[vector<16xi32>, vector<16xi32>], vector<16xf32>,
      %get3A_55 = arith.constant 16 : index
      %get3A_56 = tpu.vector_load %arg12[%get3A_55] {strides = array<i32>} : memref<32xi32, #tpu.memory_space<vmem>>, vector<16xi32>,
      %get3A_57 = arith.constant 16 : index
      %get3A_58 = tpu.vector_load %arg13[%get3A_57] {strides = array<i32>} : memref<32xi32, #tpu.memory_space<vmem>>, vector<16xi32>,
      %gather3A_59 = tpu.vector_load_idx %arg9[%get3A_56] : memref<10240xf32, #tpu.memory_space<vmem>>[vector<16xi32>], vector<16xf32>,
      %gather3A_60 = tpu.vector_load_idx %arg10[%get3A_58] : memref<10240xf32, #tpu.memory_space<vmem>>[vector<16xi32>], vector<16xf32>,
      %add3A_61 = arith.addf %gather3A_59, %gather3A_60 : vector<16xf32>
      %ge3A_62 = arith.constant 0.000000e+00 : f32
      %ge3A_63 = vector.broadcast %ge3A_62 : f32 to vector<16xf32>
      %ge3A_64 = arith.cmpf oge, %add3A_61, %ge3A_63 : vector<16xf32>
      %mul3A_65 = arith.constant 2.000000e-01 : f32
      %mul3A_66 = vector.broadcast %mul3A_65 : f32 to vector<16xf32>
      %mul3A_67 = arith.mulf %mul3A_66, %add3A_61 : vector<16xf32>
      %select_n3A_68 = arith.select %ge3A_64, %add3A_61, %mul3A_67 : vector<16xi1>, vector<16xf32>
      %exp3A_69 = math.exp %select_n3A_68 : vector<16xf32>
      %shift_right_logical3A_70 = arith.constant 4 : i32
      %shift_right_logical3A_71 = vector.broadcast %shift_right_logical3A_70 : i32 to vector<16xi32>
      %shift_right_logical3A_72 = arith.shrui %get3A_58, %shift_right_logical3A_71 : vector<16xi32>
      %and3A_73 = arith.constant 15 : i32
      %and3A_74 = vector.broadcast %and3A_73 : i32 to vector<16xi32>
      %and3A_75 = arith.andi %get3A_58, %and3A_74 : vector<16xi32>
      tpu.vector_store_idx %arg11[%shift_right_logical3A_72, %and3A_75], %exp3A_69 {add = true} : memref<640x16xf32, #tpu.memory_space<vmem>>[vector<16xi32>, vector<16xi32>], vector<16xf32>,
    }
    %scan3A_12 = arith.constant 648 : i32
    %mul3A_13 = arith.constant 16 : i32
    %mul3A_14 = arith.muli %arg0, %mul3A_13 : i32
    %add3A = arith.addi %mul3A_14, %arg1 : i32
    "tpu.region"() ({
      %run_scoped3A = tpu.sem_alloc : memref<!tpu.dma_semaphore, #tpu.memory_space<semaphore_mem>>
      %dma_start3A = arith.constant 0 : i32
      %dma_start3A_34 = arith.constant 0 : i32
      %dma_start3A_35 = tpu.memref_slice %arg8[%add3A, %dma_start3A, %dma_start3A_34] : memref<32x640x16xf32, #tpu.memory_space<hbm>> -> memref<1x640x16xf32, #tpu.memory_space<hbm>>
      %dma_start3A_36 = tpu.memref_squeeze %dma_start3A_35 : memref<1x640x16xf32, #tpu.memory_space<hbm>> -> memref<640x16xf32, #tpu.memory_space<hbm>>
      %dma_start3A_37 = arith.constant 0 : i32
      %dma_start3A_38 = arith.constant 0 : i32
      %dma_start3A_39 = tpu.memref_slice %arg8[%add3A, %dma_start3A_37, %dma_start3A_38] : memref<32x640x16xf32, #tpu.memory_space<hbm>> -> memref<1x640x16xf32, #tpu.memory_space<hbm>>
      %dma_start3A_40 = tpu.memref_squeeze %dma_start3A_39 : memref<1x640x16xf32, #tpu.memory_space<hbm>> -> memref<640x16xf32, #tpu.memory_space<hbm>>
      tpu.enqueue_dma source(%arg11 : memref<640x16xf32, #tpu.memory_space<vmem>>) target(%dma_start3A_40 : memref<640x16xf32, #tpu.memory_space<hbm>>) target_semaphore(%run_scoped3A : memref<!tpu.dma_semaphore, #tpu.memory_space<semaphore_mem>>)
      %dma_wait3A = arith.constant 0 : i32
      %dma_wait3A_41 = arith.constant 0 : i32
      %dma_wait3A_42 = tpu.memref_slice %arg8[%add3A, %dma_wait3A, %dma_wait3A_41] : memref<32x640x16xf32, #tpu.memory_space<hbm>> -> memref<1x640x16xf32, #tpu.memory_space<hbm>>
      %dma_wait3A_43 = tpu.memref_squeeze %dma_wait3A_42 : memref<1x640x16xf32, #tpu.memory_space<hbm>> -> memref<640x16xf32, #tpu.memory_space<hbm>>
      %dma_wait3A_44 = arith.constant 0 : i32
      %dma_wait3A_45 = arith.constant 0 : i32
      %dma_wait3A_46 = tpu.memref_slice %arg8[%add3A, %dma_wait3A_44, %dma_wait3A_45] : memref<32x640x16xf32, #tpu.memory_space<hbm>> -> memref<1x640x16xf32, #tpu.memory_space<hbm>>
      %dma_wait3A_47 = tpu.memref_squeeze %dma_wait3A_46 : memref<1x640x16xf32, #tpu.memory_space<hbm>> -> memref<640x16xf32, #tpu.memory_space<hbm>>
      tpu.wait_dma2 semaphore(%run_scoped3A : memref<!tpu.dma_semaphore, #tpu.memory_space<semaphore_mem>>) src(%arg11 : memref<640x16xf32, #tpu.memory_space<vmem>>) dst(%dma_wait3A_47 : memref<640x16xf32, #tpu.memory_space<hbm>>)
      tpu.yield
    }) : () -> ()
    %barrier3A_15 = arith.constant 0 : index
    tpu.barrier barrier_id(%barrier3A_15)
    %scan3A_16 = arith.constant 0 : i32
    %scan3A_17 = arith.constant 0 : i32
    %scan3A_18 = arith.constant 640 : i32
    %scan3A_19 = arith.addi %scan3A_17, %scan3A_18 : i32
    %scan3A_20 = arith.constant 1 : i32
    scf.for %scan3A_34 = %scan3A_17 to %scan3A_19 step %scan3A_20  : i32 {
      %swap3A = arith.index_cast %scan3A_34 : i32 to index
      %swap3A_35 = arith.constant 0 : index
      %swap3A_36 = tpu.vector_load %arg11[%swap3A, %swap3A_35] {strides = array<i32>} : memref<640x16xf32, #tpu.memory_space<vmem>>, vector<16xf32>,
      tpu.vector_store %arg11[%swap3A, %swap3A_35], %broadcast_in_dim3A_0 {strides = array<i32>} : memref<640x16xf32, #tpu.memory_space<vmem>>, vector<16xf32>,
    }
    %scan3A_21 = arith.constant 640 : i32
    %scan3A_22 = arith.constant 0 : i32
    %scan3A_23 = arith.constant 0 : i32
    %scan3A_24 = arith.constant 10 : i32
    %scan3A_25 = arith.addi %scan3A_23, %scan3A_24 : i32
    %scan3A_26 = arith.constant 1 : i32
    scf.for %scan3A_34 = %scan3A_23 to %scan3A_25 step %scan3A_26  : i32 {
      %mul3A_35 = arith.constant 64 : i32
      %mul3A_36 = arith.muli %scan3A_34, %mul3A_35 : i32
      %multiple_of3A_37 = tpu.assume_multiple %mul3A_36, 8 : i32
      %scan3A_38 = arith.constant 0 : i32
      %scan3A_39 = arith.constant 0 : i32
      %scan3A_40 = arith.constant 16 : i32
      %scan3A_41 = arith.addi %scan3A_39, %scan3A_40 : i32
      %scan3A_42 = arith.constant 1 : i32
      scf.for %scan3A_44 = %scan3A_39 to %scan3A_41 step %scan3A_42  : i32 {
        %mul3A_45 = arith.constant 16 : i32
        %mul3A_46 = arith.muli %arg0, %mul3A_45 : i32
        %add3A_47 = arith.addi %mul3A_46, %scan3A_44 : i32
        "tpu.region"() ({
          %run_scoped3A = tpu.sem_alloc : memref<!tpu.dma_semaphore, #tpu.memory_space<semaphore_mem>>
          %dma_start3A = arith.constant 0 : i32
          %dma_start3A_54 = tpu.memref_slice %arg8[%add3A_47, %multiple_of3A_37, %dma_start3A] : memref<32x640x16xf32, #tpu.memory_space<hbm>> -> memref<1x64x16xf32, #tpu.memory_space<hbm>>
          %dma_start3A_55 = tpu.memref_squeeze %dma_start3A_54 : memref<1x64x16xf32, #tpu.memory_space<hbm>> -> memref<64x16xf32, #tpu.memory_space<hbm>>
          %dma_start3A_56 = arith.constant 0 : i32
          %dma_start3A_57 = tpu.memref_slice %arg8[%add3A_47, %multiple_of3A_37, %dma_start3A_56] : memref<32x640x16xf32, #tpu.memory_space<hbm>> -> memref<1x64x16xf32, #tpu.memory_space<hbm>>
          %dma_start3A_58 = tpu.memref_squeeze %dma_start3A_57 : memref<1x64x16xf32, #tpu.memory_space<hbm>> -> memref<64x16xf32, #tpu.memory_space<hbm>>
          tpu.enqueue_dma source(%dma_start3A_58 : memref<64x16xf32, #tpu.memory_space<hbm>>) target(%arg21 : memref<64x16xf32, #tpu.memory_space<vmem>>) target_semaphore(%run_scoped3A : memref<!tpu.dma_semaphore, #tpu.memory_space<semaphore_mem>>)
          %dma_wait3A = arith.constant 0 : i32
          %dma_wait3A_59 = tpu.memref_slice %arg8[%add3A_47, %multiple_of3A_37, %dma_wait3A] : memref<32x640x16xf32, #tpu.memory_space<hbm>> -> memref<1x64x16xf32, #tpu.memory_space<hbm>>
          %dma_wait3A_60 = tpu.memref_squeeze %dma_wait3A_59 : memref<1x64x16xf32, #tpu.memory_space<hbm>> -> memref<64x16xf32, #tpu.memory_space<hbm>>
          %dma_wait3A_61 = arith.constant 0 : i32
          %dma_wait3A_62 = tpu.memref_slice %arg8[%add3A_47, %multiple_of3A_37, %dma_wait3A_61] : memref<32x640x16xf32, #tpu.memory_space<hbm>> -> memref<1x64x16xf32, #tpu.memory_space<hbm>>
          %dma_wait3A_63 = tpu.memref_squeeze %dma_wait3A_62 : memref<1x64x16xf32, #tpu.memory_space<hbm>> -> memref<64x16xf32, #tpu.memory_space<hbm>>
          tpu.wait_dma2 semaphore(%run_scoped3A : memref<!tpu.dma_semaphore, #tpu.memory_space<semaphore_mem>>) src(%dma_wait3A_63 : memref<64x16xf32, #tpu.memory_space<hbm>>) dst(%arg21 : memref<64x16xf32, #tpu.memory_space<vmem>>)
          tpu.yield
        }) : () -> ()
        %scan3A_48 = arith.constant 0 : i32
        %scan3A_49 = arith.constant 0 : i32
        %scan3A_50 = arith.constant 64 : i32
        %scan3A_51 = arith.addi %scan3A_49, %scan3A_50 : i32
        %scan3A_52 = arith.constant 1 : i32
        scf.for %scan3A_54 = %scan3A_49 to %scan3A_51 step %scan3A_52  : i32 {
          %add3A_55 = arith.addi %multiple_of3A_37, %scan3A_54 : i32
          %get3A = arith.index_cast %add3A_55 : i32 to index
          %get3A_56 = arith.constant 0 : index
          %get3A_57 = tpu.vector_load %arg11[%get3A, %get3A_56] {strides = array<i32>} : memref<640x16xf32, #tpu.memory_space<vmem>>, vector<16xf32>,
          %get3A_58 = arith.index_cast %scan3A_54 : i32 to index
          %get3A_59 = arith.constant 0 : index
          %get3A_60 = tpu.vector_load %arg21[%get3A_58, %get3A_59] {strides = array<i32>} : memref<64x16xf32, #tpu.memory_space<vmem>>, vector<16xf32>,
          %add3A_61 = arith.addf %get3A_57, %get3A_60 : vector<16xf32>
          %add3A_62 = arith.addi %multiple_of3A_37, %scan3A_54 : i32
          %swap3A = arith.index_cast %add3A_62 : i32 to index
          %swap3A_63 = arith.constant 0 : index
          %swap3A_64 = tpu.vector_load %arg11[%swap3A, %swap3A_63] {strides = array<i32>} : memref<640x16xf32, #tpu.memory_space<vmem>>, vector<16xf32>,
          tpu.vector_store %arg11[%swap3A, %swap3A_63], %add3A_61 {strides = array<i32>} : memref<640x16xf32, #tpu.memory_space<vmem>>, vector<16xf32>,
        }
        %scan3A_53 = arith.constant 64 : i32
      }
      %scan3A_43 = arith.constant 16 : i32
    }
    %scan3A_27 = arith.constant 10 : i32
    %scan3A_28 = arith.constant 0 : i32
    %scan3A_29 = arith.constant 0 : i32
    %scan3A_30 = arith.constant 8 : i32
    %scan3A_31 = arith.addi %scan3A_29, %scan3A_30 : i32
    %scan3A_32 = arith.constant 1 : i32
    scf.for %scan3A_34 = %scan3A_29 to %scan3A_31 step %scan3A_32  : i32 {
      %mul3A_35 = arith.constant 1280 : i32
      %mul3A_36 = arith.muli %scan3A_34, %mul3A_35 : i32
      %scan3A_37 = arith.constant 0 : i32
      %scan3A_38 = arith.constant 0 : i32
      %scan3A_39 = arith.constant 64 : i32
      %scan3A_40 = arith.addi %scan3A_38, %scan3A_39 : i32
      %scan3A_41 = arith.constant 1 : i32
      scf.for %scan3A_185 = %scan3A_38 to %scan3A_40 step %scan3A_41  : i32 {
        %swap3A_186 = arith.index_cast %scan3A_185 : i32 to index
        %swap3A_187 = arith.constant 0 : index
        %swap3A_188 = tpu.vector_load %arg20[%swap3A_186, %swap3A_187] {strides = array<i32>} : memref<64x128xf32, #tpu.memory_space<vmem>>, vector<16xf32>,
        tpu.vector_store %arg20[%swap3A_186, %swap3A_187], %broadcast_in_dim3A_0 {strides = array<i32>} : memref<64x128xf32, #tpu.memory_space<vmem>>, vector<16xf32>,
        %swap3A_189 = arith.index_cast %scan3A_185 : i32 to index
        %swap3A_190 = arith.constant 16 : index
        %swap3A_191 = tpu.vector_load %arg20[%swap3A_189, %swap3A_190] {strides = array<i32>} : memref<64x128xf32, #tpu.memory_space<vmem>>, vector<16xf32>,
        tpu.vector_store %arg20[%swap3A_189, %swap3A_190], %broadcast_in_dim3A_0 {strides = array<i32>} : memref<64x128xf32, #tpu.memory_space<vmem>>, vector<16xf32>,
        %swap3A_192 = arith.index_cast %scan3A_185 : i32 to index
        %swap3A_193 = arith.constant 32 : index
        %swap3A_194 = tpu.vector_load %arg20[%swap3A_192, %swap3A_193] {strides = array<i32>} : memref<64x128xf32, #tpu.memory_space<vmem>>, vector<16xf32>,
        tpu.vector_store %arg20[%swap3A_192, %swap3A_193], %broadcast_in_dim3A_0 {strides = array<i32>} : memref<64x128xf32, #tpu.memory_space<vmem>>, vector<16xf32>,
        %swap3A_195 = arith.index_cast %scan3A_185 : i32 to index
        %swap3A_196 = arith.constant 48 : index
        %swap3A_197 = tpu.vector_load %arg20[%swap3A_195, %swap3A_196] {strides = array<i32>} : memref<64x128xf32, #tpu.memory_space<vmem>>, vector<16xf32>,
        tpu.vector_store %arg20[%swap3A_195, %swap3A_196], %broadcast_in_dim3A_0 {strides = array<i32>} : memref<64x128xf32, #tpu.memory_space<vmem>>, vector<16xf32>,
        %swap3A_198 = arith.index_cast %scan3A_185 : i32 to index
        %swap3A_199 = arith.constant 64 : index
        %swap3A_200 = tpu.vector_load %arg20[%swap3A_198, %swap3A_199] {strides = array<i32>} : memref<64x128xf32, #tpu.memory_space<vmem>>, vector<16xf32>,
        tpu.vector_store %arg20[%swap3A_198, %swap3A_199], %broadcast_in_dim3A_0 {strides = array<i32>} : memref<64x128xf32, #tpu.memory_space<vmem>>, vector<16xf32>,
        %swap3A_201 = arith.index_cast %scan3A_185 : i32 to index
        %swap3A_202 = arith.constant 80 : index
        %swap3A_203 = tpu.vector_load %arg20[%swap3A_201, %swap3A_202] {strides = array<i32>} : memref<64x128xf32, #tpu.memory_space<vmem>>, vector<16xf32>,
        tpu.vector_store %arg20[%swap3A_201, %swap3A_202], %broadcast_in_dim3A_0 {strides = array<i32>} : memref<64x128xf32, #tpu.memory_space<vmem>>, vector<16xf32>,
        %swap3A_204 = arith.index_cast %scan3A_185 : i32 to index
        %swap3A_205 = arith.constant 96 : index
        %swap3A_206 = tpu.vector_load %arg20[%swap3A_204, %swap3A_205] {strides = array<i32>} : memref<64x128xf32, #tpu.memory_space<vmem>>, vector<16xf32>,
        tpu.vector_store %arg20[%swap3A_204, %swap3A_205], %broadcast_in_dim3A_0 {strides = array<i32>} : memref<64x128xf32, #tpu.memory_space<vmem>>, vector<16xf32>,
        %swap3A_207 = arith.index_cast %scan3A_185 : i32 to index
        %swap3A_208 = arith.constant 112 : index
        %swap3A_209 = tpu.vector_load %arg20[%swap3A_207, %swap3A_208] {strides = array<i32>} : memref<64x128xf32, #tpu.memory_space<vmem>>, vector<16xf32>,
        tpu.vector_store %arg20[%swap3A_207, %swap3A_208], %broadcast_in_dim3A_0 {strides = array<i32>} : memref<64x128xf32, #tpu.memory_space<vmem>>, vector<16xf32>,
      }
      %scan3A_42 = arith.constant 64 : i32
      %mul3A_43 = arith.constant 80 : i32
      %mul3A_44 = arith.muli %arg1, %mul3A_43 : i32
      %add3A_45 = arith.constant 0 : i32
      %add3A_46 = arith.addi %mul3A_44, %add3A_45 : i32
      "tpu.region"() ({
        %run_scoped3A = tpu.sem_alloc : memref<!tpu.dma_semaphore, #tpu.memory_space<semaphore_mem>>
        %dma_start3A_185 = arith.constant 0 : i32
        %dma_start3A_186 = tpu.memref_slice %arg22[%add3A_46, %dma_start3A_185] : memref<1312x128xf32, #tpu.memory_space<vmem_shared>> -> memref<64x128xf32, #tpu.memory_space<vmem_shared>>
        %dma_start3A_187 = arith.constant 0 : i32
        %dma_start3A_188 = tpu.memref_slice %arg22[%add3A_46, %dma_start3A_187] : memref<1312x128xf32, #tpu.memory_space<vmem_shared>> -> memref<64x128xf32, #tpu.memory_space<vmem_shared>>
        tpu.enqueue_dma source(%arg20 : memref<64x128xf32, #tpu.memory_space<vmem>>) target(%dma_start3A_188 : memref<64x128xf32, #tpu.memory_space<vmem_shared>>) target_semaphore(%run_scoped3A : memref<!tpu.dma_semaphore, #tpu.memory_space<semaphore_mem>>)
        %dma_wait3A = arith.constant 0 : i32
        %dma_wait3A_189 = tpu.memref_slice %arg22[%add3A_46, %dma_wait3A] : memref<1312x128xf32, #tpu.memory_space<vmem_shared>> -> memref<64x128xf32, #tpu.memory_space<vmem_shared>>
        %dma_wait3A_190 = arith.constant 0 : i32
        %dma_wait3A_191 = tpu.memref_slice %arg22[%add3A_46, %dma_wait3A_190] : memref<1312x128xf32, #tpu.memory_space<vmem_shared>> -> memref<64x128xf32, #tpu.memory_space<vmem_shared>>
        tpu.wait_dma2 semaphore(%run_scoped3A : memref<!tpu.dma_semaphore, #tpu.memory_space<semaphore_mem>>) src(%arg20 : memref<64x128xf32, #tpu.memory_space<vmem>>) dst(%dma_wait3A_191 : memref<64x128xf32, #tpu.memory_space<vmem_shared>>)
        tpu.yield
      }) : () -> ()
      %mul3A_47 = arith.constant 80 : i32
      %mul3A_48 = arith.muli %arg1, %mul3A_47 : i32
      %add3A_49 = arith.constant 64 : i32
      %add3A_50 = arith.addi %mul3A_48, %add3A_49 : i32
      "tpu.region"() ({
        %run_scoped3A = tpu.sem_alloc : memref<!tpu.dma_semaphore, #tpu.memory_space<semaphore_mem>>
        %dma_start3A_185 = arith.constant 0 : i32
        %dma_start3A_186 = arith.constant 0 : i32
        %dma_start3A_187 = tpu.memref_slice %arg20[%dma_start3A_185, %dma_start3A_186] : memref<64x128xf32, #tpu.memory_space<vmem>> -> memref<16x128xf32, #tpu.memory_space<vmem>>
        %dma_start3A_188 = arith.constant 0 : i32
        %dma_start3A_189 = tpu.memref_slice %arg22[%add3A_50, %dma_start3A_188] : memref<1312x128xf32, #tpu.memory_space<vmem_shared>> -> memref<16x128xf32, #tpu.memory_space<vmem_shared>>
        %dma_start3A_190 = arith.constant 0 : i32
        %dma_start3A_191 = tpu.memref_slice %arg22[%add3A_50, %dma_start3A_190] : memref<1312x128xf32, #tpu.memory_space<vmem_shared>> -> memref<16x128xf32, #tpu.memory_space<vmem_shared>>
        %dma_start3A_192 = arith.constant 0 : i32
        %dma_start3A_193 = arith.constant 0 : i32
        %dma_start3A_194 = tpu.memref_slice %arg20[%dma_start3A_192, %dma_start3A_193] : memref<64x128xf32, #tpu.memory_space<vmem>> -> memref<16x128xf32, #tpu.memory_space<vmem>>
        tpu.enqueue_dma source(%dma_start3A_194 : memref<16x128xf32, #tpu.memory_space<vmem>>) target(%dma_start3A_191 : memref<16x128xf32, #tpu.memory_space<vmem_shared>>) target_semaphore(%run_scoped3A : memref<!tpu.dma_semaphore, #tpu.memory_space<semaphore_mem>>)
        %dma_wait3A = arith.constant 0 : i32
        %dma_wait3A_195 = arith.constant 0 : i32
        %dma_wait3A_196 = tpu.memref_slice %arg20[%dma_wait3A, %dma_wait3A_195] : memref<64x128xf32, #tpu.memory_space<vmem>> -> memref<16x128xf32, #tpu.memory_space<vmem>>
        %dma_wait3A_197 = arith.constant 0 : i32
        %dma_wait3A_198 = tpu.memref_slice %arg22[%add3A_50, %dma_wait3A_197] : memref<1312x128xf32, #tpu.memory_space<vmem_shared>> -> memref<16x128xf32, #tpu.memory_space<vmem_shared>>
        %dma_wait3A_199 = arith.constant 0 : i32
        %dma_wait3A_200 = tpu.memref_slice %arg22[%add3A_50, %dma_wait3A_199] : memref<1312x128xf32, #tpu.memory_space<vmem_shared>> -> memref<16x128xf32, #tpu.memory_space<vmem_shared>>
        %dma_wait3A_201 = arith.constant 0 : i32
        %dma_wait3A_202 = arith.constant 0 : i32
        %dma_wait3A_203 = tpu.memref_slice %arg20[%dma_wait3A_201, %dma_wait3A_202] : memref<64x128xf32, #tpu.memory_space<vmem>> -> memref<16x128xf32, #tpu.memory_space<vmem>>
        tpu.wait_dma2 semaphore(%run_scoped3A : memref<!tpu.dma_semaphore, #tpu.memory_space<semaphore_mem>>) src(%dma_wait3A_203 : memref<16x128xf32, #tpu.memory_space<vmem>>) dst(%dma_wait3A_200 : memref<16x128xf32, #tpu.memory_space<vmem_shared>>)
        tpu.yield
      }) : () -> ()
      %barrier3A_51 = arith.constant 0 : index
      tpu.barrier barrier_id(%barrier3A_51)
      %mul3A_52 = arith.constant 648 : i32
      %mul3A_53 = arith.muli %arg1, %mul3A_52 : i32
      %add3A_54 = arith.constant 0 : i32
      %add3A_55 = arith.addi %mul3A_53, %add3A_54 : i32
      %mul3A_56 = arith.constant 32 : i32
      %mul3A_57 = arith.muli %add3A_55, %mul3A_56 : i32
      %multiple_of3A_58 = tpu.assume_multiple %mul3A_57, 32 : i32
      "tpu.region"() ({
        %run_scoped3A = tpu.sem_alloc : memref<!tpu.dma_semaphore, #tpu.memory_space<semaphore_mem>>
        %dma_start3A_185 = tpu.memref_slice %arg5[%multiple_of3A_58] : memref<331776xi32, #tpu.memory_space<hbm>> -> memref<32xi32, #tpu.memory_space<hbm>>
        %dma_start3A_186 = tpu.memref_slice %arg5[%multiple_of3A_58] : memref<331776xi32, #tpu.memory_space<hbm>> -> memref<32xi32, #tpu.memory_space<hbm>>
        tpu.enqueue_dma source(%dma_start3A_186 : memref<32xi32, #tpu.memory_space<hbm>>) target(%arg12 : memref<32xi32, #tpu.memory_space<vmem>>) target_semaphore(%run_scoped3A : memref<!tpu.dma_semaphore, #tpu.memory_space<semaphore_mem>>)
        %dma_wait3A = tpu.memref_slice %arg5[%multiple_of3A_58] : memref<331776xi32, #tpu.memory_space<hbm>> -> memref<32xi32, #tpu.memory_space<hbm>>
        %dma_wait3A_187 = tpu.memref_slice %arg5[%multiple_of3A_58] : memref<331776xi32, #tpu.memory_space<hbm>> -> memref<32xi32, #tpu.memory_space<hbm>>
        tpu.wait_dma2 semaphore(%run_scoped3A : memref<!tpu.dma_semaphore, #tpu.memory_space<semaphore_mem>>) src(%dma_wait3A_187 : memref<32xi32, #tpu.memory_space<hbm>>) dst(%arg12 : memref<32xi32, #tpu.memory_space<vmem>>)
        tpu.yield
      }) : () -> ()
      "tpu.region"() ({
        %run_scoped3A = tpu.sem_alloc : memref<!tpu.dma_semaphore, #tpu.memory_space<semaphore_mem>>
        %dma_start3A_185 = tpu.memref_slice %arg6[%multiple_of3A_58] : memref<331776xi32, #tpu.memory_space<hbm>> -> memref<32xi32, #tpu.memory_space<hbm>>
        %dma_start3A_186 = tpu.memref_slice %arg6[%multiple_of3A_58] : memref<331776xi32, #tpu.memory_space<hbm>> -> memref<32xi32, #tpu.memory_space<hbm>>
        tpu.enqueue_dma source(%dma_start3A_186 : memref<32xi32, #tpu.memory_space<hbm>>) target(%arg13 : memref<32xi32, #tpu.memory_space<vmem>>) target_semaphore(%run_scoped3A : memref<!tpu.dma_semaphore, #tpu.memory_space<semaphore_mem>>)
        %dma_wait3A = tpu.memref_slice %arg6[%multiple_of3A_58] : memref<331776xi32, #tpu.memory_space<hbm>> -> memref<32xi32, #tpu.memory_space<hbm>>
        %dma_wait3A_187 = tpu.memref_slice %arg6[%multiple_of3A_58] : memref<331776xi32, #tpu.memory_space<hbm>> -> memref<32xi32, #tpu.memory_space<hbm>>
        tpu.wait_dma2 semaphore(%run_scoped3A : memref<!tpu.dma_semaphore, #tpu.memory_space<semaphore_mem>>) src(%dma_wait3A_187 : memref<32xi32, #tpu.memory_space<hbm>>) dst(%arg13 : memref<32xi32, #tpu.memory_space<vmem>>)
        tpu.yield
      }) : () -> ()
      %get3A = arith.constant 0 : index
      %get3A_59 = tpu.vector_load %arg12[%get3A] {strides = array<i32>} : memref<32xi32, #tpu.memory_space<vmem>>, vector<16xi32>,
      %get3A_60 = arith.constant 0 : index
      %get3A_61 = tpu.vector_load %arg13[%get3A_60] {strides = array<i32>} : memref<32xi32, #tpu.memory_space<vmem>>, vector<16xi32>,
      %gather3A = tpu.vector_load_idx %arg9[%get3A_59] : memref<10240xf32, #tpu.memory_space<vmem>>[vector<16xi32>], vector<16xf32>,
      %gather3A_62 = tpu.vector_load_idx %arg10[%get3A_61] : memref<10240xf32, #tpu.memory_space<vmem>>[vector<16xi32>], vector<16xf32>,
      %add3A_63 = arith.addf %gather3A, %gather3A_62 : vector<16xf32>
      %ge3A = arith.constant 0.000000e+00 : f32
      %ge3A_64 = vector.broadcast %ge3A : f32 to vector<16xf32>
      %ge3A_65 = arith.cmpf oge, %add3A_63, %ge3A_64 : vector<16xf32>
      %mul3A_66 = arith.constant 2.000000e-01 : f32
      %mul3A_67 = vector.broadcast %mul3A_66 : f32 to vector<16xf32>
      %mul3A_68 = arith.mulf %mul3A_67, %add3A_63 : vector<16xf32>
      %select_n3A = arith.select %ge3A_65, %add3A_63, %mul3A_68 : vector<16xi1>, vector<16xf32>
      %exp3A = math.exp %select_n3A : vector<16xf32>
      %shift_right_logical3A = arith.constant 4 : i32
      %shift_right_logical3A_69 = vector.broadcast %shift_right_logical3A : i32 to vector<16xi32>
      %shift_right_logical3A_70 = arith.shrui %get3A_61, %shift_right_logical3A_69 : vector<16xi32>
      %and3A = arith.constant 15 : i32
      %and3A_71 = vector.broadcast %and3A : i32 to vector<16xi32>
      %and3A_72 = arith.andi %get3A_61, %and3A_71 : vector<16xi32>
      %gather3A_73 = tpu.vector_load_idx %arg11[%shift_right_logical3A_70, %and3A_72] : memref<640x16xf32, #tpu.memory_space<vmem>>[vector<16xi32>, vector<16xi32>], vector<16xf32>,
      %ge3A_74 = vector.broadcast %mul3A_36 : i32 to vector<16xi32>
      %ge3A_75 = arith.cmpi sge, %get3A_61, %ge3A_74 : vector<16xi32>
      %add3A_76 = arith.constant 1280 : i32
      %add3A_77 = arith.addi %mul3A_36, %add3A_76 : i32
      %lt3A = vector.broadcast %add3A_77 : i32 to vector<16xi32>
      %lt3A_78 = arith.cmpi slt, %get3A_61, %lt3A : vector<16xi32>
      %and3A_79 = arith.andi %ge3A_75, %lt3A_78 : vector<16xi1>
      %add3A_80 = arith.constant 1.000000e-16 : f32
      %add3A_81 = vector.broadcast %add3A_80 : f32 to vector<16xf32>
      %add3A_82 = arith.addf %gather3A_73, %add3A_81 : vector<16xf32>
      %div3A = arith.divf %exp3A, %add3A_82 : vector<16xf32>
      %jit3A = arith.constant 0.000000e+00 : f32
      %broadcast_in_dim3A_83 = vector.broadcast %jit3A : f32 to vector<16xf32>
      %select_n3A_84 = arith.select %and3A_79, %div3A, %broadcast_in_dim3A_83 : vector<16xi1>, vector<16xf32>
      %swap3A = arith.constant 0 : index
      %swap3A_85 = tpu.vector_load %arg18[%swap3A] {strides = array<i32>} : memref<32xf32, #tpu.memory_space<vmem>>, vector<16xf32>,
      tpu.vector_store %arg18[%swap3A], %select_n3A_84 {strides = array<i32>} : memref<32xf32, #tpu.memory_space<vmem>>, vector<16xf32>,
      %add3A_86 = arith.constant 0 : i32
      %add3A_87 = vector.broadcast %add3A_86 : i32 to vector<16xi32>
      %add3A_88 = arith.addi %iota3A, %add3A_87 : vector<16xi32>
      %and3A_89 = arith.constant 31 : i32
      %and3A_90 = vector.broadcast %and3A_89 : i32 to vector<16xi32>
      %and3A_91 = arith.andi %add3A_88, %and3A_90 : vector<16xi32>
      %add3A_92 = arith.constant 1280 : i32
      %add3A_93 = vector.broadcast %add3A_92 : i32 to vector<16xi32>
      %add3A_94 = arith.addi %add3A_93, %and3A_91 : vector<16xi32>
      %sub3A = vector.broadcast %mul3A_36 : i32 to vector<16xi32>
      %sub3A_95 = arith.subi %get3A_61, %sub3A : vector<16xi32>
      %select_n3A_96 = arith.select %and3A_79, %sub3A_95, %add3A_94 : vector<16xi1>, vector<16xi32>
      %swap3A_97 = arith.constant 0 : index
      %swap3A_98 = tpu.vector_load %arg16[%swap3A_97] {strides = array<i32>} : memref<32xi32, #tpu.memory_space<vmem>>, vector<16xi32>,
      tpu.vector_store %arg16[%swap3A_97], %select_n3A_96 {strides = array<i32>} : memref<32xi32, #tpu.memory_space<vmem>>, vector<16xi32>,
      %mul3A_99 = arith.constant 10240 : i32
      %mul3A_100 = arith.muli %arg0, %mul3A_99 : i32
      %add3A_101 = vector.broadcast %mul3A_100 : i32 to vector<16xi32>
      %add3A_102 = arith.addi %get3A_59, %add3A_101 : vector<16xi32>
      %swap3A_103 = arith.constant 0 : index
      %swap3A_104 = tpu.vector_load %arg14[%swap3A_103] {strides = array<i32>} : memref<32xi32, #tpu.memory_space<vmem>>, vector<16xi32>,
      tpu.vector_store %arg14[%swap3A_103], %add3A_102 {strides = array<i32>} : memref<32xi32, #tpu.memory_space<vmem>>, vector<16xi32>,
      %get3A_105 = arith.constant 16 : index
      %get3A_106 = tpu.vector_load %arg12[%get3A_105] {strides = array<i32>} : memref<32xi32, #tpu.memory_space<vmem>>, vector<16xi32>,
      %get3A_107 = arith.constant 16 : index
      %get3A_108 = tpu.vector_load %arg13[%get3A_107] {strides = array<i32>} : memref<32xi32, #tpu.memory_space<vmem>>, vector<16xi32>,
      %gather3A_109 = tpu.vector_load_idx %arg9[%get3A_106] : memref<10240xf32, #tpu.memory_space<vmem>>[vector<16xi32>], vector<16xf32>,
      %gather3A_110 = tpu.vector_load_idx %arg10[%get3A_108] : memref<10240xf32, #tpu.memory_space<vmem>>[vector<16xi32>], vector<16xf32>,
      %add3A_111 = arith.addf %gather3A_109, %gather3A_110 : vector<16xf32>
      %ge3A_112 = arith.constant 0.000000e+00 : f32
      %ge3A_113 = vector.broadcast %ge3A_112 : f32 to vector<16xf32>
      %ge3A_114 = arith.cmpf oge, %add3A_111, %ge3A_113 : vector<16xf32>
      %mul3A_115 = arith.constant 2.000000e-01 : f32
      %mul3A_116 = vector.broadcast %mul3A_115 : f32 to vector<16xf32>
      %mul3A_117 = arith.mulf %mul3A_116, %add3A_111 : vector<16xf32>
      %select_n3A_118 = arith.select %ge3A_114, %add3A_111, %mul3A_117 : vector<16xi1>, vector<16xf32>
      %exp3A_119 = math.exp %select_n3A_118 : vector<16xf32>
      %shift_right_logical3A_120 = arith.constant 4 : i32
      %shift_right_logical3A_121 = vector.broadcast %shift_right_logical3A_120 : i32 to vector<16xi32>
      %shift_right_logical3A_122 = arith.shrui %get3A_108, %shift_right_logical3A_121 : vector<16xi32>
      %and3A_123 = arith.constant 15 : i32
      %and3A_124 = vector.broadcast %and3A_123 : i32 to vector<16xi32>
      %and3A_125 = arith.andi %get3A_108, %and3A_124 : vector<16xi32>
      %gather3A_126 = tpu.vector_load_idx %arg11[%shift_right_logical3A_122, %and3A_125] : memref<640x16xf32, #tpu.memory_space<vmem>>[vector<16xi32>, vector<16xi32>], vector<16xf32>,
      %ge3A_127 = vector.broadcast %mul3A_36 : i32 to vector<16xi32>
      %ge3A_128 = arith.cmpi sge, %get3A_108, %ge3A_127 : vector<16xi32>
      %add3A_129 = arith.constant 1280 : i32
      %add3A_130 = arith.addi %mul3A_36, %add3A_129 : i32
      %lt3A_131 = vector.broadcast %add3A_130 : i32 to vector<16xi32>
      %lt3A_132 = arith.cmpi slt, %get3A_108, %lt3A_131 : vector<16xi32>
      %and3A_133 = arith.andi %ge3A_128, %lt3A_132 : vector<16xi1>
      %add3A_134 = arith.constant 1.000000e-16 : f32
      %add3A_135 = vector.broadcast %add3A_134 : f32 to vector<16xf32>
      %add3A_136 = arith.addf %gather3A_126, %add3A_135 : vector<16xf32>
      %div3A_137 = arith.divf %exp3A_119, %add3A_136 : vector<16xf32>
      %jit3A_138 = arith.constant 0.000000e+00 : f32
      %broadcast_in_dim3A_139 = vector.broadcast %jit3A_138 : f32 to vector<16xf32>
      %select_n3A_140 = arith.select %and3A_133, %div3A_137, %broadcast_in_dim3A_139 : vector<16xi1>, vector<16xf32>
      %swap3A_141 = arith.constant 16 : index
      %swap3A_142 = tpu.vector_load %arg18[%swap3A_141] {strides = array<i32>} : memref<32xf32, #tpu.memory_space<vmem>>, vector<16xf32>,
      tpu.vector_store %arg18[%swap3A_141], %select_n3A_140 {strides = array<i32>} : memref<32xf32, #tpu.memory_space<vmem>>, vector<16xf32>,
      %add3A_143 = arith.constant 16 : i32
      %add3A_144 = vector.broadcast %add3A_143 : i32 to vector<16xi32>
      %add3A_145 = arith.addi %iota3A, %add3A_144 : vector<16xi32>
      %and3A_146 = arith.constant 31 : i32
      %and3A_147 = vector.broadcast %and3A_146 : i32 to vector<16xi32>
      %and3A_148 = arith.andi %add3A_145, %and3A_147 : vector<16xi32>
      %add3A_149 = arith.constant 1280 : i32
      %add3A_150 = vector.broadcast %add3A_149 : i32 to vector<16xi32>
      %add3A_151 = arith.addi %add3A_150, %and3A_148 : vector<16xi32>
      %sub3A_152 = vector.broadcast %mul3A_36 : i32 to vector<16xi32>
      %sub3A_153 = arith.subi %get3A_108, %sub3A_152 : vector<16xi32>
      %select_n3A_154 = arith.select %and3A_133, %sub3A_153, %add3A_151 : vector<16xi1>, vector<16xi32>
      %swap3A_155 = arith.constant 16 : index
      %swap3A_156 = tpu.vector_load %arg16[%swap3A_155] {strides = array<i32>} : memref<32xi32, #tpu.memory_space<vmem>>, vector<16xi32>,
      tpu.vector_store %arg16[%swap3A_155], %select_n3A_154 {strides = array<i32>} : memref<32xi32, #tpu.memory_space<vmem>>, vector<16xi32>,
      %mul3A_157 = arith.constant 10240 : i32
      %mul3A_158 = arith.muli %arg0, %mul3A_157 : i32
      %add3A_159 = vector.broadcast %mul3A_158 : i32 to vector<16xi32>
      %add3A_160 = arith.addi %get3A_106, %add3A_159 : vector<16xi32>
      %swap3A_161 = arith.constant 16 : index
      %swap3A_162 = tpu.vector_load %arg14[%swap3A_161] {strides = array<i32>} : memref<32xi32, #tpu.memory_space<vmem>>, vector<16xi32>,
      tpu.vector_store %arg14[%swap3A_161], %add3A_160 {strides = array<i32>} : memref<32xi32, #tpu.memory_space<vmem>>, vector<16xi32>,
      %dma_start3A = arith.constant 0 : i32
      %dma_start3A_163 = arith.constant 0 : i32
      %dma_start3A_164 = tpu.memref_slice %arg20[%dma_start3A, %dma_start3A_163] : memref<64x128xf32, #tpu.memory_space<vmem>> -> memref<32x128xf32, #tpu.memory_space<vmem>>
      %dma_start3A_165 = arith.constant 0 : i32
      %dma_start3A_166 = arith.constant 0 : i32
      %dma_start3A_167 = tpu.memref_slice %arg2[%dma_start3A_165, %dma_start3A_166] : memref<20480x128xf32, #tpu.memory_space<hbm>> -> memref<20480x128xf32, #tpu.memory_space<hbm>>
      tpu.enqueue_indirect_dma source(%dma_start3A_167 : memref<20480x128xf32, #tpu.memory_space<hbm>>) target(%dma_start3A_164 : memref<32x128xf32, #tpu.memory_space<vmem>>) offsets(%arg14 : memref<32xi32, #tpu.memory_space<vmem>>) semaphore(%arg23 : memref<!tpu.dma_semaphore, #tpu.memory_space<semaphore_mem>>)
      %scan3A_168 = arith.constant 0 : i32
      %scan3A_169 = arith.constant 0 : i32
      %scan3A_170 = arith.constant 324 : i32
      %scan3A_171 = arith.addi %scan3A_169, %scan3A_170 : i32
      %scan3A_172 = arith.constant 1 : i32
      scf.for %scan3A_185 = %scan3A_169 to %scan3A_171 step %scan3A_172  : i32 {
        %mul3A_186 = arith.constant 2 : i32
        %mul3A_187 = arith.muli %scan3A_185, %mul3A_186 : i32
        %add3A_188 = arith.constant 1 : i32
        %add3A_189 = arith.addi %mul3A_187, %add3A_188 : i32
        %mul3A_190 = arith.constant 648 : i32
        %mul3A_191 = arith.muli %arg1, %mul3A_190 : i32
        %add3A_192 = arith.addi %mul3A_191, %add3A_189 : i32
        %mul3A_193 = arith.constant 32 : i32
        %mul3A_194 = arith.muli %add3A_192, %mul3A_193 : i32
        %multiple_of3A_195 = tpu.assume_multiple %mul3A_194, 32 : i32
        "tpu.region"() ({
          %run_scoped3A = tpu.sem_alloc : memref<!tpu.dma_semaphore, #tpu.memory_space<semaphore_mem>>
          %dma_start3A_344 = tpu.memref_slice %arg5[%multiple_of3A_195] : memref<331776xi32, #tpu.memory_space<hbm>> -> memref<32xi32, #tpu.memory_space<hbm>>
          %dma_start3A_345 = tpu.memref_slice %arg5[%multiple_of3A_195] : memref<331776xi32, #tpu.memory_space<hbm>> -> memref<32xi32, #tpu.memory_space<hbm>>
          tpu.enqueue_dma source(%dma_start3A_345 : memref<32xi32, #tpu.memory_space<hbm>>) target(%arg12 : memref<32xi32, #tpu.memory_space<vmem>>) target_semaphore(%run_scoped3A : memref<!tpu.dma_semaphore, #tpu.memory_space<semaphore_mem>>)
          %dma_wait3A_346 = tpu.memref_slice %arg5[%multiple_of3A_195] : memref<331776xi32, #tpu.memory_space<hbm>> -> memref<32xi32, #tpu.memory_space<hbm>>
          %dma_wait3A_347 = tpu.memref_slice %arg5[%multiple_of3A_195] : memref<331776xi32, #tpu.memory_space<hbm>> -> memref<32xi32, #tpu.memory_space<hbm>>
          tpu.wait_dma2 semaphore(%run_scoped3A : memref<!tpu.dma_semaphore, #tpu.memory_space<semaphore_mem>>) src(%dma_wait3A_347 : memref<32xi32, #tpu.memory_space<hbm>>) dst(%arg12 : memref<32xi32, #tpu.memory_space<vmem>>)
          tpu.yield
        }) : () -> ()
        "tpu.region"() ({
          %run_scoped3A = tpu.sem_alloc : memref<!tpu.dma_semaphore, #tpu.memory_space<semaphore_mem>>
          %dma_start3A_344 = tpu.memref_slice %arg6[%multiple_of3A_195] : memref<331776xi32, #tpu.memory_space<hbm>> -> memref<32xi32, #tpu.memory_space<hbm>>
          %dma_start3A_345 = tpu.memref_slice %arg6[%multiple_of3A_195] : memref<331776xi32, #tpu.memory_space<hbm>> -> memref<32xi32, #tpu.memory_space<hbm>>
          tpu.enqueue_dma source(%dma_start3A_345 : memref<32xi32, #tpu.memory_space<hbm>>) target(%arg13 : memref<32xi32, #tpu.memory_space<vmem>>) target_semaphore(%run_scoped3A : memref<!tpu.dma_semaphore, #tpu.memory_space<semaphore_mem>>)
          %dma_wait3A_346 = tpu.memref_slice %arg6[%multiple_of3A_195] : memref<331776xi32, #tpu.memory_space<hbm>> -> memref<32xi32, #tpu.memory_space<hbm>>
          %dma_wait3A_347 = tpu.memref_slice %arg6[%multiple_of3A_195] : memref<331776xi32, #tpu.memory_space<hbm>> -> memref<32xi32, #tpu.memory_space<hbm>>
          tpu.wait_dma2 semaphore(%run_scoped3A : memref<!tpu.dma_semaphore, #tpu.memory_space<semaphore_mem>>) src(%dma_wait3A_347 : memref<32xi32, #tpu.memory_space<hbm>>) dst(%arg13 : memref<32xi32, #tpu.memory_space<vmem>>)
          tpu.yield
        }) : () -> ()
        %get3A_196 = arith.constant 0 : index
        %get3A_197 = tpu.vector_load %arg12[%get3A_196] {strides = array<i32>} : memref<32xi32, #tpu.memory_space<vmem>>, vector<16xi32>,
        %get3A_198 = arith.constant 0 : index
        %get3A_199 = tpu.vector_load %arg13[%get3A_198] {strides = array<i32>} : memref<32xi32, #tpu.memory_space<vmem>>, vector<16xi32>,
        %gather3A_200 = tpu.vector_load_idx %arg9[%get3A_197] : memref<10240xf32, #tpu.memory_space<vmem>>[vector<16xi32>], vector<16xf32>,
        %gather3A_201 = tpu.vector_load_idx %arg10[%get3A_199] : memref<10240xf32, #tpu.memory_space<vmem>>[vector<16xi32>], vector<16xf32>,
        %add3A_202 = arith.addf %gather3A_200, %gather3A_201 : vector<16xf32>
        %ge3A_203 = arith.constant 0.000000e+00 : f32
        %ge3A_204 = vector.broadcast %ge3A_203 : f32 to vector<16xf32>
        %ge3A_205 = arith.cmpf oge, %add3A_202, %ge3A_204 : vector<16xf32>
        %mul3A_206 = arith.constant 2.000000e-01 : f32
        %mul3A_207 = vector.broadcast %mul3A_206 : f32 to vector<16xf32>
        %mul3A_208 = arith.mulf %mul3A_207, %add3A_202 : vector<16xf32>
        %select_n3A_209 = arith.select %ge3A_205, %add3A_202, %mul3A_208 : vector<16xi1>, vector<16xf32>
        %exp3A_210 = math.exp %select_n3A_209 : vector<16xf32>
        %shift_right_logical3A_211 = arith.constant 4 : i32
        %shift_right_logical3A_212 = vector.broadcast %shift_right_logical3A_211 : i32 to vector<16xi32>
        %shift_right_logical3A_213 = arith.shrui %get3A_199, %shift_right_logical3A_212 : vector<16xi32>
        %and3A_214 = arith.constant 15 : i32
        %and3A_215 = vector.broadcast %and3A_214 : i32 to vector<16xi32>
        %and3A_216 = arith.andi %get3A_199, %and3A_215 : vector<16xi32>
        %gather3A_217 = tpu.vector_load_idx %arg11[%shift_right_logical3A_213, %and3A_216] : memref<640x16xf32, #tpu.memory_space<vmem>>[vector<16xi32>, vector<16xi32>], vector<16xf32>,
        %ge3A_218 = vector.broadcast %mul3A_36 : i32 to vector<16xi32>
        %ge3A_219 = arith.cmpi sge, %get3A_199, %ge3A_218 : vector<16xi32>
        %add3A_220 = arith.constant 1280 : i32
        %add3A_221 = arith.addi %mul3A_36, %add3A_220 : i32
        %lt3A_222 = vector.broadcast %add3A_221 : i32 to vector<16xi32>
        %lt3A_223 = arith.cmpi slt, %get3A_199, %lt3A_222 : vector<16xi32>
        %and3A_224 = arith.andi %ge3A_219, %lt3A_223 : vector<16xi1>
        %add3A_225 = arith.constant 1.000000e-16 : f32
        %add3A_226 = vector.broadcast %add3A_225 : f32 to vector<16xf32>
        %add3A_227 = arith.addf %gather3A_217, %add3A_226 : vector<16xf32>
        %div3A_228 = arith.divf %exp3A_210, %add3A_227 : vector<16xf32>
        %jit3A_229 = arith.constant 0.000000e+00 : f32
        %broadcast_in_dim3A_230 = vector.broadcast %jit3A_229 : f32 to vector<16xf32>
        %select_n3A_231 = arith.select %and3A_224, %div3A_228, %broadcast_in_dim3A_230 : vector<16xi1>, vector<16xf32>
        %swap3A_232 = arith.constant 0 : index
        %swap3A_233 = tpu.vector_load %arg19[%swap3A_232] {strides = array<i32>} : memref<32xf32, #tpu.memory_space<vmem>>, vector<16xf32>,
        tpu.vector_store %arg19[%swap3A_232], %select_n3A_231 {strides = array<i32>} : memref<32xf32, #tpu.memory_space<vmem>>, vector<16xf32>,
        %add3A_234 = arith.constant 0 : i32
        %add3A_235 = vector.broadcast %add3A_234 : i32 to vector<16xi32>
        %add3A_236 = arith.addi %iota3A, %add3A_235 : vector<16xi32>
        %and3A_237 = arith.constant 31 : i32
        %and3A_238 = vector.broadcast %and3A_237 : i32 to vector<16xi32>
        %and3A_239 = arith.andi %add3A_236, %and3A_238 : vector<16xi32>
        %add3A_240 = arith.constant 1280 : i32
        %add3A_241 = vector.broadcast %add3A_240 : i32 to vector<16xi32>
        %add3A_242 = arith.addi %add3A_241, %and3A_239 : vector<16xi32>
        %sub3A_243 = vector.broadcast %mul3A_36 : i32 to vector<16xi32>
        %sub3A_244 = arith.subi %get3A_199, %sub3A_243 : vector<16xi32>
        %select_n3A_245 = arith.select %and3A_224, %sub3A_244, %add3A_242 : vector<16xi1>, vector<16xi32>
        %swap3A_246 = arith.constant 0 : index
        %swap3A_247 = tpu.vector_load %arg17[%swap3A_246] {strides = array<i32>} : memref<32xi32, #tpu.memory_space<vmem>>, vector<16xi32>,
        tpu.vector_store %arg17[%swap3A_246], %select_n3A_245 {strides = array<i32>} : memref<32xi32, #tpu.memory_space<vmem>>, vector<16xi32>,
        %mul3A_248 = arith.constant 10240 : i32
        %mul3A_249 = arith.muli %arg0, %mul3A_248 : i32
        %add3A_250 = vector.broadcast %mul3A_249 : i32 to vector<16xi32>
        %add3A_251 = arith.addi %get3A_197, %add3A_250 : vector<16xi32>
        %swap3A_252 = arith.constant 0 : index
        %swap3A_253 = tpu.vector_load %arg15[%swap3A_252] {strides = array<i32>} : memref<32xi32, #tpu.memory_space<vmem>>, vector<16xi32>,
        tpu.vector_store %arg15[%swap3A_252], %add3A_251 {strides = array<i32>} : memref<32xi32, #tpu.memory_space<vmem>>, vector<16xi32>,
        %get3A_254 = arith.constant 16 : index
        %get3A_255 = tpu.vector_load %arg12[%get3A_254] {strides = array<i32>} : memref<32xi32, #tpu.memory_space<vmem>>, vector<16xi32>,
        %get3A_256 = arith.constant 16 : index
        %get3A_257 = tpu.vector_load %arg13[%get3A_256] {strides = array<i32>} : memref<32xi32, #tpu.memory_space<vmem>>, vector<16xi32>,
        %gather3A_258 = tpu.vector_load_idx %arg9[%get3A_255] : memref<10240xf32, #tpu.memory_space<vmem>>[vector<16xi32>], vector<16xf32>,
        %gather3A_259 = tpu.vector_load_idx %arg10[%get3A_257] : memref<10240xf32, #tpu.memory_space<vmem>>[vector<16xi32>], vector<16xf32>,
        %add3A_260 = arith.addf %gather3A_258, %gather3A_259 : vector<16xf32>
        %ge3A_261 = arith.constant 0.000000e+00 : f32
        %ge3A_262 = vector.broadcast %ge3A_261 : f32 to vector<16xf32>
        %ge3A_263 = arith.cmpf oge, %add3A_260, %ge3A_262 : vector<16xf32>
        %mul3A_264 = arith.constant 2.000000e-01 : f32
        %mul3A_265 = vector.broadcast %mul3A_264 : f32 to vector<16xf32>
        %mul3A_266 = arith.mulf %mul3A_265, %add3A_260 : vector<16xf32>
        %select_n3A_267 = arith.select %ge3A_263, %add3A_260, %mul3A_266 : vector<16xi1>, vector<16xf32>
        %exp3A_268 = math.exp %select_n3A_267 : vector<16xf32>
        %shift_right_logical3A_269 = arith.constant 4 : i32
        %shift_right_logical3A_270 = vector.broadcast %shift_right_logical3A_269 : i32 to vector<16xi32>
        %shift_right_logical3A_271 = arith.shrui %get3A_257, %shift_right_logical3A_270 : vector<16xi32>
        %and3A_272 = arith.constant 15 : i32
        %and3A_273 = vector.broadcast %and3A_272 : i32 to vector<16xi32>
        %and3A_274 = arith.andi %get3A_257, %and3A_273 : vector<16xi32>
        %gather3A_275 = tpu.vector_load_idx %arg11[%shift_right_logical3A_271, %and3A_274] : memref<640x16xf32, #tpu.memory_space<vmem>>[vector<16xi32>, vector<16xi32>], vector<16xf32>,
        %ge3A_276 = vector.broadcast %mul3A_36 : i32 to vector<16xi32>
        %ge3A_277 = arith.cmpi sge, %get3A_257, %ge3A_276 : vector<16xi32>
        %add3A_278 = arith.constant 1280 : i32
        %add3A_279 = arith.addi %mul3A_36, %add3A_278 : i32
        %lt3A_280 = vector.broadcast %add3A_279 : i32 to vector<16xi32>
        %lt3A_281 = arith.cmpi slt, %get3A_257, %lt3A_280 : vector<16xi32>
        %and3A_282 = arith.andi %ge3A_277, %lt3A_281 : vector<16xi1>
        %add3A_283 = arith.constant 1.000000e-16 : f32
        %add3A_284 = vector.broadcast %add3A_283 : f32 to vector<16xf32>
        %add3A_285 = arith.addf %gather3A_275, %add3A_284 : vector<16xf32>
        %div3A_286 = arith.divf %exp3A_268, %add3A_285 : vector<16xf32>
        %jit3A_287 = arith.constant 0.000000e+00 : f32
        %broadcast_in_dim3A_288 = vector.broadcast %jit3A_287 : f32 to vector<16xf32>
        %select_n3A_289 = arith.select %and3A_282, %div3A_286, %broadcast_in_dim3A_288 : vector<16xi1>, vector<16xf32>
        %swap3A_290 = arith.constant 16 : index
        %swap3A_291 = tpu.vector_load %arg19[%swap3A_290] {strides = array<i32>} : memref<32xf32, #tpu.memory_space<vmem>>, vector<16xf32>,
        tpu.vector_store %arg19[%swap3A_290], %select_n3A_289 {strides = array<i32>} : memref<32xf32, #tpu.memory_space<vmem>>, vector<16xf32>,
        %add3A_292 = arith.constant 16 : i32
        %add3A_293 = vector.broadcast %add3A_292 : i32 to vector<16xi32>
        %add3A_294 = arith.addi %iota3A, %add3A_293 : vector<16xi32>
        %and3A_295 = arith.constant 31 : i32
        %and3A_296 = vector.broadcast %and3A_295 : i32 to vector<16xi32>
        %and3A_297 = arith.andi %add3A_294, %and3A_296 : vector<16xi32>
        %add3A_298 = arith.constant 1280 : i32
        %add3A_299 = vector.broadcast %add3A_298 : i32 to vector<16xi32>
        %add3A_300 = arith.addi %add3A_299, %and3A_297 : vector<16xi32>
        %sub3A_301 = vector.broadcast %mul3A_36 : i32 to vector<16xi32>
        %sub3A_302 = arith.subi %get3A_257, %sub3A_301 : vector<16xi32>
        %select_n3A_303 = arith.select %and3A_282, %sub3A_302, %add3A_300 : vector<16xi1>, vector<16xi32>
        %swap3A_304 = arith.constant 16 : index
        %swap3A_305 = tpu.vector_load %arg17[%swap3A_304] {strides = array<i32>} : memref<32xi32, #tpu.memory_space<vmem>>, vector<16xi32>,
        tpu.vector_store %arg17[%swap3A_304], %select_n3A_303 {strides = array<i32>} : memref<32xi32, #tpu.memory_space<vmem>>, vector<16xi32>,
        %mul3A_306 = arith.constant 10240 : i32
        %mul3A_307 = arith.muli %arg0, %mul3A_306 : i32
        %add3A_308 = vector.broadcast %mul3A_307 : i32 to vector<16xi32>
        %add3A_309 = arith.addi %get3A_255, %add3A_308 : vector<16xi32>
        %swap3A_310 = arith.constant 16 : index
        %swap3A_311 = tpu.vector_load %arg15[%swap3A_310] {strides = array<i32>} : memref<32xi32, #tpu.memory_space<vmem>>, vector<16xi32>,
        tpu.vector_store %arg15[%swap3A_310], %add3A_309 {strides = array<i32>} : memref<32xi32, #tpu.memory_space<vmem>>, vector<16xi32>,
        %dma_start3A_312 = arith.constant 32 : i32
        %dma_start3A_313 = arith.constant 0 : i32
        %dma_start3A_314 = tpu.memref_slice %arg20[%dma_start3A_312, %dma_start3A_313] : memref<64x128xf32, #tpu.memory_space<vmem>> -> memref<32x128xf32, #tpu.memory_space<vmem>>
        %dma_start3A_315 = arith.constant 0 : i32
        %dma_start3A_316 = arith.constant 0 : i32
        %dma_start3A_317 = tpu.memref_slice %arg2[%dma_start3A_315, %dma_start3A_316] : memref<20480x128xf32, #tpu.memory_space<hbm>> -> memref<20480x128xf32, #tpu.memory_space<hbm>>
        tpu.enqueue_indirect_dma source(%dma_start3A_317 : memref<20480x128xf32, #tpu.memory_space<hbm>>) target(%dma_start3A_314 : memref<32x128xf32, #tpu.memory_space<vmem>>) offsets(%arg15 : memref<32xi32, #tpu.memory_space<vmem>>) semaphore(%arg24 : memref<!tpu.dma_semaphore, #tpu.memory_space<semaphore_mem>>)
        %dma_wait3A = arith.constant 0 : i32
        %dma_wait3A_318 = arith.constant 0 : i32
        %dma_wait3A_319 = tpu.memref_slice %arg20[%dma_wait3A, %dma_wait3A_318] : memref<64x128xf32, #tpu.memory_space<vmem>> -> memref<32x128xf32, #tpu.memory_space<vmem>>
        %dma_wait3A_320 = arith.constant 0 : i32
        %dma_wait3A_321 = arith.constant 0 : i32
        %dma_wait3A_322 = tpu.memref_slice %arg2[%dma_wait3A_320, %dma_wait3A_321] : memref<20480x128xf32, #tpu.memory_space<hbm>> -> memref<20480x128xf32, #tpu.memory_space<hbm>>
        tpu.wait_indirect_dma semaphore(%arg23 : memref<!tpu.dma_semaphore, #tpu.memory_space<semaphore_mem>>) src(%dma_wait3A_322 : memref<20480x128xf32, #tpu.memory_space<hbm>>) dst(%dma_wait3A_319 : memref<32x128xf32, #tpu.memory_space<vmem>>)
        %scan3A_323 = arith.constant 0 : i32
        %scan3A_324 = arith.constant 0 : i32
        %scan3A_325 = arith.constant 8 : i32
        %scan3A_326 = arith.addi %scan3A_324, %scan3A_325 : i32
        %scan3A_327 = arith.constant 1 : i32
        scf.for %scan3A_344 = %scan3A_324 to %scan3A_326 step %scan3A_327  : i32 {
          %mul3A_345 = arith.constant 4 : i32
          %mul3A_346 = arith.muli %scan3A_344, %mul3A_345 : i32
          %add3A_347 = arith.constant 0 : i32
          %add3A_348 = arith.addi %mul3A_346, %add3A_347 : i32
          %broadcast_in_dim3A_349 = vector.broadcast %add3A_348 : i32 to vector<16xi32>
          %gather3A_350 = tpu.vector_load_idx %arg18[%broadcast_in_dim3A_349] : memref<32xf32, #tpu.memory_space<vmem>>[vector<16xi32>], vector<16xf32>,
          %add3A_351 = arith.constant 0 : i32
          %add3A_352 = arith.addi %add3A_351, %mul3A_346 : i32
          %add3A_353 = arith.constant 0 : i32
          %add3A_354 = arith.addi %add3A_352, %add3A_353 : i32
          %get3A_355 = arith.index_cast %add3A_354 : i32 to index
          %get3A_356 = arith.constant 0 : index
          %get3A_357 = tpu.vector_load %arg20[%get3A_355, %get3A_356] {strides = array<i32>} : memref<64x128xf32, #tpu.memory_space<vmem>>, vector<16xf32>,
          %mul3A_358 = arith.mulf %get3A_357, %gather3A_350 : vector<16xf32>
          %add3A_359 = arith.constant 0 : i32
          %add3A_360 = arith.addi %add3A_359, %mul3A_346 : i32
          %add3A_361 = arith.constant 0 : i32
          %add3A_362 = arith.addi %add3A_360, %add3A_361 : i32
          %swap3A_363 = arith.index_cast %add3A_362 : i32 to index
          %swap3A_364 = arith.constant 0 : index
          %swap3A_365 = tpu.vector_load %arg20[%swap3A_363, %swap3A_364] {strides = array<i32>} : memref<64x128xf32, #tpu.memory_space<vmem>>, vector<16xf32>,
          tpu.vector_store %arg20[%swap3A_363, %swap3A_364], %mul3A_358 {strides = array<i32>} : memref<64x128xf32, #tpu.memory_space<vmem>>, vector<16xf32>,
          %add3A_366 = arith.constant 0 : i32
          %add3A_367 = arith.addi %add3A_366, %mul3A_346 : i32
          %add3A_368 = arith.constant 0 : i32
          %add3A_369 = arith.addi %add3A_367, %add3A_368 : i32
          %get3A_370 = arith.index_cast %add3A_369 : i32 to index
          %get3A_371 = arith.constant 16 : index
          %get3A_372 = tpu.vector_load %arg20[%get3A_370, %get3A_371] {strides = array<i32>} : memref<64x128xf32, #tpu.memory_space<vmem>>, vector<16xf32>,
          %mul3A_373 = arith.mulf %get3A_372, %gather3A_350 : vector<16xf32>
          %add3A_374 = arith.constant 0 : i32
          %add3A_375 = arith.addi %add3A_374, %mul3A_346 : i32
          %add3A_376 = arith.constant 0 : i32
          %add3A_377 = arith.addi %add3A_375, %add3A_376 : i32
          %swap3A_378 = arith.index_cast %add3A_377 : i32 to index
          %swap3A_379 = arith.constant 16 : index
          %swap3A_380 = tpu.vector_load %arg20[%swap3A_378, %swap3A_379] {strides = array<i32>} : memref<64x128xf32, #tpu.memory_space<vmem>>, vector<16xf32>,
          tpu.vector_store %arg20[%swap3A_378, %swap3A_379], %mul3A_373 {strides = array<i32>} : memref<64x128xf32, #tpu.memory_space<vmem>>, vector<16xf32>,
          %add3A_381 = arith.constant 0 : i32
          %add3A_382 = arith.addi %add3A_381, %mul3A_346 : i32
          %add3A_383 = arith.constant 0 : i32
          %add3A_384 = arith.addi %add3A_382, %add3A_383 : i32
          %get3A_385 = arith.index_cast %add3A_384 : i32 to index
          %get3A_386 = arith.constant 32 : index
          %get3A_387 = tpu.vector_load %arg20[%get3A_385, %get3A_386] {strides = array<i32>} : memref<64x128xf32, #tpu.memory_space<vmem>>, vector<16xf32>,
          %mul3A_388 = arith.mulf %get3A_387, %gather3A_350 : vector<16xf32>
          %add3A_389 = arith.constant 0 : i32
          %add3A_390 = arith.addi %add3A_389, %mul3A_346 : i32
          %add3A_391 = arith.constant 0 : i32
          %add3A_392 = arith.addi %add3A_390, %add3A_391 : i32
          %swap3A_393 = arith.index_cast %add3A_392 : i32 to index
          %swap3A_394 = arith.constant 32 : index
          %swap3A_395 = tpu.vector_load %arg20[%swap3A_393, %swap3A_394] {strides = array<i32>} : memref<64x128xf32, #tpu.memory_space<vmem>>, vector<16xf32>,
          tpu.vector_store %arg20[%swap3A_393, %swap3A_394], %mul3A_388 {strides = array<i32>} : memref<64x128xf32, #tpu.memory_space<vmem>>, vector<16xf32>,
          %add3A_396 = arith.constant 0 : i32
          %add3A_397 = arith.addi %add3A_396, %mul3A_346 : i32
          %add3A_398 = arith.constant 0 : i32
          %add3A_399 = arith.addi %add3A_397, %add3A_398 : i32
          %get3A_400 = arith.index_cast %add3A_399 : i32 to index
          %get3A_401 = arith.constant 48 : index
          %get3A_402 = tpu.vector_load %arg20[%get3A_400, %get3A_401] {strides = array<i32>} : memref<64x128xf32, #tpu.memory_space<vmem>>, vector<16xf32>,
          %mul3A_403 = arith.mulf %get3A_402, %gather3A_350 : vector<16xf32>
          %add3A_404 = arith.constant 0 : i32
          %add3A_405 = arith.addi %add3A_404, %mul3A_346 : i32
          %add3A_406 = arith.constant 0 : i32
          %add3A_407 = arith.addi %add3A_405, %add3A_406 : i32
          %swap3A_408 = arith.index_cast %add3A_407 : i32 to index
          %swap3A_409 = arith.constant 48 : index
          %swap3A_410 = tpu.vector_load %arg20[%swap3A_408, %swap3A_409] {strides = array<i32>} : memref<64x128xf32, #tpu.memory_space<vmem>>, vector<16xf32>,
          tpu.vector_store %arg20[%swap3A_408, %swap3A_409], %mul3A_403 {strides = array<i32>} : memref<64x128xf32, #tpu.memory_space<vmem>>, vector<16xf32>,
          %add3A_411 = arith.constant 0 : i32
          %add3A_412 = arith.addi %add3A_411, %mul3A_346 : i32
          %add3A_413 = arith.constant 0 : i32
          %add3A_414 = arith.addi %add3A_412, %add3A_413 : i32
          %get3A_415 = arith.index_cast %add3A_414 : i32 to index
          %get3A_416 = arith.constant 64 : index
          %get3A_417 = tpu.vector_load %arg20[%get3A_415, %get3A_416] {strides = array<i32>} : memref<64x128xf32, #tpu.memory_space<vmem>>, vector<16xf32>,
          %mul3A_418 = arith.mulf %get3A_417, %gather3A_350 : vector<16xf32>
          %add3A_419 = arith.constant 0 : i32
          %add3A_420 = arith.addi %add3A_419, %mul3A_346 : i32
          %add3A_421 = arith.constant 0 : i32
          %add3A_422 = arith.addi %add3A_420, %add3A_421 : i32
          %swap3A_423 = arith.index_cast %add3A_422 : i32 to index
          %swap3A_424 = arith.constant 64 : index
          %swap3A_425 = tpu.vector_load %arg20[%swap3A_423, %swap3A_424] {strides = array<i32>} : memref<64x128xf32, #tpu.memory_space<vmem>>, vector<16xf32>,
          tpu.vector_store %arg20[%swap3A_423, %swap3A_424], %mul3A_418 {strides = array<i32>} : memref<64x128xf32, #tpu.memory_space<vmem>>, vector<16xf32>,
          %add3A_426 = arith.constant 0 : i32
          %add3A_427 = arith.addi %add3A_426, %mul3A_346 : i32
          %add3A_428 = arith.constant 0 : i32
          %add3A_429 = arith.addi %add3A_427, %add3A_428 : i32
          %get3A_430 = arith.index_cast %add3A_429 : i32 to index
          %get3A_431 = arith.constant 80 : index
          %get3A_432 = tpu.vector_load %arg20[%get3A_430, %get3A_431] {strides = array<i32>} : memref<64x128xf32, #tpu.memory_space<vmem>>, vector<16xf32>,
          %mul3A_433 = arith.mulf %get3A_432, %gather3A_350 : vector<16xf32>
          %add3A_434 = arith.constant 0 : i32
          %add3A_435 = arith.addi %add3A_434, %mul3A_346 : i32
          %add3A_436 = arith.constant 0 : i32
          %add3A_437 = arith.addi %add3A_435, %add3A_436 : i32
          %swap3A_438 = arith.index_cast %add3A_437 : i32 to index
          %swap3A_439 = arith.constant 80 : index
          %swap3A_440 = tpu.vector_load %arg20[%swap3A_438, %swap3A_439] {strides = array<i32>} : memref<64x128xf32, #tpu.memory_space<vmem>>, vector<16xf32>,
          tpu.vector_store %arg20[%swap3A_438, %swap3A_439], %mul3A_433 {strides = array<i32>} : memref<64x128xf32, #tpu.memory_space<vmem>>, vector<16xf32>,
          %add3A_441 = arith.constant 0 : i32
          %add3A_442 = arith.addi %add3A_441, %mul3A_346 : i32
          %add3A_443 = arith.constant 0 : i32
          %add3A_444 = arith.addi %add3A_442, %add3A_443 : i32
          %get3A_445 = arith.index_cast %add3A_444 : i32 to index
          %get3A_446 = arith.constant 96 : index
          %get3A_447 = tpu.vector_load %arg20[%get3A_445, %get3A_446] {strides = array<i32>} : memref<64x128xf32, #tpu.memory_space<vmem>>, vector<16xf32>,
          %mul3A_448 = arith.mulf %get3A_447, %gather3A_350 : vector<16xf32>
          %add3A_449 = arith.constant 0 : i32
          %add3A_450 = arith.addi %add3A_449, %mul3A_346 : i32
          %add3A_451 = arith.constant 0 : i32
          %add3A_452 = arith.addi %add3A_450, %add3A_451 : i32
          %swap3A_453 = arith.index_cast %add3A_452 : i32 to index
          %swap3A_454 = arith.constant 96 : index
          %swap3A_455 = tpu.vector_load %arg20[%swap3A_453, %swap3A_454] {strides = array<i32>} : memref<64x128xf32, #tpu.memory_space<vmem>>, vector<16xf32>,
          tpu.vector_store %arg20[%swap3A_453, %swap3A_454], %mul3A_448 {strides = array<i32>} : memref<64x128xf32, #tpu.memory_space<vmem>>, vector<16xf32>,
          %add3A_456 = arith.constant 0 : i32
          %add3A_457 = arith.addi %add3A_456, %mul3A_346 : i32
          %add3A_458 = arith.constant 0 : i32
          %add3A_459 = arith.addi %add3A_457, %add3A_458 : i32
          %get3A_460 = arith.index_cast %add3A_459 : i32 to index
          %get3A_461 = arith.constant 112 : index
          %get3A_462 = tpu.vector_load %arg20[%get3A_460, %get3A_461] {strides = array<i32>} : memref<64x128xf32, #tpu.memory_space<vmem>>, vector<16xf32>,
          %mul3A_463 = arith.mulf %get3A_462, %gather3A_350 : vector<16xf32>
          %add3A_464 = arith.constant 0 : i32
          %add3A_465 = arith.addi %add3A_464, %mul3A_346 : i32
          %add3A_466 = arith.constant 0 : i32
          %add3A_467 = arith.addi %add3A_465, %add3A_466 : i32
          %swap3A_468 = arith.index_cast %add3A_467 : i32 to index
          %swap3A_469 = arith.constant 112 : index
          %swap3A_470 = tpu.vector_load %arg20[%swap3A_468, %swap3A_469] {strides = array<i32>} : memref<64x128xf32, #tpu.memory_space<vmem>>, vector<16xf32>,
          tpu.vector_store %arg20[%swap3A_468, %swap3A_469], %mul3A_463 {strides = array<i32>} : memref<64x128xf32, #tpu.memory_space<vmem>>, vector<16xf32>,
          %add3A_471 = arith.constant 1 : i32
          %add3A_472 = arith.addi %mul3A_346, %add3A_471 : i32
          %broadcast_in_dim3A_473 = vector.broadcast %add3A_472 : i32 to vector<16xi32>
          %gather3A_474 = tpu.vector_load_idx %arg18[%broadcast_in_dim3A_473] : memref<32xf32, #tpu.memory_space<vmem>>[vector<16xi32>], vector<16xf32>,
          %add3A_475 = arith.constant 0 : i32
          %add3A_476 = arith.addi %add3A_475, %mul3A_346 : i32
          %add3A_477 = arith.constant 1 : i32
          %add3A_478 = arith.addi %add3A_476, %add3A_477 : i32
          %get3A_479 = arith.index_cast %add3A_478 : i32 to index
          %get3A_480 = arith.constant 0 : index
          %get3A_481 = tpu.vector_load %arg20[%get3A_479, %get3A_480] {strides = array<i32>} : memref<64x128xf32, #tpu.memory_space<vmem>>, vector<16xf32>,
          %mul3A_482 = arith.mulf %get3A_481, %gather3A_474 : vector<16xf32>
          %add3A_483 = arith.constant 0 : i32
          %add3A_484 = arith.addi %add3A_483, %mul3A_346 : i32
          %add3A_485 = arith.constant 1 : i32
          %add3A_486 = arith.addi %add3A_484, %add3A_485 : i32
          %swap3A_487 = arith.index_cast %add3A_486 : i32 to index
          %swap3A_488 = arith.constant 0 : index
          %swap3A_489 = tpu.vector_load %arg20[%swap3A_487, %swap3A_488] {strides = array<i32>} : memref<64x128xf32, #tpu.memory_space<vmem>>, vector<16xf32>,
          tpu.vector_store %arg20[%swap3A_487, %swap3A_488], %mul3A_482 {strides = array<i32>} : memref<64x128xf32, #tpu.memory_space<vmem>>, vector<16xf32>,
          %add3A_490 = arith.constant 0 : i32
          %add3A_491 = arith.addi %add3A_490, %mul3A_346 : i32
          %add3A_492 = arith.constant 1 : i32
          %add3A_493 = arith.addi %add3A_491, %add3A_492 : i32
          %get3A_494 = arith.index_cast %add3A_493 : i32 to index
          %get3A_495 = arith.constant 16 : index
          %get3A_496 = tpu.vector_load %arg20[%get3A_494, %get3A_495] {strides = array<i32>} : memref<64x128xf32, #tpu.memory_space<vmem>>, vector<16xf32>,
          %mul3A_497 = arith.mulf %get3A_496, %gather3A_474 : vector<16xf32>
          %add3A_498 = arith.constant 0 : i32
          %add3A_499 = arith.addi %add3A_498, %mul3A_346 : i32
          %add3A_500 = arith.constant 1 : i32
          %add3A_501 = arith.addi %add3A_499, %add3A_500 : i32
          %swap3A_502 = arith.index_cast %add3A_501 : i32 to index
          %swap3A_503 = arith.constant 16 : index
          %swap3A_504 = tpu.vector_load %arg20[%swap3A_502, %swap3A_503] {strides = array<i32>} : memref<64x128xf32, #tpu.memory_space<vmem>>, vector<16xf32>,
          tpu.vector_store %arg20[%swap3A_502, %swap3A_503], %mul3A_497 {strides = array<i32>} : memref<64x128xf32, #tpu.memory_space<vmem>>, vector<16xf32>,
          %add3A_505 = arith.constant 0 : i32
          %add3A_506 = arith.addi %add3A_505, %mul3A_346 : i32
          %add3A_507 = arith.constant 1 : i32
          %add3A_508 = arith.addi %add3A_506, %add3A_507 : i32
          %get3A_509 = arith.index_cast %add3A_508 : i32 to index
          %get3A_510 = arith.constant 32 : index
          %get3A_511 = tpu.vector_load %arg20[%get3A_509, %get3A_510] {strides = array<i32>} : memref<64x128xf32, #tpu.memory_space<vmem>>, vector<16xf32>,
          %mul3A_512 = arith.mulf %get3A_511, %gather3A_474 : vector<16xf32>
          %add3A_513 = arith.constant 0 : i32
          %add3A_514 = arith.addi %add3A_513, %mul3A_346 : i32
          %add3A_515 = arith.constant 1 : i32
          %add3A_516 = arith.addi %add3A_514, %add3A_515 : i32
          %swap3A_517 = arith.index_cast %add3A_516 : i32 to index
          %swap3A_518 = arith.constant 32 : index
          %swap3A_519 = tpu.vector_load %arg20[%swap3A_517, %swap3A_518] {strides = array<i32>} : memref<64x128xf32, #tpu.memory_space<vmem>>, vector<16xf32>,
          tpu.vector_store %arg20[%swap3A_517, %swap3A_518], %mul3A_512 {strides = array<i32>} : memref<64x128xf32, #tpu.memory_space<vmem>>, vector<16xf32>,
          %add3A_520 = arith.constant 0 : i32
          %add3A_521 = arith.addi %add3A_520, %mul3A_346 : i32
          %add3A_522 = arith.constant 1 : i32
          %add3A_523 = arith.addi %add3A_521, %add3A_522 : i32
          %get3A_524 = arith.index_cast %add3A_523 : i32 to index
          %get3A_525 = arith.constant 48 : index
          %get3A_526 = tpu.vector_load %arg20[%get3A_524, %get3A_525] {strides = array<i32>} : memref<64x128xf32, #tpu.memory_space<vmem>>, vector<16xf32>,
          %mul3A_527 = arith.mulf %get3A_526, %gather3A_474 : vector<16xf32>
          %add3A_528 = arith.constant 0 : i32
          %add3A_529 = arith.addi %add3A_528, %mul3A_346 : i32
          %add3A_530 = arith.constant 1 : i32
          %add3A_531 = arith.addi %add3A_529, %add3A_530 : i32
          %swap3A_532 = arith.index_cast %add3A_531 : i32 to index
          %swap3A_533 = arith.constant 48 : index
          %swap3A_534 = tpu.vector_load %arg20[%swap3A_532, %swap3A_533] {strides = array<i32>} : memref<64x128xf32, #tpu.memory_space<vmem>>, vector<16xf32>,
          tpu.vector_store %arg20[%swap3A_532, %swap3A_533], %mul3A_527 {strides = array<i32>} : memref<64x128xf32, #tpu.memory_space<vmem>>, vector<16xf32>,
          %add3A_535 = arith.constant 0 : i32
          %add3A_536 = arith.addi %add3A_535, %mul3A_346 : i32
          %add3A_537 = arith.constant 1 : i32
          %add3A_538 = arith.addi %add3A_536, %add3A_537 : i32
          %get3A_539 = arith.index_cast %add3A_538 : i32 to index
          %get3A_540 = arith.constant 64 : index
          %get3A_541 = tpu.vector_load %arg20[%get3A_539, %get3A_540] {strides = array<i32>} : memref<64x128xf32, #tpu.memory_space<vmem>>, vector<16xf32>,
          %mul3A_542 = arith.mulf %get3A_541, %gather3A_474 : vector<16xf32>
          %add3A_543 = arith.constant 0 : i32
          %add3A_544 = arith.addi %add3A_543, %mul3A_346 : i32
          %add3A_545 = arith.constant 1 : i32
          %add3A_546 = arith.addi %add3A_544, %add3A_545 : i32
          %swap3A_547 = arith.index_cast %add3A_546 : i32 to index
          %swap3A_548 = arith.constant 64 : index
          %swap3A_549 = tpu.vector_load %arg20[%swap3A_547, %swap3A_548] {strides = array<i32>} : memref<64x128xf32, #tpu.memory_space<vmem>>, vector<16xf32>,
          tpu.vector_store %arg20[%swap3A_547, %swap3A_548], %mul3A_542 {strides = array<i32>} : memref<64x128xf32, #tpu.memory_space<vmem>>, vector<16xf32>,
          %add3A_550 = arith.constant 0 : i32
          %add3A_551 = arith.addi %add3A_550, %mul3A_346 : i32
          %add3A_552 = arith.constant 1 : i32
          %add3A_553 = arith.addi %add3A_551, %add3A_552 : i32
          %get3A_554 = arith.index_cast %add3A_553 : i32 to index
          %get3A_555 = arith.constant 80 : index
          %get3A_556 = tpu.vector_load %arg20[%get3A_554, %get3A_555] {strides = array<i32>} : memref<64x128xf32, #tpu.memory_space<vmem>>, vector<16xf32>,
          %mul3A_557 = arith.mulf %get3A_556, %gather3A_474 : vector<16xf32>
          %add3A_558 = arith.constant 0 : i32
          %add3A_559 = arith.addi %add3A_558, %mul3A_346 : i32
          %add3A_560 = arith.constant 1 : i32
          %add3A_561 = arith.addi %add3A_559, %add3A_560 : i32
          %swap3A_562 = arith.index_cast %add3A_561 : i32 to index
          %swap3A_563 = arith.constant 80 : index
          %swap3A_564 = tpu.vector_load %arg20[%swap3A_562, %swap3A_563] {strides = array<i32>} : memref<64x128xf32, #tpu.memory_space<vmem>>, vector<16xf32>,
          tpu.vector_store %arg20[%swap3A_562, %swap3A_563], %mul3A_557 {strides = array<i32>} : memref<64x128xf32, #tpu.memory_space<vmem>>, vector<16xf32>,
          %add3A_565 = arith.constant 0 : i32
          %add3A_566 = arith.addi %add3A_565, %mul3A_346 : i32
          %add3A_567 = arith.constant 1 : i32
          %add3A_568 = arith.addi %add3A_566, %add3A_567 : i32
          %get3A_569 = arith.index_cast %add3A_568 : i32 to index
          %get3A_570 = arith.constant 96 : index
          %get3A_571 = tpu.vector_load %arg20[%get3A_569, %get3A_570] {strides = array<i32>} : memref<64x128xf32, #tpu.memory_space<vmem>>, vector<16xf32>,
          %mul3A_572 = arith.mulf %get3A_571, %gather3A_474 : vector<16xf32>
          %add3A_573 = arith.constant 0 : i32
          %add3A_574 = arith.addi %add3A_573, %mul3A_346 : i32
          %add3A_575 = arith.constant 1 : i32
          %add3A_576 = arith.addi %add3A_574, %add3A_575 : i32
          %swap3A_577 = arith.index_cast %add3A_576 : i32 to index
          %swap3A_578 = arith.constant 96 : index
          %swap3A_579 = tpu.vector_load %arg20[%swap3A_577, %swap3A_578] {strides = array<i32>} : memref<64x128xf32, #tpu.memory_space<vmem>>, vector<16xf32>,
          tpu.vector_store %arg20[%swap3A_577, %swap3A_578], %mul3A_572 {strides = array<i32>} : memref<64x128xf32, #tpu.memory_space<vmem>>, vector<16xf32>,
          %add3A_580 = arith.constant 0 : i32
          %add3A_581 = arith.addi %add3A_580, %mul3A_346 : i32
          %add3A_582 = arith.constant 1 : i32
          %add3A_583 = arith.addi %add3A_581, %add3A_582 : i32
          %get3A_584 = arith.index_cast %add3A_583 : i32 to index
          %get3A_585 = arith.constant 112 : index
          %get3A_586 = tpu.vector_load %arg20[%get3A_584, %get3A_585] {strides = array<i32>} : memref<64x128xf32, #tpu.memory_space<vmem>>, vector<16xf32>,
          %mul3A_587 = arith.mulf %get3A_586, %gather3A_474 : vector<16xf32>
          %add3A_588 = arith.constant 0 : i32
          %add3A_589 = arith.addi %add3A_588, %mul3A_346 : i32
          %add3A_590 = arith.constant 1 : i32
          %add3A_591 = arith.addi %add3A_589, %add3A_590 : i32
          %swap3A_592 = arith.index_cast %add3A_591 : i32 to index
          %swap3A_593 = arith.constant 112 : index
          %swap3A_594 = tpu.vector_load %arg20[%swap3A_592, %swap3A_593] {strides = array<i32>} : memref<64x128xf32, #tpu.memory_space<vmem>>, vector<16xf32>,
          tpu.vector_store %arg20[%swap3A_592, %swap3A_593], %mul3A_587 {strides = array<i32>} : memref<64x128xf32, #tpu.memory_space<vmem>>, vector<16xf32>,
          %add3A_595 = arith.constant 2 : i32
          %add3A_596 = arith.addi %mul3A_346, %add3A_595 : i32
          %broadcast_in_dim3A_597 = vector.broadcast %add3A_596 : i32 to vector<16xi32>
          %gather3A_598 = tpu.vector_load_idx %arg18[%broadcast_in_dim3A_597] : memref<32xf32, #tpu.memory_space<vmem>>[vector<16xi32>], vector<16xf32>,
          %add3A_599 = arith.constant 0 : i32
          %add3A_600 = arith.addi %add3A_599, %mul3A_346 : i32
          %add3A_601 = arith.constant 2 : i32
          %add3A_602 = arith.addi %add3A_600, %add3A_601 : i32
          %get3A_603 = arith.index_cast %add3A_602 : i32 to index
          %get3A_604 = arith.constant 0 : index
          %get3A_605 = tpu.vector_load %arg20[%get3A_603, %get3A_604] {strides = array<i32>} : memref<64x128xf32, #tpu.memory_space<vmem>>, vector<16xf32>,
          %mul3A_606 = arith.mulf %get3A_605, %gather3A_598 : vector<16xf32>
          %add3A_607 = arith.constant 0 : i32
          %add3A_608 = arith.addi %add3A_607, %mul3A_346 : i32
          %add3A_609 = arith.constant 2 : i32
          %add3A_610 = arith.addi %add3A_608, %add3A_609 : i32
          %swap3A_611 = arith.index_cast %add3A_610 : i32 to index
          %swap3A_612 = arith.constant 0 : index
          %swap3A_613 = tpu.vector_load %arg20[%swap3A_611, %swap3A_612] {strides = array<i32>} : memref<64x128xf32, #tpu.memory_space<vmem>>, vector<16xf32>,
          tpu.vector_store %arg20[%swap3A_611, %swap3A_612], %mul3A_606 {strides = array<i32>} : memref<64x128xf32, #tpu.memory_space<vmem>>, vector<16xf32>,
          %add3A_614 = arith.constant 0 : i32
          %add3A_615 = arith.addi %add3A_614, %mul3A_346 : i32
          %add3A_616 = arith.constant 2 : i32
          %add3A_617 = arith.addi %add3A_615, %add3A_616 : i32
          %get3A_618 = arith.index_cast %add3A_617 : i32 to index
          %get3A_619 = arith.constant 16 : index
          %get3A_620 = tpu.vector_load %arg20[%get3A_618, %get3A_619] {strides = array<i32>} : memref<64x128xf32, #tpu.memory_space<vmem>>, vector<16xf32>,
          %mul3A_621 = arith.mulf %get3A_620, %gather3A_598 : vector<16xf32>
          %add3A_622 = arith.constant 0 : i32
          %add3A_623 = arith.addi %add3A_622, %mul3A_346 : i32
          %add3A_624 = arith.constant 2 : i32
          %add3A_625 = arith.addi %add3A_623, %add3A_624 : i32
          %swap3A_626 = arith.index_cast %add3A_625 : i32 to index
          %swap3A_627 = arith.constant 16 : index
          %swap3A_628 = tpu.vector_load %arg20[%swap3A_626, %swap3A_627] {strides = array<i32>} : memref<64x128xf32, #tpu.memory_space<vmem>>, vector<16xf32>,
          tpu.vector_store %arg20[%swap3A_626, %swap3A_627], %mul3A_621 {strides = array<i32>} : memref<64x128xf32, #tpu.memory_space<vmem>>, vector<16xf32>,
          %add3A_629 = arith.constant 0 : i32
          %add3A_630 = arith.addi %add3A_629, %mul3A_346 : i32
          %add3A_631 = arith.constant 2 : i32
          %add3A_632 = arith.addi %add3A_630, %add3A_631 : i32
          %get3A_633 = arith.index_cast %add3A_632 : i32 to index
          %get3A_634 = arith.constant 32 : index
          %get3A_635 = tpu.vector_load %arg20[%get3A_633, %get3A_634] {strides = array<i32>} : memref<64x128xf32, #tpu.memory_space<vmem>>, vector<16xf32>,
          %mul3A_636 = arith.mulf %get3A_635, %gather3A_598 : vector<16xf32>
          %add3A_637 = arith.constant 0 : i32
          %add3A_638 = arith.addi %add3A_637, %mul3A_346 : i32
          %add3A_639 = arith.constant 2 : i32
          %add3A_640 = arith.addi %add3A_638, %add3A_639 : i32
          %swap3A_641 = arith.index_cast %add3A_640 : i32 to index
          %swap3A_642 = arith.constant 32 : index
          %swap3A_643 = tpu.vector_load %arg20[%swap3A_641, %swap3A_642] {strides = array<i32>} : memref<64x128xf32, #tpu.memory_space<vmem>>, vector<16xf32>,
          tpu.vector_store %arg20[%swap3A_641, %swap3A_642], %mul3A_636 {strides = array<i32>} : memref<64x128xf32, #tpu.memory_space<vmem>>, vector<16xf32>,
          %add3A_644 = arith.constant 0 : i32
          %add3A_645 = arith.addi %add3A_644, %mul3A_346 : i32
          %add3A_646 = arith.constant 2 : i32
          %add3A_647 = arith.addi %add3A_645, %add3A_646 : i32
          %get3A_648 = arith.index_cast %add3A_647 : i32 to index
          %get3A_649 = arith.constant 48 : index
          %get3A_650 = tpu.vector_load %arg20[%get3A_648, %get3A_649] {strides = array<i32>} : memref<64x128xf32, #tpu.memory_space<vmem>>, vector<16xf32>,
          %mul3A_651 = arith.mulf %get3A_650, %gather3A_598 : vector<16xf32>
          %add3A_652 = arith.constant 0 : i32
          %add3A_653 = arith.addi %add3A_652, %mul3A_346 : i32
          %add3A_654 = arith.constant 2 : i32
          %add3A_655 = arith.addi %add3A_653, %add3A_654 : i32
          %swap3A_656 = arith.index_cast %add3A_655 : i32 to index
          %swap3A_657 = arith.constant 48 : index
          %swap3A_658 = tpu.vector_load %arg20[%swap3A_656, %swap3A_657] {strides = array<i32>} : memref<64x128xf32, #tpu.memory_space<vmem>>, vector<16xf32>,
          tpu.vector_store %arg20[%swap3A_656, %swap3A_657], %mul3A_651 {strides = array<i32>} : memref<64x128xf32, #tpu.memory_space<vmem>>, vector<16xf32>,
          %add3A_659 = arith.constant 0 : i32
          %add3A_660 = arith.addi %add3A_659, %mul3A_346 : i32
          %add3A_661 = arith.constant 2 : i32
          %add3A_662 = arith.addi %add3A_660, %add3A_661 : i32
          %get3A_663 = arith.index_cast %add3A_662 : i32 to index
          %get3A_664 = arith.constant 64 : index
          %get3A_665 = tpu.vector_load %arg20[%get3A_663, %get3A_664] {strides = array<i32>} : memref<64x128xf32, #tpu.memory_space<vmem>>, vector<16xf32>,
          %mul3A_666 = arith.mulf %get3A_665, %gather3A_598 : vector<16xf32>
          %add3A_667 = arith.constant 0 : i32
          %add3A_668 = arith.addi %add3A_667, %mul3A_346 : i32
          %add3A_669 = arith.constant 2 : i32
          %add3A_670 = arith.addi %add3A_668, %add3A_669 : i32
          %swap3A_671 = arith.index_cast %add3A_670 : i32 to index
          %swap3A_672 = arith.constant 64 : index
          %swap3A_673 = tpu.vector_load %arg20[%swap3A_671, %swap3A_672] {strides = array<i32>} : memref<64x128xf32, #tpu.memory_space<vmem>>, vector<16xf32>,
          tpu.vector_store %arg20[%swap3A_671, %swap3A_672], %mul3A_666 {strides = array<i32>} : memref<64x128xf32, #tpu.memory_space<vmem>>, vector<16xf32>,
          %add3A_674 = arith.constant 0 : i32
          %add3A_675 = arith.addi %add3A_674, %mul3A_346 : i32
          %add3A_676 = arith.constant 2 : i32
          %add3A_677 = arith.addi %add3A_675, %add3A_676 : i32
          %get3A_678 = arith.index_cast %add3A_677 : i32 to index
          %get3A_679 = arith.constant 80 : index
          %get3A_680 = tpu.vector_load %arg20[%get3A_678, %get3A_679] {strides = array<i32>} : memref<64x128xf32, #tpu.memory_space<vmem>>, vector<16xf32>,
          %mul3A_681 = arith.mulf %get3A_680, %gather3A_598 : vector<16xf32>
          %add3A_682 = arith.constant 0 : i32
          %add3A_683 = arith.addi %add3A_682, %mul3A_346 : i32
          %add3A_684 = arith.constant 2 : i32
          %add3A_685 = arith.addi %add3A_683, %add3A_684 : i32
          %swap3A_686 = arith.index_cast %add3A_685 : i32 to index
          %swap3A_687 = arith.constant 80 : index
          %swap3A_688 = tpu.vector_load %arg20[%swap3A_686, %swap3A_687] {strides = array<i32>} : memref<64x128xf32, #tpu.memory_space<vmem>>, vector<16xf32>,
          tpu.vector_store %arg20[%swap3A_686, %swap3A_687], %mul3A_681 {strides = array<i32>} : memref<64x128xf32, #tpu.memory_space<vmem>>, vector<16xf32>,
          %add3A_689 = arith.constant 0 : i32
          %add3A_690 = arith.addi %add3A_689, %mul3A_346 : i32
          %add3A_691 = arith.constant 2 : i32
          %add3A_692 = arith.addi %add3A_690, %add3A_691 : i32
          %get3A_693 = arith.index_cast %add3A_692 : i32 to index
          %get3A_694 = arith.constant 96 : index
          %get3A_695 = tpu.vector_load %arg20[%get3A_693, %get3A_694] {strides = array<i32>} : memref<64x128xf32, #tpu.memory_space<vmem>>, vector<16xf32>,
          %mul3A_696 = arith.mulf %get3A_695, %gather3A_598 : vector<16xf32>
          %add3A_697 = arith.constant 0 : i32
          %add3A_698 = arith.addi %add3A_697, %mul3A_346 : i32
          %add3A_699 = arith.constant 2 : i32
          %add3A_700 = arith.addi %add3A_698, %add3A_699 : i32
          %swap3A_701 = arith.index_cast %add3A_700 : i32 to index
          %swap3A_702 = arith.constant 96 : index
          %swap3A_703 = tpu.vector_load %arg20[%swap3A_701, %swap3A_702] {strides = array<i32>} : memref<64x128xf32, #tpu.memory_space<vmem>>, vector<16xf32>,
          tpu.vector_store %arg20[%swap3A_701, %swap3A_702], %mul3A_696 {strides = array<i32>} : memref<64x128xf32, #tpu.memory_space<vmem>>, vector<16xf32>,
          %add3A_704 = arith.constant 0 : i32
          %add3A_705 = arith.addi %add3A_704, %mul3A_346 : i32
          %add3A_706 = arith.constant 2 : i32
          %add3A_707 = arith.addi %add3A_705, %add3A_706 : i32
          %get3A_708 = arith.index_cast %add3A_707 : i32 to index
          %get3A_709 = arith.constant 112 : index
          %get3A_710 = tpu.vector_load %arg20[%get3A_708, %get3A_709] {strides = array<i32>} : memref<64x128xf32, #tpu.memory_space<vmem>>, vector<16xf32>,
          %mul3A_711 = arith.mulf %get3A_710, %gather3A_598 : vector<16xf32>
          %add3A_712 = arith.constant 0 : i32
          %add3A_713 = arith.addi %add3A_712, %mul3A_346 : i32
          %add3A_714 = arith.constant 2 : i32
          %add3A_715 = arith.addi %add3A_713, %add3A_714 : i32
          %swap3A_716 = arith.index_cast %add3A_715 : i32 to index
          %swap3A_717 = arith.constant 112 : index
          %swap3A_718 = tpu.vector_load %arg20[%swap3A_716, %swap3A_717] {strides = array<i32>} : memref<64x128xf32, #tpu.memory_space<vmem>>, vector<16xf32>,
          tpu.vector_store %arg20[%swap3A_716, %swap3A_717], %mul3A_711 {strides = array<i32>} : memref<64x128xf32, #tpu.memory_space<vmem>>, vector<16xf32>,
          %add3A_719 = arith.constant 3 : i32
          %add3A_720 = arith.addi %mul3A_346, %add3A_719 : i32
          %broadcast_in_dim3A_721 = vector.broadcast %add3A_720 : i32 to vector<16xi32>
          %gather3A_722 = tpu.vector_load_idx %arg18[%broadcast_in_dim3A_721] : memref<32xf32, #tpu.memory_space<vmem>>[vector<16xi32>], vector<16xf32>,
          %add3A_723 = arith.constant 0 : i32
          %add3A_724 = arith.addi %add3A_723, %mul3A_346 : i32
          %add3A_725 = arith.constant 3 : i32
          %add3A_726 = arith.addi %add3A_724, %add3A_725 : i32
          %get3A_727 = arith.index_cast %add3A_726 : i32 to index
          %get3A_728 = arith.constant 0 : index
          %get3A_729 = tpu.vector_load %arg20[%get3A_727, %get3A_728] {strides = array<i32>} : memref<64x128xf32, #tpu.memory_space<vmem>>, vector<16xf32>,
          %mul3A_730 = arith.mulf %get3A_729, %gather3A_722 : vector<16xf32>
          %add3A_731 = arith.constant 0 : i32
          %add3A_732 = arith.addi %add3A_731, %mul3A_346 : i32
          %add3A_733 = arith.constant 3 : i32
          %add3A_734 = arith.addi %add3A_732, %add3A_733 : i32
          %swap3A_735 = arith.index_cast %add3A_734 : i32 to index
          %swap3A_736 = arith.constant 0 : index
          %swap3A_737 = tpu.vector_load %arg20[%swap3A_735, %swap3A_736] {strides = array<i32>} : memref<64x128xf32, #tpu.memory_space<vmem>>, vector<16xf32>,
          tpu.vector_store %arg20[%swap3A_735, %swap3A_736], %mul3A_730 {strides = array<i32>} : memref<64x128xf32, #tpu.memory_space<vmem>>, vector<16xf32>,
          %add3A_738 = arith.constant 0 : i32
          %add3A_739 = arith.addi %add3A_738, %mul3A_346 : i32
          %add3A_740 = arith.constant 3 : i32
          %add3A_741 = arith.addi %add3A_739, %add3A_740 : i32
          %get3A_742 = arith.index_cast %add3A_741 : i32 to index
          %get3A_743 = arith.constant 16 : index
          %get3A_744 = tpu.vector_load %arg20[%get3A_742, %get3A_743] {strides = array<i32>} : memref<64x128xf32, #tpu.memory_space<vmem>>, vector<16xf32>,
          %mul3A_745 = arith.mulf %get3A_744, %gather3A_722 : vector<16xf32>
          %add3A_746 = arith.constant 0 : i32
          %add3A_747 = arith.addi %add3A_746, %mul3A_346 : i32
          %add3A_748 = arith.constant 3 : i32
          %add3A_749 = arith.addi %add3A_747, %add3A_748 : i32
          %swap3A_750 = arith.index_cast %add3A_749 : i32 to index
          %swap3A_751 = arith.constant 16 : index
          %swap3A_752 = tpu.vector_load %arg20[%swap3A_750, %swap3A_751] {strides = array<i32>} : memref<64x128xf32, #tpu.memory_space<vmem>>, vector<16xf32>,
          tpu.vector_store %arg20[%swap3A_750, %swap3A_751], %mul3A_745 {strides = array<i32>} : memref<64x128xf32, #tpu.memory_space<vmem>>, vector<16xf32>,
          %add3A_753 = arith.constant 0 : i32
          %add3A_754 = arith.addi %add3A_753, %mul3A_346 : i32
          %add3A_755 = arith.constant 3 : i32
          %add3A_756 = arith.addi %add3A_754, %add3A_755 : i32
          %get3A_757 = arith.index_cast %add3A_756 : i32 to index
          %get3A_758 = arith.constant 32 : index
          %get3A_759 = tpu.vector_load %arg20[%get3A_757, %get3A_758] {strides = array<i32>} : memref<64x128xf32, #tpu.memory_space<vmem>>, vector<16xf32>,
          %mul3A_760 = arith.mulf %get3A_759, %gather3A_722 : vector<16xf32>
          %add3A_761 = arith.constant 0 : i32
          %add3A_762 = arith.addi %add3A_761, %mul3A_346 : i32
          %add3A_763 = arith.constant 3 : i32
          %add3A_764 = arith.addi %add3A_762, %add3A_763 : i32
          %swap3A_765 = arith.index_cast %add3A_764 : i32 to index
          %swap3A_766 = arith.constant 32 : index
          %swap3A_767 = tpu.vector_load %arg20[%swap3A_765, %swap3A_766] {strides = array<i32>} : memref<64x128xf32, #tpu.memory_space<vmem>>, vector<16xf32>,
          tpu.vector_store %arg20[%swap3A_765, %swap3A_766], %mul3A_760 {strides = array<i32>} : memref<64x128xf32, #tpu.memory_space<vmem>>, vector<16xf32>,
          %add3A_768 = arith.constant 0 : i32
          %add3A_769 = arith.addi %add3A_768, %mul3A_346 : i32
          %add3A_770 = arith.constant 3 : i32
          %add3A_771 = arith.addi %add3A_769, %add3A_770 : i32
          %get3A_772 = arith.index_cast %add3A_771 : i32 to index
          %get3A_773 = arith.constant 48 : index
          %get3A_774 = tpu.vector_load %arg20[%get3A_772, %get3A_773] {strides = array<i32>} : memref<64x128xf32, #tpu.memory_space<vmem>>, vector<16xf32>,
          %mul3A_775 = arith.mulf %get3A_774, %gather3A_722 : vector<16xf32>
          %add3A_776 = arith.constant 0 : i32
          %add3A_777 = arith.addi %add3A_776, %mul3A_346 : i32
          %add3A_778 = arith.constant 3 : i32
          %add3A_779 = arith.addi %add3A_777, %add3A_778 : i32
          %swap3A_780 = arith.index_cast %add3A_779 : i32 to index
          %swap3A_781 = arith.constant 48 : index
          %swap3A_782 = tpu.vector_load %arg20[%swap3A_780, %swap3A_781] {strides = array<i32>} : memref<64x128xf32, #tpu.memory_space<vmem>>, vector<16xf32>,
          tpu.vector_store %arg20[%swap3A_780, %swap3A_781], %mul3A_775 {strides = array<i32>} : memref<64x128xf32, #tpu.memory_space<vmem>>, vector<16xf32>,
          %add3A_783 = arith.constant 0 : i32
          %add3A_784 = arith.addi %add3A_783, %mul3A_346 : i32
          %add3A_785 = arith.constant 3 : i32
          %add3A_786 = arith.addi %add3A_784, %add3A_785 : i32
          %get3A_787 = arith.index_cast %add3A_786 : i32 to index
          %get3A_788 = arith.constant 64 : index
          %get3A_789 = tpu.vector_load %arg20[%get3A_787, %get3A_788] {strides = array<i32>} : memref<64x128xf32, #tpu.memory_space<vmem>>, vector<16xf32>,
          %mul3A_790 = arith.mulf %get3A_789, %gather3A_722 : vector<16xf32>
          %add3A_791 = arith.constant 0 : i32
          %add3A_792 = arith.addi %add3A_791, %mul3A_346 : i32
          %add3A_793 = arith.constant 3 : i32
          %add3A_794 = arith.addi %add3A_792, %add3A_793 : i32
          %swap3A_795 = arith.index_cast %add3A_794 : i32 to index
          %swap3A_796 = arith.constant 64 : index
          %swap3A_797 = tpu.vector_load %arg20[%swap3A_795, %swap3A_796] {strides = array<i32>} : memref<64x128xf32, #tpu.memory_space<vmem>>, vector<16xf32>,
          tpu.vector_store %arg20[%swap3A_795, %swap3A_796], %mul3A_790 {strides = array<i32>} : memref<64x128xf32, #tpu.memory_space<vmem>>, vector<16xf32>,
          %add3A_798 = arith.constant 0 : i32
          %add3A_799 = arith.addi %add3A_798, %mul3A_346 : i32
          %add3A_800 = arith.constant 3 : i32
          %add3A_801 = arith.addi %add3A_799, %add3A_800 : i32
          %get3A_802 = arith.index_cast %add3A_801 : i32 to index
          %get3A_803 = arith.constant 80 : index
          %get3A_804 = tpu.vector_load %arg20[%get3A_802, %get3A_803] {strides = array<i32>} : memref<64x128xf32, #tpu.memory_space<vmem>>, vector<16xf32>,
          %mul3A_805 = arith.mulf %get3A_804, %gather3A_722 : vector<16xf32>
          %add3A_806 = arith.constant 0 : i32
          %add3A_807 = arith.addi %add3A_806, %mul3A_346 : i32
          %add3A_808 = arith.constant 3 : i32
          %add3A_809 = arith.addi %add3A_807, %add3A_808 : i32
          %swap3A_810 = arith.index_cast %add3A_809 : i32 to index
          %swap3A_811 = arith.constant 80 : index
          %swap3A_812 = tpu.vector_load %arg20[%swap3A_810, %swap3A_811] {strides = array<i32>} : memref<64x128xf32, #tpu.memory_space<vmem>>, vector<16xf32>,
          tpu.vector_store %arg20[%swap3A_810, %swap3A_811], %mul3A_805 {strides = array<i32>} : memref<64x128xf32, #tpu.memory_space<vmem>>, vector<16xf32>,
          %add3A_813 = arith.constant 0 : i32
          %add3A_814 = arith.addi %add3A_813, %mul3A_346 : i32
          %add3A_815 = arith.constant 3 : i32
          %add3A_816 = arith.addi %add3A_814, %add3A_815 : i32
          %get3A_817 = arith.index_cast %add3A_816 : i32 to index
          %get3A_818 = arith.constant 96 : index
          %get3A_819 = tpu.vector_load %arg20[%get3A_817, %get3A_818] {strides = array<i32>} : memref<64x128xf32, #tpu.memory_space<vmem>>, vector<16xf32>,
          %mul3A_820 = arith.mulf %get3A_819, %gather3A_722 : vector<16xf32>
          %add3A_821 = arith.constant 0 : i32
          %add3A_822 = arith.addi %add3A_821, %mul3A_346 : i32
          %add3A_823 = arith.constant 3 : i32
          %add3A_824 = arith.addi %add3A_822, %add3A_823 : i32
          %swap3A_825 = arith.index_cast %add3A_824 : i32 to index
          %swap3A_826 = arith.constant 96 : index
          %swap3A_827 = tpu.vector_load %arg20[%swap3A_825, %swap3A_826] {strides = array<i32>} : memref<64x128xf32, #tpu.memory_space<vmem>>, vector<16xf32>,
          tpu.vector_store %arg20[%swap3A_825, %swap3A_826], %mul3A_820 {strides = array<i32>} : memref<64x128xf32, #tpu.memory_space<vmem>>, vector<16xf32>,
          %add3A_828 = arith.constant 0 : i32
          %add3A_829 = arith.addi %add3A_828, %mul3A_346 : i32
          %add3A_830 = arith.constant 3 : i32
          %add3A_831 = arith.addi %add3A_829, %add3A_830 : i32
          %get3A_832 = arith.index_cast %add3A_831 : i32 to index
          %get3A_833 = arith.constant 112 : index
          %get3A_834 = tpu.vector_load %arg20[%get3A_832, %get3A_833] {strides = array<i32>} : memref<64x128xf32, #tpu.memory_space<vmem>>, vector<16xf32>,
          %mul3A_835 = arith.mulf %get3A_834, %gather3A_722 : vector<16xf32>
          %add3A_836 = arith.constant 0 : i32
          %add3A_837 = arith.addi %add3A_836, %mul3A_346 : i32
          %add3A_838 = arith.constant 3 : i32
          %add3A_839 = arith.addi %add3A_837, %add3A_838 : i32
          %swap3A_840 = arith.index_cast %add3A_839 : i32 to index
          %swap3A_841 = arith.constant 112 : index
          %swap3A_842 = tpu.vector_load %arg20[%swap3A_840, %swap3A_841] {strides = array<i32>} : memref<64x128xf32, #tpu.memory_space<vmem>>, vector<16xf32>,
          tpu.vector_store %arg20[%swap3A_840, %swap3A_841], %mul3A_835 {strides = array<i32>} : memref<64x128xf32, #tpu.memory_space<vmem>>, vector<16xf32>,
        }
        %scan3A_328 = arith.constant 8 : i32
        "tpu.region"() ({
          %run_scoped3A = tpu.sem_alloc : memref<!tpu.dma_semaphore, #tpu.memory_space<semaphore_mem>>
          %dma_start3A_344 = arith.constant 0 : i32
          %dma_start3A_345 = arith.constant 0 : i32
          %dma_start3A_346 = tpu.memref_slice %arg20[%dma_start3A_344, %dma_start3A_345] : memref<64x128xf32, #tpu.memory_space<vmem>> -> memref<32x128xf32, #tpu.memory_space<vmem>>
          %dma_start3A_347 = arith.constant 0 : i32
          %dma_start3A_348 = arith.constant 0 : i32
          %dma_start3A_349 = tpu.memref_slice %arg22[%dma_start3A_347, %dma_start3A_348] : memref<1312x128xf32, #tpu.memory_space<vmem_shared>> -> memref<1312x128xf32, #tpu.memory_space<vmem_shared>>
          tpu.enqueue_indirect_dma source(%dma_start3A_346 : memref<32x128xf32, #tpu.memory_space<vmem>>) target(%dma_start3A_349 : memref<1312x128xf32, #tpu.memory_space<vmem_shared>>) offsets(%arg16 : memref<32xi32, #tpu.memory_space<vmem>>) semaphore(%run_scoped3A : memref<!tpu.dma_semaphore, #tpu.memory_space<semaphore_mem>>) {add = true}
          %dma_wait3A_350 = arith.constant 0 : i32
          %dma_wait3A_351 = arith.constant 0 : i32
          %dma_wait3A_352 = tpu.memref_slice %arg20[%dma_wait3A_350, %dma_wait3A_351] : memref<64x128xf32, #tpu.memory_space<vmem>> -> memref<32x128xf32, #tpu.memory_space<vmem>>
          %dma_wait3A_353 = arith.constant 0 : i32
          %dma_wait3A_354 = arith.constant 0 : i32
          %dma_wait3A_355 = tpu.memref_slice %arg22[%dma_wait3A_353, %dma_wait3A_354] : memref<1312x128xf32, #tpu.memory_space<vmem_shared>> -> memref<1312x128xf32, #tpu.memory_space<vmem_shared>>
          tpu.wait_indirect_dma semaphore(%run_scoped3A : memref<!tpu.dma_semaphore, #tpu.memory_space<semaphore_mem>>) src(%dma_wait3A_352 : memref<32x128xf32, #tpu.memory_space<vmem>>) dst(%dma_wait3A_355 : memref<1312x128xf32, #tpu.memory_space<vmem_shared>>)
          tpu.yield
        }) : () -> ()
        %lt3A_329 = arith.constant 323 : i32
        %lt3A_330 = arith.cmpi slt, %scan3A_185, %lt3A_329 : i32
        %convert_element_type3A = arith.extui %lt3A_330 : i1 to i32
        %cond3A = arith.constant 0 : i32
        %cond3A_331 = arith.cmpi ne, %convert_element_type3A, %cond3A : i32
        scf.if %cond3A_331 {
          %mul3A_344 = arith.constant 2 : i32
          %mul3A_345 = arith.muli %scan3A_185, %mul3A_344 : i32
          %add3A_346 = arith.constant 2 : i32
          %add3A_347 = arith.addi %mul3A_345, %add3A_346 : i32
          %mul3A_348 = arith.constant 648 : i32
          %mul3A_349 = arith.muli %arg1, %mul3A_348 : i32
          %add3A_350 = arith.addi %mul3A_349, %add3A_347 : i32
          %mul3A_351 = arith.constant 32 : i32
          %mul3A_352 = arith.muli %add3A_350, %mul3A_351 : i32
          %multiple_of3A_353 = tpu.assume_multiple %mul3A_352, 32 : i32
          "tpu.region"() ({
            %run_scoped3A = tpu.sem_alloc : memref<!tpu.dma_semaphore, #tpu.memory_space<semaphore_mem>>
            %dma_start3A_476 = tpu.memref_slice %arg5[%multiple_of3A_353] : memref<331776xi32, #tpu.memory_space<hbm>> -> memref<32xi32, #tpu.memory_space<hbm>>
            %dma_start3A_477 = tpu.memref_slice %arg5[%multiple_of3A_353] : memref<331776xi32, #tpu.memory_space<hbm>> -> memref<32xi32, #tpu.memory_space<hbm>>
            tpu.enqueue_dma source(%dma_start3A_477 : memref<32xi32, #tpu.memory_space<hbm>>) target(%arg12 : memref<32xi32, #tpu.memory_space<vmem>>) target_semaphore(%run_scoped3A : memref<!tpu.dma_semaphore, #tpu.memory_space<semaphore_mem>>)
            %dma_wait3A_478 = tpu.memref_slice %arg5[%multiple_of3A_353] : memref<331776xi32, #tpu.memory_space<hbm>> -> memref<32xi32, #tpu.memory_space<hbm>>
            %dma_wait3A_479 = tpu.memref_slice %arg5[%multiple_of3A_353] : memref<331776xi32, #tpu.memory_space<hbm>> -> memref<32xi32, #tpu.memory_space<hbm>>
            tpu.wait_dma2 semaphore(%run_scoped3A : memref<!tpu.dma_semaphore, #tpu.memory_space<semaphore_mem>>) src(%dma_wait3A_479 : memref<32xi32, #tpu.memory_space<hbm>>) dst(%arg12 : memref<32xi32, #tpu.memory_space<vmem>>)
            tpu.yield
          }) : () -> ()
          "tpu.region"() ({
            %run_scoped3A = tpu.sem_alloc : memref<!tpu.dma_semaphore, #tpu.memory_space<semaphore_mem>>
            %dma_start3A_476 = tpu.memref_slice %arg6[%multiple_of3A_353] : memref<331776xi32, #tpu.memory_space<hbm>> -> memref<32xi32, #tpu.memory_space<hbm>>
            %dma_start3A_477 = tpu.memref_slice %arg6[%multiple_of3A_353] : memref<331776xi32, #tpu.memory_space<hbm>> -> memref<32xi32, #tpu.memory_space<hbm>>
            tpu.enqueue_dma source(%dma_start3A_477 : memref<32xi32, #tpu.memory_space<hbm>>) target(%arg13 : memref<32xi32, #tpu.memory_space<vmem>>) target_semaphore(%run_scoped3A : memref<!tpu.dma_semaphore, #tpu.memory_space<semaphore_mem>>)
            %dma_wait3A_478 = tpu.memref_slice %arg6[%multiple_of3A_353] : memref<331776xi32, #tpu.memory_space<hbm>> -> memref<32xi32, #tpu.memory_space<hbm>>
            %dma_wait3A_479 = tpu.memref_slice %arg6[%multiple_of3A_353] : memref<331776xi32, #tpu.memory_space<hbm>> -> memref<32xi32, #tpu.memory_space<hbm>>
            tpu.wait_dma2 semaphore(%run_scoped3A : memref<!tpu.dma_semaphore, #tpu.memory_space<semaphore_mem>>) src(%dma_wait3A_479 : memref<32xi32, #tpu.memory_space<hbm>>) dst(%arg13 : memref<32xi32, #tpu.memory_space<vmem>>)
            tpu.yield
          }) : () -> ()
          %get3A_354 = arith.constant 0 : index
          %get3A_355 = tpu.vector_load %arg12[%get3A_354] {strides = array<i32>} : memref<32xi32, #tpu.memory_space<vmem>>, vector<16xi32>,
          %get3A_356 = arith.constant 0 : index
          %get3A_357 = tpu.vector_load %arg13[%get3A_356] {strides = array<i32>} : memref<32xi32, #tpu.memory_space<vmem>>, vector<16xi32>,
          %gather3A_358 = tpu.vector_load_idx %arg9[%get3A_355] : memref<10240xf32, #tpu.memory_space<vmem>>[vector<16xi32>], vector<16xf32>,
          %gather3A_359 = tpu.vector_load_idx %arg10[%get3A_357] : memref<10240xf32, #tpu.memory_space<vmem>>[vector<16xi32>], vector<16xf32>,
          %add3A_360 = arith.addf %gather3A_358, %gather3A_359 : vector<16xf32>
          %ge3A_361 = arith.constant 0.000000e+00 : f32
          %ge3A_362 = vector.broadcast %ge3A_361 : f32 to vector<16xf32>
          %ge3A_363 = arith.cmpf oge, %add3A_360, %ge3A_362 : vector<16xf32>
          %mul3A_364 = arith.constant 2.000000e-01 : f32
          %mul3A_365 = vector.broadcast %mul3A_364 : f32 to vector<16xf32>
          %mul3A_366 = arith.mulf %mul3A_365, %add3A_360 : vector<16xf32>
          %select_n3A_367 = arith.select %ge3A_363, %add3A_360, %mul3A_366 : vector<16xi1>, vector<16xf32>
          %exp3A_368 = math.exp %select_n3A_367 : vector<16xf32>
          %shift_right_logical3A_369 = arith.constant 4 : i32
          %shift_right_logical3A_370 = vector.broadcast %shift_right_logical3A_369 : i32 to vector<16xi32>
          %shift_right_logical3A_371 = arith.shrui %get3A_357, %shift_right_logical3A_370 : vector<16xi32>
          %and3A_372 = arith.constant 15 : i32
          %and3A_373 = vector.broadcast %and3A_372 : i32 to vector<16xi32>
          %and3A_374 = arith.andi %get3A_357, %and3A_373 : vector<16xi32>
          %gather3A_375 = tpu.vector_load_idx %arg11[%shift_right_logical3A_371, %and3A_374] : memref<640x16xf32, #tpu.memory_space<vmem>>[vector<16xi32>, vector<16xi32>], vector<16xf32>,
          %ge3A_376 = vector.broadcast %mul3A_36 : i32 to vector<16xi32>
          %ge3A_377 = arith.cmpi sge, %get3A_357, %ge3A_376 : vector<16xi32>
          %add3A_378 = arith.constant 1280 : i32
          %add3A_379 = arith.addi %mul3A_36, %add3A_378 : i32
          %lt3A_380 = vector.broadcast %add3A_379 : i32 to vector<16xi32>
          %lt3A_381 = arith.cmpi slt, %get3A_357, %lt3A_380 : vector<16xi32>
          %and3A_382 = arith.andi %ge3A_377, %lt3A_381 : vector<16xi1>
          %add3A_383 = arith.constant 1.000000e-16 : f32
          %add3A_384 = vector.broadcast %add3A_383 : f32 to vector<16xf32>
          %add3A_385 = arith.addf %gather3A_375, %add3A_384 : vector<16xf32>
          %div3A_386 = arith.divf %exp3A_368, %add3A_385 : vector<16xf32>
          %jit3A_387 = arith.constant 0.000000e+00 : f32
          %broadcast_in_dim3A_388 = vector.broadcast %jit3A_387 : f32 to vector<16xf32>
          %select_n3A_389 = arith.select %and3A_382, %div3A_386, %broadcast_in_dim3A_388 : vector<16xi1>, vector<16xf32>
          %swap3A_390 = arith.constant 0 : index
          %swap3A_391 = tpu.vector_load %arg18[%swap3A_390] {strides = array<i32>} : memref<32xf32, #tpu.memory_space<vmem>>, vector<16xf32>,
          tpu.vector_store %arg18[%swap3A_390], %select_n3A_389 {strides = array<i32>} : memref<32xf32, #tpu.memory_space<vmem>>, vector<16xf32>,
          %add3A_392 = arith.constant 0 : i32
          %add3A_393 = vector.broadcast %add3A_392 : i32 to vector<16xi32>
          %add3A_394 = arith.addi %iota3A, %add3A_393 : vector<16xi32>
          %and3A_395 = arith.constant 31 : i32
          %and3A_396 = vector.broadcast %and3A_395 : i32 to vector<16xi32>
          %and3A_397 = arith.andi %add3A_394, %and3A_396 : vector<16xi32>
          %add3A_398 = arith.constant 1280 : i32
          %add3A_399 = vector.broadcast %add3A_398 : i32 to vector<16xi32>
          %add3A_400 = arith.addi %add3A_399, %and3A_397 : vector<16xi32>
          %sub3A_401 = vector.broadcast %mul3A_36 : i32 to vector<16xi32>
          %sub3A_402 = arith.subi %get3A_357, %sub3A_401 : vector<16xi32>
          %select_n3A_403 = arith.select %and3A_382, %sub3A_402, %add3A_400 : vector<16xi1>, vector<16xi32>
          %swap3A_404 = arith.constant 0 : index
          %swap3A_405 = tpu.vector_load %arg16[%swap3A_404] {strides = array<i32>} : memref<32xi32, #tpu.memory_space<vmem>>, vector<16xi32>,
          tpu.vector_store %arg16[%swap3A_404], %select_n3A_403 {strides = array<i32>} : memref<32xi32, #tpu.memory_space<vmem>>, vector<16xi32>,
          %mul3A_406 = arith.constant 10240 : i32
          %mul3A_407 = arith.muli %arg0, %mul3A_406 : i32
          %add3A_408 = vector.broadcast %mul3A_407 : i32 to vector<16xi32>
          %add3A_409 = arith.addi %get3A_355, %add3A_408 : vector<16xi32>
          %swap3A_410 = arith.constant 0 : index
          %swap3A_411 = tpu.vector_load %arg14[%swap3A_410] {strides = array<i32>} : memref<32xi32, #tpu.memory_space<vmem>>, vector<16xi32>,
          tpu.vector_store %arg14[%swap3A_410], %add3A_409 {strides = array<i32>} : memref<32xi32, #tpu.memory_space<vmem>>, vector<16xi32>,
          %get3A_412 = arith.constant 16 : index
          %get3A_413 = tpu.vector_load %arg12[%get3A_412] {strides = array<i32>} : memref<32xi32, #tpu.memory_space<vmem>>, vector<16xi32>,
          %get3A_414 = arith.constant 16 : index
          %get3A_415 = tpu.vector_load %arg13[%get3A_414] {strides = array<i32>} : memref<32xi32, #tpu.memory_space<vmem>>, vector<16xi32>,
          %gather3A_416 = tpu.vector_load_idx %arg9[%get3A_413] : memref<10240xf32, #tpu.memory_space<vmem>>[vector<16xi32>], vector<16xf32>,
          %gather3A_417 = tpu.vector_load_idx %arg10[%get3A_415] : memref<10240xf32, #tpu.memory_space<vmem>>[vector<16xi32>], vector<16xf32>,
          %add3A_418 = arith.addf %gather3A_416, %gather3A_417 : vector<16xf32>
          %ge3A_419 = arith.constant 0.000000e+00 : f32
          %ge3A_420 = vector.broadcast %ge3A_419 : f32 to vector<16xf32>
          %ge3A_421 = arith.cmpf oge, %add3A_418, %ge3A_420 : vector<16xf32>
          %mul3A_422 = arith.constant 2.000000e-01 : f32
          %mul3A_423 = vector.broadcast %mul3A_422 : f32 to vector<16xf32>
          %mul3A_424 = arith.mulf %mul3A_423, %add3A_418 : vector<16xf32>
          %select_n3A_425 = arith.select %ge3A_421, %add3A_418, %mul3A_424 : vector<16xi1>, vector<16xf32>
          %exp3A_426 = math.exp %select_n3A_425 : vector<16xf32>
          %shift_right_logical3A_427 = arith.constant 4 : i32
          %shift_right_logical3A_428 = vector.broadcast %shift_right_logical3A_427 : i32 to vector<16xi32>
          %shift_right_logical3A_429 = arith.shrui %get3A_415, %shift_right_logical3A_428 : vector<16xi32>
          %and3A_430 = arith.constant 15 : i32
          %and3A_431 = vector.broadcast %and3A_430 : i32 to vector<16xi32>
          %and3A_432 = arith.andi %get3A_415, %and3A_431 : vector<16xi32>
          %gather3A_433 = tpu.vector_load_idx %arg11[%shift_right_logical3A_429, %and3A_432] : memref<640x16xf32, #tpu.memory_space<vmem>>[vector<16xi32>, vector<16xi32>], vector<16xf32>,
          %ge3A_434 = vector.broadcast %mul3A_36 : i32 to vector<16xi32>
          %ge3A_435 = arith.cmpi sge, %get3A_415, %ge3A_434 : vector<16xi32>
          %add3A_436 = arith.constant 1280 : i32
          %add3A_437 = arith.addi %mul3A_36, %add3A_436 : i32
          %lt3A_438 = vector.broadcast %add3A_437 : i32 to vector<16xi32>
          %lt3A_439 = arith.cmpi slt, %get3A_415, %lt3A_438 : vector<16xi32>
          %and3A_440 = arith.andi %ge3A_435, %lt3A_439 : vector<16xi1>
          %add3A_441 = arith.constant 1.000000e-16 : f32
          %add3A_442 = vector.broadcast %add3A_441 : f32 to vector<16xf32>
          %add3A_443 = arith.addf %gather3A_433, %add3A_442 : vector<16xf32>
          %div3A_444 = arith.divf %exp3A_426, %add3A_443 : vector<16xf32>
          %jit3A_445 = arith.constant 0.000000e+00 : f32
          %broadcast_in_dim3A_446 = vector.broadcast %jit3A_445 : f32 to vector<16xf32>
          %select_n3A_447 = arith.select %and3A_440, %div3A_444, %broadcast_in_dim3A_446 : vector<16xi1>, vector<16xf32>
          %swap3A_448 = arith.constant 16 : index
          %swap3A_449 = tpu.vector_load %arg18[%swap3A_448] {strides = array<i32>} : memref<32xf32, #tpu.memory_space<vmem>>, vector<16xf32>,
          tpu.vector_store %arg18[%swap3A_448], %select_n3A_447 {strides = array<i32>} : memref<32xf32, #tpu.memory_space<vmem>>, vector<16xf32>,
          %add3A_450 = arith.constant 16 : i32
          %add3A_451 = vector.broadcast %add3A_450 : i32 to vector<16xi32>
          %add3A_452 = arith.addi %iota3A, %add3A_451 : vector<16xi32>
          %and3A_453 = arith.constant 31 : i32
          %and3A_454 = vector.broadcast %and3A_453 : i32 to vector<16xi32>
          %and3A_455 = arith.andi %add3A_452, %and3A_454 : vector<16xi32>
          %add3A_456 = arith.constant 1280 : i32
          %add3A_457 = vector.broadcast %add3A_456 : i32 to vector<16xi32>
          %add3A_458 = arith.addi %add3A_457, %and3A_455 : vector<16xi32>
          %sub3A_459 = vector.broadcast %mul3A_36 : i32 to vector<16xi32>
          %sub3A_460 = arith.subi %get3A_415, %sub3A_459 : vector<16xi32>
          %select_n3A_461 = arith.select %and3A_440, %sub3A_460, %add3A_458 : vector<16xi1>, vector<16xi32>
          %swap3A_462 = arith.constant 16 : index
          %swap3A_463 = tpu.vector_load %arg16[%swap3A_462] {strides = array<i32>} : memref<32xi32, #tpu.memory_space<vmem>>, vector<16xi32>,
          tpu.vector_store %arg16[%swap3A_462], %select_n3A_461 {strides = array<i32>} : memref<32xi32, #tpu.memory_space<vmem>>, vector<16xi32>,
          %mul3A_464 = arith.constant 10240 : i32
          %mul3A_465 = arith.muli %arg0, %mul3A_464 : i32
          %add3A_466 = vector.broadcast %mul3A_465 : i32 to vector<16xi32>
          %add3A_467 = arith.addi %get3A_413, %add3A_466 : vector<16xi32>
          %swap3A_468 = arith.constant 16 : index
          %swap3A_469 = tpu.vector_load %arg14[%swap3A_468] {strides = array<i32>} : memref<32xi32, #tpu.memory_space<vmem>>, vector<16xi32>,
          tpu.vector_store %arg14[%swap3A_468], %add3A_467 {strides = array<i32>} : memref<32xi32, #tpu.memory_space<vmem>>, vector<16xi32>,
          %dma_start3A_470 = arith.constant 0 : i32
          %dma_start3A_471 = arith.constant 0 : i32
          %dma_start3A_472 = tpu.memref_slice %arg20[%dma_start3A_470, %dma_start3A_471] : memref<64x128xf32, #tpu.memory_space<vmem>> -> memref<32x128xf32, #tpu.memory_space<vmem>>
          %dma_start3A_473 = arith.constant 0 : i32
          %dma_start3A_474 = arith.constant 0 : i32
          %dma_start3A_475 = tpu.memref_slice %arg2[%dma_start3A_473, %dma_start3A_474] : memref<20480x128xf32, #tpu.memory_space<hbm>> -> memref<20480x128xf32, #tpu.memory_space<hbm>>
          tpu.enqueue_indirect_dma source(%dma_start3A_475 : memref<20480x128xf32, #tpu.memory_space<hbm>>) target(%dma_start3A_472 : memref<32x128xf32, #tpu.memory_space<vmem>>) offsets(%arg14 : memref<32xi32, #tpu.memory_space<vmem>>) semaphore(%arg23 : memref<!tpu.dma_semaphore, #tpu.memory_space<semaphore_mem>>)
        } else {
        }
        %dma_wait3A_332 = arith.constant 32 : i32
        %dma_wait3A_333 = arith.constant 0 : i32
        %dma_wait3A_334 = tpu.memref_slice %arg20[%dma_wait3A_332, %dma_wait3A_333] : memref<64x128xf32, #tpu.memory_space<vmem>> -> memref<32x128xf32, #tpu.memory_space<vmem>>
        %dma_wait3A_335 = arith.constant 0 : i32
        %dma_wait3A_336 = arith.constant 0 : i32
        %dma_wait3A_337 = tpu.memref_slice %arg2[%dma_wait3A_335, %dma_wait3A_336] : memref<20480x128xf32, #tpu.memory_space<hbm>> -> memref<20480x128xf32, #tpu.memory_space<hbm>>
        tpu.wait_indirect_dma semaphore(%arg24 : memref<!tpu.dma_semaphore, #tpu.memory_space<semaphore_mem>>) src(%dma_wait3A_337 : memref<20480x128xf32, #tpu.memory_space<hbm>>) dst(%dma_wait3A_334 : memref<32x128xf32, #tpu.memory_space<vmem>>)
        %scan3A_338 = arith.constant 0 : i32
        %scan3A_339 = arith.constant 0 : i32
        %scan3A_340 = arith.constant 8 : i32
        %scan3A_341 = arith.addi %scan3A_339, %scan3A_340 : i32
        %scan3A_342 = arith.constant 1 : i32
        scf.for %scan3A_344 = %scan3A_339 to %scan3A_341 step %scan3A_342  : i32 {
          %mul3A_345 = arith.constant 4 : i32
          %mul3A_346 = arith.muli %scan3A_344, %mul3A_345 : i32
          %add3A_347 = arith.constant 0 : i32
          %add3A_348 = arith.addi %mul3A_346, %add3A_347 : i32
          %broadcast_in_dim3A_349 = vector.broadcast %add3A_348 : i32 to vector<16xi32>
          %gather3A_350 = tpu.vector_load_idx %arg19[%broadcast_in_dim3A_349] : memref<32xf32, #tpu.memory_space<vmem>>[vector<16xi32>], vector<16xf32>,
          %add3A_351 = arith.constant 32 : i32
          %add3A_352 = arith.addi %add3A_351, %mul3A_346 : i32
          %add3A_353 = arith.constant 0 : i32
          %add3A_354 = arith.addi %add3A_352, %add3A_353 : i32
          %get3A_355 = arith.index_cast %add3A_354 : i32 to index
          %get3A_356 = arith.constant 0 : index
          %get3A_357 = tpu.vector_load %arg20[%get3A_355, %get3A_356] {strides = array<i32>} : memref<64x128xf32, #tpu.memory_space<vmem>>, vector<16xf32>,
          %mul3A_358 = arith.mulf %get3A_357, %gather3A_350 : vector<16xf32>
          %add3A_359 = arith.constant 32 : i32
          %add3A_360 = arith.addi %add3A_359, %mul3A_346 : i32
          %add3A_361 = arith.constant 0 : i32
          %add3A_362 = arith.addi %add3A_360, %add3A_361 : i32
          %swap3A_363 = arith.index_cast %add3A_362 : i32 to index
          %swap3A_364 = arith.constant 0 : index
          %swap3A_365 = tpu.vector_load %arg20[%swap3A_363, %swap3A_364] {strides = array<i32>} : memref<64x128xf32, #tpu.memory_space<vmem>>, vector<16xf32>,
          tpu.vector_store %arg20[%swap3A_363, %swap3A_364], %mul3A_358 {strides = array<i32>} : memref<64x128xf32, #tpu.memory_space<vmem>>, vector<16xf32>,
          %add3A_366 = arith.constant 32 : i32
          %add3A_367 = arith.addi %add3A_366, %mul3A_346 : i32
          %add3A_368 = arith.constant 0 : i32
          %add3A_369 = arith.addi %add3A_367, %add3A_368 : i32
          %get3A_370 = arith.index_cast %add3A_369 : i32 to index
          %get3A_371 = arith.constant 16 : index
          %get3A_372 = tpu.vector_load %arg20[%get3A_370, %get3A_371] {strides = array<i32>} : memref<64x128xf32, #tpu.memory_space<vmem>>, vector<16xf32>,
          %mul3A_373 = arith.mulf %get3A_372, %gather3A_350 : vector<16xf32>
          %add3A_374 = arith.constant 32 : i32
          %add3A_375 = arith.addi %add3A_374, %mul3A_346 : i32
          %add3A_376 = arith.constant 0 : i32
          %add3A_377 = arith.addi %add3A_375, %add3A_376 : i32
          %swap3A_378 = arith.index_cast %add3A_377 : i32 to index
          %swap3A_379 = arith.constant 16 : index
          %swap3A_380 = tpu.vector_load %arg20[%swap3A_378, %swap3A_379] {strides = array<i32>} : memref<64x128xf32, #tpu.memory_space<vmem>>, vector<16xf32>,
          tpu.vector_store %arg20[%swap3A_378, %swap3A_379], %mul3A_373 {strides = array<i32>} : memref<64x128xf32, #tpu.memory_space<vmem>>, vector<16xf32>,
          %add3A_381 = arith.constant 32 : i32
          %add3A_382 = arith.addi %add3A_381, %mul3A_346 : i32
          %add3A_383 = arith.constant 0 : i32
          %add3A_384 = arith.addi %add3A_382, %add3A_383 : i32
          %get3A_385 = arith.index_cast %add3A_384 : i32 to index
          %get3A_386 = arith.constant 32 : index
          %get3A_387 = tpu.vector_load %arg20[%get3A_385, %get3A_386] {strides = array<i32>} : memref<64x128xf32, #tpu.memory_space<vmem>>, vector<16xf32>,
          %mul3A_388 = arith.mulf %get3A_387, %gather3A_350 : vector<16xf32>
          %add3A_389 = arith.constant 32 : i32
          %add3A_390 = arith.addi %add3A_389, %mul3A_346 : i32
          %add3A_391 = arith.constant 0 : i32
          %add3A_392 = arith.addi %add3A_390, %add3A_391 : i32
          %swap3A_393 = arith.index_cast %add3A_392 : i32 to index
          %swap3A_394 = arith.constant 32 : index
          %swap3A_395 = tpu.vector_load %arg20[%swap3A_393, %swap3A_394] {strides = array<i32>} : memref<64x128xf32, #tpu.memory_space<vmem>>, vector<16xf32>,
          tpu.vector_store %arg20[%swap3A_393, %swap3A_394], %mul3A_388 {strides = array<i32>} : memref<64x128xf32, #tpu.memory_space<vmem>>, vector<16xf32>,
          %add3A_396 = arith.constant 32 : i32
          %add3A_397 = arith.addi %add3A_396, %mul3A_346 : i32
          %add3A_398 = arith.constant 0 : i32
          %add3A_399 = arith.addi %add3A_397, %add3A_398 : i32
          %get3A_400 = arith.index_cast %add3A_399 : i32 to index
          %get3A_401 = arith.constant 48 : index
          %get3A_402 = tpu.vector_load %arg20[%get3A_400, %get3A_401] {strides = array<i32>} : memref<64x128xf32, #tpu.memory_space<vmem>>, vector<16xf32>,
          %mul3A_403 = arith.mulf %get3A_402, %gather3A_350 : vector<16xf32>
          %add3A_404 = arith.constant 32 : i32
          %add3A_405 = arith.addi %add3A_404, %mul3A_346 : i32
          %add3A_406 = arith.constant 0 : i32
          %add3A_407 = arith.addi %add3A_405, %add3A_406 : i32
          %swap3A_408 = arith.index_cast %add3A_407 : i32 to index
          %swap3A_409 = arith.constant 48 : index
          %swap3A_410 = tpu.vector_load %arg20[%swap3A_408, %swap3A_409] {strides = array<i32>} : memref<64x128xf32, #tpu.memory_space<vmem>>, vector<16xf32>,
          tpu.vector_store %arg20[%swap3A_408, %swap3A_409], %mul3A_403 {strides = array<i32>} : memref<64x128xf32, #tpu.memory_space<vmem>>, vector<16xf32>,
          %add3A_411 = arith.constant 32 : i32
          %add3A_412 = arith.addi %add3A_411, %mul3A_346 : i32
          %add3A_413 = arith.constant 0 : i32
          %add3A_414 = arith.addi %add3A_412, %add3A_413 : i32
          %get3A_415 = arith.index_cast %add3A_414 : i32 to index
          %get3A_416 = arith.constant 64 : index
          %get3A_417 = tpu.vector_load %arg20[%get3A_415, %get3A_416] {strides = array<i32>} : memref<64x128xf32, #tpu.memory_space<vmem>>, vector<16xf32>,
          %mul3A_418 = arith.mulf %get3A_417, %gather3A_350 : vector<16xf32>
          %add3A_419 = arith.constant 32 : i32
          %add3A_420 = arith.addi %add3A_419, %mul3A_346 : i32
          %add3A_421 = arith.constant 0 : i32
          %add3A_422 = arith.addi %add3A_420, %add3A_421 : i32
          %swap3A_423 = arith.index_cast %add3A_422 : i32 to index
          %swap3A_424 = arith.constant 64 : index
          %swap3A_425 = tpu.vector_load %arg20[%swap3A_423, %swap3A_424] {strides = array<i32>} : memref<64x128xf32, #tpu.memory_space<vmem>>, vector<16xf32>,
          tpu.vector_store %arg20[%swap3A_423, %swap3A_424], %mul3A_418 {strides = array<i32>} : memref<64x128xf32, #tpu.memory_space<vmem>>, vector<16xf32>,
          %add3A_426 = arith.constant 32 : i32
          %add3A_427 = arith.addi %add3A_426, %mul3A_346 : i32
          %add3A_428 = arith.constant 0 : i32
          %add3A_429 = arith.addi %add3A_427, %add3A_428 : i32
          %get3A_430 = arith.index_cast %add3A_429 : i32 to index
          %get3A_431 = arith.constant 80 : index
          %get3A_432 = tpu.vector_load %arg20[%get3A_430, %get3A_431] {strides = array<i32>} : memref<64x128xf32, #tpu.memory_space<vmem>>, vector<16xf32>,
          %mul3A_433 = arith.mulf %get3A_432, %gather3A_350 : vector<16xf32>
          %add3A_434 = arith.constant 32 : i32
          %add3A_435 = arith.addi %add3A_434, %mul3A_346 : i32
          %add3A_436 = arith.constant 0 : i32
          %add3A_437 = arith.addi %add3A_435, %add3A_436 : i32
          %swap3A_438 = arith.index_cast %add3A_437 : i32 to index
          %swap3A_439 = arith.constant 80 : index
          %swap3A_440 = tpu.vector_load %arg20[%swap3A_438, %swap3A_439] {strides = array<i32>} : memref<64x128xf32, #tpu.memory_space<vmem>>, vector<16xf32>,
          tpu.vector_store %arg20[%swap3A_438, %swap3A_439], %mul3A_433 {strides = array<i32>} : memref<64x128xf32, #tpu.memory_space<vmem>>, vector<16xf32>,
          %add3A_441 = arith.constant 32 : i32
          %add3A_442 = arith.addi %add3A_441, %mul3A_346 : i32
          %add3A_443 = arith.constant 0 : i32
          %add3A_444 = arith.addi %add3A_442, %add3A_443 : i32
          %get3A_445 = arith.index_cast %add3A_444 : i32 to index
          %get3A_446 = arith.constant 96 : index
          %get3A_447 = tpu.vector_load %arg20[%get3A_445, %get3A_446] {strides = array<i32>} : memref<64x128xf32, #tpu.memory_space<vmem>>, vector<16xf32>,
          %mul3A_448 = arith.mulf %get3A_447, %gather3A_350 : vector<16xf32>
          %add3A_449 = arith.constant 32 : i32
          %add3A_450 = arith.addi %add3A_449, %mul3A_346 : i32
          %add3A_451 = arith.constant 0 : i32
          %add3A_452 = arith.addi %add3A_450, %add3A_451 : i32
          %swap3A_453 = arith.index_cast %add3A_452 : i32 to index
          %swap3A_454 = arith.constant 96 : index
          %swap3A_455 = tpu.vector_load %arg20[%swap3A_453, %swap3A_454] {strides = array<i32>} : memref<64x128xf32, #tpu.memory_space<vmem>>, vector<16xf32>,
          tpu.vector_store %arg20[%swap3A_453, %swap3A_454], %mul3A_448 {strides = array<i32>} : memref<64x128xf32, #tpu.memory_space<vmem>>, vector<16xf32>,
          %add3A_456 = arith.constant 32 : i32
          %add3A_457 = arith.addi %add3A_456, %mul3A_346 : i32
          %add3A_458 = arith.constant 0 : i32
          %add3A_459 = arith.addi %add3A_457, %add3A_458 : i32
          %get3A_460 = arith.index_cast %add3A_459 : i32 to index
          %get3A_461 = arith.constant 112 : index
          %get3A_462 = tpu.vector_load %arg20[%get3A_460, %get3A_461] {strides = array<i32>} : memref<64x128xf32, #tpu.memory_space<vmem>>, vector<16xf32>,
          %mul3A_463 = arith.mulf %get3A_462, %gather3A_350 : vector<16xf32>
          %add3A_464 = arith.constant 32 : i32
          %add3A_465 = arith.addi %add3A_464, %mul3A_346 : i32
          %add3A_466 = arith.constant 0 : i32
          %add3A_467 = arith.addi %add3A_465, %add3A_466 : i32
          %swap3A_468 = arith.index_cast %add3A_467 : i32 to index
          %swap3A_469 = arith.constant 112 : index
          %swap3A_470 = tpu.vector_load %arg20[%swap3A_468, %swap3A_469] {strides = array<i32>} : memref<64x128xf32, #tpu.memory_space<vmem>>, vector<16xf32>,
          tpu.vector_store %arg20[%swap3A_468, %swap3A_469], %mul3A_463 {strides = array<i32>} : memref<64x128xf32, #tpu.memory_space<vmem>>, vector<16xf32>,
          %add3A_471 = arith.constant 1 : i32
          %add3A_472 = arith.addi %mul3A_346, %add3A_471 : i32
          %broadcast_in_dim3A_473 = vector.broadcast %add3A_472 : i32 to vector<16xi32>
          %gather3A_474 = tpu.vector_load_idx %arg19[%broadcast_in_dim3A_473] : memref<32xf32, #tpu.memory_space<vmem>>[vector<16xi32>], vector<16xf32>,
          %add3A_475 = arith.constant 32 : i32
          %add3A_476 = arith.addi %add3A_475, %mul3A_346 : i32
          %add3A_477 = arith.constant 1 : i32
          %add3A_478 = arith.addi %add3A_476, %add3A_477 : i32
          %get3A_479 = arith.index_cast %add3A_478 : i32 to index
          %get3A_480 = arith.constant 0 : index
          %get3A_481 = tpu.vector_load %arg20[%get3A_479, %get3A_480] {strides = array<i32>} : memref<64x128xf32, #tpu.memory_space<vmem>>, vector<16xf32>,
          %mul3A_482 = arith.mulf %get3A_481, %gather3A_474 : vector<16xf32>
          %add3A_483 = arith.constant 32 : i32
          %add3A_484 = arith.addi %add3A_483, %mul3A_346 : i32
          %add3A_485 = arith.constant 1 : i32
          %add3A_486 = arith.addi %add3A_484, %add3A_485 : i32
          %swap3A_487 = arith.index_cast %add3A_486 : i32 to index
          %swap3A_488 = arith.constant 0 : index
          %swap3A_489 = tpu.vector_load %arg20[%swap3A_487, %swap3A_488] {strides = array<i32>} : memref<64x128xf32, #tpu.memory_space<vmem>>, vector<16xf32>,
          tpu.vector_store %arg20[%swap3A_487, %swap3A_488], %mul3A_482 {strides = array<i32>} : memref<64x128xf32, #tpu.memory_space<vmem>>, vector<16xf32>,
          %add3A_490 = arith.constant 32 : i32
          %add3A_491 = arith.addi %add3A_490, %mul3A_346 : i32
          %add3A_492 = arith.constant 1 : i32
          %add3A_493 = arith.addi %add3A_491, %add3A_492 : i32
          %get3A_494 = arith.index_cast %add3A_493 : i32 to index
          %get3A_495 = arith.constant 16 : index
          %get3A_496 = tpu.vector_load %arg20[%get3A_494, %get3A_495] {strides = array<i32>} : memref<64x128xf32, #tpu.memory_space<vmem>>, vector<16xf32>,
          %mul3A_497 = arith.mulf %get3A_496, %gather3A_474 : vector<16xf32>
          %add3A_498 = arith.constant 32 : i32
          %add3A_499 = arith.addi %add3A_498, %mul3A_346 : i32
          %add3A_500 = arith.constant 1 : i32
          %add3A_501 = arith.addi %add3A_499, %add3A_500 : i32
          %swap3A_502 = arith.index_cast %add3A_501 : i32 to index
          %swap3A_503 = arith.constant 16 : index
          %swap3A_504 = tpu.vector_load %arg20[%swap3A_502, %swap3A_503] {strides = array<i32>} : memref<64x128xf32, #tpu.memory_space<vmem>>, vector<16xf32>,
          tpu.vector_store %arg20[%swap3A_502, %swap3A_503], %mul3A_497 {strides = array<i32>} : memref<64x128xf32, #tpu.memory_space<vmem>>, vector<16xf32>,
          %add3A_505 = arith.constant 32 : i32
          %add3A_506 = arith.addi %add3A_505, %mul3A_346 : i32
          %add3A_507 = arith.constant 1 : i32
          %add3A_508 = arith.addi %add3A_506, %add3A_507 : i32
          %get3A_509 = arith.index_cast %add3A_508 : i32 to index
          %get3A_510 = arith.constant 32 : index
          %get3A_511 = tpu.vector_load %arg20[%get3A_509, %get3A_510] {strides = array<i32>} : memref<64x128xf32, #tpu.memory_space<vmem>>, vector<16xf32>,
          %mul3A_512 = arith.mulf %get3A_511, %gather3A_474 : vector<16xf32>
          %add3A_513 = arith.constant 32 : i32
          %add3A_514 = arith.addi %add3A_513, %mul3A_346 : i32
          %add3A_515 = arith.constant 1 : i32
          %add3A_516 = arith.addi %add3A_514, %add3A_515 : i32
          %swap3A_517 = arith.index_cast %add3A_516 : i32 to index
          %swap3A_518 = arith.constant 32 : index
          %swap3A_519 = tpu.vector_load %arg20[%swap3A_517, %swap3A_518] {strides = array<i32>} : memref<64x128xf32, #tpu.memory_space<vmem>>, vector<16xf32>,
          tpu.vector_store %arg20[%swap3A_517, %swap3A_518], %mul3A_512 {strides = array<i32>} : memref<64x128xf32, #tpu.memory_space<vmem>>, vector<16xf32>,
          %add3A_520 = arith.constant 32 : i32
          %add3A_521 = arith.addi %add3A_520, %mul3A_346 : i32
          %add3A_522 = arith.constant 1 : i32
          %add3A_523 = arith.addi %add3A_521, %add3A_522 : i32
          %get3A_524 = arith.index_cast %add3A_523 : i32 to index
          %get3A_525 = arith.constant 48 : index
          %get3A_526 = tpu.vector_load %arg20[%get3A_524, %get3A_525] {strides = array<i32>} : memref<64x128xf32, #tpu.memory_space<vmem>>, vector<16xf32>,
          %mul3A_527 = arith.mulf %get3A_526, %gather3A_474 : vector<16xf32>
          %add3A_528 = arith.constant 32 : i32
          %add3A_529 = arith.addi %add3A_528, %mul3A_346 : i32
          %add3A_530 = arith.constant 1 : i32
          %add3A_531 = arith.addi %add3A_529, %add3A_530 : i32
          %swap3A_532 = arith.index_cast %add3A_531 : i32 to index
          %swap3A_533 = arith.constant 48 : index
          %swap3A_534 = tpu.vector_load %arg20[%swap3A_532, %swap3A_533] {strides = array<i32>} : memref<64x128xf32, #tpu.memory_space<vmem>>, vector<16xf32>,
          tpu.vector_store %arg20[%swap3A_532, %swap3A_533], %mul3A_527 {strides = array<i32>} : memref<64x128xf32, #tpu.memory_space<vmem>>, vector<16xf32>,
          %add3A_535 = arith.constant 32 : i32
          %add3A_536 = arith.addi %add3A_535, %mul3A_346 : i32
          %add3A_537 = arith.constant 1 : i32
          %add3A_538 = arith.addi %add3A_536, %add3A_537 : i32
          %get3A_539 = arith.index_cast %add3A_538 : i32 to index
          %get3A_540 = arith.constant 64 : index
          %get3A_541 = tpu.vector_load %arg20[%get3A_539, %get3A_540] {strides = array<i32>} : memref<64x128xf32, #tpu.memory_space<vmem>>, vector<16xf32>,
          %mul3A_542 = arith.mulf %get3A_541, %gather3A_474 : vector<16xf32>
          %add3A_543 = arith.constant 32 : i32
          %add3A_544 = arith.addi %add3A_543, %mul3A_346 : i32
          %add3A_545 = arith.constant 1 : i32
          %add3A_546 = arith.addi %add3A_544, %add3A_545 : i32
          %swap3A_547 = arith.index_cast %add3A_546 : i32 to index
          %swap3A_548 = arith.constant 64 : index
          %swap3A_549 = tpu.vector_load %arg20[%swap3A_547, %swap3A_548] {strides = array<i32>} : memref<64x128xf32, #tpu.memory_space<vmem>>, vector<16xf32>,
          tpu.vector_store %arg20[%swap3A_547, %swap3A_548], %mul3A_542 {strides = array<i32>} : memref<64x128xf32, #tpu.memory_space<vmem>>, vector<16xf32>,
          %add3A_550 = arith.constant 32 : i32
          %add3A_551 = arith.addi %add3A_550, %mul3A_346 : i32
          %add3A_552 = arith.constant 1 : i32
          %add3A_553 = arith.addi %add3A_551, %add3A_552 : i32
          %get3A_554 = arith.index_cast %add3A_553 : i32 to index
          %get3A_555 = arith.constant 80 : index
          %get3A_556 = tpu.vector_load %arg20[%get3A_554, %get3A_555] {strides = array<i32>} : memref<64x128xf32, #tpu.memory_space<vmem>>, vector<16xf32>,
          %mul3A_557 = arith.mulf %get3A_556, %gather3A_474 : vector<16xf32>
          %add3A_558 = arith.constant 32 : i32
          %add3A_559 = arith.addi %add3A_558, %mul3A_346 : i32
          %add3A_560 = arith.constant 1 : i32
          %add3A_561 = arith.addi %add3A_559, %add3A_560 : i32
          %swap3A_562 = arith.index_cast %add3A_561 : i32 to index
          %swap3A_563 = arith.constant 80 : index
          %swap3A_564 = tpu.vector_load %arg20[%swap3A_562, %swap3A_563] {strides = array<i32>} : memref<64x128xf32, #tpu.memory_space<vmem>>, vector<16xf32>,
          tpu.vector_store %arg20[%swap3A_562, %swap3A_563], %mul3A_557 {strides = array<i32>} : memref<64x128xf32, #tpu.memory_space<vmem>>, vector<16xf32>,
          %add3A_565 = arith.constant 32 : i32
          %add3A_566 = arith.addi %add3A_565, %mul3A_346 : i32
          %add3A_567 = arith.constant 1 : i32
          %add3A_568 = arith.addi %add3A_566, %add3A_567 : i32
          %get3A_569 = arith.index_cast %add3A_568 : i32 to index
          %get3A_570 = arith.constant 96 : index
          %get3A_571 = tpu.vector_load %arg20[%get3A_569, %get3A_570] {strides = array<i32>} : memref<64x128xf32, #tpu.memory_space<vmem>>, vector<16xf32>,
          %mul3A_572 = arith.mulf %get3A_571, %gather3A_474 : vector<16xf32>
          %add3A_573 = arith.constant 32 : i32
          %add3A_574 = arith.addi %add3A_573, %mul3A_346 : i32
          %add3A_575 = arith.constant 1 : i32
          %add3A_576 = arith.addi %add3A_574, %add3A_575 : i32
          %swap3A_577 = arith.index_cast %add3A_576 : i32 to index
          %swap3A_578 = arith.constant 96 : index
          %swap3A_579 = tpu.vector_load %arg20[%swap3A_577, %swap3A_578] {strides = array<i32>} : memref<64x128xf32, #tpu.memory_space<vmem>>, vector<16xf32>,
          tpu.vector_store %arg20[%swap3A_577, %swap3A_578], %mul3A_572 {strides = array<i32>} : memref<64x128xf32, #tpu.memory_space<vmem>>, vector<16xf32>,
          %add3A_580 = arith.constant 32 : i32
          %add3A_581 = arith.addi %add3A_580, %mul3A_346 : i32
          %add3A_582 = arith.constant 1 : i32
          %add3A_583 = arith.addi %add3A_581, %add3A_582 : i32
          %get3A_584 = arith.index_cast %add3A_583 : i32 to index
          %get3A_585 = arith.constant 112 : index
          %get3A_586 = tpu.vector_load %arg20[%get3A_584, %get3A_585] {strides = array<i32>} : memref<64x128xf32, #tpu.memory_space<vmem>>, vector<16xf32>,
          %mul3A_587 = arith.mulf %get3A_586, %gather3A_474 : vector<16xf32>
          %add3A_588 = arith.constant 32 : i32
          %add3A_589 = arith.addi %add3A_588, %mul3A_346 : i32
          %add3A_590 = arith.constant 1 : i32
          %add3A_591 = arith.addi %add3A_589, %add3A_590 : i32
          %swap3A_592 = arith.index_cast %add3A_591 : i32 to index
          %swap3A_593 = arith.constant 112 : index
          %swap3A_594 = tpu.vector_load %arg20[%swap3A_592, %swap3A_593] {strides = array<i32>} : memref<64x128xf32, #tpu.memory_space<vmem>>, vector<16xf32>,
          tpu.vector_store %arg20[%swap3A_592, %swap3A_593], %mul3A_587 {strides = array<i32>} : memref<64x128xf32, #tpu.memory_space<vmem>>, vector<16xf32>,
          %add3A_595 = arith.constant 2 : i32
          %add3A_596 = arith.addi %mul3A_346, %add3A_595 : i32
          %broadcast_in_dim3A_597 = vector.broadcast %add3A_596 : i32 to vector<16xi32>
          %gather3A_598 = tpu.vector_load_idx %arg19[%broadcast_in_dim3A_597] : memref<32xf32, #tpu.memory_space<vmem>>[vector<16xi32>], vector<16xf32>,
          %add3A_599 = arith.constant 32 : i32
          %add3A_600 = arith.addi %add3A_599, %mul3A_346 : i32
          %add3A_601 = arith.constant 2 : i32
          %add3A_602 = arith.addi %add3A_600, %add3A_601 : i32
          %get3A_603 = arith.index_cast %add3A_602 : i32 to index
          %get3A_604 = arith.constant 0 : index
          %get3A_605 = tpu.vector_load %arg20[%get3A_603, %get3A_604] {strides = array<i32>} : memref<64x128xf32, #tpu.memory_space<vmem>>, vector<16xf32>,
          %mul3A_606 = arith.mulf %get3A_605, %gather3A_598 : vector<16xf32>
          %add3A_607 = arith.constant 32 : i32
          %add3A_608 = arith.addi %add3A_607, %mul3A_346 : i32
          %add3A_609 = arith.constant 2 : i32
          %add3A_610 = arith.addi %add3A_608, %add3A_609 : i32
          %swap3A_611 = arith.index_cast %add3A_610 : i32 to index
          %swap3A_612 = arith.constant 0 : index
          %swap3A_613 = tpu.vector_load %arg20[%swap3A_611, %swap3A_612] {strides = array<i32>} : memref<64x128xf32, #tpu.memory_space<vmem>>, vector<16xf32>,
          tpu.vector_store %arg20[%swap3A_611, %swap3A_612], %mul3A_606 {strides = array<i32>} : memref<64x128xf32, #tpu.memory_space<vmem>>, vector<16xf32>,
          %add3A_614 = arith.constant 32 : i32
          %add3A_615 = arith.addi %add3A_614, %mul3A_346 : i32
          %add3A_616 = arith.constant 2 : i32
          %add3A_617 = arith.addi %add3A_615, %add3A_616 : i32
          %get3A_618 = arith.index_cast %add3A_617 : i32 to index
          %get3A_619 = arith.constant 16 : index
          %get3A_620 = tpu.vector_load %arg20[%get3A_618, %get3A_619] {strides = array<i32>} : memref<64x128xf32, #tpu.memory_space<vmem>>, vector<16xf32>,
          %mul3A_621 = arith.mulf %get3A_620, %gather3A_598 : vector<16xf32>
          %add3A_622 = arith.constant 32 : i32
          %add3A_623 = arith.addi %add3A_622, %mul3A_346 : i32
          %add3A_624 = arith.constant 2 : i32
          %add3A_625 = arith.addi %add3A_623, %add3A_624 : i32
          %swap3A_626 = arith.index_cast %add3A_625 : i32 to index
          %swap3A_627 = arith.constant 16 : index
          %swap3A_628 = tpu.vector_load %arg20[%swap3A_626, %swap3A_627] {strides = array<i32>} : memref<64x128xf32, #tpu.memory_space<vmem>>, vector<16xf32>,
          tpu.vector_store %arg20[%swap3A_626, %swap3A_627], %mul3A_621 {strides = array<i32>} : memref<64x128xf32, #tpu.memory_space<vmem>>, vector<16xf32>,
          %add3A_629 = arith.constant 32 : i32
          %add3A_630 = arith.addi %add3A_629, %mul3A_346 : i32
          %add3A_631 = arith.constant 2 : i32
          %add3A_632 = arith.addi %add3A_630, %add3A_631 : i32
          %get3A_633 = arith.index_cast %add3A_632 : i32 to index
          %get3A_634 = arith.constant 32 : index
          %get3A_635 = tpu.vector_load %arg20[%get3A_633, %get3A_634] {strides = array<i32>} : memref<64x128xf32, #tpu.memory_space<vmem>>, vector<16xf32>,
          %mul3A_636 = arith.mulf %get3A_635, %gather3A_598 : vector<16xf32>
          %add3A_637 = arith.constant 32 : i32
          %add3A_638 = arith.addi %add3A_637, %mul3A_346 : i32
          %add3A_639 = arith.constant 2 : i32
          %add3A_640 = arith.addi %add3A_638, %add3A_639 : i32
          %swap3A_641 = arith.index_cast %add3A_640 : i32 to index
          %swap3A_642 = arith.constant 32 : index
          %swap3A_643 = tpu.vector_load %arg20[%swap3A_641, %swap3A_642] {strides = array<i32>} : memref<64x128xf32, #tpu.memory_space<vmem>>, vector<16xf32>,
          tpu.vector_store %arg20[%swap3A_641, %swap3A_642], %mul3A_636 {strides = array<i32>} : memref<64x128xf32, #tpu.memory_space<vmem>>, vector<16xf32>,
          %add3A_644 = arith.constant 32 : i32
          %add3A_645 = arith.addi %add3A_644, %mul3A_346 : i32
          %add3A_646 = arith.constant 2 : i32
          %add3A_647 = arith.addi %add3A_645, %add3A_646 : i32
          %get3A_648 = arith.index_cast %add3A_647 : i32 to index
          %get3A_649 = arith.constant 48 : index
          %get3A_650 = tpu.vector_load %arg20[%get3A_648, %get3A_649] {strides = array<i32>} : memref<64x128xf32, #tpu.memory_space<vmem>>, vector<16xf32>,
          %mul3A_651 = arith.mulf %get3A_650, %gather3A_598 : vector<16xf32>
          %add3A_652 = arith.constant 32 : i32
          %add3A_653 = arith.addi %add3A_652, %mul3A_346 : i32
          %add3A_654 = arith.constant 2 : i32
          %add3A_655 = arith.addi %add3A_653, %add3A_654 : i32
          %swap3A_656 = arith.index_cast %add3A_655 : i32 to index
          %swap3A_657 = arith.constant 48 : index
          %swap3A_658 = tpu.vector_load %arg20[%swap3A_656, %swap3A_657] {strides = array<i32>} : memref<64x128xf32, #tpu.memory_space<vmem>>, vector<16xf32>,
          tpu.vector_store %arg20[%swap3A_656, %swap3A_657], %mul3A_651 {strides = array<i32>} : memref<64x128xf32, #tpu.memory_space<vmem>>, vector<16xf32>,
          %add3A_659 = arith.constant 32 : i32
          %add3A_660 = arith.addi %add3A_659, %mul3A_346 : i32
          %add3A_661 = arith.constant 2 : i32
          %add3A_662 = arith.addi %add3A_660, %add3A_661 : i32
          %get3A_663 = arith.index_cast %add3A_662 : i32 to index
          %get3A_664 = arith.constant 64 : index
          %get3A_665 = tpu.vector_load %arg20[%get3A_663, %get3A_664] {strides = array<i32>} : memref<64x128xf32, #tpu.memory_space<vmem>>, vector<16xf32>,
          %mul3A_666 = arith.mulf %get3A_665, %gather3A_598 : vector<16xf32>
          %add3A_667 = arith.constant 32 : i32
          %add3A_668 = arith.addi %add3A_667, %mul3A_346 : i32
          %add3A_669 = arith.constant 2 : i32
          %add3A_670 = arith.addi %add3A_668, %add3A_669 : i32
          %swap3A_671 = arith.index_cast %add3A_670 : i32 to index
          %swap3A_672 = arith.constant 64 : index
          %swap3A_673 = tpu.vector_load %arg20[%swap3A_671, %swap3A_672] {strides = array<i32>} : memref<64x128xf32, #tpu.memory_space<vmem>>, vector<16xf32>,
          tpu.vector_store %arg20[%swap3A_671, %swap3A_672], %mul3A_666 {strides = array<i32>} : memref<64x128xf32, #tpu.memory_space<vmem>>, vector<16xf32>,
          %add3A_674 = arith.constant 32 : i32
          %add3A_675 = arith.addi %add3A_674, %mul3A_346 : i32
          %add3A_676 = arith.constant 2 : i32
          %add3A_677 = arith.addi %add3A_675, %add3A_676 : i32
          %get3A_678 = arith.index_cast %add3A_677 : i32 to index
          %get3A_679 = arith.constant 80 : index
          %get3A_680 = tpu.vector_load %arg20[%get3A_678, %get3A_679] {strides = array<i32>} : memref<64x128xf32, #tpu.memory_space<vmem>>, vector<16xf32>,
          %mul3A_681 = arith.mulf %get3A_680, %gather3A_598 : vector<16xf32>
          %add3A_682 = arith.constant 32 : i32
          %add3A_683 = arith.addi %add3A_682, %mul3A_346 : i32
          %add3A_684 = arith.constant 2 : i32
          %add3A_685 = arith.addi %add3A_683, %add3A_684 : i32
          %swap3A_686 = arith.index_cast %add3A_685 : i32 to index
          %swap3A_687 = arith.constant 80 : index
          %swap3A_688 = tpu.vector_load %arg20[%swap3A_686, %swap3A_687] {strides = array<i32>} : memref<64x128xf32, #tpu.memory_space<vmem>>, vector<16xf32>,
          tpu.vector_store %arg20[%swap3A_686, %swap3A_687], %mul3A_681 {strides = array<i32>} : memref<64x128xf32, #tpu.memory_space<vmem>>, vector<16xf32>,
          %add3A_689 = arith.constant 32 : i32
          %add3A_690 = arith.addi %add3A_689, %mul3A_346 : i32
          %add3A_691 = arith.constant 2 : i32
          %add3A_692 = arith.addi %add3A_690, %add3A_691 : i32
          %get3A_693 = arith.index_cast %add3A_692 : i32 to index
          %get3A_694 = arith.constant 96 : index
          %get3A_695 = tpu.vector_load %arg20[%get3A_693, %get3A_694] {strides = array<i32>} : memref<64x128xf32, #tpu.memory_space<vmem>>, vector<16xf32>,
          %mul3A_696 = arith.mulf %get3A_695, %gather3A_598 : vector<16xf32>
          %add3A_697 = arith.constant 32 : i32
          %add3A_698 = arith.addi %add3A_697, %mul3A_346 : i32
          %add3A_699 = arith.constant 2 : i32
          %add3A_700 = arith.addi %add3A_698, %add3A_699 : i32
          %swap3A_701 = arith.index_cast %add3A_700 : i32 to index
          %swap3A_702 = arith.constant 96 : index
          %swap3A_703 = tpu.vector_load %arg20[%swap3A_701, %swap3A_702] {strides = array<i32>} : memref<64x128xf32, #tpu.memory_space<vmem>>, vector<16xf32>,
          tpu.vector_store %arg20[%swap3A_701, %swap3A_702], %mul3A_696 {strides = array<i32>} : memref<64x128xf32, #tpu.memory_space<vmem>>, vector<16xf32>,
          %add3A_704 = arith.constant 32 : i32
          %add3A_705 = arith.addi %add3A_704, %mul3A_346 : i32
          %add3A_706 = arith.constant 2 : i32
          %add3A_707 = arith.addi %add3A_705, %add3A_706 : i32
          %get3A_708 = arith.index_cast %add3A_707 : i32 to index
          %get3A_709 = arith.constant 112 : index
          %get3A_710 = tpu.vector_load %arg20[%get3A_708, %get3A_709] {strides = array<i32>} : memref<64x128xf32, #tpu.memory_space<vmem>>, vector<16xf32>,
          %mul3A_711 = arith.mulf %get3A_710, %gather3A_598 : vector<16xf32>
          %add3A_712 = arith.constant 32 : i32
          %add3A_713 = arith.addi %add3A_712, %mul3A_346 : i32
          %add3A_714 = arith.constant 2 : i32
          %add3A_715 = arith.addi %add3A_713, %add3A_714 : i32
          %swap3A_716 = arith.index_cast %add3A_715 : i32 to index
          %swap3A_717 = arith.constant 112 : index
          %swap3A_718 = tpu.vector_load %arg20[%swap3A_716, %swap3A_717] {strides = array<i32>} : memref<64x128xf32, #tpu.memory_space<vmem>>, vector<16xf32>,
          tpu.vector_store %arg20[%swap3A_716, %swap3A_717], %mul3A_711 {strides = array<i32>} : memref<64x128xf32, #tpu.memory_space<vmem>>, vector<16xf32>,
          %add3A_719 = arith.constant 3 : i32
          %add3A_720 = arith.addi %mul3A_346, %add3A_719 : i32
          %broadcast_in_dim3A_721 = vector.broadcast %add3A_720 : i32 to vector<16xi32>
          %gather3A_722 = tpu.vector_load_idx %arg19[%broadcast_in_dim3A_721] : memref<32xf32, #tpu.memory_space<vmem>>[vector<16xi32>], vector<16xf32>,
          %add3A_723 = arith.constant 32 : i32
          %add3A_724 = arith.addi %add3A_723, %mul3A_346 : i32
          %add3A_725 = arith.constant 3 : i32
          %add3A_726 = arith.addi %add3A_724, %add3A_725 : i32
          %get3A_727 = arith.index_cast %add3A_726 : i32 to index
          %get3A_728 = arith.constant 0 : index
          %get3A_729 = tpu.vector_load %arg20[%get3A_727, %get3A_728] {strides = array<i32>} : memref<64x128xf32, #tpu.memory_space<vmem>>, vector<16xf32>,
          %mul3A_730 = arith.mulf %get3A_729, %gather3A_722 : vector<16xf32>
          %add3A_731 = arith.constant 32 : i32
          %add3A_732 = arith.addi %add3A_731, %mul3A_346 : i32
          %add3A_733 = arith.constant 3 : i32
          %add3A_734 = arith.addi %add3A_732, %add3A_733 : i32
          %swap3A_735 = arith.index_cast %add3A_734 : i32 to index
          %swap3A_736 = arith.constant 0 : index
          %swap3A_737 = tpu.vector_load %arg20[%swap3A_735, %swap3A_736] {strides = array<i32>} : memref<64x128xf32, #tpu.memory_space<vmem>>, vector<16xf32>,
          tpu.vector_store %arg20[%swap3A_735, %swap3A_736], %mul3A_730 {strides = array<i32>} : memref<64x128xf32, #tpu.memory_space<vmem>>, vector<16xf32>,
          %add3A_738 = arith.constant 32 : i32
          %add3A_739 = arith.addi %add3A_738, %mul3A_346 : i32
          %add3A_740 = arith.constant 3 : i32
          %add3A_741 = arith.addi %add3A_739, %add3A_740 : i32
          %get3A_742 = arith.index_cast %add3A_741 : i32 to index
          %get3A_743 = arith.constant 16 : index
          %get3A_744 = tpu.vector_load %arg20[%get3A_742, %get3A_743] {strides = array<i32>} : memref<64x128xf32, #tpu.memory_space<vmem>>, vector<16xf32>,
          %mul3A_745 = arith.mulf %get3A_744, %gather3A_722 : vector<16xf32>
          %add3A_746 = arith.constant 32 : i32
          %add3A_747 = arith.addi %add3A_746, %mul3A_346 : i32
          %add3A_748 = arith.constant 3 : i32
          %add3A_749 = arith.addi %add3A_747, %add3A_748 : i32
          %swap3A_750 = arith.index_cast %add3A_749 : i32 to index
          %swap3A_751 = arith.constant 16 : index
          %swap3A_752 = tpu.vector_load %arg20[%swap3A_750, %swap3A_751] {strides = array<i32>} : memref<64x128xf32, #tpu.memory_space<vmem>>, vector<16xf32>,
          tpu.vector_store %arg20[%swap3A_750, %swap3A_751], %mul3A_745 {strides = array<i32>} : memref<64x128xf32, #tpu.memory_space<vmem>>, vector<16xf32>,
          %add3A_753 = arith.constant 32 : i32
          %add3A_754 = arith.addi %add3A_753, %mul3A_346 : i32
          %add3A_755 = arith.constant 3 : i32
          %add3A_756 = arith.addi %add3A_754, %add3A_755 : i32
          %get3A_757 = arith.index_cast %add3A_756 : i32 to index
          %get3A_758 = arith.constant 32 : index
          %get3A_759 = tpu.vector_load %arg20[%get3A_757, %get3A_758] {strides = array<i32>} : memref<64x128xf32, #tpu.memory_space<vmem>>, vector<16xf32>,
          %mul3A_760 = arith.mulf %get3A_759, %gather3A_722 : vector<16xf32>
          %add3A_761 = arith.constant 32 : i32
          %add3A_762 = arith.addi %add3A_761, %mul3A_346 : i32
          %add3A_763 = arith.constant 3 : i32
          %add3A_764 = arith.addi %add3A_762, %add3A_763 : i32
          %swap3A_765 = arith.index_cast %add3A_764 : i32 to index
          %swap3A_766 = arith.constant 32 : index
          %swap3A_767 = tpu.vector_load %arg20[%swap3A_765, %swap3A_766] {strides = array<i32>} : memref<64x128xf32, #tpu.memory_space<vmem>>, vector<16xf32>,
          tpu.vector_store %arg20[%swap3A_765, %swap3A_766], %mul3A_760 {strides = array<i32>} : memref<64x128xf32, #tpu.memory_space<vmem>>, vector<16xf32>,
          %add3A_768 = arith.constant 32 : i32
          %add3A_769 = arith.addi %add3A_768, %mul3A_346 : i32
          %add3A_770 = arith.constant 3 : i32
          %add3A_771 = arith.addi %add3A_769, %add3A_770 : i32
          %get3A_772 = arith.index_cast %add3A_771 : i32 to index
          %get3A_773 = arith.constant 48 : index
          %get3A_774 = tpu.vector_load %arg20[%get3A_772, %get3A_773] {strides = array<i32>} : memref<64x128xf32, #tpu.memory_space<vmem>>, vector<16xf32>,
          %mul3A_775 = arith.mulf %get3A_774, %gather3A_722 : vector<16xf32>
          %add3A_776 = arith.constant 32 : i32
          %add3A_777 = arith.addi %add3A_776, %mul3A_346 : i32
          %add3A_778 = arith.constant 3 : i32
          %add3A_779 = arith.addi %add3A_777, %add3A_778 : i32
          %swap3A_780 = arith.index_cast %add3A_779 : i32 to index
          %swap3A_781 = arith.constant 48 : index
          %swap3A_782 = tpu.vector_load %arg20[%swap3A_780, %swap3A_781] {strides = array<i32>} : memref<64x128xf32, #tpu.memory_space<vmem>>, vector<16xf32>,
          tpu.vector_store %arg20[%swap3A_780, %swap3A_781], %mul3A_775 {strides = array<i32>} : memref<64x128xf32, #tpu.memory_space<vmem>>, vector<16xf32>,
          %add3A_783 = arith.constant 32 : i32
          %add3A_784 = arith.addi %add3A_783, %mul3A_346 : i32
          %add3A_785 = arith.constant 3 : i32
          %add3A_786 = arith.addi %add3A_784, %add3A_785 : i32
          %get3A_787 = arith.index_cast %add3A_786 : i32 to index
          %get3A_788 = arith.constant 64 : index
          %get3A_789 = tpu.vector_load %arg20[%get3A_787, %get3A_788] {strides = array<i32>} : memref<64x128xf32, #tpu.memory_space<vmem>>, vector<16xf32>,
          %mul3A_790 = arith.mulf %get3A_789, %gather3A_722 : vector<16xf32>
          %add3A_791 = arith.constant 32 : i32
          %add3A_792 = arith.addi %add3A_791, %mul3A_346 : i32
          %add3A_793 = arith.constant 3 : i32
          %add3A_794 = arith.addi %add3A_792, %add3A_793 : i32
          %swap3A_795 = arith.index_cast %add3A_794 : i32 to index
          %swap3A_796 = arith.constant 64 : index
          %swap3A_797 = tpu.vector_load %arg20[%swap3A_795, %swap3A_796] {strides = array<i32>} : memref<64x128xf32, #tpu.memory_space<vmem>>, vector<16xf32>,
          tpu.vector_store %arg20[%swap3A_795, %swap3A_796], %mul3A_790 {strides = array<i32>} : memref<64x128xf32, #tpu.memory_space<vmem>>, vector<16xf32>,
          %add3A_798 = arith.constant 32 : i32
          %add3A_799 = arith.addi %add3A_798, %mul3A_346 : i32
          %add3A_800 = arith.constant 3 : i32
          %add3A_801 = arith.addi %add3A_799, %add3A_800 : i32
          %get3A_802 = arith.index_cast %add3A_801 : i32 to index
          %get3A_803 = arith.constant 80 : index
          %get3A_804 = tpu.vector_load %arg20[%get3A_802, %get3A_803] {strides = array<i32>} : memref<64x128xf32, #tpu.memory_space<vmem>>, vector<16xf32>,
          %mul3A_805 = arith.mulf %get3A_804, %gather3A_722 : vector<16xf32>
          %add3A_806 = arith.constant 32 : i32
          %add3A_807 = arith.addi %add3A_806, %mul3A_346 : i32
          %add3A_808 = arith.constant 3 : i32
          %add3A_809 = arith.addi %add3A_807, %add3A_808 : i32
          %swap3A_810 = arith.index_cast %add3A_809 : i32 to index
          %swap3A_811 = arith.constant 80 : index
          %swap3A_812 = tpu.vector_load %arg20[%swap3A_810, %swap3A_811] {strides = array<i32>} : memref<64x128xf32, #tpu.memory_space<vmem>>, vector<16xf32>,
          tpu.vector_store %arg20[%swap3A_810, %swap3A_811], %mul3A_805 {strides = array<i32>} : memref<64x128xf32, #tpu.memory_space<vmem>>, vector<16xf32>,
          %add3A_813 = arith.constant 32 : i32
          %add3A_814 = arith.addi %add3A_813, %mul3A_346 : i32
          %add3A_815 = arith.constant 3 : i32
          %add3A_816 = arith.addi %add3A_814, %add3A_815 : i32
          %get3A_817 = arith.index_cast %add3A_816 : i32 to index
          %get3A_818 = arith.constant 96 : index
          %get3A_819 = tpu.vector_load %arg20[%get3A_817, %get3A_818] {strides = array<i32>} : memref<64x128xf32, #tpu.memory_space<vmem>>, vector<16xf32>,
          %mul3A_820 = arith.mulf %get3A_819, %gather3A_722 : vector<16xf32>
          %add3A_821 = arith.constant 32 : i32
          %add3A_822 = arith.addi %add3A_821, %mul3A_346 : i32
          %add3A_823 = arith.constant 3 : i32
          %add3A_824 = arith.addi %add3A_822, %add3A_823 : i32
          %swap3A_825 = arith.index_cast %add3A_824 : i32 to index
          %swap3A_826 = arith.constant 96 : index
          %swap3A_827 = tpu.vector_load %arg20[%swap3A_825, %swap3A_826] {strides = array<i32>} : memref<64x128xf32, #tpu.memory_space<vmem>>, vector<16xf32>,
          tpu.vector_store %arg20[%swap3A_825, %swap3A_826], %mul3A_820 {strides = array<i32>} : memref<64x128xf32, #tpu.memory_space<vmem>>, vector<16xf32>,
          %add3A_828 = arith.constant 32 : i32
          %add3A_829 = arith.addi %add3A_828, %mul3A_346 : i32
          %add3A_830 = arith.constant 3 : i32
          %add3A_831 = arith.addi %add3A_829, %add3A_830 : i32
          %get3A_832 = arith.index_cast %add3A_831 : i32 to index
          %get3A_833 = arith.constant 112 : index
          %get3A_834 = tpu.vector_load %arg20[%get3A_832, %get3A_833] {strides = array<i32>} : memref<64x128xf32, #tpu.memory_space<vmem>>, vector<16xf32>,
          %mul3A_835 = arith.mulf %get3A_834, %gather3A_722 : vector<16xf32>
          %add3A_836 = arith.constant 32 : i32
          %add3A_837 = arith.addi %add3A_836, %mul3A_346 : i32
          %add3A_838 = arith.constant 3 : i32
          %add3A_839 = arith.addi %add3A_837, %add3A_838 : i32
          %swap3A_840 = arith.index_cast %add3A_839 : i32 to index
          %swap3A_841 = arith.constant 112 : index
          %swap3A_842 = tpu.vector_load %arg20[%swap3A_840, %swap3A_841] {strides = array<i32>} : memref<64x128xf32, #tpu.memory_space<vmem>>, vector<16xf32>,
          tpu.vector_store %arg20[%swap3A_840, %swap3A_841], %mul3A_835 {strides = array<i32>} : memref<64x128xf32, #tpu.memory_space<vmem>>, vector<16xf32>,
        }
        %scan3A_343 = arith.constant 8 : i32
        "tpu.region"() ({
          %run_scoped3A = tpu.sem_alloc : memref<!tpu.dma_semaphore, #tpu.memory_space<semaphore_mem>>
          %dma_start3A_344 = arith.constant 32 : i32
          %dma_start3A_345 = arith.constant 0 : i32
          %dma_start3A_346 = tpu.memref_slice %arg20[%dma_start3A_344, %dma_start3A_345] : memref<64x128xf32, #tpu.memory_space<vmem>> -> memref<32x128xf32, #tpu.memory_space<vmem>>
          %dma_start3A_347 = arith.constant 0 : i32
          %dma_start3A_348 = arith.constant 0 : i32
          %dma_start3A_349 = tpu.memref_slice %arg22[%dma_start3A_347, %dma_start3A_348] : memref<1312x128xf32, #tpu.memory_space<vmem_shared>> -> memref<1312x128xf32, #tpu.memory_space<vmem_shared>>
          tpu.enqueue_indirect_dma source(%dma_start3A_346 : memref<32x128xf32, #tpu.memory_space<vmem>>) target(%dma_start3A_349 : memref<1312x128xf32, #tpu.memory_space<vmem_shared>>) offsets(%arg17 : memref<32xi32, #tpu.memory_space<vmem>>) semaphore(%run_scoped3A : memref<!tpu.dma_semaphore, #tpu.memory_space<semaphore_mem>>) {add = true}
          %dma_wait3A_350 = arith.constant 32 : i32
          %dma_wait3A_351 = arith.constant 0 : i32
          %dma_wait3A_352 = tpu.memref_slice %arg20[%dma_wait3A_350, %dma_wait3A_351] : memref<64x128xf32, #tpu.memory_space<vmem>> -> memref<32x128xf32, #tpu.memory_space<vmem>>
          %dma_wait3A_353 = arith.constant 0 : i32
          %dma_wait3A_354 = arith.constant 0 : i32
          %dma_wait3A_355 = tpu.memref_slice %arg22[%dma_wait3A_353, %dma_wait3A_354] : memref<1312x128xf32, #tpu.memory_space<vmem_shared>> -> memref<1312x128xf32, #tpu.memory_space<vmem_shared>>
          tpu.wait_indirect_dma semaphore(%run_scoped3A : memref<!tpu.dma_semaphore, #tpu.memory_space<semaphore_mem>>) src(%dma_wait3A_352 : memref<32x128xf32, #tpu.memory_space<vmem>>) dst(%dma_wait3A_355 : memref<1312x128xf32, #tpu.memory_space<vmem_shared>>)
          tpu.yield
        }) : () -> ()
      }
      %scan3A_173 = arith.constant 324 : i32
      %barrier3A_174 = arith.constant 0 : index
      tpu.barrier barrier_id(%barrier3A_174)
      %mul3A_175 = arith.constant 10240 : i32
      %mul3A_176 = arith.muli %arg0, %mul3A_175 : i32
      %add3A_177 = arith.addi %mul3A_176, %mul3A_36 : i32
      %mul3A_178 = arith.constant 80 : i32
      %mul3A_179 = arith.muli %arg1, %mul3A_178 : i32
      %add3A_180 = arith.addi %add3A_177, %mul3A_179 : i32
      %multiple_of3A_181 = tpu.assume_multiple %add3A_180, 8 : i32
      %mul3A_182 = arith.constant 80 : i32
      %mul3A_183 = arith.muli %arg1, %mul3A_182 : i32
      "tpu.region"() ({
        %run_scoped3A = tpu.sem_alloc : memref<!tpu.dma_semaphore, #tpu.memory_space<semaphore_mem>>
        %dma_start3A_185 = arith.constant 0 : i32
        %dma_start3A_186 = tpu.memref_slice %arg7[%multiple_of3A_181, %dma_start3A_185] : memref<20480x128xf32, #tpu.memory_space<hbm>> -> memref<80x128xf32, #tpu.memory_space<hbm>>
        %dma_start3A_187 = arith.constant 0 : i32
        %dma_start3A_188 = tpu.memref_slice %arg22[%mul3A_183, %dma_start3A_187] : memref<1312x128xf32, #tpu.memory_space<vmem_shared>> -> memref<80x128xf32, #tpu.memory_space<vmem_shared>>
        tpu.enqueue_dma source(%dma_start3A_188 : memref<80x128xf32, #tpu.memory_space<vmem_shared>>) target(%dma_start3A_186 : memref<80x128xf32, #tpu.memory_space<hbm>>) target_semaphore(%run_scoped3A : memref<!tpu.dma_semaphore, #tpu.memory_space<semaphore_mem>>)
        %dma_wait3A = arith.constant 0 : i32
        %dma_wait3A_189 = tpu.memref_slice %arg7[%multiple_of3A_181, %dma_wait3A] : memref<20480x128xf32, #tpu.memory_space<hbm>> -> memref<80x128xf32, #tpu.memory_space<hbm>>
        %dma_wait3A_190 = arith.constant 0 : i32
        %dma_wait3A_191 = tpu.memref_slice %arg22[%mul3A_183, %dma_wait3A_190] : memref<1312x128xf32, #tpu.memory_space<vmem_shared>> -> memref<80x128xf32, #tpu.memory_space<vmem_shared>>
        tpu.wait_dma2 semaphore(%run_scoped3A : memref<!tpu.dma_semaphore, #tpu.memory_space<semaphore_mem>>) src(%dma_wait3A_191 : memref<80x128xf32, #tpu.memory_space<vmem_shared>>) dst(%dma_wait3A_189 : memref<80x128xf32, #tpu.memory_space<hbm>>)
        tpu.yield
      }) : () -> ()
      %barrier3A_184 = arith.constant 0 : index
      tpu.barrier barrier_id(%barrier3A_184)
    }
    %scan3A_33 = arith.constant 8 : i32
    return
  }
}

#map = affine_map<(d0, d1) -> (0, 0)>
#map1 = affine_map<(d0, d1) -> (0)>
#map2 = affine_map<(d0, d1) -> (0, 0, 0)>
module attributes {stable_mosaic.version = 14 : i64} {
  func.func @k(%arg0: i32, %arg1: i32, %arg2: memref<20480x128xf32, #tpu.memory_space<hbm>>, %arg3: memref<20480xf32, #tpu.memory_space<hbm>>, %arg4: memref<20480xf32, #tpu.memory_space<hbm>>, %arg5: memref<331776xi32, #tpu.memory_space<hbm>>, %arg6: memref<331776xi32, #tpu.memory_space<hbm>>, %arg7: memref<20480x128xf32, #tpu.memory_space<hbm>>, %arg8: memref<32x640x16xf32, #tpu.memory_space<hbm>>, %arg9: memref<10240xf32, #tpu.memory_space<vmem>>, %arg10: memref<10240xf32, #tpu.memory_space<vmem>>, %arg11: memref<640x16xf32, #tpu.memory_space<vmem>>, %arg12: memref<32xi32, #tpu.memory_space<vmem>>, %arg13: memref<32xi32, #tpu.memory_space<vmem>>, %arg14: memref<32xi32, #tpu.memory_space<vmem>>, %arg15: memref<32xi32, #tpu.memory_space<vmem>>, %arg16: memref<32xi32, #tpu.memory_space<vmem>>, %arg17: memref<32xi32, #tpu.memory_space<vmem>>, %arg18: memref<32xf32, #tpu.memory_space<vmem>>, %arg19: memref<32xf32, #tpu.memory_space<vmem>>, %arg20: memref<64x128xf32, #tpu.memory_space<vmem>>, %arg21: memref<64x16xf32, #tpu.memory_space<vmem>>, %arg22: memref<1312x128xf32, #tpu.memory_space<vmem_shared>>, %arg23: memref<!tpu.dma_semaphore, #tpu.memory_space<semaphore_mem>>, %arg24: memref<!tpu.dma_semaphore, #tpu.memory_space<semaphore_mem>>) attributes {dimension_semantics = [#tpu.dimension_semantics<core_parallel>, #tpu.dimension_semantics<subcore_parallel>], iteration_bounds = array<i64: 2, 16>, scalar_prefetch = 0 : i64, scratch_operands = 16 : i64, tpu.core_type = #tpu.core_type<sc_vector_subcore>, window_params = [{transform_indices = #map}, {transform_indices = #map1}, {transform_indices = #map1}, {transform_indices = #map1}, {transform_indices = #map1}, {transform_indices = #map}, {transform_indices = #map2}]} {
    %broadcast_in_dim3A = arith.constant 0.000000e+00 : f32
    %broadcast_in_dim3A_0 = vector.broadcast %broadcast_in_dim3A : f32 to vector<16xf32>
    %iota3A = tpu.iota {dimensions = array<i32: 0>} : vector<16xi32>
    %scan3A = arith.constant 0 : i32
    %scan3A_1 = arith.constant 0 : i32
    %scan3A_2 = arith.constant 640 : i32
    %scan3A_3 = arith.addi %scan3A_1, %scan3A_2 : i32
    %scan3A_4 = arith.constant 1 : i32
    scf.for %scan3A_34 = %scan3A_1 to %scan3A_3 step %scan3A_4  : i32 {
      %swap3A = arith.index_cast %scan3A_34 : i32 to index
      %swap3A_35 = arith.constant 0 : index
      %swap3A_36 = tpu.vector_load %arg11[%swap3A, %swap3A_35] {strides = array<i32>} : memref<640x16xf32, #tpu.memory_space<vmem>>, vector<16xf32>,
      tpu.vector_store %arg11[%swap3A, %swap3A_35], %broadcast_in_dim3A_0 {strides = array<i32>} : memref<640x16xf32, #tpu.memory_space<vmem>>, vector<16xf32>,
    }
    %scan3A_5 = arith.constant 640 : i32
    %mul3A = arith.constant 10240 : i32
    %mul3A_6 = arith.muli %arg0, %mul3A : i32
    %multiple_of3A = tpu.assume_multiple %mul3A_6, 8 : i32
    "tpu.region"() ({
      %run_scoped3A = tpu.sem_alloc : memref<!tpu.dma_semaphore, #tpu.memory_space<semaphore_mem>>
      %dma_start3A = tpu.memref_slice %arg3[%multiple_of3A] : memref<20480xf32, #tpu.memory_space<hbm>> -> memref<10240xf32, #tpu.memory_space<hbm>>
      %dma_start3A_34 = tpu.memref_slice %arg3[%multiple_of3A] : memref<20480xf32, #tpu.memory_space<hbm>> -> memref<10240xf32, #tpu.memory_space<hbm>>
      tpu.enqueue_dma source(%dma_start3A_34 : memref<10240xf32, #tpu.memory_space<hbm>>) target(%arg9 : memref<10240xf32, #tpu.memory_space<vmem>>) target_semaphore(%run_scoped3A : memref<!tpu.dma_semaphore, #tpu.memory_space<semaphore_mem>>)
      %dma_wait3A = tpu.memref_slice %arg3[%multiple_of3A] : memref<20480xf32, #tpu.memory_space<hbm>> -> memref<10240xf32, #tpu.memory_space<hbm>>
      %dma_wait3A_35 = tpu.memref_slice %arg3[%multiple_of3A] : memref<20480xf32, #tpu.memory_space<hbm>> -> memref<10240xf32, #tpu.memory_space<hbm>>
      tpu.wait_dma2 semaphore(%run_scoped3A : memref<!tpu.dma_semaphore, #tpu.memory_space<semaphore_mem>>) src(%dma_wait3A_35 : memref<10240xf32, #tpu.memory_space<hbm>>) dst(%arg9 : memref<10240xf32, #tpu.memory_space<vmem>>)
      tpu.yield
    }) : () -> ()
    "tpu.region"() ({
      %run_scoped3A = tpu.sem_alloc : memref<!tpu.dma_semaphore, #tpu.memory_space<semaphore_mem>>
      %dma_start3A = tpu.memref_slice %arg4[%multiple_of3A] : memref<20480xf32, #tpu.memory_space<hbm>> -> memref<10240xf32, #tpu.memory_space<hbm>>
      %dma_start3A_34 = tpu.memref_slice %arg4[%multiple_of3A] : memref<20480xf32, #tpu.memory_space<hbm>> -> memref<10240xf32, #tpu.memory_space<hbm>>
      tpu.enqueue_dma source(%dma_start3A_34 : memref<10240xf32, #tpu.memory_space<hbm>>) target(%arg10 : memref<10240xf32, #tpu.memory_space<vmem>>) target_semaphore(%run_scoped3A : memref<!tpu.dma_semaphore, #tpu.memory_space<semaphore_mem>>)
      %dma_wait3A = tpu.memref_slice %arg4[%multiple_of3A] : memref<20480xf32, #tpu.memory_space<hbm>> -> memref<10240xf32, #tpu.memory_space<hbm>>
      %dma_wait3A_35 = tpu.memref_slice %arg4[%multiple_of3A] : memref<20480xf32, #tpu.memory_space<hbm>> -> memref<10240xf32, #tpu.memory_space<hbm>>
      tpu.wait_dma2 semaphore(%run_scoped3A : memref<!tpu.dma_semaphore, #tpu.memory_space<semaphore_mem>>) src(%dma_wait3A_35 : memref<10240xf32, #tpu.memory_space<hbm>>) dst(%arg10 : memref<10240xf32, #tpu.memory_space<vmem>>)
      tpu.yield
    }) : () -> ()
    %barrier3A = arith.constant 0 : index
    tpu.barrier barrier_id(%barrier3A)
    %scan3A_7 = arith.constant 0 : i32
    %scan3A_8 = arith.constant 0 : i32
    %scan3A_9 = arith.constant 648 : i32
    %scan3A_10 = arith.addi %scan3A_8, %scan3A_9 : i32
    %scan3A_11 = arith.constant 1 : i32
    scf.for %scan3A_34 = %scan3A_8 to %scan3A_10 step %scan3A_11  : i32 {
      %mul3A_35 = arith.constant 648 : i32
      %mul3A_36 = arith.muli %arg1, %mul3A_35 : i32
      %add3A_37 = arith.addi %mul3A_36, %scan3A_34 : i32
      %mul3A_38 = arith.constant 32 : i32
      %mul3A_39 = arith.muli %add3A_37, %mul3A_38 : i32
      %multiple_of3A_40 = tpu.assume_multiple %mul3A_39, 32 : i32
      "tpu.region"() ({
        %run_scoped3A = tpu.sem_alloc : memref<!tpu.dma_semaphore, #tpu.memory_space<semaphore_mem>>
        %dma_start3A = tpu.memref_slice %arg5[%multiple_of3A_40] : memref<331776xi32, #tpu.memory_space<hbm>> -> memref<32xi32, #tpu.memory_space<hbm>>
        %dma_start3A_76 = tpu.memref_slice %arg5[%multiple_of3A_40] : memref<331776xi32, #tpu.memory_space<hbm>> -> memref<32xi32, #tpu.memory_space<hbm>>
        tpu.enqueue_dma source(%dma_start3A_76 : memref<32xi32, #tpu.memory_space<hbm>>) target(%arg12 : memref<32xi32, #tpu.memory_space<vmem>>) target_semaphore(%run_scoped3A : memref<!tpu.dma_semaphore, #tpu.memory_space<semaphore_mem>>)
        %dma_wait3A = tpu.memref_slice %arg5[%multiple_of3A_40] : memref<331776xi32, #tpu.memory_space<hbm>> -> memref<32xi32, #tpu.memory_space<hbm>>
        %dma_wait3A_77 = tpu.memref_slice %arg5[%multiple_of3A_40] : memref<331776xi32, #tpu.memory_space<hbm>> -> memref<32xi32, #tpu.memory_space<hbm>>
        tpu.wait_dma2 semaphore(%run_scoped3A : memref<!tpu.dma_semaphore, #tpu.memory_space<semaphore_mem>>) src(%dma_wait3A_77 : memref<32xi32, #tpu.memory_space<hbm>>) dst(%arg12 : memref<32xi32, #tpu.memory_space<vmem>>)
        tpu.yield
      }) : () -> ()
      "tpu.region"() ({
        %run_scoped3A = tpu.sem_alloc : memref<!tpu.dma_semaphore, #tpu.memory_space<semaphore_mem>>
        %dma_start3A = tpu.memref_slice %arg6[%multiple_of3A_40] : memref<331776xi32, #tpu.memory_space<hbm>> -> memref<32xi32, #tpu.memory_space<hbm>>
        %dma_start3A_76 = tpu.memref_slice %arg6[%multiple_of3A_40] : memref<331776xi32, #tpu.memory_space<hbm>> -> memref<32xi32, #tpu.memory_space<hbm>>
        tpu.enqueue_dma source(%dma_start3A_76 : memref<32xi32, #tpu.memory_space<hbm>>) target(%arg13 : memref<32xi32, #tpu.memory_space<vmem>>) target_semaphore(%run_scoped3A : memref<!tpu.dma_semaphore, #tpu.memory_space<semaphore_mem>>)
        %dma_wait3A = tpu.memref_slice %arg6[%multiple_of3A_40] : memref<331776xi32, #tpu.memory_space<hbm>> -> memref<32xi32, #tpu.memory_space<hbm>>
        %dma_wait3A_77 = tpu.memref_slice %arg6[%multiple_of3A_40] : memref<331776xi32, #tpu.memory_space<hbm>> -> memref<32xi32, #tpu.memory_space<hbm>>
        tpu.wait_dma2 semaphore(%run_scoped3A : memref<!tpu.dma_semaphore, #tpu.memory_space<semaphore_mem>>) src(%dma_wait3A_77 : memref<32xi32, #tpu.memory_space<hbm>>) dst(%arg13 : memref<32xi32, #tpu.memory_space<vmem>>)
        tpu.yield
      }) : () -> ()
      %get3A = arith.constant 0 : index
      %get3A_41 = tpu.vector_load %arg12[%get3A] {strides = array<i32>} : memref<32xi32, #tpu.memory_space<vmem>>, vector<16xi32>,
      %get3A_42 = arith.constant 0 : index
      %get3A_43 = tpu.vector_load %arg13[%get3A_42] {strides = array<i32>} : memref<32xi32, #tpu.memory_space<vmem>>, vector<16xi32>,
      %gather3A = tpu.vector_load_idx %arg9[%get3A_41] : memref<10240xf32, #tpu.memory_space<vmem>>[vector<16xi32>], vector<16xf32>,
      %gather3A_44 = tpu.vector_load_idx %arg10[%get3A_43] : memref<10240xf32, #tpu.memory_space<vmem>>[vector<16xi32>], vector<16xf32>,
      %add3A_45 = arith.addf %gather3A, %gather3A_44 : vector<16xf32>
      %ge3A = arith.constant 0.000000e+00 : f32
      %ge3A_46 = vector.broadcast %ge3A : f32 to vector<16xf32>
      %ge3A_47 = arith.cmpf oge, %add3A_45, %ge3A_46 : vector<16xf32>
      %mul3A_48 = arith.constant 2.000000e-01 : f32
      %mul3A_49 = vector.broadcast %mul3A_48 : f32 to vector<16xf32>
      %mul3A_50 = arith.mulf %mul3A_49, %add3A_45 : vector<16xf32>
      %select_n3A = arith.select %ge3A_47, %add3A_45, %mul3A_50 : vector<16xi1>, vector<16xf32>
      %exp3A = math.exp %select_n3A : vector<16xf32>
      %shift_right_logical3A = arith.constant 4 : i32
      %shift_right_logical3A_51 = vector.broadcast %shift_right_logical3A : i32 to vector<16xi32>
      %shift_right_logical3A_52 = arith.shrui %get3A_43, %shift_right_logical3A_51 : vector<16xi32>
      %and3A = arith.constant 15 : i32
      %and3A_53 = vector.broadcast %and3A : i32 to vector<16xi32>
      %and3A_54 = arith.andi %get3A_43, %and3A_53 : vector<16xi32>
      tpu.vector_store_idx %arg11[%shift_right_logical3A_52, %and3A_54], %exp3A {add = true} : memref<640x16xf32, #tpu.memory_space<vmem>>[vector<16xi32>, vector<16xi32>], vector<16xf32>,
      %get3A_55 = arith.constant 16 : index
      %get3A_56 = tpu.vector_load %arg12[%get3A_55] {strides = array<i32>} : memref<32xi32, #tpu.memory_space<vmem>>, vector<16xi32>,
      %get3A_57 = arith.constant 16 : index
      %get3A_58 = tpu.vector_load %arg13[%get3A_57] {strides = array<i32>} : memref<32xi32, #tpu.memory_space<vmem>>, vector<16xi32>,
      %gather3A_59 = tpu.vector_load_idx %arg9[%get3A_56] : memref<10240xf32, #tpu.memory_space<vmem>>[vector<16xi32>], vector<16xf32>,
      %gather3A_60 = tpu.vector_load_idx %arg10[%get3A_58] : memref<10240xf32, #tpu.memory_space<vmem>>[vector<16xi32>], vector<16xf32>,
      %add3A_61 = arith.addf %gather3A_59, %gather3A_60 : vector<16xf32>
      %ge3A_62 = arith.constant 0.000000e+00 : f32
      %ge3A_63 = vector.broadcast %ge3A_62 : f32 to vector<16xf32>
      %ge3A_64 = arith.cmpf oge, %add3A_61, %ge3A_63 : vector<16xf32>
      %mul3A_65 = arith.constant 2.000000e-01 : f32
      %mul3A_66 = vector.broadcast %mul3A_65 : f32 to vector<16xf32>
      %mul3A_67 = arith.mulf %mul3A_66, %add3A_61 : vector<16xf32>
      %select_n3A_68 = arith.select %ge3A_64, %add3A_61, %mul3A_67 : vector<16xi1>, vector<16xf32>
      %exp3A_69 = math.exp %select_n3A_68 : vector<16xf32>
      %shift_right_logical3A_70 = arith.constant 4 : i32
      %shift_right_logical3A_71 = vector.broadcast %shift_right_logical3A_70 : i32 to vector<16xi32>
      %shift_right_logical3A_72 = arith.shrui %get3A_58, %shift_right_logical3A_71 : vector<16xi32>
      %and3A_73 = arith.constant 15 : i32
      %and3A_74 = vector.broadcast %and3A_73 : i32 to vector<16xi32>
      %and3A_75 = arith.andi %get3A_58, %and3A_74 : vector<16xi32>
      tpu.vector_store_idx %arg11[%shift_right_logical3A_72, %and3A_75], %exp3A_69 {add = true} : memref<640x16xf32, #tpu.memory_space<vmem>>[vector<16xi32>, vector<16xi32>], vector<16xf32>,
    }
    %scan3A_12 = arith.constant 648 : i32
    %mul3A_13 = arith.constant 16 : i32
    %mul3A_14 = arith.muli %arg0, %mul3A_13 : i32
    %add3A = arith.addi %mul3A_14, %arg1 : i32
    "tpu.region"() ({
      %run_scoped3A = tpu.sem_alloc : memref<!tpu.dma_semaphore, #tpu.memory_space<semaphore_mem>>
      %dma_start3A = arith.constant 0 : i32
      %dma_start3A_34 = arith.constant 0 : i32
      %dma_start3A_35 = tpu.memref_slice %arg8[%add3A, %dma_start3A, %dma_start3A_34] : memref<32x640x16xf32, #tpu.memory_space<hbm>> -> memref<1x640x16xf32, #tpu.memory_space<hbm>>
      %dma_start3A_36 = tpu.memref_squeeze %dma_start3A_35 : memref<1x640x16xf32, #tpu.memory_space<hbm>> -> memref<640x16xf32, #tpu.memory_space<hbm>>
      %dma_start3A_37 = arith.constant 0 : i32
      %dma_start3A_38 = arith.constant 0 : i32
      %dma_start3A_39 = tpu.memref_slice %arg8[%add3A, %dma_start3A_37, %dma_start3A_38] : memref<32x640x16xf32, #tpu.memory_space<hbm>> -> memref<1x640x16xf32, #tpu.memory_space<hbm>>
      %dma_start3A_40 = tpu.memref_squeeze %dma_start3A_39 : memref<1x640x16xf32, #tpu.memory_space<hbm>> -> memref<640x16xf32, #tpu.memory_space<hbm>>
      tpu.enqueue_dma source(%arg11 : memref<640x16xf32, #tpu.memory_space<vmem>>) target(%dma_start3A_40 : memref<640x16xf32, #tpu.memory_space<hbm>>) target_semaphore(%run_scoped3A : memref<!tpu.dma_semaphore, #tpu.memory_space<semaphore_mem>>)
      %dma_wait3A = arith.constant 0 : i32
      %dma_wait3A_41 = arith.constant 0 : i32
      %dma_wait3A_42 = tpu.memref_slice %arg8[%add3A, %dma_wait3A, %dma_wait3A_41] : memref<32x640x16xf32, #tpu.memory_space<hbm>> -> memref<1x640x16xf32, #tpu.memory_space<hbm>>
      %dma_wait3A_43 = tpu.memref_squeeze %dma_wait3A_42 : memref<1x640x16xf32, #tpu.memory_space<hbm>> -> memref<640x16xf32, #tpu.memory_space<hbm>>
      %dma_wait3A_44 = arith.constant 0 : i32
      %dma_wait3A_45 = arith.constant 0 : i32
      %dma_wait3A_46 = tpu.memref_slice %arg8[%add3A, %dma_wait3A_44, %dma_wait3A_45] : memref<32x640x16xf32, #tpu.memory_space<hbm>> -> memref<1x640x16xf32, #tpu.memory_space<hbm>>
      %dma_wait3A_47 = tpu.memref_squeeze %dma_wait3A_46 : memref<1x640x16xf32, #tpu.memory_space<hbm>> -> memref<640x16xf32, #tpu.memory_space<hbm>>
      tpu.wait_dma2 semaphore(%run_scoped3A : memref<!tpu.dma_semaphore, #tpu.memory_space<semaphore_mem>>) src(%arg11 : memref<640x16xf32, #tpu.memory_space<vmem>>) dst(%dma_wait3A_47 : memref<640x16xf32, #tpu.memory_space<hbm>>)
      tpu.yield
    }) : () -> ()
    %barrier3A_15 = arith.constant 0 : index
    tpu.barrier barrier_id(%barrier3A_15)
    %scan3A_16 = arith.constant 0 : i32
    %scan3A_17 = arith.constant 0 : i32
    %scan3A_18 = arith.constant 640 : i32
    %scan3A_19 = arith.addi %scan3A_17, %scan3A_18 : i32
    %scan3A_20 = arith.constant 1 : i32
    scf.for %scan3A_34 = %scan3A_17 to %scan3A_19 step %scan3A_20  : i32 {
      %swap3A = arith.index_cast %scan3A_34 : i32 to index
      %swap3A_35 = arith.constant 0 : index
      %swap3A_36 = tpu.vector_load %arg11[%swap3A, %swap3A_35] {strides = array<i32>} : memref<640x16xf32, #tpu.memory_space<vmem>>, vector<16xf32>,
      tpu.vector_store %arg11[%swap3A, %swap3A_35], %broadcast_in_dim3A_0 {strides = array<i32>} : memref<640x16xf32, #tpu.memory_space<vmem>>, vector<16xf32>,
    }
    %scan3A_21 = arith.constant 640 : i32
    %scan3A_22 = arith.constant 0 : i32
    %scan3A_23 = arith.constant 0 : i32
    %scan3A_24 = arith.constant 10 : i32
    %scan3A_25 = arith.addi %scan3A_23, %scan3A_24 : i32
    %scan3A_26 = arith.constant 1 : i32
    scf.for %scan3A_34 = %scan3A_23 to %scan3A_25 step %scan3A_26  : i32 {
      %mul3A_35 = arith.constant 64 : i32
      %mul3A_36 = arith.muli %scan3A_34, %mul3A_35 : i32
      %multiple_of3A_37 = tpu.assume_multiple %mul3A_36, 8 : i32
      %scan3A_38 = arith.constant 0 : i32
      %scan3A_39 = arith.constant 0 : i32
      %scan3A_40 = arith.constant 16 : i32
      %scan3A_41 = arith.addi %scan3A_39, %scan3A_40 : i32
      %scan3A_42 = arith.constant 1 : i32
      scf.for %scan3A_44 = %scan3A_39 to %scan3A_41 step %scan3A_42  : i32 {
        %mul3A_45 = arith.constant 16 : i32
        %mul3A_46 = arith.muli %arg0, %mul3A_45 : i32
        %add3A_47 = arith.addi %mul3A_46, %scan3A_44 : i32
        "tpu.region"() ({
          %run_scoped3A = tpu.sem_alloc : memref<!tpu.dma_semaphore, #tpu.memory_space<semaphore_mem>>
          %dma_start3A = arith.constant 0 : i32
          %dma_start3A_54 = tpu.memref_slice %arg8[%add3A_47, %multiple_of3A_37, %dma_start3A] : memref<32x640x16xf32, #tpu.memory_space<hbm>> -> memref<1x64x16xf32, #tpu.memory_space<hbm>>
          %dma_start3A_55 = tpu.memref_squeeze %dma_start3A_54 : memref<1x64x16xf32, #tpu.memory_space<hbm>> -> memref<64x16xf32, #tpu.memory_space<hbm>>
          %dma_start3A_56 = arith.constant 0 : i32
          %dma_start3A_57 = tpu.memref_slice %arg8[%add3A_47, %multiple_of3A_37, %dma_start3A_56] : memref<32x640x16xf32, #tpu.memory_space<hbm>> -> memref<1x64x16xf32, #tpu.memory_space<hbm>>
          %dma_start3A_58 = tpu.memref_squeeze %dma_start3A_57 : memref<1x64x16xf32, #tpu.memory_space<hbm>> -> memref<64x16xf32, #tpu.memory_space<hbm>>
          tpu.enqueue_dma source(%dma_start3A_58 : memref<64x16xf32, #tpu.memory_space<hbm>>) target(%arg21 : memref<64x16xf32, #tpu.memory_space<vmem>>) target_semaphore(%run_scoped3A : memref<!tpu.dma_semaphore, #tpu.memory_space<semaphore_mem>>)
          %dma_wait3A = arith.constant 0 : i32
          %dma_wait3A_59 = tpu.memref_slice %arg8[%add3A_47, %multiple_of3A_37, %dma_wait3A] : memref<32x640x16xf32, #tpu.memory_space<hbm>> -> memref<1x64x16xf32, #tpu.memory_space<hbm>>
          %dma_wait3A_60 = tpu.memref_squeeze %dma_wait3A_59 : memref<1x64x16xf32, #tpu.memory_space<hbm>> -> memref<64x16xf32, #tpu.memory_space<hbm>>
          %dma_wait3A_61 = arith.constant 0 : i32
          %dma_wait3A_62 = tpu.memref_slice %arg8[%add3A_47, %multiple_of3A_37, %dma_wait3A_61] : memref<32x640x16xf32, #tpu.memory_space<hbm>> -> memref<1x64x16xf32, #tpu.memory_space<hbm>>
          %dma_wait3A_63 = tpu.memref_squeeze %dma_wait3A_62 : memref<1x64x16xf32, #tpu.memory_space<hbm>> -> memref<64x16xf32, #tpu.memory_space<hbm>>
          tpu.wait_dma2 semaphore(%run_scoped3A : memref<!tpu.dma_semaphore, #tpu.memory_space<semaphore_mem>>) src(%dma_wait3A_63 : memref<64x16xf32, #tpu.memory_space<hbm>>) dst(%arg21 : memref<64x16xf32, #tpu.memory_space<vmem>>)
          tpu.yield
        }) : () -> ()
        %scan3A_48 = arith.constant 0 : i32
        %scan3A_49 = arith.constant 0 : i32
        %scan3A_50 = arith.constant 64 : i32
        %scan3A_51 = arith.addi %scan3A_49, %scan3A_50 : i32
        %scan3A_52 = arith.constant 1 : i32
        scf.for %scan3A_54 = %scan3A_49 to %scan3A_51 step %scan3A_52  : i32 {
          %add3A_55 = arith.addi %multiple_of3A_37, %scan3A_54 : i32
          %get3A = arith.index_cast %add3A_55 : i32 to index
          %get3A_56 = arith.constant 0 : index
          %get3A_57 = tpu.vector_load %arg11[%get3A, %get3A_56] {strides = array<i32>} : memref<640x16xf32, #tpu.memory_space<vmem>>, vector<16xf32>,
          %get3A_58 = arith.index_cast %scan3A_54 : i32 to index
          %get3A_59 = arith.constant 0 : index
          %get3A_60 = tpu.vector_load %arg21[%get3A_58, %get3A_59] {strides = array<i32>} : memref<64x16xf32, #tpu.memory_space<vmem>>, vector<16xf32>,
          %add3A_61 = arith.addf %get3A_57, %get3A_60 : vector<16xf32>
          %add3A_62 = arith.addi %multiple_of3A_37, %scan3A_54 : i32
          %swap3A = arith.index_cast %add3A_62 : i32 to index
          %swap3A_63 = arith.constant 0 : index
          %swap3A_64 = tpu.vector_load %arg11[%swap3A, %swap3A_63] {strides = array<i32>} : memref<640x16xf32, #tpu.memory_space<vmem>>, vector<16xf32>,
          tpu.vector_store %arg11[%swap3A, %swap3A_63], %add3A_61 {strides = array<i32>} : memref<640x16xf32, #tpu.memory_space<vmem>>, vector<16xf32>,
        }
        %scan3A_53 = arith.constant 64 : i32
      }
      %scan3A_43 = arith.constant 16 : i32
    }
    %scan3A_27 = arith.constant 10 : i32
    %scan3A_28 = arith.constant 0 : i32
    %scan3A_29 = arith.constant 0 : i32
    %scan3A_30 = arith.constant 8 : i32
    %scan3A_31 = arith.addi %scan3A_29, %scan3A_30 : i32
    %scan3A_32 = arith.constant 1 : i32
    scf.for %scan3A_34 = %scan3A_29 to %scan3A_31 step %scan3A_32  : i32 {
      %mul3A_35 = arith.constant 1280 : i32
      %mul3A_36 = arith.muli %scan3A_34, %mul3A_35 : i32
      %scan3A_37 = arith.constant 0 : i32
      %scan3A_38 = arith.constant 0 : i32
      %scan3A_39 = arith.constant 64 : i32
      %scan3A_40 = arith.addi %scan3A_38, %scan3A_39 : i32
      %scan3A_41 = arith.constant 1 : i32
      scf.for %scan3A_185 = %scan3A_38 to %scan3A_40 step %scan3A_41  : i32 {
        %swap3A_186 = arith.index_cast %scan3A_185 : i32 to index
        %swap3A_187 = arith.constant 0 : index
        %swap3A_188 = tpu.vector_load %arg20[%swap3A_186, %swap3A_187] {strides = array<i32>} : memref<64x128xf32, #tpu.memory_space<vmem>>, vector<16xf32>,
        tpu.vector_store %arg20[%swap3A_186, %swap3A_187], %broadcast_in_dim3A_0 {strides = array<i32>} : memref<64x128xf32, #tpu.memory_space<vmem>>, vector<16xf32>,
        %swap3A_189 = arith.index_cast %scan3A_185 : i32 to index
        %swap3A_190 = arith.constant 16 : index
        %swap3A_191 = tpu.vector_load %arg20[%swap3A_189, %swap3A_190] {strides = array<i32>} : memref<64x128xf32, #tpu.memory_space<vmem>>, vector<16xf32>,
        tpu.vector_store %arg20[%swap3A_189, %swap3A_190], %broadcast_in_dim3A_0 {strides = array<i32>} : memref<64x128xf32, #tpu.memory_space<vmem>>, vector<16xf32>,
        %swap3A_192 = arith.index_cast %scan3A_185 : i32 to index
        %swap3A_193 = arith.constant 32 : index
        %swap3A_194 = tpu.vector_load %arg20[%swap3A_192, %swap3A_193] {strides = array<i32>} : memref<64x128xf32, #tpu.memory_space<vmem>>, vector<16xf32>,
        tpu.vector_store %arg20[%swap3A_192, %swap3A_193], %broadcast_in_dim3A_0 {strides = array<i32>} : memref<64x128xf32, #tpu.memory_space<vmem>>, vector<16xf32>,
        %swap3A_195 = arith.index_cast %scan3A_185 : i32 to index
        %swap3A_196 = arith.constant 48 : index
        %swap3A_197 = tpu.vector_load %arg20[%swap3A_195, %swap3A_196] {strides = array<i32>} : memref<64x128xf32, #tpu.memory_space<vmem>>, vector<16xf32>,
        tpu.vector_store %arg20[%swap3A_195, %swap3A_196], %broadcast_in_dim3A_0 {strides = array<i32>} : memref<64x128xf32, #tpu.memory_space<vmem>>, vector<16xf32>,
        %swap3A_198 = arith.index_cast %scan3A_185 : i32 to index
        %swap3A_199 = arith.constant 64 : index
        %swap3A_200 = tpu.vector_load %arg20[%swap3A_198, %swap3A_199] {strides = array<i32>} : memref<64x128xf32, #tpu.memory_space<vmem>>, vector<16xf32>,
        tpu.vector_store %arg20[%swap3A_198, %swap3A_199], %broadcast_in_dim3A_0 {strides = array<i32>} : memref<64x128xf32, #tpu.memory_space<vmem>>, vector<16xf32>,
        %swap3A_201 = arith.index_cast %scan3A_185 : i32 to index
        %swap3A_202 = arith.constant 80 : index
        %swap3A_203 = tpu.vector_load %arg20[%swap3A_201, %swap3A_202] {strides = array<i32>} : memref<64x128xf32, #tpu.memory_space<vmem>>, vector<16xf32>,
        tpu.vector_store %arg20[%swap3A_201, %swap3A_202], %broadcast_in_dim3A_0 {strides = array<i32>} : memref<64x128xf32, #tpu.memory_space<vmem>>, vector<16xf32>,
        %swap3A_204 = arith.index_cast %scan3A_185 : i32 to index
        %swap3A_205 = arith.constant 96 : index
        %swap3A_206 = tpu.vector_load %arg20[%swap3A_204, %swap3A_205] {strides = array<i32>} : memref<64x128xf32, #tpu.memory_space<vmem>>, vector<16xf32>,
        tpu.vector_store %arg20[%swap3A_204, %swap3A_205], %broadcast_in_dim3A_0 {strides = array<i32>} : memref<64x128xf32, #tpu.memory_space<vmem>>, vector<16xf32>,
        %swap3A_207 = arith.index_cast %scan3A_185 : i32 to index
        %swap3A_208 = arith.constant 112 : index
        %swap3A_209 = tpu.vector_load %arg20[%swap3A_207, %swap3A_208] {strides = array<i32>} : memref<64x128xf32, #tpu.memory_space<vmem>>, vector<16xf32>,
        tpu.vector_store %arg20[%swap3A_207, %swap3A_208], %broadcast_in_dim3A_0 {strides = array<i32>} : memref<64x128xf32, #tpu.memory_space<vmem>>, vector<16xf32>,
      }
      %scan3A_42 = arith.constant 64 : i32
      %mul3A_43 = arith.constant 80 : i32
      %mul3A_44 = arith.muli %arg1, %mul3A_43 : i32
      %add3A_45 = arith.constant 0 : i32
      %add3A_46 = arith.addi %mul3A_44, %add3A_45 : i32
      "tpu.region"() ({
        %run_scoped3A = tpu.sem_alloc : memref<!tpu.dma_semaphore, #tpu.memory_space<semaphore_mem>>
        %dma_start3A_185 = arith.constant 0 : i32
        %dma_start3A_186 = tpu.memref_slice %arg22[%add3A_46, %dma_start3A_185] : memref<1312x128xf32, #tpu.memory_space<vmem_shared>> -> memref<64x128xf32, #tpu.memory_space<vmem_shared>>
        %dma_start3A_187 = arith.constant 0 : i32
        %dma_start3A_188 = tpu.memref_slice %arg22[%add3A_46, %dma_start3A_187] : memref<1312x128xf32, #tpu.memory_space<vmem_shared>> -> memref<64x128xf32, #tpu.memory_space<vmem_shared>>
        tpu.enqueue_dma source(%arg20 : memref<64x128xf32, #tpu.memory_space<vmem>>) target(%dma_start3A_188 : memref<64x128xf32, #tpu.memory_space<vmem_shared>>) target_semaphore(%run_scoped3A : memref<!tpu.dma_semaphore, #tpu.memory_space<semaphore_mem>>)
        %dma_wait3A = arith.constant 0 : i32
        %dma_wait3A_189 = tpu.memref_slice %arg22[%add3A_46, %dma_wait3A] : memref<1312x128xf32, #tpu.memory_space<vmem_shared>> -> memref<64x128xf32, #tpu.memory_space<vmem_shared>>
        %dma_wait3A_190 = arith.constant 0 : i32
        %dma_wait3A_191 = tpu.memref_slice %arg22[%add3A_46, %dma_wait3A_190] : memref<1312x128xf32, #tpu.memory_space<vmem_shared>> -> memref<64x128xf32, #tpu.memory_space<vmem_shared>>
        tpu.wait_dma2 semaphore(%run_scoped3A : memref<!tpu.dma_semaphore, #tpu.memory_space<semaphore_mem>>) src(%arg20 : memref<64x128xf32, #tpu.memory_space<vmem>>) dst(%dma_wait3A_191 : memref<64x128xf32, #tpu.memory_space<vmem_shared>>)
        tpu.yield
      }) : () -> ()
      %mul3A_47 = arith.constant 80 : i32
      %mul3A_48 = arith.muli %arg1, %mul3A_47 : i32
      %add3A_49 = arith.constant 64 : i32
      %add3A_50 = arith.addi %mul3A_48, %add3A_49 : i32
      "tpu.region"() ({
        %run_scoped3A = tpu.sem_alloc : memref<!tpu.dma_semaphore, #tpu.memory_space<semaphore_mem>>
        %dma_start3A_185 = arith.constant 0 : i32
        %dma_start3A_186 = arith.constant 0 : i32
        %dma_start3A_187 = tpu.memref_slice %arg20[%dma_start3A_185, %dma_start3A_186] : memref<64x128xf32, #tpu.memory_space<vmem>> -> memref<16x128xf32, #tpu.memory_space<vmem>>
        %dma_start3A_188 = arith.constant 0 : i32
        %dma_start3A_189 = tpu.memref_slice %arg22[%add3A_50, %dma_start3A_188] : memref<1312x128xf32, #tpu.memory_space<vmem_shared>> -> memref<16x128xf32, #tpu.memory_space<vmem_shared>>
        %dma_start3A_190 = arith.constant 0 : i32
        %dma_start3A_191 = tpu.memref_slice %arg22[%add3A_50, %dma_start3A_190] : memref<1312x128xf32, #tpu.memory_space<vmem_shared>> -> memref<16x128xf32, #tpu.memory_space<vmem_shared>>
        %dma_start3A_192 = arith.constant 0 : i32
        %dma_start3A_193 = arith.constant 0 : i32
        %dma_start3A_194 = tpu.memref_slice %arg20[%dma_start3A_192, %dma_start3A_193] : memref<64x128xf32, #tpu.memory_space<vmem>> -> memref<16x128xf32, #tpu.memory_space<vmem>>
        tpu.enqueue_dma source(%dma_start3A_194 : memref<16x128xf32, #tpu.memory_space<vmem>>) target(%dma_start3A_191 : memref<16x128xf32, #tpu.memory_space<vmem_shared>>) target_semaphore(%run_scoped3A : memref<!tpu.dma_semaphore, #tpu.memory_space<semaphore_mem>>)
        %dma_wait3A = arith.constant 0 : i32
        %dma_wait3A_195 = arith.constant 0 : i32
        %dma_wait3A_196 = tpu.memref_slice %arg20[%dma_wait3A, %dma_wait3A_195] : memref<64x128xf32, #tpu.memory_space<vmem>> -> memref<16x128xf32, #tpu.memory_space<vmem>>
        %dma_wait3A_197 = arith.constant 0 : i32
        %dma_wait3A_198 = tpu.memref_slice %arg22[%add3A_50, %dma_wait3A_197] : memref<1312x128xf32, #tpu.memory_space<vmem_shared>> -> memref<16x128xf32, #tpu.memory_space<vmem_shared>>
        %dma_wait3A_199 = arith.constant 0 : i32
        %dma_wait3A_200 = tpu.memref_slice %arg22[%add3A_50, %dma_wait3A_199] : memref<1312x128xf32, #tpu.memory_space<vmem_shared>> -> memref<16x128xf32, #tpu.memory_space<vmem_shared>>
        %dma_wait3A_201 = arith.constant 0 : i32
        %dma_wait3A_202 = arith.constant 0 : i32
        %dma_wait3A_203 = tpu.memref_slice %arg20[%dma_wait3A_201, %dma_wait3A_202] : memref<64x128xf32, #tpu.memory_space<vmem>> -> memref<16x128xf32, #tpu.memory_space<vmem>>
        tpu.wait_dma2 semaphore(%run_scoped3A : memref<!tpu.dma_semaphore, #tpu.memory_space<semaphore_mem>>) src(%dma_wait3A_203 : memref<16x128xf32, #tpu.memory_space<vmem>>) dst(%dma_wait3A_200 : memref<16x128xf32, #tpu.memory_space<vmem_shared>>)
        tpu.yield
      }) : () -> ()
      %barrier3A_51 = arith.constant 0 : index
      tpu.barrier barrier_id(%barrier3A_51)
      %mul3A_52 = arith.constant 648 : i32
      %mul3A_53 = arith.muli %arg1, %mul3A_52 : i32
      %add3A_54 = arith.constant 0 : i32
      %add3A_55 = arith.addi %mul3A_53, %add3A_54 : i32
      %mul3A_56 = arith.constant 32 : i32
      %mul3A_57 = arith.muli %add3A_55, %mul3A_56 : i32
      %multiple_of3A_58 = tpu.assume_multiple %mul3A_57, 32 : i32
      "tpu.region"() ({
        %run_scoped3A = tpu.sem_alloc : memref<!tpu.dma_semaphore, #tpu.memory_space<semaphore_mem>>
        %dma_start3A_185 = tpu.memref_slice %arg5[%multiple_of3A_58] : memref<331776xi32, #tpu.memory_space<hbm>> -> memref<32xi32, #tpu.memory_space<hbm>>
        %dma_start3A_186 = tpu.memref_slice %arg5[%multiple_of3A_58] : memref<331776xi32, #tpu.memory_space<hbm>> -> memref<32xi32, #tpu.memory_space<hbm>>
        tpu.enqueue_dma source(%dma_start3A_186 : memref<32xi32, #tpu.memory_space<hbm>>) target(%arg12 : memref<32xi32, #tpu.memory_space<vmem>>) target_semaphore(%run_scoped3A : memref<!tpu.dma_semaphore, #tpu.memory_space<semaphore_mem>>)
        %dma_wait3A = tpu.memref_slice %arg5[%multiple_of3A_58] : memref<331776xi32, #tpu.memory_space<hbm>> -> memref<32xi32, #tpu.memory_space<hbm>>
        %dma_wait3A_187 = tpu.memref_slice %arg5[%multiple_of3A_58] : memref<331776xi32, #tpu.memory_space<hbm>> -> memref<32xi32, #tpu.memory_space<hbm>>
        tpu.wait_dma2 semaphore(%run_scoped3A : memref<!tpu.dma_semaphore, #tpu.memory_space<semaphore_mem>>) src(%dma_wait3A_187 : memref<32xi32, #tpu.memory_space<hbm>>) dst(%arg12 : memref<32xi32, #tpu.memory_space<vmem>>)
        tpu.yield
      }) : () -> ()
      "tpu.region"() ({
        %run_scoped3A = tpu.sem_alloc : memref<!tpu.dma_semaphore, #tpu.memory_space<semaphore_mem>>
        %dma_start3A_185 = tpu.memref_slice %arg6[%multiple_of3A_58] : memref<331776xi32, #tpu.memory_space<hbm>> -> memref<32xi32, #tpu.memory_space<hbm>>
        %dma_start3A_186 = tpu.memref_slice %arg6[%multiple_of3A_58] : memref<331776xi32, #tpu.memory_space<hbm>> -> memref<32xi32, #tpu.memory_space<hbm>>
        tpu.enqueue_dma source(%dma_start3A_186 : memref<32xi32, #tpu.memory_space<hbm>>) target(%arg13 : memref<32xi32, #tpu.memory_space<vmem>>) target_semaphore(%run_scoped3A : memref<!tpu.dma_semaphore, #tpu.memory_space<semaphore_mem>>)
        %dma_wait3A = tpu.memref_slice %arg6[%multiple_of3A_58] : memref<331776xi32, #tpu.memory_space<hbm>> -> memref<32xi32, #tpu.memory_space<hbm>>
        %dma_wait3A_187 = tpu.memref_slice %arg6[%multiple_of3A_58] : memref<331776xi32, #tpu.memory_space<hbm>> -> memref<32xi32, #tpu.memory_space<hbm>>
        tpu.wait_dma2 semaphore(%run_scoped3A : memref<!tpu.dma_semaphore, #tpu.memory_space<semaphore_mem>>) src(%dma_wait3A_187 : memref<32xi32, #tpu.memory_space<hbm>>) dst(%arg13 : memref<32xi32, #tpu.memory_space<vmem>>)
        tpu.yield
      }) : () -> ()
      %get3A = arith.constant 0 : index
      %get3A_59 = tpu.vector_load %arg12[%get3A] {strides = array<i32>} : memref<32xi32, #tpu.memory_space<vmem>>, vector<16xi32>,
      %get3A_60 = arith.constant 0 : index
      %get3A_61 = tpu.vector_load %arg13[%get3A_60] {strides = array<i32>} : memref<32xi32, #tpu.memory_space<vmem>>, vector<16xi32>,
      %gather3A = tpu.vector_load_idx %arg9[%get3A_59] : memref<10240xf32, #tpu.memory_space<vmem>>[vector<16xi32>], vector<16xf32>,
      %gather3A_62 = tpu.vector_load_idx %arg10[%get3A_61] : memref<10240xf32, #tpu.memory_space<vmem>>[vector<16xi32>], vector<16xf32>,
      %add3A_63 = arith.addf %gather3A, %gather3A_62 : vector<16xf32>
      %ge3A = arith.constant 0.000000e+00 : f32
      %ge3A_64 = vector.broadcast %ge3A : f32 to vector<16xf32>
      %ge3A_65 = arith.cmpf oge, %add3A_63, %ge3A_64 : vector<16xf32>
      %mul3A_66 = arith.constant 2.000000e-01 : f32
      %mul3A_67 = vector.broadcast %mul3A_66 : f32 to vector<16xf32>
      %mul3A_68 = arith.mulf %mul3A_67, %add3A_63 : vector<16xf32>
      %select_n3A = arith.select %ge3A_65, %add3A_63, %mul3A_68 : vector<16xi1>, vector<16xf32>
      %exp3A = math.exp %select_n3A : vector<16xf32>
      %shift_right_logical3A = arith.constant 4 : i32
      %shift_right_logical3A_69 = vector.broadcast %shift_right_logical3A : i32 to vector<16xi32>
      %shift_right_logical3A_70 = arith.shrui %get3A_61, %shift_right_logical3A_69 : vector<16xi32>
      %and3A = arith.constant 15 : i32
      %and3A_71 = vector.broadcast %and3A : i32 to vector<16xi32>
      %and3A_72 = arith.andi %get3A_61, %and3A_71 : vector<16xi32>
      %gather3A_73 = tpu.vector_load_idx %arg11[%shift_right_logical3A_70, %and3A_72] : memref<640x16xf32, #tpu.memory_space<vmem>>[vector<16xi32>, vector<16xi32>], vector<16xf32>,
      %ge3A_74 = vector.broadcast %mul3A_36 : i32 to vector<16xi32>
      %ge3A_75 = arith.cmpi sge, %get3A_61, %ge3A_74 : vector<16xi32>
      %add3A_76 = arith.constant 1280 : i32
      %add3A_77 = arith.addi %mul3A_36, %add3A_76 : i32
      %lt3A = vector.broadcast %add3A_77 : i32 to vector<16xi32>
      %lt3A_78 = arith.cmpi slt, %get3A_61, %lt3A : vector<16xi32>
      %and3A_79 = arith.andi %ge3A_75, %lt3A_78 : vector<16xi1>
      %add3A_80 = arith.constant 1.000000e-16 : f32
      %add3A_81 = vector.broadcast %add3A_80 : f32 to vector<16xf32>
      %add3A_82 = arith.addf %gather3A_73, %add3A_81 : vector<16xf32>
      %div3A = arith.divf %exp3A, %add3A_82 : vector<16xf32>
      %jit3A = arith.constant 0.000000e+00 : f32
      %broadcast_in_dim3A_83 = vector.broadcast %jit3A : f32 to vector<16xf32>
      %select_n3A_84 = arith.select %and3A_79, %div3A, %broadcast_in_dim3A_83 : vector<16xi1>, vector<16xf32>
      %swap3A = arith.constant 0 : index
      %swap3A_85 = tpu.vector_load %arg18[%swap3A] {strides = array<i32>} : memref<32xf32, #tpu.memory_space<vmem>>, vector<16xf32>,
      tpu.vector_store %arg18[%swap3A], %select_n3A_84 {strides = array<i32>} : memref<32xf32, #tpu.memory_space<vmem>>, vector<16xf32>,
      %add3A_86 = arith.constant 0 : i32
      %add3A_87 = vector.broadcast %add3A_86 : i32 to vector<16xi32>
      %add3A_88 = arith.addi %iota3A, %add3A_87 : vector<16xi32>
      %and3A_89 = arith.constant 31 : i32
      %and3A_90 = vector.broadcast %and3A_89 : i32 to vector<16xi32>
      %and3A_91 = arith.andi %add3A_88, %and3A_90 : vector<16xi32>
      %add3A_92 = arith.constant 1280 : i32
      %add3A_93 = vector.broadcast %add3A_92 : i32 to vector<16xi32>
      %add3A_94 = arith.addi %add3A_93, %and3A_91 : vector<16xi32>
      %sub3A = vector.broadcast %mul3A_36 : i32 to vector<16xi32>
      %sub3A_95 = arith.subi %get3A_61, %sub3A : vector<16xi32>
      %select_n3A_96 = arith.select %and3A_79, %sub3A_95, %add3A_94 : vector<16xi1>, vector<16xi32>
      %swap3A_97 = arith.constant 0 : index
      %swap3A_98 = tpu.vector_load %arg16[%swap3A_97] {strides = array<i32>} : memref<32xi32, #tpu.memory_space<vmem>>, vector<16xi32>,
      tpu.vector_store %arg16[%swap3A_97], %select_n3A_96 {strides = array<i32>} : memref<32xi32, #tpu.memory_space<vmem>>, vector<16xi32>,
      %mul3A_99 = arith.constant 10240 : i32
      %mul3A_100 = arith.muli %arg0, %mul3A_99 : i32
      %add3A_101 = vector.broadcast %mul3A_100 : i32 to vector<16xi32>
      %add3A_102 = arith.addi %get3A_59, %add3A_101 : vector<16xi32>
      %swap3A_103 = arith.constant 0 : index
      %swap3A_104 = tpu.vector_load %arg14[%swap3A_103] {strides = array<i32>} : memref<32xi32, #tpu.memory_space<vmem>>, vector<16xi32>,
      tpu.vector_store %arg14[%swap3A_103], %add3A_102 {strides = array<i32>} : memref<32xi32, #tpu.memory_space<vmem>>, vector<16xi32>,
      %get3A_105 = arith.constant 16 : index
      %get3A_106 = tpu.vector_load %arg12[%get3A_105] {strides = array<i32>} : memref<32xi32, #tpu.memory_space<vmem>>, vector<16xi32>,
      %get3A_107 = arith.constant 16 : index
      %get3A_108 = tpu.vector_load %arg13[%get3A_107] {strides = array<i32>} : memref<32xi32, #tpu.memory_space<vmem>>, vector<16xi32>,
      %gather3A_109 = tpu.vector_load_idx %arg9[%get3A_106] : memref<10240xf32, #tpu.memory_space<vmem>>[vector<16xi32>], vector<16xf32>,
      %gather3A_110 = tpu.vector_load_idx %arg10[%get3A_108] : memref<10240xf32, #tpu.memory_space<vmem>>[vector<16xi32>], vector<16xf32>,
      %add3A_111 = arith.addf %gather3A_109, %gather3A_110 : vector<16xf32>
      %ge3A_112 = arith.constant 0.000000e+00 : f32
      %ge3A_113 = vector.broadcast %ge3A_112 : f32 to vector<16xf32>
      %ge3A_114 = arith.cmpf oge, %add3A_111, %ge3A_113 : vector<16xf32>
      %mul3A_115 = arith.constant 2.000000e-01 : f32
      %mul3A_116 = vector.broadcast %mul3A_115 : f32 to vector<16xf32>
      %mul3A_117 = arith.mulf %mul3A_116, %add3A_111 : vector<16xf32>
      %select_n3A_118 = arith.select %ge3A_114, %add3A_111, %mul3A_117 : vector<16xi1>, vector<16xf32>
      %exp3A_119 = math.exp %select_n3A_118 : vector<16xf32>
      %shift_right_logical3A_120 = arith.constant 4 : i32
      %shift_right_logical3A_121 = vector.broadcast %shift_right_logical3A_120 : i32 to vector<16xi32>
      %shift_right_logical3A_122 = arith.shrui %get3A_108, %shift_right_logical3A_121 : vector<16xi32>
      %and3A_123 = arith.constant 15 : i32
      %and3A_124 = vector.broadcast %and3A_123 : i32 to vector<16xi32>
      %and3A_125 = arith.andi %get3A_108, %and3A_124 : vector<16xi32>
      %gather3A_126 = tpu.vector_load_idx %arg11[%shift_right_logical3A_122, %and3A_125] : memref<640x16xf32, #tpu.memory_space<vmem>>[vector<16xi32>, vector<16xi32>], vector<16xf32>,
      %ge3A_127 = vector.broadcast %mul3A_36 : i32 to vector<16xi32>
      %ge3A_128 = arith.cmpi sge, %get3A_108, %ge3A_127 : vector<16xi32>
      %add3A_129 = arith.constant 1280 : i32
      %add3A_130 = arith.addi %mul3A_36, %add3A_129 : i32
      %lt3A_131 = vector.broadcast %add3A_130 : i32 to vector<16xi32>
      %lt3A_132 = arith.cmpi slt, %get3A_108, %lt3A_131 : vector<16xi32>
      %and3A_133 = arith.andi %ge3A_128, %lt3A_132 : vector<16xi1>
      %add3A_134 = arith.constant 1.000000e-16 : f32
      %add3A_135 = vector.broadcast %add3A_134 : f32 to vector<16xf32>
      %add3A_136 = arith.addf %gather3A_126, %add3A_135 : vector<16xf32>
      %div3A_137 = arith.divf %exp3A_119, %add3A_136 : vector<16xf32>
      %jit3A_138 = arith.constant 0.000000e+00 : f32
      %broadcast_in_dim3A_139 = vector.broadcast %jit3A_138 : f32 to vector<16xf32>
      %select_n3A_140 = arith.select %and3A_133, %div3A_137, %broadcast_in_dim3A_139 : vector<16xi1>, vector<16xf32>
      %swap3A_141 = arith.constant 16 : index
      %swap3A_142 = tpu.vector_load %arg18[%swap3A_141] {strides = array<i32>} : memref<32xf32, #tpu.memory_space<vmem>>, vector<16xf32>,
      tpu.vector_store %arg18[%swap3A_141], %select_n3A_140 {strides = array<i32>} : memref<32xf32, #tpu.memory_space<vmem>>, vector<16xf32>,
      %add3A_143 = arith.constant 16 : i32
      %add3A_144 = vector.broadcast %add3A_143 : i32 to vector<16xi32>
      %add3A_145 = arith.addi %iota3A, %add3A_144 : vector<16xi32>
      %and3A_146 = arith.constant 31 : i32
      %and3A_147 = vector.broadcast %and3A_146 : i32 to vector<16xi32>
      %and3A_148 = arith.andi %add3A_145, %and3A_147 : vector<16xi32>
      %add3A_149 = arith.constant 1280 : i32
      %add3A_150 = vector.broadcast %add3A_149 : i32 to vector<16xi32>
      %add3A_151 = arith.addi %add3A_150, %and3A_148 : vector<16xi32>
      %sub3A_152 = vector.broadcast %mul3A_36 : i32 to vector<16xi32>
      %sub3A_153 = arith.subi %get3A_108, %sub3A_152 : vector<16xi32>
      %select_n3A_154 = arith.select %and3A_133, %sub3A_153, %add3A_151 : vector<16xi1>, vector<16xi32>
      %swap3A_155 = arith.constant 16 : index
      %swap3A_156 = tpu.vector_load %arg16[%swap3A_155] {strides = array<i32>} : memref<32xi32, #tpu.memory_space<vmem>>, vector<16xi32>,
      tpu.vector_store %arg16[%swap3A_155], %select_n3A_154 {strides = array<i32>} : memref<32xi32, #tpu.memory_space<vmem>>, vector<16xi32>,
      %mul3A_157 = arith.constant 10240 : i32
      %mul3A_158 = arith.muli %arg0, %mul3A_157 : i32
      %add3A_159 = vector.broadcast %mul3A_158 : i32 to vector<16xi32>
      %add3A_160 = arith.addi %get3A_106, %add3A_159 : vector<16xi32>
      %swap3A_161 = arith.constant 16 : index
      %swap3A_162 = tpu.vector_load %arg14[%swap3A_161] {strides = array<i32>} : memref<32xi32, #tpu.memory_space<vmem>>, vector<16xi32>,
      tpu.vector_store %arg14[%swap3A_161], %add3A_160 {strides = array<i32>} : memref<32xi32, #tpu.memory_space<vmem>>, vector<16xi32>,
      %dma_start3A = arith.constant 0 : i32
      %dma_start3A_163 = arith.constant 0 : i32
      %dma_start3A_164 = tpu.memref_slice %arg20[%dma_start3A, %dma_start3A_163] : memref<64x128xf32, #tpu.memory_space<vmem>> -> memref<32x128xf32, #tpu.memory_space<vmem>>
      %dma_start3A_165 = arith.constant 0 : i32
      %dma_start3A_166 = arith.constant 0 : i32
      %dma_start3A_167 = tpu.memref_slice %arg2[%dma_start3A_165, %dma_start3A_166] : memref<20480x128xf32, #tpu.memory_space<hbm>> -> memref<20480x128xf32, #tpu.memory_space<hbm>>
      tpu.enqueue_indirect_dma source(%dma_start3A_167 : memref<20480x128xf32, #tpu.memory_space<hbm>>) target(%dma_start3A_164 : memref<32x128xf32, #tpu.memory_space<vmem>>) offsets(%arg14 : memref<32xi32, #tpu.memory_space<vmem>>) semaphore(%arg23 : memref<!tpu.dma_semaphore, #tpu.memory_space<semaphore_mem>>)
      %scan3A_168 = arith.constant 0 : i32
      %scan3A_169 = arith.constant 0 : i32
      %scan3A_170 = arith.constant 324 : i32
      %scan3A_171 = arith.addi %scan3A_169, %scan3A_170 : i32
      %scan3A_172 = arith.constant 1 : i32
      scf.for %scan3A_185 = %scan3A_169 to %scan3A_171 step %scan3A_172  : i32 {
        %mul3A_186 = arith.constant 2 : i32
        %mul3A_187 = arith.muli %scan3A_185, %mul3A_186 : i32
        %add3A_188 = arith.constant 1 : i32
        %add3A_189 = arith.addi %mul3A_187, %add3A_188 : i32
        %mul3A_190 = arith.constant 648 : i32
        %mul3A_191 = arith.muli %arg1, %mul3A_190 : i32
        %add3A_192 = arith.addi %mul3A_191, %add3A_189 : i32
        %mul3A_193 = arith.constant 32 : i32
        %mul3A_194 = arith.muli %add3A_192, %mul3A_193 : i32
        %multiple_of3A_195 = tpu.assume_multiple %mul3A_194, 32 : i32
        "tpu.region"() ({
          %run_scoped3A = tpu.sem_alloc : memref<!tpu.dma_semaphore, #tpu.memory_space<semaphore_mem>>
          %dma_start3A_344 = tpu.memref_slice %arg5[%multiple_of3A_195] : memref<331776xi32, #tpu.memory_space<hbm>> -> memref<32xi32, #tpu.memory_space<hbm>>
          %dma_start3A_345 = tpu.memref_slice %arg5[%multiple_of3A_195] : memref<331776xi32, #tpu.memory_space<hbm>> -> memref<32xi32, #tpu.memory_space<hbm>>
          tpu.enqueue_dma source(%dma_start3A_345 : memref<32xi32, #tpu.memory_space<hbm>>) target(%arg12 : memref<32xi32, #tpu.memory_space<vmem>>) target_semaphore(%run_scoped3A : memref<!tpu.dma_semaphore, #tpu.memory_space<semaphore_mem>>)
          %dma_wait3A_346 = tpu.memref_slice %arg5[%multiple_of3A_195] : memref<331776xi32, #tpu.memory_space<hbm>> -> memref<32xi32, #tpu.memory_space<hbm>>
          %dma_wait3A_347 = tpu.memref_slice %arg5[%multiple_of3A_195] : memref<331776xi32, #tpu.memory_space<hbm>> -> memref<32xi32, #tpu.memory_space<hbm>>
          tpu.wait_dma2 semaphore(%run_scoped3A : memref<!tpu.dma_semaphore, #tpu.memory_space<semaphore_mem>>) src(%dma_wait3A_347 : memref<32xi32, #tpu.memory_space<hbm>>) dst(%arg12 : memref<32xi32, #tpu.memory_space<vmem>>)
          tpu.yield
        }) : () -> ()
        "tpu.region"() ({
          %run_scoped3A = tpu.sem_alloc : memref<!tpu.dma_semaphore, #tpu.memory_space<semaphore_mem>>
          %dma_start3A_344 = tpu.memref_slice %arg6[%multiple_of3A_195] : memref<331776xi32, #tpu.memory_space<hbm>> -> memref<32xi32, #tpu.memory_space<hbm>>
          %dma_start3A_345 = tpu.memref_slice %arg6[%multiple_of3A_195] : memref<331776xi32, #tpu.memory_space<hbm>> -> memref<32xi32, #tpu.memory_space<hbm>>
          tpu.enqueue_dma source(%dma_start3A_345 : memref<32xi32, #tpu.memory_space<hbm>>) target(%arg13 : memref<32xi32, #tpu.memory_space<vmem>>) target_semaphore(%run_scoped3A : memref<!tpu.dma_semaphore, #tpu.memory_space<semaphore_mem>>)
          %dma_wait3A_346 = tpu.memref_slice %arg6[%multiple_of3A_195] : memref<331776xi32, #tpu.memory_space<hbm>> -> memref<32xi32, #tpu.memory_space<hbm>>
          %dma_wait3A_347 = tpu.memref_slice %arg6[%multiple_of3A_195] : memref<331776xi32, #tpu.memory_space<hbm>> -> memref<32xi32, #tpu.memory_space<hbm>>
          tpu.wait_dma2 semaphore(%run_scoped3A : memref<!tpu.dma_semaphore, #tpu.memory_space<semaphore_mem>>) src(%dma_wait3A_347 : memref<32xi32, #tpu.memory_space<hbm>>) dst(%arg13 : memref<32xi32, #tpu.memory_space<vmem>>)
          tpu.yield
        }) : () -> ()
        %get3A_196 = arith.constant 0 : index
        %get3A_197 = tpu.vector_load %arg12[%get3A_196] {strides = array<i32>} : memref<32xi32, #tpu.memory_space<vmem>>, vector<16xi32>,
        %get3A_198 = arith.constant 0 : index
        %get3A_199 = tpu.vector_load %arg13[%get3A_198] {strides = array<i32>} : memref<32xi32, #tpu.memory_space<vmem>>, vector<16xi32>,
        %gather3A_200 = tpu.vector_load_idx %arg9[%get3A_197] : memref<10240xf32, #tpu.memory_space<vmem>>[vector<16xi32>], vector<16xf32>,
        %gather3A_201 = tpu.vector_load_idx %arg10[%get3A_199] : memref<10240xf32, #tpu.memory_space<vmem>>[vector<16xi32>], vector<16xf32>,
        %add3A_202 = arith.addf %gather3A_200, %gather3A_201 : vector<16xf32>
        %ge3A_203 = arith.constant 0.000000e+00 : f32
        %ge3A_204 = vector.broadcast %ge3A_203 : f32 to vector<16xf32>
        %ge3A_205 = arith.cmpf oge, %add3A_202, %ge3A_204 : vector<16xf32>
        %mul3A_206 = arith.constant 2.000000e-01 : f32
        %mul3A_207 = vector.broadcast %mul3A_206 : f32 to vector<16xf32>
        %mul3A_208 = arith.mulf %mul3A_207, %add3A_202 : vector<16xf32>
        %select_n3A_209 = arith.select %ge3A_205, %add3A_202, %mul3A_208 : vector<16xi1>, vector<16xf32>
        %exp3A_210 = math.exp %select_n3A_209 : vector<16xf32>
        %shift_right_logical3A_211 = arith.constant 4 : i32
        %shift_right_logical3A_212 = vector.broadcast %shift_right_logical3A_211 : i32 to vector<16xi32>
        %shift_right_logical3A_213 = arith.shrui %get3A_199, %shift_right_logical3A_212 : vector<16xi32>
        %and3A_214 = arith.constant 15 : i32
        %and3A_215 = vector.broadcast %and3A_214 : i32 to vector<16xi32>
        %and3A_216 = arith.andi %get3A_199, %and3A_215 : vector<16xi32>
        %gather3A_217 = tpu.vector_load_idx %arg11[%shift_right_logical3A_213, %and3A_216] : memref<640x16xf32, #tpu.memory_space<vmem>>[vector<16xi32>, vector<16xi32>], vector<16xf32>,
        %ge3A_218 = vector.broadcast %mul3A_36 : i32 to vector<16xi32>
        %ge3A_219 = arith.cmpi sge, %get3A_199, %ge3A_218 : vector<16xi32>
        %add3A_220 = arith.constant 1280 : i32
        %add3A_221 = arith.addi %mul3A_36, %add3A_220 : i32
        %lt3A_222 = vector.broadcast %add3A_221 : i32 to vector<16xi32>
        %lt3A_223 = arith.cmpi slt, %get3A_199, %lt3A_222 : vector<16xi32>
        %and3A_224 = arith.andi %ge3A_219, %lt3A_223 : vector<16xi1>
        %add3A_225 = arith.constant 1.000000e-16 : f32
        %add3A_226 = vector.broadcast %add3A_225 : f32 to vector<16xf32>
        %add3A_227 = arith.addf %gather3A_217, %add3A_226 : vector<16xf32>
        %div3A_228 = arith.divf %exp3A_210, %add3A_227 : vector<16xf32>
        %jit3A_229 = arith.constant 0.000000e+00 : f32
        %broadcast_in_dim3A_230 = vector.broadcast %jit3A_229 : f32 to vector<16xf32>
        %select_n3A_231 = arith.select %and3A_224, %div3A_228, %broadcast_in_dim3A_230 : vector<16xi1>, vector<16xf32>
        %swap3A_232 = arith.constant 0 : index
        %swap3A_233 = tpu.vector_load %arg19[%swap3A_232] {strides = array<i32>} : memref<32xf32, #tpu.memory_space<vmem>>, vector<16xf32>,
        tpu.vector_store %arg19[%swap3A_232], %select_n3A_231 {strides = array<i32>} : memref<32xf32, #tpu.memory_space<vmem>>, vector<16xf32>,
        %add3A_234 = arith.constant 0 : i32
        %add3A_235 = vector.broadcast %add3A_234 : i32 to vector<16xi32>
        %add3A_236 = arith.addi %iota3A, %add3A_235 : vector<16xi32>
        %and3A_237 = arith.constant 31 : i32
        %and3A_238 = vector.broadcast %and3A_237 : i32 to vector<16xi32>
        %and3A_239 = arith.andi %add3A_236, %and3A_238 : vector<16xi32>
        %add3A_240 = arith.constant 1280 : i32
        %add3A_241 = vector.broadcast %add3A_240 : i32 to vector<16xi32>
        %add3A_242 = arith.addi %add3A_241, %and3A_239 : vector<16xi32>
        %sub3A_243 = vector.broadcast %mul3A_36 : i32 to vector<16xi32>
        %sub3A_244 = arith.subi %get3A_199, %sub3A_243 : vector<16xi32>
        %select_n3A_245 = arith.select %and3A_224, %sub3A_244, %add3A_242 : vector<16xi1>, vector<16xi32>
        %swap3A_246 = arith.constant 0 : index
        %swap3A_247 = tpu.vector_load %arg17[%swap3A_246] {strides = array<i32>} : memref<32xi32, #tpu.memory_space<vmem>>, vector<16xi32>,
        tpu.vector_store %arg17[%swap3A_246], %select_n3A_245 {strides = array<i32>} : memref<32xi32, #tpu.memory_space<vmem>>, vector<16xi32>,
        %mul3A_248 = arith.constant 10240 : i32
        %mul3A_249 = arith.muli %arg0, %mul3A_248 : i32
        %add3A_250 = vector.broadcast %mul3A_249 : i32 to vector<16xi32>
        %add3A_251 = arith.addi %get3A_197, %add3A_250 : vector<16xi32>
        %swap3A_252 = arith.constant 0 : index
        %swap3A_253 = tpu.vector_load %arg15[%swap3A_252] {strides = array<i32>} : memref<32xi32, #tpu.memory_space<vmem>>, vector<16xi32>,
        tpu.vector_store %arg15[%swap3A_252], %add3A_251 {strides = array<i32>} : memref<32xi32, #tpu.memory_space<vmem>>, vector<16xi32>,
        %get3A_254 = arith.constant 16 : index
        %get3A_255 = tpu.vector_load %arg12[%get3A_254] {strides = array<i32>} : memref<32xi32, #tpu.memory_space<vmem>>, vector<16xi32>,
        %get3A_256 = arith.constant 16 : index
        %get3A_257 = tpu.vector_load %arg13[%get3A_256] {strides = array<i32>} : memref<32xi32, #tpu.memory_space<vmem>>, vector<16xi32>,
        %gather3A_258 = tpu.vector_load_idx %arg9[%get3A_255] : memref<10240xf32, #tpu.memory_space<vmem>>[vector<16xi32>], vector<16xf32>,
        %gather3A_259 = tpu.vector_load_idx %arg10[%get3A_257] : memref<10240xf32, #tpu.memory_space<vmem>>[vector<16xi32>], vector<16xf32>,
        %add3A_260 = arith.addf %gather3A_258, %gather3A_259 : vector<16xf32>
        %ge3A_261 = arith.constant 0.000000e+00 : f32
        %ge3A_262 = vector.broadcast %ge3A_261 : f32 to vector<16xf32>
        %ge3A_263 = arith.cmpf oge, %add3A_260, %ge3A_262 : vector<16xf32>
        %mul3A_264 = arith.constant 2.000000e-01 : f32
        %mul3A_265 = vector.broadcast %mul3A_264 : f32 to vector<16xf32>
        %mul3A_266 = arith.mulf %mul3A_265, %add3A_260 : vector<16xf32>
        %select_n3A_267 = arith.select %ge3A_263, %add3A_260, %mul3A_266 : vector<16xi1>, vector<16xf32>
        %exp3A_268 = math.exp %select_n3A_267 : vector<16xf32>
        %shift_right_logical3A_269 = arith.constant 4 : i32
        %shift_right_logical3A_270 = vector.broadcast %shift_right_logical3A_269 : i32 to vector<16xi32>
        %shift_right_logical3A_271 = arith.shrui %get3A_257, %shift_right_logical3A_270 : vector<16xi32>
        %and3A_272 = arith.constant 15 : i32
        %and3A_273 = vector.broadcast %and3A_272 : i32 to vector<16xi32>
        %and3A_274 = arith.andi %get3A_257, %and3A_273 : vector<16xi32>
        %gather3A_275 = tpu.vector_load_idx %arg11[%shift_right_logical3A_271, %and3A_274] : memref<640x16xf32, #tpu.memory_space<vmem>>[vector<16xi32>, vector<16xi32>], vector<16xf32>,
        %ge3A_276 = vector.broadcast %mul3A_36 : i32 to vector<16xi32>
        %ge3A_277 = arith.cmpi sge, %get3A_257, %ge3A_276 : vector<16xi32>
        %add3A_278 = arith.constant 1280 : i32
        %add3A_279 = arith.addi %mul3A_36, %add3A_278 : i32
        %lt3A_280 = vector.broadcast %add3A_279 : i32 to vector<16xi32>
        %lt3A_281 = arith.cmpi slt, %get3A_257, %lt3A_280 : vector<16xi32>
        %and3A_282 = arith.andi %ge3A_277, %lt3A_281 : vector<16xi1>
        %add3A_283 = arith.constant 1.000000e-16 : f32
        %add3A_284 = vector.broadcast %add3A_283 : f32 to vector<16xf32>
        %add3A_285 = arith.addf %gather3A_275, %add3A_284 : vector<16xf32>
        %div3A_286 = arith.divf %exp3A_268, %add3A_285 : vector<16xf32>
        %jit3A_287 = arith.constant 0.000000e+00 : f32
        %broadcast_in_dim3A_288 = vector.broadcast %jit3A_287 : f32 to vector<16xf32>
        %select_n3A_289 = arith.select %and3A_282, %div3A_286, %broadcast_in_dim3A_288 : vector<16xi1>, vector<16xf32>
        %swap3A_290 = arith.constant 16 : index
        %swap3A_291 = tpu.vector_load %arg19[%swap3A_290] {strides = array<i32>} : memref<32xf32, #tpu.memory_space<vmem>>, vector<16xf32>,
        tpu.vector_store %arg19[%swap3A_290], %select_n3A_289 {strides = array<i32>} : memref<32xf32, #tpu.memory_space<vmem>>, vector<16xf32>,
        %add3A_292 = arith.constant 16 : i32
        %add3A_293 = vector.broadcast %add3A_292 : i32 to vector<16xi32>
        %add3A_294 = arith.addi %iota3A, %add3A_293 : vector<16xi32>
        %and3A_295 = arith.constant 31 : i32
        %and3A_296 = vector.broadcast %and3A_295 : i32 to vector<16xi32>
        %and3A_297 = arith.andi %add3A_294, %and3A_296 : vector<16xi32>
        %add3A_298 = arith.constant 1280 : i32
        %add3A_299 = vector.broadcast %add3A_298 : i32 to vector<16xi32>
        %add3A_300 = arith.addi %add3A_299, %and3A_297 : vector<16xi32>
        %sub3A_301 = vector.broadcast %mul3A_36 : i32 to vector<16xi32>
        %sub3A_302 = arith.subi %get3A_257, %sub3A_301 : vector<16xi32>
        %select_n3A_303 = arith.select %and3A_282, %sub3A_302, %add3A_300 : vector<16xi1>, vector<16xi32>
        %swap3A_304 = arith.constant 16 : index
        %swap3A_305 = tpu.vector_load %arg17[%swap3A_304] {strides = array<i32>} : memref<32xi32, #tpu.memory_space<vmem>>, vector<16xi32>,
        tpu.vector_store %arg17[%swap3A_304], %select_n3A_303 {strides = array<i32>} : memref<32xi32, #tpu.memory_space<vmem>>, vector<16xi32>,
        %mul3A_306 = arith.constant 10240 : i32
        %mul3A_307 = arith.muli %arg0, %mul3A_306 : i32
        %add3A_308 = vector.broadcast %mul3A_307 : i32 to vector<16xi32>
        %add3A_309 = arith.addi %get3A_255, %add3A_308 : vector<16xi32>
        %swap3A_310 = arith.constant 16 : index
        %swap3A_311 = tpu.vector_load %arg15[%swap3A_310] {strides = array<i32>} : memref<32xi32, #tpu.memory_space<vmem>>, vector<16xi32>,
        tpu.vector_store %arg15[%swap3A_310], %add3A_309 {strides = array<i32>} : memref<32xi32, #tpu.memory_space<vmem>>, vector<16xi32>,
        %dma_start3A_312 = arith.constant 32 : i32
        %dma_start3A_313 = arith.constant 0 : i32
        %dma_start3A_314 = tpu.memref_slice %arg20[%dma_start3A_312, %dma_start3A_313] : memref<64x128xf32, #tpu.memory_space<vmem>> -> memref<32x128xf32, #tpu.memory_space<vmem>>
        %dma_start3A_315 = arith.constant 0 : i32
        %dma_start3A_316 = arith.constant 0 : i32
        %dma_start3A_317 = tpu.memref_slice %arg2[%dma_start3A_315, %dma_start3A_316] : memref<20480x128xf32, #tpu.memory_space<hbm>> -> memref<20480x128xf32, #tpu.memory_space<hbm>>
        tpu.enqueue_indirect_dma source(%dma_start3A_317 : memref<20480x128xf32, #tpu.memory_space<hbm>>) target(%dma_start3A_314 : memref<32x128xf32, #tpu.memory_space<vmem>>) offsets(%arg15 : memref<32xi32, #tpu.memory_space<vmem>>) semaphore(%arg24 : memref<!tpu.dma_semaphore, #tpu.memory_space<semaphore_mem>>)
        %dma_wait3A = arith.constant 0 : i32
        %dma_wait3A_318 = arith.constant 0 : i32
        %dma_wait3A_319 = tpu.memref_slice %arg20[%dma_wait3A, %dma_wait3A_318] : memref<64x128xf32, #tpu.memory_space<vmem>> -> memref<32x128xf32, #tpu.memory_space<vmem>>
        %dma_wait3A_320 = arith.constant 0 : i32
        %dma_wait3A_321 = arith.constant 0 : i32
        %dma_wait3A_322 = tpu.memref_slice %arg2[%dma_wait3A_320, %dma_wait3A_321] : memref<20480x128xf32, #tpu.memory_space<hbm>> -> memref<20480x128xf32, #tpu.memory_space<hbm>>
        tpu.wait_indirect_dma semaphore(%arg23 : memref<!tpu.dma_semaphore, #tpu.memory_space<semaphore_mem>>) src(%dma_wait3A_322 : memref<20480x128xf32, #tpu.memory_space<hbm>>) dst(%dma_wait3A_319 : memref<32x128xf32, #tpu.memory_space<vmem>>)
        %scan3A_323 = arith.constant 0 : i32
        %scan3A_324 = arith.constant 0 : i32
        %scan3A_325 = arith.constant 8 : i32
        %scan3A_326 = arith.addi %scan3A_324, %scan3A_325 : i32
        %scan3A_327 = arith.constant 1 : i32
        scf.for %scan3A_344 = %scan3A_324 to %scan3A_326 step %scan3A_327  : i32 {
          %mul3A_345 = arith.constant 4 : i32
          %mul3A_346 = arith.muli %scan3A_344, %mul3A_345 : i32
          %add3A_347 = arith.constant 0 : i32
          %add3A_348 = arith.addi %mul3A_346, %add3A_347 : i32
          %broadcast_in_dim3A_349 = vector.broadcast %add3A_348 : i32 to vector<16xi32>
          %gather3A_350 = tpu.vector_load_idx %arg18[%broadcast_in_dim3A_349] : memref<32xf32, #tpu.memory_space<vmem>>[vector<16xi32>], vector<16xf32>,
          %add3A_351 = arith.constant 0 : i32
          %add3A_352 = arith.addi %add3A_351, %mul3A_346 : i32
          %add3A_353 = arith.constant 0 : i32
          %add3A_354 = arith.addi %add3A_352, %add3A_353 : i32
          %get3A_355 = arith.index_cast %add3A_354 : i32 to index
          %get3A_356 = arith.constant 0 : index
          %get3A_357 = tpu.vector_load %arg20[%get3A_355, %get3A_356] {strides = array<i32>} : memref<64x128xf32, #tpu.memory_space<vmem>>, vector<16xf32>,
          %mul3A_358 = arith.mulf %get3A_357, %gather3A_350 : vector<16xf32>
          %add3A_359 = arith.constant 0 : i32
          %add3A_360 = arith.addi %add3A_359, %mul3A_346 : i32
          %add3A_361 = arith.constant 0 : i32
          %add3A_362 = arith.addi %add3A_360, %add3A_361 : i32
          %swap3A_363 = arith.index_cast %add3A_362 : i32 to index
          %swap3A_364 = arith.constant 0 : index
          %swap3A_365 = tpu.vector_load %arg20[%swap3A_363, %swap3A_364] {strides = array<i32>} : memref<64x128xf32, #tpu.memory_space<vmem>>, vector<16xf32>,
          tpu.vector_store %arg20[%swap3A_363, %swap3A_364], %mul3A_358 {strides = array<i32>} : memref<64x128xf32, #tpu.memory_space<vmem>>, vector<16xf32>,
          %add3A_366 = arith.constant 0 : i32
          %add3A_367 = arith.addi %add3A_366, %mul3A_346 : i32
          %add3A_368 = arith.constant 0 : i32
          %add3A_369 = arith.addi %add3A_367, %add3A_368 : i32
          %get3A_370 = arith.index_cast %add3A_369 : i32 to index
          %get3A_371 = arith.constant 16 : index
          %get3A_372 = tpu.vector_load %arg20[%get3A_370, %get3A_371] {strides = array<i32>} : memref<64x128xf32, #tpu.memory_space<vmem>>, vector<16xf32>,
          %mul3A_373 = arith.mulf %get3A_372, %gather3A_350 : vector<16xf32>
          %add3A_374 = arith.constant 0 : i32
          %add3A_375 = arith.addi %add3A_374, %mul3A_346 : i32
          %add3A_376 = arith.constant 0 : i32
          %add3A_377 = arith.addi %add3A_375, %add3A_376 : i32
          %swap3A_378 = arith.index_cast %add3A_377 : i32 to index
          %swap3A_379 = arith.constant 16 : index
          %swap3A_380 = tpu.vector_load %arg20[%swap3A_378, %swap3A_379] {strides = array<i32>} : memref<64x128xf32, #tpu.memory_space<vmem>>, vector<16xf32>,
          tpu.vector_store %arg20[%swap3A_378, %swap3A_379], %mul3A_373 {strides = array<i32>} : memref<64x128xf32, #tpu.memory_space<vmem>>, vector<16xf32>,
          %add3A_381 = arith.constant 0 : i32
          %add3A_382 = arith.addi %add3A_381, %mul3A_346 : i32
          %add3A_383 = arith.constant 0 : i32
          %add3A_384 = arith.addi %add3A_382, %add3A_383 : i32
          %get3A_385 = arith.index_cast %add3A_384 : i32 to index
          %get3A_386 = arith.constant 32 : index
          %get3A_387 = tpu.vector_load %arg20[%get3A_385, %get3A_386] {strides = array<i32>} : memref<64x128xf32, #tpu.memory_space<vmem>>, vector<16xf32>,
          %mul3A_388 = arith.mulf %get3A_387, %gather3A_350 : vector<16xf32>
          %add3A_389 = arith.constant 0 : i32
          %add3A_390 = arith.addi %add3A_389, %mul3A_346 : i32
          %add3A_391 = arith.constant 0 : i32
          %add3A_392 = arith.addi %add3A_390, %add3A_391 : i32
          %swap3A_393 = arith.index_cast %add3A_392 : i32 to index
          %swap3A_394 = arith.constant 32 : index
          %swap3A_395 = tpu.vector_load %arg20[%swap3A_393, %swap3A_394] {strides = array<i32>} : memref<64x128xf32, #tpu.memory_space<vmem>>, vector<16xf32>,
          tpu.vector_store %arg20[%swap3A_393, %swap3A_394], %mul3A_388 {strides = array<i32>} : memref<64x128xf32, #tpu.memory_space<vmem>>, vector<16xf32>,
          %add3A_396 = arith.constant 0 : i32
          %add3A_397 = arith.addi %add3A_396, %mul3A_346 : i32
          %add3A_398 = arith.constant 0 : i32
          %add3A_399 = arith.addi %add3A_397, %add3A_398 : i32
          %get3A_400 = arith.index_cast %add3A_399 : i32 to index
          %get3A_401 = arith.constant 48 : index
          %get3A_402 = tpu.vector_load %arg20[%get3A_400, %get3A_401] {strides = array<i32>} : memref<64x128xf32, #tpu.memory_space<vmem>>, vector<16xf32>,
          %mul3A_403 = arith.mulf %get3A_402, %gather3A_350 : vector<16xf32>
          %add3A_404 = arith.constant 0 : i32
          %add3A_405 = arith.addi %add3A_404, %mul3A_346 : i32
          %add3A_406 = arith.constant 0 : i32
          %add3A_407 = arith.addi %add3A_405, %add3A_406 : i32
          %swap3A_408 = arith.index_cast %add3A_407 : i32 to index
          %swap3A_409 = arith.constant 48 : index
          %swap3A_410 = tpu.vector_load %arg20[%swap3A_408, %swap3A_409] {strides = array<i32>} : memref<64x128xf32, #tpu.memory_space<vmem>>, vector<16xf32>,
          tpu.vector_store %arg20[%swap3A_408, %swap3A_409], %mul3A_403 {strides = array<i32>} : memref<64x128xf32, #tpu.memory_space<vmem>>, vector<16xf32>,
          %add3A_411 = arith.constant 0 : i32
          %add3A_412 = arith.addi %add3A_411, %mul3A_346 : i32
          %add3A_413 = arith.constant 0 : i32
          %add3A_414 = arith.addi %add3A_412, %add3A_413 : i32
          %get3A_415 = arith.index_cast %add3A_414 : i32 to index
          %get3A_416 = arith.constant 64 : index
          %get3A_417 = tpu.vector_load %arg20[%get3A_415, %get3A_416] {strides = array<i32>} : memref<64x128xf32, #tpu.memory_space<vmem>>, vector<16xf32>,
          %mul3A_418 = arith.mulf %get3A_417, %gather3A_350 : vector<16xf32>
          %add3A_419 = arith.constant 0 : i32
          %add3A_420 = arith.addi %add3A_419, %mul3A_346 : i32
          %add3A_421 = arith.constant 0 : i32
          %add3A_422 = arith.addi %add3A_420, %add3A_421 : i32
          %swap3A_423 = arith.index_cast %add3A_422 : i32 to index
          %swap3A_424 = arith.constant 64 : index
          %swap3A_425 = tpu.vector_load %arg20[%swap3A_423, %swap3A_424] {strides = array<i32>} : memref<64x128xf32, #tpu.memory_space<vmem>>, vector<16xf32>,
          tpu.vector_store %arg20[%swap3A_423, %swap3A_424], %mul3A_418 {strides = array<i32>} : memref<64x128xf32, #tpu.memory_space<vmem>>, vector<16xf32>,
          %add3A_426 = arith.constant 0 : i32
          %add3A_427 = arith.addi %add3A_426, %mul3A_346 : i32
          %add3A_428 = arith.constant 0 : i32
          %add3A_429 = arith.addi %add3A_427, %add3A_428 : i32
          %get3A_430 = arith.index_cast %add3A_429 : i32 to index
          %get3A_431 = arith.constant 80 : index
          %get3A_432 = tpu.vector_load %arg20[%get3A_430, %get3A_431] {strides = array<i32>} : memref<64x128xf32, #tpu.memory_space<vmem>>, vector<16xf32>,
          %mul3A_433 = arith.mulf %get3A_432, %gather3A_350 : vector<16xf32>
          %add3A_434 = arith.constant 0 : i32
          %add3A_435 = arith.addi %add3A_434, %mul3A_346 : i32
          %add3A_436 = arith.constant 0 : i32
          %add3A_437 = arith.addi %add3A_435, %add3A_436 : i32
          %swap3A_438 = arith.index_cast %add3A_437 : i32 to index
          %swap3A_439 = arith.constant 80 : index
          %swap3A_440 = tpu.vector_load %arg20[%swap3A_438, %swap3A_439] {strides = array<i32>} : memref<64x128xf32, #tpu.memory_space<vmem>>, vector<16xf32>,
          tpu.vector_store %arg20[%swap3A_438, %swap3A_439], %mul3A_433 {strides = array<i32>} : memref<64x128xf32, #tpu.memory_space<vmem>>, vector<16xf32>,
          %add3A_441 = arith.constant 0 : i32
          %add3A_442 = arith.addi %add3A_441, %mul3A_346 : i32
          %add3A_443 = arith.constant 0 : i32
          %add3A_444 = arith.addi %add3A_442, %add3A_443 : i32
          %get3A_445 = arith.index_cast %add3A_444 : i32 to index
          %get3A_446 = arith.constant 96 : index
          %get3A_447 = tpu.vector_load %arg20[%get3A_445, %get3A_446] {strides = array<i32>} : memref<64x128xf32, #tpu.memory_space<vmem>>, vector<16xf32>,
          %mul3A_448 = arith.mulf %get3A_447, %gather3A_350 : vector<16xf32>
          %add3A_449 = arith.constant 0 : i32
          %add3A_450 = arith.addi %add3A_449, %mul3A_346 : i32
          %add3A_451 = arith.constant 0 : i32
          %add3A_452 = arith.addi %add3A_450, %add3A_451 : i32
          %swap3A_453 = arith.index_cast %add3A_452 : i32 to index
          %swap3A_454 = arith.constant 96 : index
          %swap3A_455 = tpu.vector_load %arg20[%swap3A_453, %swap3A_454] {strides = array<i32>} : memref<64x128xf32, #tpu.memory_space<vmem>>, vector<16xf32>,
          tpu.vector_store %arg20[%swap3A_453, %swap3A_454], %mul3A_448 {strides = array<i32>} : memref<64x128xf32, #tpu.memory_space<vmem>>, vector<16xf32>,
          %add3A_456 = arith.constant 0 : i32
          %add3A_457 = arith.addi %add3A_456, %mul3A_346 : i32
          %add3A_458 = arith.constant 0 : i32
          %add3A_459 = arith.addi %add3A_457, %add3A_458 : i32
          %get3A_460 = arith.index_cast %add3A_459 : i32 to index
          %get3A_461 = arith.constant 112 : index
          %get3A_462 = tpu.vector_load %arg20[%get3A_460, %get3A_461] {strides = array<i32>} : memref<64x128xf32, #tpu.memory_space<vmem>>, vector<16xf32>,
          %mul3A_463 = arith.mulf %get3A_462, %gather3A_350 : vector<16xf32>
          %add3A_464 = arith.constant 0 : i32
          %add3A_465 = arith.addi %add3A_464, %mul3A_346 : i32
          %add3A_466 = arith.constant 0 : i32
          %add3A_467 = arith.addi %add3A_465, %add3A_466 : i32
          %swap3A_468 = arith.index_cast %add3A_467 : i32 to index
          %swap3A_469 = arith.constant 112 : index
          %swap3A_470 = tpu.vector_load %arg20[%swap3A_468, %swap3A_469] {strides = array<i32>} : memref<64x128xf32, #tpu.memory_space<vmem>>, vector<16xf32>,
          tpu.vector_store %arg20[%swap3A_468, %swap3A_469], %mul3A_463 {strides = array<i32>} : memref<64x128xf32, #tpu.memory_space<vmem>>, vector<16xf32>,
          %add3A_471 = arith.constant 1 : i32
          %add3A_472 = arith.addi %mul3A_346, %add3A_471 : i32
          %broadcast_in_dim3A_473 = vector.broadcast %add3A_472 : i32 to vector<16xi32>
          %gather3A_474 = tpu.vector_load_idx %arg18[%broadcast_in_dim3A_473] : memref<32xf32, #tpu.memory_space<vmem>>[vector<16xi32>], vector<16xf32>,
          %add3A_475 = arith.constant 0 : i32
          %add3A_476 = arith.addi %add3A_475, %mul3A_346 : i32
          %add3A_477 = arith.constant 1 : i32
          %add3A_478 = arith.addi %add3A_476, %add3A_477 : i32
          %get3A_479 = arith.index_cast %add3A_478 : i32 to index
          %get3A_480 = arith.constant 0 : index
          %get3A_481 = tpu.vector_load %arg20[%get3A_479, %get3A_480] {strides = array<i32>} : memref<64x128xf32, #tpu.memory_space<vmem>>, vector<16xf32>,
          %mul3A_482 = arith.mulf %get3A_481, %gather3A_474 : vector<16xf32>
          %add3A_483 = arith.constant 0 : i32
          %add3A_484 = arith.addi %add3A_483, %mul3A_346 : i32
          %add3A_485 = arith.constant 1 : i32
          %add3A_486 = arith.addi %add3A_484, %add3A_485 : i32
          %swap3A_487 = arith.index_cast %add3A_486 : i32 to index
          %swap3A_488 = arith.constant 0 : index
          %swap3A_489 = tpu.vector_load %arg20[%swap3A_487, %swap3A_488] {strides = array<i32>} : memref<64x128xf32, #tpu.memory_space<vmem>>, vector<16xf32>,
          tpu.vector_store %arg20[%swap3A_487, %swap3A_488], %mul3A_482 {strides = array<i32>} : memref<64x128xf32, #tpu.memory_space<vmem>>, vector<16xf32>,
          %add3A_490 = arith.constant 0 : i32
          %add3A_491 = arith.addi %add3A_490, %mul3A_346 : i32
          %add3A_492 = arith.constant 1 : i32
          %add3A_493 = arith.addi %add3A_491, %add3A_492 : i32
          %get3A_494 = arith.index_cast %add3A_493 : i32 to index
          %get3A_495 = arith.constant 16 : index
          %get3A_496 = tpu.vector_load %arg20[%get3A_494, %get3A_495] {strides = array<i32>} : memref<64x128xf32, #tpu.memory_space<vmem>>, vector<16xf32>,
          %mul3A_497 = arith.mulf %get3A_496, %gather3A_474 : vector<16xf32>
          %add3A_498 = arith.constant 0 : i32
          %add3A_499 = arith.addi %add3A_498, %mul3A_346 : i32
          %add3A_500 = arith.constant 1 : i32
          %add3A_501 = arith.addi %add3A_499, %add3A_500 : i32
          %swap3A_502 = arith.index_cast %add3A_501 : i32 to index
          %swap3A_503 = arith.constant 16 : index
          %swap3A_504 = tpu.vector_load %arg20[%swap3A_502, %swap3A_503] {strides = array<i32>} : memref<64x128xf32, #tpu.memory_space<vmem>>, vector<16xf32>,
          tpu.vector_store %arg20[%swap3A_502, %swap3A_503], %mul3A_497 {strides = array<i32>} : memref<64x128xf32, #tpu.memory_space<vmem>>, vector<16xf32>,
          %add3A_505 = arith.constant 0 : i32
          %add3A_506 = arith.addi %add3A_505, %mul3A_346 : i32
          %add3A_507 = arith.constant 1 : i32
          %add3A_508 = arith.addi %add3A_506, %add3A_507 : i32
          %get3A_509 = arith.index_cast %add3A_508 : i32 to index
          %get3A_510 = arith.constant 32 : index
          %get3A_511 = tpu.vector_load %arg20[%get3A_509, %get3A_510] {strides = array<i32>} : memref<64x128xf32, #tpu.memory_space<vmem>>, vector<16xf32>,
          %mul3A_512 = arith.mulf %get3A_511, %gather3A_474 : vector<16xf32>
          %add3A_513 = arith.constant 0 : i32
          %add3A_514 = arith.addi %add3A_513, %mul3A_346 : i32
          %add3A_515 = arith.constant 1 : i32
          %add3A_516 = arith.addi %add3A_514, %add3A_515 : i32
          %swap3A_517 = arith.index_cast %add3A_516 : i32 to index
          %swap3A_518 = arith.constant 32 : index
          %swap3A_519 = tpu.vector_load %arg20[%swap3A_517, %swap3A_518] {strides = array<i32>} : memref<64x128xf32, #tpu.memory_space<vmem>>, vector<16xf32>,
          tpu.vector_store %arg20[%swap3A_517, %swap3A_518], %mul3A_512 {strides = array<i32>} : memref<64x128xf32, #tpu.memory_space<vmem>>, vector<16xf32>,
          %add3A_520 = arith.constant 0 : i32
          %add3A_521 = arith.addi %add3A_520, %mul3A_346 : i32
          %add3A_522 = arith.constant 1 : i32
          %add3A_523 = arith.addi %add3A_521, %add3A_522 : i32
          %get3A_524 = arith.index_cast %add3A_523 : i32 to index
          %get3A_525 = arith.constant 48 : index
          %get3A_526 = tpu.vector_load %arg20[%get3A_524, %get3A_525] {strides = array<i32>} : memref<64x128xf32, #tpu.memory_space<vmem>>, vector<16xf32>,
          %mul3A_527 = arith.mulf %get3A_526, %gather3A_474 : vector<16xf32>
          %add3A_528 = arith.constant 0 : i32
          %add3A_529 = arith.addi %add3A_528, %mul3A_346 : i32
          %add3A_530 = arith.constant 1 : i32
          %add3A_531 = arith.addi %add3A_529, %add3A_530 : i32
          %swap3A_532 = arith.index_cast %add3A_531 : i32 to index
          %swap3A_533 = arith.constant 48 : index
          %swap3A_534 = tpu.vector_load %arg20[%swap3A_532, %swap3A_533] {strides = array<i32>} : memref<64x128xf32, #tpu.memory_space<vmem>>, vector<16xf32>,
          tpu.vector_store %arg20[%swap3A_532, %swap3A_533], %mul3A_527 {strides = array<i32>} : memref<64x128xf32, #tpu.memory_space<vmem>>, vector<16xf32>,
          %add3A_535 = arith.constant 0 : i32
          %add3A_536 = arith.addi %add3A_535, %mul3A_346 : i32
          %add3A_537 = arith.constant 1 : i32
          %add3A_538 = arith.addi %add3A_536, %add3A_537 : i32
          %get3A_539 = arith.index_cast %add3A_538 : i32 to index
          %get3A_540 = arith.constant 64 : index
          %get3A_541 = tpu.vector_load %arg20[%get3A_539, %get3A_540] {strides = array<i32>} : memref<64x128xf32, #tpu.memory_space<vmem>>, vector<16xf32>,
          %mul3A_542 = arith.mulf %get3A_541, %gather3A_474 : vector<16xf32>
          %add3A_543 = arith.constant 0 : i32
          %add3A_544 = arith.addi %add3A_543, %mul3A_346 : i32
          %add3A_545 = arith.constant 1 : i32
          %add3A_546 = arith.addi %add3A_544, %add3A_545 : i32
          %swap3A_547 = arith.index_cast %add3A_546 : i32 to index
          %swap3A_548 = arith.constant 64 : index
          %swap3A_549 = tpu.vector_load %arg20[%swap3A_547, %swap3A_548] {strides = array<i32>} : memref<64x128xf32, #tpu.memory_space<vmem>>, vector<16xf32>,
          tpu.vector_store %arg20[%swap3A_547, %swap3A_548], %mul3A_542 {strides = array<i32>} : memref<64x128xf32, #tpu.memory_space<vmem>>, vector<16xf32>,
          %add3A_550 = arith.constant 0 : i32
          %add3A_551 = arith.addi %add3A_550, %mul3A_346 : i32
          %add3A_552 = arith.constant 1 : i32
          %add3A_553 = arith.addi %add3A_551, %add3A_552 : i32
          %get3A_554 = arith.index_cast %add3A_553 : i32 to index
          %get3A_555 = arith.constant 80 : index
          %get3A_556 = tpu.vector_load %arg20[%get3A_554, %get3A_555] {strides = array<i32>} : memref<64x128xf32, #tpu.memory_space<vmem>>, vector<16xf32>,
          %mul3A_557 = arith.mulf %get3A_556, %gather3A_474 : vector<16xf32>
          %add3A_558 = arith.constant 0 : i32
          %add3A_559 = arith.addi %add3A_558, %mul3A_346 : i32
          %add3A_560 = arith.constant 1 : i32
          %add3A_561 = arith.addi %add3A_559, %add3A_560 : i32
          %swap3A_562 = arith.index_cast %add3A_561 : i32 to index
          %swap3A_563 = arith.constant 80 : index
          %swap3A_564 = tpu.vector_load %arg20[%swap3A_562, %swap3A_563] {strides = array<i32>} : memref<64x128xf32, #tpu.memory_space<vmem>>, vector<16xf32>,
          tpu.vector_store %arg20[%swap3A_562, %swap3A_563], %mul3A_557 {strides = array<i32>} : memref<64x128xf32, #tpu.memory_space<vmem>>, vector<16xf32>,
          %add3A_565 = arith.constant 0 : i32
          %add3A_566 = arith.addi %add3A_565, %mul3A_346 : i32
          %add3A_567 = arith.constant 1 : i32
          %add3A_568 = arith.addi %add3A_566, %add3A_567 : i32
          %get3A_569 = arith.index_cast %add3A_568 : i32 to index
          %get3A_570 = arith.constant 96 : index
          %get3A_571 = tpu.vector_load %arg20[%get3A_569, %get3A_570] {strides = array<i32>} : memref<64x128xf32, #tpu.memory_space<vmem>>, vector<16xf32>,
          %mul3A_572 = arith.mulf %get3A_571, %gather3A_474 : vector<16xf32>
          %add3A_573 = arith.constant 0 : i32
          %add3A_574 = arith.addi %add3A_573, %mul3A_346 : i32
          %add3A_575 = arith.constant 1 : i32
          %add3A_576 = arith.addi %add3A_574, %add3A_575 : i32
          %swap3A_577 = arith.index_cast %add3A_576 : i32 to index
          %swap3A_578 = arith.constant 96 : index
          %swap3A_579 = tpu.vector_load %arg20[%swap3A_577, %swap3A_578] {strides = array<i32>} : memref<64x128xf32, #tpu.memory_space<vmem>>, vector<16xf32>,
          tpu.vector_store %arg20[%swap3A_577, %swap3A_578], %mul3A_572 {strides = array<i32>} : memref<64x128xf32, #tpu.memory_space<vmem>>, vector<16xf32>,
          %add3A_580 = arith.constant 0 : i32
          %add3A_581 = arith.addi %add3A_580, %mul3A_346 : i32
          %add3A_582 = arith.constant 1 : i32
          %add3A_583 = arith.addi %add3A_581, %add3A_582 : i32
          %get3A_584 = arith.index_cast %add3A_583 : i32 to index
          %get3A_585 = arith.constant 112 : index
          %get3A_586 = tpu.vector_load %arg20[%get3A_584, %get3A_585] {strides = array<i32>} : memref<64x128xf32, #tpu.memory_space<vmem>>, vector<16xf32>,
          %mul3A_587 = arith.mulf %get3A_586, %gather3A_474 : vector<16xf32>
          %add3A_588 = arith.constant 0 : i32
          %add3A_589 = arith.addi %add3A_588, %mul3A_346 : i32
          %add3A_590 = arith.constant 1 : i32
          %add3A_591 = arith.addi %add3A_589, %add3A_590 : i32
          %swap3A_592 = arith.index_cast %add3A_591 : i32 to index
          %swap3A_593 = arith.constant 112 : index
          %swap3A_594 = tpu.vector_load %arg20[%swap3A_592, %swap3A_593] {strides = array<i32>} : memref<64x128xf32, #tpu.memory_space<vmem>>, vector<16xf32>,
          tpu.vector_store %arg20[%swap3A_592, %swap3A_593], %mul3A_587 {strides = array<i32>} : memref<64x128xf32, #tpu.memory_space<vmem>>, vector<16xf32>,
          %add3A_595 = arith.constant 2 : i32
          %add3A_596 = arith.addi %mul3A_346, %add3A_595 : i32
          %broadcast_in_dim3A_597 = vector.broadcast %add3A_596 : i32 to vector<16xi32>
          %gather3A_598 = tpu.vector_load_idx %arg18[%broadcast_in_dim3A_597] : memref<32xf32, #tpu.memory_space<vmem>>[vector<16xi32>], vector<16xf32>,
          %add3A_599 = arith.constant 0 : i32
          %add3A_600 = arith.addi %add3A_599, %mul3A_346 : i32
          %add3A_601 = arith.constant 2 : i32
          %add3A_602 = arith.addi %add3A_600, %add3A_601 : i32
          %get3A_603 = arith.index_cast %add3A_602 : i32 to index
          %get3A_604 = arith.constant 0 : index
          %get3A_605 = tpu.vector_load %arg20[%get3A_603, %get3A_604] {strides = array<i32>} : memref<64x128xf32, #tpu.memory_space<vmem>>, vector<16xf32>,
          %mul3A_606 = arith.mulf %get3A_605, %gather3A_598 : vector<16xf32>
          %add3A_607 = arith.constant 0 : i32
          %add3A_608 = arith.addi %add3A_607, %mul3A_346 : i32
          %add3A_609 = arith.constant 2 : i32
          %add3A_610 = arith.addi %add3A_608, %add3A_609 : i32
          %swap3A_611 = arith.index_cast %add3A_610 : i32 to index
          %swap3A_612 = arith.constant 0 : index
          %swap3A_613 = tpu.vector_load %arg20[%swap3A_611, %swap3A_612] {strides = array<i32>} : memref<64x128xf32, #tpu.memory_space<vmem>>, vector<16xf32>,
          tpu.vector_store %arg20[%swap3A_611, %swap3A_612], %mul3A_606 {strides = array<i32>} : memref<64x128xf32, #tpu.memory_space<vmem>>, vector<16xf32>,
          %add3A_614 = arith.constant 0 : i32
          %add3A_615 = arith.addi %add3A_614, %mul3A_346 : i32
          %add3A_616 = arith.constant 2 : i32
          %add3A_617 = arith.addi %add3A_615, %add3A_616 : i32
          %get3A_618 = arith.index_cast %add3A_617 : i32 to index
          %get3A_619 = arith.constant 16 : index
          %get3A_620 = tpu.vector_load %arg20[%get3A_618, %get3A_619] {strides = array<i32>} : memref<64x128xf32, #tpu.memory_space<vmem>>, vector<16xf32>,
          %mul3A_621 = arith.mulf %get3A_620, %gather3A_598 : vector<16xf32>
          %add3A_622 = arith.constant 0 : i32
          %add3A_623 = arith.addi %add3A_622, %mul3A_346 : i32
          %add3A_624 = arith.constant 2 : i32
          %add3A_625 = arith.addi %add3A_623, %add3A_624 : i32
          %swap3A_626 = arith.index_cast %add3A_625 : i32 to index
          %swap3A_627 = arith.constant 16 : index
          %swap3A_628 = tpu.vector_load %arg20[%swap3A_626, %swap3A_627] {strides = array<i32>} : memref<64x128xf32, #tpu.memory_space<vmem>>, vector<16xf32>,
          tpu.vector_store %arg20[%swap3A_626, %swap3A_627], %mul3A_621 {strides = array<i32>} : memref<64x128xf32, #tpu.memory_space<vmem>>, vector<16xf32>,
          %add3A_629 = arith.constant 0 : i32
          %add3A_630 = arith.addi %add3A_629, %mul3A_346 : i32
          %add3A_631 = arith.constant 2 : i32
          %add3A_632 = arith.addi %add3A_630, %add3A_631 : i32
          %get3A_633 = arith.index_cast %add3A_632 : i32 to index
          %get3A_634 = arith.constant 32 : index
          %get3A_635 = tpu.vector_load %arg20[%get3A_633, %get3A_634] {strides = array<i32>} : memref<64x128xf32, #tpu.memory_space<vmem>>, vector<16xf32>,
          %mul3A_636 = arith.mulf %get3A_635, %gather3A_598 : vector<16xf32>
          %add3A_637 = arith.constant 0 : i32
          %add3A_638 = arith.addi %add3A_637, %mul3A_346 : i32
          %add3A_639 = arith.constant 2 : i32
          %add3A_640 = arith.addi %add3A_638, %add3A_639 : i32
          %swap3A_641 = arith.index_cast %add3A_640 : i32 to index
          %swap3A_642 = arith.constant 32 : index
          %swap3A_643 = tpu.vector_load %arg20[%swap3A_641, %swap3A_642] {strides = array<i32>} : memref<64x128xf32, #tpu.memory_space<vmem>>, vector<16xf32>,
          tpu.vector_store %arg20[%swap3A_641, %swap3A_642], %mul3A_636 {strides = array<i32>} : memref<64x128xf32, #tpu.memory_space<vmem>>, vector<16xf32>,
          %add3A_644 = arith.constant 0 : i32
          %add3A_645 = arith.addi %add3A_644, %mul3A_346 : i32
          %add3A_646 = arith.constant 2 : i32
          %add3A_647 = arith.addi %add3A_645, %add3A_646 : i32
          %get3A_648 = arith.index_cast %add3A_647 : i32 to index
          %get3A_649 = arith.constant 48 : index
          %get3A_650 = tpu.vector_load %arg20[%get3A_648, %get3A_649] {strides = array<i32>} : memref<64x128xf32, #tpu.memory_space<vmem>>, vector<16xf32>,
          %mul3A_651 = arith.mulf %get3A_650, %gather3A_598 : vector<16xf32>
          %add3A_652 = arith.constant 0 : i32
          %add3A_653 = arith.addi %add3A_652, %mul3A_346 : i32
          %add3A_654 = arith.constant 2 : i32
          %add3A_655 = arith.addi %add3A_653, %add3A_654 : i32
          %swap3A_656 = arith.index_cast %add3A_655 : i32 to index
          %swap3A_657 = arith.constant 48 : index
          %swap3A_658 = tpu.vector_load %arg20[%swap3A_656, %swap3A_657] {strides = array<i32>} : memref<64x128xf32, #tpu.memory_space<vmem>>, vector<16xf32>,
          tpu.vector_store %arg20[%swap3A_656, %swap3A_657], %mul3A_651 {strides = array<i32>} : memref<64x128xf32, #tpu.memory_space<vmem>>, vector<16xf32>,
          %add3A_659 = arith.constant 0 : i32
          %add3A_660 = arith.addi %add3A_659, %mul3A_346 : i32
          %add3A_661 = arith.constant 2 : i32
          %add3A_662 = arith.addi %add3A_660, %add3A_661 : i32
          %get3A_663 = arith.index_cast %add3A_662 : i32 to index
          %get3A_664 = arith.constant 64 : index
          %get3A_665 = tpu.vector_load %arg20[%get3A_663, %get3A_664] {strides = array<i32>} : memref<64x128xf32, #tpu.memory_space<vmem>>, vector<16xf32>,
          %mul3A_666 = arith.mulf %get3A_665, %gather3A_598 : vector<16xf32>
          %add3A_667 = arith.constant 0 : i32
          %add3A_668 = arith.addi %add3A_667, %mul3A_346 : i32
          %add3A_669 = arith.constant 2 : i32
          %add3A_670 = arith.addi %add3A_668, %add3A_669 : i32
          %swap3A_671 = arith.index_cast %add3A_670 : i32 to index
          %swap3A_672 = arith.constant 64 : index
          %swap3A_673 = tpu.vector_load %arg20[%swap3A_671, %swap3A_672] {strides = array<i32>} : memref<64x128xf32, #tpu.memory_space<vmem>>, vector<16xf32>,
          tpu.vector_store %arg20[%swap3A_671, %swap3A_672], %mul3A_666 {strides = array<i32>} : memref<64x128xf32, #tpu.memory_space<vmem>>, vector<16xf32>,
          %add3A_674 = arith.constant 0 : i32
          %add3A_675 = arith.addi %add3A_674, %mul3A_346 : i32
          %add3A_676 = arith.constant 2 : i32
          %add3A_677 = arith.addi %add3A_675, %add3A_676 : i32
          %get3A_678 = arith.index_cast %add3A_677 : i32 to index
          %get3A_679 = arith.constant 80 : index
          %get3A_680 = tpu.vector_load %arg20[%get3A_678, %get3A_679] {strides = array<i32>} : memref<64x128xf32, #tpu.memory_space<vmem>>, vector<16xf32>,
          %mul3A_681 = arith.mulf %get3A_680, %gather3A_598 : vector<16xf32>
          %add3A_682 = arith.constant 0 : i32
          %add3A_683 = arith.addi %add3A_682, %mul3A_346 : i32
          %add3A_684 = arith.constant 2 : i32
          %add3A_685 = arith.addi %add3A_683, %add3A_684 : i32
          %swap3A_686 = arith.index_cast %add3A_685 : i32 to index
          %swap3A_687 = arith.constant 80 : index
          %swap3A_688 = tpu.vector_load %arg20[%swap3A_686, %swap3A_687] {strides = array<i32>} : memref<64x128xf32, #tpu.memory_space<vmem>>, vector<16xf32>,
          tpu.vector_store %arg20[%swap3A_686, %swap3A_687], %mul3A_681 {strides = array<i32>} : memref<64x128xf32, #tpu.memory_space<vmem>>, vector<16xf32>,
          %add3A_689 = arith.constant 0 : i32
          %add3A_690 = arith.addi %add3A_689, %mul3A_346 : i32
          %add3A_691 = arith.constant 2 : i32
          %add3A_692 = arith.addi %add3A_690, %add3A_691 : i32
          %get3A_693 = arith.index_cast %add3A_692 : i32 to index
          %get3A_694 = arith.constant 96 : index
          %get3A_695 = tpu.vector_load %arg20[%get3A_693, %get3A_694] {strides = array<i32>} : memref<64x128xf32, #tpu.memory_space<vmem>>, vector<16xf32>,
          %mul3A_696 = arith.mulf %get3A_695, %gather3A_598 : vector<16xf32>
          %add3A_697 = arith.constant 0 : i32
          %add3A_698 = arith.addi %add3A_697, %mul3A_346 : i32
          %add3A_699 = arith.constant 2 : i32
          %add3A_700 = arith.addi %add3A_698, %add3A_699 : i32
          %swap3A_701 = arith.index_cast %add3A_700 : i32 to index
          %swap3A_702 = arith.constant 96 : index
          %swap3A_703 = tpu.vector_load %arg20[%swap3A_701, %swap3A_702] {strides = array<i32>} : memref<64x128xf32, #tpu.memory_space<vmem>>, vector<16xf32>,
          tpu.vector_store %arg20[%swap3A_701, %swap3A_702], %mul3A_696 {strides = array<i32>} : memref<64x128xf32, #tpu.memory_space<vmem>>, vector<16xf32>,
          %add3A_704 = arith.constant 0 : i32
          %add3A_705 = arith.addi %add3A_704, %mul3A_346 : i32
          %add3A_706 = arith.constant 2 : i32
          %add3A_707 = arith.addi %add3A_705, %add3A_706 : i32
          %get3A_708 = arith.index_cast %add3A_707 : i32 to index
          %get3A_709 = arith.constant 112 : index
          %get3A_710 = tpu.vector_load %arg20[%get3A_708, %get3A_709] {strides = array<i32>} : memref<64x128xf32, #tpu.memory_space<vmem>>, vector<16xf32>,
          %mul3A_711 = arith.mulf %get3A_710, %gather3A_598 : vector<16xf32>
          %add3A_712 = arith.constant 0 : i32
          %add3A_713 = arith.addi %add3A_712, %mul3A_346 : i32
          %add3A_714 = arith.constant 2 : i32
          %add3A_715 = arith.addi %add3A_713, %add3A_714 : i32
          %swap3A_716 = arith.index_cast %add3A_715 : i32 to index
          %swap3A_717 = arith.constant 112 : index
          %swap3A_718 = tpu.vector_load %arg20[%swap3A_716, %swap3A_717] {strides = array<i32>} : memref<64x128xf32, #tpu.memory_space<vmem>>, vector<16xf32>,
          tpu.vector_store %arg20[%swap3A_716, %swap3A_717], %mul3A_711 {strides = array<i32>} : memref<64x128xf32, #tpu.memory_space<vmem>>, vector<16xf32>,
          %add3A_719 = arith.constant 3 : i32
          %add3A_720 = arith.addi %mul3A_346, %add3A_719 : i32
          %broadcast_in_dim3A_721 = vector.broadcast %add3A_720 : i32 to vector<16xi32>
          %gather3A_722 = tpu.vector_load_idx %arg18[%broadcast_in_dim3A_721] : memref<32xf32, #tpu.memory_space<vmem>>[vector<16xi32>], vector<16xf32>,
          %add3A_723 = arith.constant 0 : i32
          %add3A_724 = arith.addi %add3A_723, %mul3A_346 : i32
          %add3A_725 = arith.constant 3 : i32
          %add3A_726 = arith.addi %add3A_724, %add3A_725 : i32
          %get3A_727 = arith.index_cast %add3A_726 : i32 to index
          %get3A_728 = arith.constant 0 : index
          %get3A_729 = tpu.vector_load %arg20[%get3A_727, %get3A_728] {strides = array<i32>} : memref<64x128xf32, #tpu.memory_space<vmem>>, vector<16xf32>,
          %mul3A_730 = arith.mulf %get3A_729, %gather3A_722 : vector<16xf32>
          %add3A_731 = arith.constant 0 : i32
          %add3A_732 = arith.addi %add3A_731, %mul3A_346 : i32
          %add3A_733 = arith.constant 3 : i32
          %add3A_734 = arith.addi %add3A_732, %add3A_733 : i32
          %swap3A_735 = arith.index_cast %add3A_734 : i32 to index
          %swap3A_736 = arith.constant 0 : index
          %swap3A_737 = tpu.vector_load %arg20[%swap3A_735, %swap3A_736] {strides = array<i32>} : memref<64x128xf32, #tpu.memory_space<vmem>>, vector<16xf32>,
          tpu.vector_store %arg20[%swap3A_735, %swap3A_736], %mul3A_730 {strides = array<i32>} : memref<64x128xf32, #tpu.memory_space<vmem>>, vector<16xf32>,
          %add3A_738 = arith.constant 0 : i32
          %add3A_739 = arith.addi %add3A_738, %mul3A_346 : i32
          %add3A_740 = arith.constant 3 : i32
          %add3A_741 = arith.addi %add3A_739, %add3A_740 : i32
          %get3A_742 = arith.index_cast %add3A_741 : i32 to index
          %get3A_743 = arith.constant 16 : index
          %get3A_744 = tpu.vector_load %arg20[%get3A_742, %get3A_743] {strides = array<i32>} : memref<64x128xf32, #tpu.memory_space<vmem>>, vector<16xf32>,
          %mul3A_745 = arith.mulf %get3A_744, %gather3A_722 : vector<16xf32>
          %add3A_746 = arith.constant 0 : i32
          %add3A_747 = arith.addi %add3A_746, %mul3A_346 : i32
          %add3A_748 = arith.constant 3 : i32
          %add3A_749 = arith.addi %add3A_747, %add3A_748 : i32
          %swap3A_750 = arith.index_cast %add3A_749 : i32 to index
          %swap3A_751 = arith.constant 16 : index
          %swap3A_752 = tpu.vector_load %arg20[%swap3A_750, %swap3A_751] {strides = array<i32>} : memref<64x128xf32, #tpu.memory_space<vmem>>, vector<16xf32>,
          tpu.vector_store %arg20[%swap3A_750, %swap3A_751], %mul3A_745 {strides = array<i32>} : memref<64x128xf32, #tpu.memory_space<vmem>>, vector<16xf32>,
          %add3A_753 = arith.constant 0 : i32
          %add3A_754 = arith.addi %add3A_753, %mul3A_346 : i32
          %add3A_755 = arith.constant 3 : i32
          %add3A_756 = arith.addi %add3A_754, %add3A_755 : i32
          %get3A_757 = arith.index_cast %add3A_756 : i32 to index
          %get3A_758 = arith.constant 32 : index
          %get3A_759 = tpu.vector_load %arg20[%get3A_757, %get3A_758] {strides = array<i32>} : memref<64x128xf32, #tpu.memory_space<vmem>>, vector<16xf32>,
          %mul3A_760 = arith.mulf %get3A_759, %gather3A_722 : vector<16xf32>
          %add3A_761 = arith.constant 0 : i32
          %add3A_762 = arith.addi %add3A_761, %mul3A_346 : i32
          %add3A_763 = arith.constant 3 : i32
          %add3A_764 = arith.addi %add3A_762, %add3A_763 : i32
          %swap3A_765 = arith.index_cast %add3A_764 : i32 to index
          %swap3A_766 = arith.constant 32 : index
          %swap3A_767 = tpu.vector_load %arg20[%swap3A_765, %swap3A_766] {strides = array<i32>} : memref<64x128xf32, #tpu.memory_space<vmem>>, vector<16xf32>,
          tpu.vector_store %arg20[%swap3A_765, %swap3A_766], %mul3A_760 {strides = array<i32>} : memref<64x128xf32, #tpu.memory_space<vmem>>, vector<16xf32>,
          %add3A_768 = arith.constant 0 : i32
          %add3A_769 = arith.addi %add3A_768, %mul3A_346 : i32
          %add3A_770 = arith.constant 3 : i32
          %add3A_771 = arith.addi %add3A_769, %add3A_770 : i32
          %get3A_772 = arith.index_cast %add3A_771 : i32 to index
          %get3A_773 = arith.constant 48 : index
          %get3A_774 = tpu.vector_load %arg20[%get3A_772, %get3A_773] {strides = array<i32>} : memref<64x128xf32, #tpu.memory_space<vmem>>, vector<16xf32>,
          %mul3A_775 = arith.mulf %get3A_774, %gather3A_722 : vector<16xf32>
          %add3A_776 = arith.constant 0 : i32
          %add3A_777 = arith.addi %add3A_776, %mul3A_346 : i32
          %add3A_778 = arith.constant 3 : i32
          %add3A_779 = arith.addi %add3A_777, %add3A_778 : i32
          %swap3A_780 = arith.index_cast %add3A_779 : i32 to index
          %swap3A_781 = arith.constant 48 : index
          %swap3A_782 = tpu.vector_load %arg20[%swap3A_780, %swap3A_781] {strides = array<i32>} : memref<64x128xf32, #tpu.memory_space<vmem>>, vector<16xf32>,
          tpu.vector_store %arg20[%swap3A_780, %swap3A_781], %mul3A_775 {strides = array<i32>} : memref<64x128xf32, #tpu.memory_space<vmem>>, vector<16xf32>,
          %add3A_783 = arith.constant 0 : i32
          %add3A_784 = arith.addi %add3A_783, %mul3A_346 : i32
          %add3A_785 = arith.constant 3 : i32
          %add3A_786 = arith.addi %add3A_784, %add3A_785 : i32
          %get3A_787 = arith.index_cast %add3A_786 : i32 to index
          %get3A_788 = arith.constant 64 : index
          %get3A_789 = tpu.vector_load %arg20[%get3A_787, %get3A_788] {strides = array<i32>} : memref<64x128xf32, #tpu.memory_space<vmem>>, vector<16xf32>,
          %mul3A_790 = arith.mulf %get3A_789, %gather3A_722 : vector<16xf32>
          %add3A_791 = arith.constant 0 : i32
          %add3A_792 = arith.addi %add3A_791, %mul3A_346 : i32
          %add3A_793 = arith.constant 3 : i32
          %add3A_794 = arith.addi %add3A_792, %add3A_793 : i32
          %swap3A_795 = arith.index_cast %add3A_794 : i32 to index
          %swap3A_796 = arith.constant 64 : index
          %swap3A_797 = tpu.vector_load %arg20[%swap3A_795, %swap3A_796] {strides = array<i32>} : memref<64x128xf32, #tpu.memory_space<vmem>>, vector<16xf32>,
          tpu.vector_store %arg20[%swap3A_795, %swap3A_796], %mul3A_790 {strides = array<i32>} : memref<64x128xf32, #tpu.memory_space<vmem>>, vector<16xf32>,
          %add3A_798 = arith.constant 0 : i32
          %add3A_799 = arith.addi %add3A_798, %mul3A_346 : i32
          %add3A_800 = arith.constant 3 : i32
          %add3A_801 = arith.addi %add3A_799, %add3A_800 : i32
          %get3A_802 = arith.index_cast %add3A_801 : i32 to index
          %get3A_803 = arith.constant 80 : index
          %get3A_804 = tpu.vector_load %arg20[%get3A_802, %get3A_803] {strides = array<i32>} : memref<64x128xf32, #tpu.memory_space<vmem>>, vector<16xf32>,
          %mul3A_805 = arith.mulf %get3A_804, %gather3A_722 : vector<16xf32>
          %add3A_806 = arith.constant 0 : i32
          %add3A_807 = arith.addi %add3A_806, %mul3A_346 : i32
          %add3A_808 = arith.constant 3 : i32
          %add3A_809 = arith.addi %add3A_807, %add3A_808 : i32
          %swap3A_810 = arith.index_cast %add3A_809 : i32 to index
          %swap3A_811 = arith.constant 80 : index
          %swap3A_812 = tpu.vector_load %arg20[%swap3A_810, %swap3A_811] {strides = array<i32>} : memref<64x128xf32, #tpu.memory_space<vmem>>, vector<16xf32>,
          tpu.vector_store %arg20[%swap3A_810, %swap3A_811], %mul3A_805 {strides = array<i32>} : memref<64x128xf32, #tpu.memory_space<vmem>>, vector<16xf32>,
          %add3A_813 = arith.constant 0 : i32
          %add3A_814 = arith.addi %add3A_813, %mul3A_346 : i32
          %add3A_815 = arith.constant 3 : i32
          %add3A_816 = arith.addi %add3A_814, %add3A_815 : i32
          %get3A_817 = arith.index_cast %add3A_816 : i32 to index
          %get3A_818 = arith.constant 96 : index
          %get3A_819 = tpu.vector_load %arg20[%get3A_817, %get3A_818] {strides = array<i32>} : memref<64x128xf32, #tpu.memory_space<vmem>>, vector<16xf32>,
          %mul3A_820 = arith.mulf %get3A_819, %gather3A_722 : vector<16xf32>
          %add3A_821 = arith.constant 0 : i32
          %add3A_822 = arith.addi %add3A_821, %mul3A_346 : i32
          %add3A_823 = arith.constant 3 : i32
          %add3A_824 = arith.addi %add3A_822, %add3A_823 : i32
          %swap3A_825 = arith.index_cast %add3A_824 : i32 to index
          %swap3A_826 = arith.constant 96 : index
          %swap3A_827 = tpu.vector_load %arg20[%swap3A_825, %swap3A_826] {strides = array<i32>} : memref<64x128xf32, #tpu.memory_space<vmem>>, vector<16xf32>,
          tpu.vector_store %arg20[%swap3A_825, %swap3A_826], %mul3A_820 {strides = array<i32>} : memref<64x128xf32, #tpu.memory_space<vmem>>, vector<16xf32>,
          %add3A_828 = arith.constant 0 : i32
          %add3A_829 = arith.addi %add3A_828, %mul3A_346 : i32
          %add3A_830 = arith.constant 3 : i32
          %add3A_831 = arith.addi %add3A_829, %add3A_830 : i32
          %get3A_832 = arith.index_cast %add3A_831 : i32 to index
          %get3A_833 = arith.constant 112 : index
          %get3A_834 = tpu.vector_load %arg20[%get3A_832, %get3A_833] {strides = array<i32>} : memref<64x128xf32, #tpu.memory_space<vmem>>, vector<16xf32>,
          %mul3A_835 = arith.mulf %get3A_834, %gather3A_722 : vector<16xf32>
          %add3A_836 = arith.constant 0 : i32
          %add3A_837 = arith.addi %add3A_836, %mul3A_346 : i32
          %add3A_838 = arith.constant 3 : i32
          %add3A_839 = arith.addi %add3A_837, %add3A_838 : i32
          %swap3A_840 = arith.index_cast %add3A_839 : i32 to index
          %swap3A_841 = arith.constant 112 : index
          %swap3A_842 = tpu.vector_load %arg20[%swap3A_840, %swap3A_841] {strides = array<i32>} : memref<64x128xf32, #tpu.memory_space<vmem>>, vector<16xf32>,
          tpu.vector_store %arg20[%swap3A_840, %swap3A_841], %mul3A_835 {strides = array<i32>} : memref<64x128xf32, #tpu.memory_space<vmem>>, vector<16xf32>,
        }
        %scan3A_328 = arith.constant 8 : i32
        "tpu.region"() ({
          %run_scoped3A = tpu.sem_alloc : memref<!tpu.dma_semaphore, #tpu.memory_space<semaphore_mem>>
          %dma_start3A_344 = arith.constant 0 : i32
          %dma_start3A_345 = arith.constant 0 : i32
          %dma_start3A_346 = tpu.memref_slice %arg20[%dma_start3A_344, %dma_start3A_345] : memref<64x128xf32, #tpu.memory_space<vmem>> -> memref<32x128xf32, #tpu.memory_space<vmem>>
          %dma_start3A_347 = arith.constant 0 : i32
          %dma_start3A_348 = arith.constant 0 : i32
          %dma_start3A_349 = tpu.memref_slice %arg22[%dma_start3A_347, %dma_start3A_348] : memref<1312x128xf32, #tpu.memory_space<vmem_shared>> -> memref<1312x128xf32, #tpu.memory_space<vmem_shared>>
          tpu.enqueue_indirect_dma source(%dma_start3A_346 : memref<32x128xf32, #tpu.memory_space<vmem>>) target(%dma_start3A_349 : memref<1312x128xf32, #tpu.memory_space<vmem_shared>>) offsets(%arg16 : memref<32xi32, #tpu.memory_space<vmem>>) semaphore(%run_scoped3A : memref<!tpu.dma_semaphore, #tpu.memory_space<semaphore_mem>>) {add = true}
          %dma_wait3A_350 = arith.constant 0 : i32
          %dma_wait3A_351 = arith.constant 0 : i32
          %dma_wait3A_352 = tpu.memref_slice %arg20[%dma_wait3A_350, %dma_wait3A_351] : memref<64x128xf32, #tpu.memory_space<vmem>> -> memref<32x128xf32, #tpu.memory_space<vmem>>
          %dma_wait3A_353 = arith.constant 0 : i32
          %dma_wait3A_354 = arith.constant 0 : i32
          %dma_wait3A_355 = tpu.memref_slice %arg22[%dma_wait3A_353, %dma_wait3A_354] : memref<1312x128xf32, #tpu.memory_space<vmem_shared>> -> memref<1312x128xf32, #tpu.memory_space<vmem_shared>>
          tpu.wait_indirect_dma semaphore(%run_scoped3A : memref<!tpu.dma_semaphore, #tpu.memory_space<semaphore_mem>>) src(%dma_wait3A_352 : memref<32x128xf32, #tpu.memory_space<vmem>>) dst(%dma_wait3A_355 : memref<1312x128xf32, #tpu.memory_space<vmem_shared>>)
          tpu.yield
        }) : () -> ()
        %lt3A_329 = arith.constant 323 : i32
        %lt3A_330 = arith.cmpi slt, %scan3A_185, %lt3A_329 : i32
        %convert_element_type3A = arith.extui %lt3A_330 : i1 to i32
        %cond3A = arith.constant 0 : i32
        %cond3A_331 = arith.cmpi ne, %convert_element_type3A, %cond3A : i32
        scf.if %cond3A_331 {
          %mul3A_344 = arith.constant 2 : i32
          %mul3A_345 = arith.muli %scan3A_185, %mul3A_344 : i32
          %add3A_346 = arith.constant 2 : i32
          %add3A_347 = arith.addi %mul3A_345, %add3A_346 : i32
          %mul3A_348 = arith.constant 648 : i32
          %mul3A_349 = arith.muli %arg1, %mul3A_348 : i32
          %add3A_350 = arith.addi %mul3A_349, %add3A_347 : i32
          %mul3A_351 = arith.constant 32 : i32
          %mul3A_352 = arith.muli %add3A_350, %mul3A_351 : i32
          %multiple_of3A_353 = tpu.assume_multiple %mul3A_352, 32 : i32
          "tpu.region"() ({
            %run_scoped3A = tpu.sem_alloc : memref<!tpu.dma_semaphore, #tpu.memory_space<semaphore_mem>>
            %dma_start3A_476 = tpu.memref_slice %arg5[%multiple_of3A_353] : memref<331776xi32, #tpu.memory_space<hbm>> -> memref<32xi32, #tpu.memory_space<hbm>>
            %dma_start3A_477 = tpu.memref_slice %arg5[%multiple_of3A_353] : memref<331776xi32, #tpu.memory_space<hbm>> -> memref<32xi32, #tpu.memory_space<hbm>>
            tpu.enqueue_dma source(%dma_start3A_477 : memref<32xi32, #tpu.memory_space<hbm>>) target(%arg12 : memref<32xi32, #tpu.memory_space<vmem>>) target_semaphore(%run_scoped3A : memref<!tpu.dma_semaphore, #tpu.memory_space<semaphore_mem>>)
            %dma_wait3A_478 = tpu.memref_slice %arg5[%multiple_of3A_353] : memref<331776xi32, #tpu.memory_space<hbm>> -> memref<32xi32, #tpu.memory_space<hbm>>
            %dma_wait3A_479 = tpu.memref_slice %arg5[%multiple_of3A_353] : memref<331776xi32, #tpu.memory_space<hbm>> -> memref<32xi32, #tpu.memory_space<hbm>>
            tpu.wait_dma2 semaphore(%run_scoped3A : memref<!tpu.dma_semaphore, #tpu.memory_space<semaphore_mem>>) src(%dma_wait3A_479 : memref<32xi32, #tpu.memory_space<hbm>>) dst(%arg12 : memref<32xi32, #tpu.memory_space<vmem>>)
            tpu.yield
          }) : () -> ()
          "tpu.region"() ({
            %run_scoped3A = tpu.sem_alloc : memref<!tpu.dma_semaphore, #tpu.memory_space<semaphore_mem>>
            %dma_start3A_476 = tpu.memref_slice %arg6[%multiple_of3A_353] : memref<331776xi32, #tpu.memory_space<hbm>> -> memref<32xi32, #tpu.memory_space<hbm>>
            %dma_start3A_477 = tpu.memref_slice %arg6[%multiple_of3A_353] : memref<331776xi32, #tpu.memory_space<hbm>> -> memref<32xi32, #tpu.memory_space<hbm>>
            tpu.enqueue_dma source(%dma_start3A_477 : memref<32xi32, #tpu.memory_space<hbm>>) target(%arg13 : memref<32xi32, #tpu.memory_space<vmem>>) target_semaphore(%run_scoped3A : memref<!tpu.dma_semaphore, #tpu.memory_space<semaphore_mem>>)
            %dma_wait3A_478 = tpu.memref_slice %arg6[%multiple_of3A_353] : memref<331776xi32, #tpu.memory_space<hbm>> -> memref<32xi32, #tpu.memory_space<hbm>>
            %dma_wait3A_479 = tpu.memref_slice %arg6[%multiple_of3A_353] : memref<331776xi32, #tpu.memory_space<hbm>> -> memref<32xi32, #tpu.memory_space<hbm>>
            tpu.wait_dma2 semaphore(%run_scoped3A : memref<!tpu.dma_semaphore, #tpu.memory_space<semaphore_mem>>) src(%dma_wait3A_479 : memref<32xi32, #tpu.memory_space<hbm>>) dst(%arg13 : memref<32xi32, #tpu.memory_space<vmem>>)
            tpu.yield
          }) : () -> ()
          %get3A_354 = arith.constant 0 : index
          %get3A_355 = tpu.vector_load %arg12[%get3A_354] {strides = array<i32>} : memref<32xi32, #tpu.memory_space<vmem>>, vector<16xi32>,
          %get3A_356 = arith.constant 0 : index
          %get3A_357 = tpu.vector_load %arg13[%get3A_356] {strides = array<i32>} : memref<32xi32, #tpu.memory_space<vmem>>, vector<16xi32>,
          %gather3A_358 = tpu.vector_load_idx %arg9[%get3A_355] : memref<10240xf32, #tpu.memory_space<vmem>>[vector<16xi32>], vector<16xf32>,
          %gather3A_359 = tpu.vector_load_idx %arg10[%get3A_357] : memref<10240xf32, #tpu.memory_space<vmem>>[vector<16xi32>], vector<16xf32>,
          %add3A_360 = arith.addf %gather3A_358, %gather3A_359 : vector<16xf32>
          %ge3A_361 = arith.constant 0.000000e+00 : f32
          %ge3A_362 = vector.broadcast %ge3A_361 : f32 to vector<16xf32>
          %ge3A_363 = arith.cmpf oge, %add3A_360, %ge3A_362 : vector<16xf32>
          %mul3A_364 = arith.constant 2.000000e-01 : f32
          %mul3A_365 = vector.broadcast %mul3A_364 : f32 to vector<16xf32>
          %mul3A_366 = arith.mulf %mul3A_365, %add3A_360 : vector<16xf32>
          %select_n3A_367 = arith.select %ge3A_363, %add3A_360, %mul3A_366 : vector<16xi1>, vector<16xf32>
          %exp3A_368 = math.exp %select_n3A_367 : vector<16xf32>
          %shift_right_logical3A_369 = arith.constant 4 : i32
          %shift_right_logical3A_370 = vector.broadcast %shift_right_logical3A_369 : i32 to vector<16xi32>
          %shift_right_logical3A_371 = arith.shrui %get3A_357, %shift_right_logical3A_370 : vector<16xi32>
          %and3A_372 = arith.constant 15 : i32
          %and3A_373 = vector.broadcast %and3A_372 : i32 to vector<16xi32>
          %and3A_374 = arith.andi %get3A_357, %and3A_373 : vector<16xi32>
          %gather3A_375 = tpu.vector_load_idx %arg11[%shift_right_logical3A_371, %and3A_374] : memref<640x16xf32, #tpu.memory_space<vmem>>[vector<16xi32>, vector<16xi32>], vector<16xf32>,
          %ge3A_376 = vector.broadcast %mul3A_36 : i32 to vector<16xi32>
          %ge3A_377 = arith.cmpi sge, %get3A_357, %ge3A_376 : vector<16xi32>
          %add3A_378 = arith.constant 1280 : i32
          %add3A_379 = arith.addi %mul3A_36, %add3A_378 : i32
          %lt3A_380 = vector.broadcast %add3A_379 : i32 to vector<16xi32>
          %lt3A_381 = arith.cmpi slt, %get3A_357, %lt3A_380 : vector<16xi32>
          %and3A_382 = arith.andi %ge3A_377, %lt3A_381 : vector<16xi1>
          %add3A_383 = arith.constant 1.000000e-16 : f32
          %add3A_384 = vector.broadcast %add3A_383 : f32 to vector<16xf32>
          %add3A_385 = arith.addf %gather3A_375, %add3A_384 : vector<16xf32>
          %div3A_386 = arith.divf %exp3A_368, %add3A_385 : vector<16xf32>
          %jit3A_387 = arith.constant 0.000000e+00 : f32
          %broadcast_in_dim3A_388 = vector.broadcast %jit3A_387 : f32 to vector<16xf32>
          %select_n3A_389 = arith.select %and3A_382, %div3A_386, %broadcast_in_dim3A_388 : vector<16xi1>, vector<16xf32>
          %swap3A_390 = arith.constant 0 : index
          %swap3A_391 = tpu.vector_load %arg18[%swap3A_390] {strides = array<i32>} : memref<32xf32, #tpu.memory_space<vmem>>, vector<16xf32>,
          tpu.vector_store %arg18[%swap3A_390], %select_n3A_389 {strides = array<i32>} : memref<32xf32, #tpu.memory_space<vmem>>, vector<16xf32>,
          %add3A_392 = arith.constant 0 : i32
          %add3A_393 = vector.broadcast %add3A_392 : i32 to vector<16xi32>
          %add3A_394 = arith.addi %iota3A, %add3A_393 : vector<16xi32>
          %and3A_395 = arith.constant 31 : i32
          %and3A_396 = vector.broadcast %and3A_395 : i32 to vector<16xi32>
          %and3A_397 = arith.andi %add3A_394, %and3A_396 : vector<16xi32>
          %add3A_398 = arith.constant 1280 : i32
          %add3A_399 = vector.broadcast %add3A_398 : i32 to vector<16xi32>
          %add3A_400 = arith.addi %add3A_399, %and3A_397 : vector<16xi32>
          %sub3A_401 = vector.broadcast %mul3A_36 : i32 to vector<16xi32>
          %sub3A_402 = arith.subi %get3A_357, %sub3A_401 : vector<16xi32>
          %select_n3A_403 = arith.select %and3A_382, %sub3A_402, %add3A_400 : vector<16xi1>, vector<16xi32>
          %swap3A_404 = arith.constant 0 : index
          %swap3A_405 = tpu.vector_load %arg16[%swap3A_404] {strides = array<i32>} : memref<32xi32, #tpu.memory_space<vmem>>, vector<16xi32>,
          tpu.vector_store %arg16[%swap3A_404], %select_n3A_403 {strides = array<i32>} : memref<32xi32, #tpu.memory_space<vmem>>, vector<16xi32>,
          %mul3A_406 = arith.constant 10240 : i32
          %mul3A_407 = arith.muli %arg0, %mul3A_406 : i32
          %add3A_408 = vector.broadcast %mul3A_407 : i32 to vector<16xi32>
          %add3A_409 = arith.addi %get3A_355, %add3A_408 : vector<16xi32>
          %swap3A_410 = arith.constant 0 : index
          %swap3A_411 = tpu.vector_load %arg14[%swap3A_410] {strides = array<i32>} : memref<32xi32, #tpu.memory_space<vmem>>, vector<16xi32>,
          tpu.vector_store %arg14[%swap3A_410], %add3A_409 {strides = array<i32>} : memref<32xi32, #tpu.memory_space<vmem>>, vector<16xi32>,
          %get3A_412 = arith.constant 16 : index
          %get3A_413 = tpu.vector_load %arg12[%get3A_412] {strides = array<i32>} : memref<32xi32, #tpu.memory_space<vmem>>, vector<16xi32>,
          %get3A_414 = arith.constant 16 : index
          %get3A_415 = tpu.vector_load %arg13[%get3A_414] {strides = array<i32>} : memref<32xi32, #tpu.memory_space<vmem>>, vector<16xi32>,
          %gather3A_416 = tpu.vector_load_idx %arg9[%get3A_413] : memref<10240xf32, #tpu.memory_space<vmem>>[vector<16xi32>], vector<16xf32>,
          %gather3A_417 = tpu.vector_load_idx %arg10[%get3A_415] : memref<10240xf32, #tpu.memory_space<vmem>>[vector<16xi32>], vector<16xf32>,
          %add3A_418 = arith.addf %gather3A_416, %gather3A_417 : vector<16xf32>
          %ge3A_419 = arith.constant 0.000000e+00 : f32
          %ge3A_420 = vector.broadcast %ge3A_419 : f32 to vector<16xf32>
          %ge3A_421 = arith.cmpf oge, %add3A_418, %ge3A_420 : vector<16xf32>
          %mul3A_422 = arith.constant 2.000000e-01 : f32
          %mul3A_423 = vector.broadcast %mul3A_422 : f32 to vector<16xf32>
          %mul3A_424 = arith.mulf %mul3A_423, %add3A_418 : vector<16xf32>
          %select_n3A_425 = arith.select %ge3A_421, %add3A_418, %mul3A_424 : vector<16xi1>, vector<16xf32>
          %exp3A_426 = math.exp %select_n3A_425 : vector<16xf32>
          %shift_right_logical3A_427 = arith.constant 4 : i32
          %shift_right_logical3A_428 = vector.broadcast %shift_right_logical3A_427 : i32 to vector<16xi32>
          %shift_right_logical3A_429 = arith.shrui %get3A_415, %shift_right_logical3A_428 : vector<16xi32>
          %and3A_430 = arith.constant 15 : i32
          %and3A_431 = vector.broadcast %and3A_430 : i32 to vector<16xi32>
          %and3A_432 = arith.andi %get3A_415, %and3A_431 : vector<16xi32>
          %gather3A_433 = tpu.vector_load_idx %arg11[%shift_right_logical3A_429, %and3A_432] : memref<640x16xf32, #tpu.memory_space<vmem>>[vector<16xi32>, vector<16xi32>], vector<16xf32>,
          %ge3A_434 = vector.broadcast %mul3A_36 : i32 to vector<16xi32>
          %ge3A_435 = arith.cmpi sge, %get3A_415, %ge3A_434 : vector<16xi32>
          %add3A_436 = arith.constant 1280 : i32
          %add3A_437 = arith.addi %mul3A_36, %add3A_436 : i32
          %lt3A_438 = vector.broadcast %add3A_437 : i32 to vector<16xi32>
          %lt3A_439 = arith.cmpi slt, %get3A_415, %lt3A_438 : vector<16xi32>
          %and3A_440 = arith.andi %ge3A_435, %lt3A_439 : vector<16xi1>
          %add3A_441 = arith.constant 1.000000e-16 : f32
          %add3A_442 = vector.broadcast %add3A_441 : f32 to vector<16xf32>
          %add3A_443 = arith.addf %gather3A_433, %add3A_442 : vector<16xf32>
          %div3A_444 = arith.divf %exp3A_426, %add3A_443 : vector<16xf32>
          %jit3A_445 = arith.constant 0.000000e+00 : f32
          %broadcast_in_dim3A_446 = vector.broadcast %jit3A_445 : f32 to vector<16xf32>
          %select_n3A_447 = arith.select %and3A_440, %div3A_444, %broadcast_in_dim3A_446 : vector<16xi1>, vector<16xf32>
          %swap3A_448 = arith.constant 16 : index
          %swap3A_449 = tpu.vector_load %arg18[%swap3A_448] {strides = array<i32>} : memref<32xf32, #tpu.memory_space<vmem>>, vector<16xf32>,
          tpu.vector_store %arg18[%swap3A_448], %select_n3A_447 {strides = array<i32>} : memref<32xf32, #tpu.memory_space<vmem>>, vector<16xf32>,
          %add3A_450 = arith.constant 16 : i32
          %add3A_451 = vector.broadcast %add3A_450 : i32 to vector<16xi32>
          %add3A_452 = arith.addi %iota3A, %add3A_451 : vector<16xi32>
          %and3A_453 = arith.constant 31 : i32
          %and3A_454 = vector.broadcast %and3A_453 : i32 to vector<16xi32>
          %and3A_455 = arith.andi %add3A_452, %and3A_454 : vector<16xi32>
          %add3A_456 = arith.constant 1280 : i32
          %add3A_457 = vector.broadcast %add3A_456 : i32 to vector<16xi32>
          %add3A_458 = arith.addi %add3A_457, %and3A_455 : vector<16xi32>
          %sub3A_459 = vector.broadcast %mul3A_36 : i32 to vector<16xi32>
          %sub3A_460 = arith.subi %get3A_415, %sub3A_459 : vector<16xi32>
          %select_n3A_461 = arith.select %and3A_440, %sub3A_460, %add3A_458 : vector<16xi1>, vector<16xi32>
          %swap3A_462 = arith.constant 16 : index
          %swap3A_463 = tpu.vector_load %arg16[%swap3A_462] {strides = array<i32>} : memref<32xi32, #tpu.memory_space<vmem>>, vector<16xi32>,
          tpu.vector_store %arg16[%swap3A_462], %select_n3A_461 {strides = array<i32>} : memref<32xi32, #tpu.memory_space<vmem>>, vector<16xi32>,
          %mul3A_464 = arith.constant 10240 : i32
          %mul3A_465 = arith.muli %arg0, %mul3A_464 : i32
          %add3A_466 = vector.broadcast %mul3A_465 : i32 to vector<16xi32>
          %add3A_467 = arith.addi %get3A_413, %add3A_466 : vector<16xi32>
          %swap3A_468 = arith.constant 16 : index
          %swap3A_469 = tpu.vector_load %arg14[%swap3A_468] {strides = array<i32>} : memref<32xi32, #tpu.memory_space<vmem>>, vector<16xi32>,
          tpu.vector_store %arg14[%swap3A_468], %add3A_467 {strides = array<i32>} : memref<32xi32, #tpu.memory_space<vmem>>, vector<16xi32>,
          %dma_start3A_470 = arith.constant 0 : i32
          %dma_start3A_471 = arith.constant 0 : i32
          %dma_start3A_472 = tpu.memref_slice %arg20[%dma_start3A_470, %dma_start3A_471] : memref<64x128xf32, #tpu.memory_space<vmem>> -> memref<32x128xf32, #tpu.memory_space<vmem>>
          %dma_start3A_473 = arith.constant 0 : i32
          %dma_start3A_474 = arith.constant 0 : i32
          %dma_start3A_475 = tpu.memref_slice %arg2[%dma_start3A_473, %dma_start3A_474] : memref<20480x128xf32, #tpu.memory_space<hbm>> -> memref<20480x128xf32, #tpu.memory_space<hbm>>
          tpu.enqueue_indirect_dma source(%dma_start3A_475 : memref<20480x128xf32, #tpu.memory_space<hbm>>) target(%dma_start3A_472 : memref<32x128xf32, #tpu.memory_space<vmem>>) offsets(%arg14 : memref<32xi32, #tpu.memory_space<vmem>>) semaphore(%arg23 : memref<!tpu.dma_semaphore, #tpu.memory_space<semaphore_mem>>)
        } else {
        }
        %dma_wait3A_332 = arith.constant 32 : i32
        %dma_wait3A_333 = arith.constant 0 : i32
        %dma_wait3A_334 = tpu.memref_slice %arg20[%dma_wait3A_332, %dma_wait3A_333] : memref<64x128xf32, #tpu.memory_space<vmem>> -> memref<32x128xf32, #tpu.memory_space<vmem>>
        %dma_wait3A_335 = arith.constant 0 : i32
        %dma_wait3A_336 = arith.constant 0 : i32
        %dma_wait3A_337 = tpu.memref_slice %arg2[%dma_wait3A_335, %dma_wait3A_336] : memref<20480x128xf32, #tpu.memory_space<hbm>> -> memref<20480x128xf32, #tpu.memory_space<hbm>>
        tpu.wait_indirect_dma semaphore(%arg24 : memref<!tpu.dma_semaphore, #tpu.memory_space<semaphore_mem>>) src(%dma_wait3A_337 : memref<20480x128xf32, #tpu.memory_space<hbm>>) dst(%dma_wait3A_334 : memref<32x128xf32, #tpu.memory_space<vmem>>)
        %scan3A_338 = arith.constant 0 : i32
        %scan3A_339 = arith.constant 0 : i32
        %scan3A_340 = arith.constant 8 : i32
        %scan3A_341 = arith.addi %scan3A_339, %scan3A_340 : i32
        %scan3A_342 = arith.constant 1 : i32
        scf.for %scan3A_344 = %scan3A_339 to %scan3A_341 step %scan3A_342  : i32 {
          %mul3A_345 = arith.constant 4 : i32
          %mul3A_346 = arith.muli %scan3A_344, %mul3A_345 : i32
          %add3A_347 = arith.constant 0 : i32
          %add3A_348 = arith.addi %mul3A_346, %add3A_347 : i32
          %broadcast_in_dim3A_349 = vector.broadcast %add3A_348 : i32 to vector<16xi32>
          %gather3A_350 = tpu.vector_load_idx %arg19[%broadcast_in_dim3A_349] : memref<32xf32, #tpu.memory_space<vmem>>[vector<16xi32>], vector<16xf32>,
          %add3A_351 = arith.constant 32 : i32
          %add3A_352 = arith.addi %add3A_351, %mul3A_346 : i32
          %add3A_353 = arith.constant 0 : i32
          %add3A_354 = arith.addi %add3A_352, %add3A_353 : i32
          %get3A_355 = arith.index_cast %add3A_354 : i32 to index
          %get3A_356 = arith.constant 0 : index
          %get3A_357 = tpu.vector_load %arg20[%get3A_355, %get3A_356] {strides = array<i32>} : memref<64x128xf32, #tpu.memory_space<vmem>>, vector<16xf32>,
          %mul3A_358 = arith.mulf %get3A_357, %gather3A_350 : vector<16xf32>
          %add3A_359 = arith.constant 32 : i32
          %add3A_360 = arith.addi %add3A_359, %mul3A_346 : i32
          %add3A_361 = arith.constant 0 : i32
          %add3A_362 = arith.addi %add3A_360, %add3A_361 : i32
          %swap3A_363 = arith.index_cast %add3A_362 : i32 to index
          %swap3A_364 = arith.constant 0 : index
          %swap3A_365 = tpu.vector_load %arg20[%swap3A_363, %swap3A_364] {strides = array<i32>} : memref<64x128xf32, #tpu.memory_space<vmem>>, vector<16xf32>,
          tpu.vector_store %arg20[%swap3A_363, %swap3A_364], %mul3A_358 {strides = array<i32>} : memref<64x128xf32, #tpu.memory_space<vmem>>, vector<16xf32>,
          %add3A_366 = arith.constant 32 : i32
          %add3A_367 = arith.addi %add3A_366, %mul3A_346 : i32
          %add3A_368 = arith.constant 0 : i32
          %add3A_369 = arith.addi %add3A_367, %add3A_368 : i32
          %get3A_370 = arith.index_cast %add3A_369 : i32 to index
          %get3A_371 = arith.constant 16 : index
          %get3A_372 = tpu.vector_load %arg20[%get3A_370, %get3A_371] {strides = array<i32>} : memref<64x128xf32, #tpu.memory_space<vmem>>, vector<16xf32>,
          %mul3A_373 = arith.mulf %get3A_372, %gather3A_350 : vector<16xf32>
          %add3A_374 = arith.constant 32 : i32
          %add3A_375 = arith.addi %add3A_374, %mul3A_346 : i32
          %add3A_376 = arith.constant 0 : i32
          %add3A_377 = arith.addi %add3A_375, %add3A_376 : i32
          %swap3A_378 = arith.index_cast %add3A_377 : i32 to index
          %swap3A_379 = arith.constant 16 : index
          %swap3A_380 = tpu.vector_load %arg20[%swap3A_378, %swap3A_379] {strides = array<i32>} : memref<64x128xf32, #tpu.memory_space<vmem>>, vector<16xf32>,
          tpu.vector_store %arg20[%swap3A_378, %swap3A_379], %mul3A_373 {strides = array<i32>} : memref<64x128xf32, #tpu.memory_space<vmem>>, vector<16xf32>,
          %add3A_381 = arith.constant 32 : i32
          %add3A_382 = arith.addi %add3A_381, %mul3A_346 : i32
          %add3A_383 = arith.constant 0 : i32
          %add3A_384 = arith.addi %add3A_382, %add3A_383 : i32
          %get3A_385 = arith.index_cast %add3A_384 : i32 to index
          %get3A_386 = arith.constant 32 : index
          %get3A_387 = tpu.vector_load %arg20[%get3A_385, %get3A_386] {strides = array<i32>} : memref<64x128xf32, #tpu.memory_space<vmem>>, vector<16xf32>,
          %mul3A_388 = arith.mulf %get3A_387, %gather3A_350 : vector<16xf32>
          %add3A_389 = arith.constant 32 : i32
          %add3A_390 = arith.addi %add3A_389, %mul3A_346 : i32
          %add3A_391 = arith.constant 0 : i32
          %add3A_392 = arith.addi %add3A_390, %add3A_391 : i32
          %swap3A_393 = arith.index_cast %add3A_392 : i32 to index
          %swap3A_394 = arith.constant 32 : index
          %swap3A_395 = tpu.vector_load %arg20[%swap3A_393, %swap3A_394] {strides = array<i32>} : memref<64x128xf32, #tpu.memory_space<vmem>>, vector<16xf32>,
          tpu.vector_store %arg20[%swap3A_393, %swap3A_394], %mul3A_388 {strides = array<i32>} : memref<64x128xf32, #tpu.memory_space<vmem>>, vector<16xf32>,
          %add3A_396 = arith.constant 32 : i32
          %add3A_397 = arith.addi %add3A_396, %mul3A_346 : i32
          %add3A_398 = arith.constant 0 : i32
          %add3A_399 = arith.addi %add3A_397, %add3A_398 : i32
          %get3A_400 = arith.index_cast %add3A_399 : i32 to index
          %get3A_401 = arith.constant 48 : index
          %get3A_402 = tpu.vector_load %arg20[%get3A_400, %get3A_401] {strides = array<i32>} : memref<64x128xf32, #tpu.memory_space<vmem>>, vector<16xf32>,
          %mul3A_403 = arith.mulf %get3A_402, %gather3A_350 : vector<16xf32>
          %add3A_404 = arith.constant 32 : i32
          %add3A_405 = arith.addi %add3A_404, %mul3A_346 : i32
          %add3A_406 = arith.constant 0 : i32
          %add3A_407 = arith.addi %add3A_405, %add3A_406 : i32
          %swap3A_408 = arith.index_cast %add3A_407 : i32 to index
          %swap3A_409 = arith.constant 48 : index
          %swap3A_410 = tpu.vector_load %arg20[%swap3A_408, %swap3A_409] {strides = array<i32>} : memref<64x128xf32, #tpu.memory_space<vmem>>, vector<16xf32>,
          tpu.vector_store %arg20[%swap3A_408, %swap3A_409], %mul3A_403 {strides = array<i32>} : memref<64x128xf32, #tpu.memory_space<vmem>>, vector<16xf32>,
          %add3A_411 = arith.constant 32 : i32
          %add3A_412 = arith.addi %add3A_411, %mul3A_346 : i32
          %add3A_413 = arith.constant 0 : i32
          %add3A_414 = arith.addi %add3A_412, %add3A_413 : i32
          %get3A_415 = arith.index_cast %add3A_414 : i32 to index
          %get3A_416 = arith.constant 64 : index
          %get3A_417 = tpu.vector_load %arg20[%get3A_415, %get3A_416] {strides = array<i32>} : memref<64x128xf32, #tpu.memory_space<vmem>>, vector<16xf32>,
          %mul3A_418 = arith.mulf %get3A_417, %gather3A_350 : vector<16xf32>
          %add3A_419 = arith.constant 32 : i32
          %add3A_420 = arith.addi %add3A_419, %mul3A_346 : i32
          %add3A_421 = arith.constant 0 : i32
          %add3A_422 = arith.addi %add3A_420, %add3A_421 : i32
          %swap3A_423 = arith.index_cast %add3A_422 : i32 to index
          %swap3A_424 = arith.constant 64 : index
          %swap3A_425 = tpu.vector_load %arg20[%swap3A_423, %swap3A_424] {strides = array<i32>} : memref<64x128xf32, #tpu.memory_space<vmem>>, vector<16xf32>,
          tpu.vector_store %arg20[%swap3A_423, %swap3A_424], %mul3A_418 {strides = array<i32>} : memref<64x128xf32, #tpu.memory_space<vmem>>, vector<16xf32>,
          %add3A_426 = arith.constant 32 : i32
          %add3A_427 = arith.addi %add3A_426, %mul3A_346 : i32
          %add3A_428 = arith.constant 0 : i32
          %add3A_429 = arith.addi %add3A_427, %add3A_428 : i32
          %get3A_430 = arith.index_cast %add3A_429 : i32 to index
          %get3A_431 = arith.constant 80 : index
          %get3A_432 = tpu.vector_load %arg20[%get3A_430, %get3A_431] {strides = array<i32>} : memref<64x128xf32, #tpu.memory_space<vmem>>, vector<16xf32>,
          %mul3A_433 = arith.mulf %get3A_432, %gather3A_350 : vector<16xf32>
          %add3A_434 = arith.constant 32 : i32
          %add3A_435 = arith.addi %add3A_434, %mul3A_346 : i32
          %add3A_436 = arith.constant 0 : i32
          %add3A_437 = arith.addi %add3A_435, %add3A_436 : i32
          %swap3A_438 = arith.index_cast %add3A_437 : i32 to index
          %swap3A_439 = arith.constant 80 : index
          %swap3A_440 = tpu.vector_load %arg20[%swap3A_438, %swap3A_439] {strides = array<i32>} : memref<64x128xf32, #tpu.memory_space<vmem>>, vector<16xf32>,
          tpu.vector_store %arg20[%swap3A_438, %swap3A_439], %mul3A_433 {strides = array<i32>} : memref<64x128xf32, #tpu.memory_space<vmem>>, vector<16xf32>,
          %add3A_441 = arith.constant 32 : i32
          %add3A_442 = arith.addi %add3A_441, %mul3A_346 : i32
          %add3A_443 = arith.constant 0 : i32
          %add3A_444 = arith.addi %add3A_442, %add3A_443 : i32
          %get3A_445 = arith.index_cast %add3A_444 : i32 to index
          %get3A_446 = arith.constant 96 : index
          %get3A_447 = tpu.vector_load %arg20[%get3A_445, %get3A_446] {strides = array<i32>} : memref<64x128xf32, #tpu.memory_space<vmem>>, vector<16xf32>,
          %mul3A_448 = arith.mulf %get3A_447, %gather3A_350 : vector<16xf32>
          %add3A_449 = arith.constant 32 : i32
          %add3A_450 = arith.addi %add3A_449, %mul3A_346 : i32
          %add3A_451 = arith.constant 0 : i32
          %add3A_452 = arith.addi %add3A_450, %add3A_451 : i32
          %swap3A_453 = arith.index_cast %add3A_452 : i32 to index
          %swap3A_454 = arith.constant 96 : index
          %swap3A_455 = tpu.vector_load %arg20[%swap3A_453, %swap3A_454] {strides = array<i32>} : memref<64x128xf32, #tpu.memory_space<vmem>>, vector<16xf32>,
          tpu.vector_store %arg20[%swap3A_453, %swap3A_454], %mul3A_448 {strides = array<i32>} : memref<64x128xf32, #tpu.memory_space<vmem>>, vector<16xf32>,
          %add3A_456 = arith.constant 32 : i32
          %add3A_457 = arith.addi %add3A_456, %mul3A_346 : i32
          %add3A_458 = arith.constant 0 : i32
          %add3A_459 = arith.addi %add3A_457, %add3A_458 : i32
          %get3A_460 = arith.index_cast %add3A_459 : i32 to index
          %get3A_461 = arith.constant 112 : index
          %get3A_462 = tpu.vector_load %arg20[%get3A_460, %get3A_461] {strides = array<i32>} : memref<64x128xf32, #tpu.memory_space<vmem>>, vector<16xf32>,
          %mul3A_463 = arith.mulf %get3A_462, %gather3A_350 : vector<16xf32>
          %add3A_464 = arith.constant 32 : i32
          %add3A_465 = arith.addi %add3A_464, %mul3A_346 : i32
          %add3A_466 = arith.constant 0 : i32
          %add3A_467 = arith.addi %add3A_465, %add3A_466 : i32
          %swap3A_468 = arith.index_cast %add3A_467 : i32 to index
          %swap3A_469 = arith.constant 112 : index
          %swap3A_470 = tpu.vector_load %arg20[%swap3A_468, %swap3A_469] {strides = array<i32>} : memref<64x128xf32, #tpu.memory_space<vmem>>, vector<16xf32>,
          tpu.vector_store %arg20[%swap3A_468, %swap3A_469], %mul3A_463 {strides = array<i32>} : memref<64x128xf32, #tpu.memory_space<vmem>>, vector<16xf32>,
          %add3A_471 = arith.constant 1 : i32
          %add3A_472 = arith.addi %mul3A_346, %add3A_471 : i32
          %broadcast_in_dim3A_473 = vector.broadcast %add3A_472 : i32 to vector<16xi32>
          %gather3A_474 = tpu.vector_load_idx %arg19[%broadcast_in_dim3A_473] : memref<32xf32, #tpu.memory_space<vmem>>[vector<16xi32>], vector<16xf32>,
          %add3A_475 = arith.constant 32 : i32
          %add3A_476 = arith.addi %add3A_475, %mul3A_346 : i32
          %add3A_477 = arith.constant 1 : i32
          %add3A_478 = arith.addi %add3A_476, %add3A_477 : i32
          %get3A_479 = arith.index_cast %add3A_478 : i32 to index
          %get3A_480 = arith.constant 0 : index
          %get3A_481 = tpu.vector_load %arg20[%get3A_479, %get3A_480] {strides = array<i32>} : memref<64x128xf32, #tpu.memory_space<vmem>>, vector<16xf32>,
          %mul3A_482 = arith.mulf %get3A_481, %gather3A_474 : vector<16xf32>
          %add3A_483 = arith.constant 32 : i32
          %add3A_484 = arith.addi %add3A_483, %mul3A_346 : i32
          %add3A_485 = arith.constant 1 : i32
          %add3A_486 = arith.addi %add3A_484, %add3A_485 : i32
          %swap3A_487 = arith.index_cast %add3A_486 : i32 to index
          %swap3A_488 = arith.constant 0 : index
          %swap3A_489 = tpu.vector_load %arg20[%swap3A_487, %swap3A_488] {strides = array<i32>} : memref<64x128xf32, #tpu.memory_space<vmem>>, vector<16xf32>,
          tpu.vector_store %arg20[%swap3A_487, %swap3A_488], %mul3A_482 {strides = array<i32>} : memref<64x128xf32, #tpu.memory_space<vmem>>, vector<16xf32>,
          %add3A_490 = arith.constant 32 : i32
          %add3A_491 = arith.addi %add3A_490, %mul3A_346 : i32
          %add3A_492 = arith.constant 1 : i32
          %add3A_493 = arith.addi %add3A_491, %add3A_492 : i32
          %get3A_494 = arith.index_cast %add3A_493 : i32 to index
          %get3A_495 = arith.constant 16 : index
          %get3A_496 = tpu.vector_load %arg20[%get3A_494, %get3A_495] {strides = array<i32>} : memref<64x128xf32, #tpu.memory_space<vmem>>, vector<16xf32>,
          %mul3A_497 = arith.mulf %get3A_496, %gather3A_474 : vector<16xf32>
          %add3A_498 = arith.constant 32 : i32
          %add3A_499 = arith.addi %add3A_498, %mul3A_346 : i32
          %add3A_500 = arith.constant 1 : i32
          %add3A_501 = arith.addi %add3A_499, %add3A_500 : i32
          %swap3A_502 = arith.index_cast %add3A_501 : i32 to index
          %swap3A_503 = arith.constant 16 : index
          %swap3A_504 = tpu.vector_load %arg20[%swap3A_502, %swap3A_503] {strides = array<i32>} : memref<64x128xf32, #tpu.memory_space<vmem>>, vector<16xf32>,
          tpu.vector_store %arg20[%swap3A_502, %swap3A_503], %mul3A_497 {strides = array<i32>} : memref<64x128xf32, #tpu.memory_space<vmem>>, vector<16xf32>,
          %add3A_505 = arith.constant 32 : i32
          %add3A_506 = arith.addi %add3A_505, %mul3A_346 : i32
          %add3A_507 = arith.constant 1 : i32
          %add3A_508 = arith.addi %add3A_506, %add3A_507 : i32
          %get3A_509 = arith.index_cast %add3A_508 : i32 to index
          %get3A_510 = arith.constant 32 : index
          %get3A_511 = tpu.vector_load %arg20[%get3A_509, %get3A_510] {strides = array<i32>} : memref<64x128xf32, #tpu.memory_space<vmem>>, vector<16xf32>,
          %mul3A_512 = arith.mulf %get3A_511, %gather3A_474 : vector<16xf32>
          %add3A_513 = arith.constant 32 : i32
          %add3A_514 = arith.addi %add3A_513, %mul3A_346 : i32
          %add3A_515 = arith.constant 1 : i32
          %add3A_516 = arith.addi %add3A_514, %add3A_515 : i32
          %swap3A_517 = arith.index_cast %add3A_516 : i32 to index
          %swap3A_518 = arith.constant 32 : index
          %swap3A_519 = tpu.vector_load %arg20[%swap3A_517, %swap3A_518] {strides = array<i32>} : memref<64x128xf32, #tpu.memory_space<vmem>>, vector<16xf32>,
          tpu.vector_store %arg20[%swap3A_517, %swap3A_518], %mul3A_512 {strides = array<i32>} : memref<64x128xf32, #tpu.memory_space<vmem>>, vector<16xf32>,
          %add3A_520 = arith.constant 32 : i32
          %add3A_521 = arith.addi %add3A_520, %mul3A_346 : i32
          %add3A_522 = arith.constant 1 : i32
          %add3A_523 = arith.addi %add3A_521, %add3A_522 : i32
          %get3A_524 = arith.index_cast %add3A_523 : i32 to index
          %get3A_525 = arith.constant 48 : index
          %get3A_526 = tpu.vector_load %arg20[%get3A_524, %get3A_525] {strides = array<i32>} : memref<64x128xf32, #tpu.memory_space<vmem>>, vector<16xf32>,
          %mul3A_527 = arith.mulf %get3A_526, %gather3A_474 : vector<16xf32>
          %add3A_528 = arith.constant 32 : i32
          %add3A_529 = arith.addi %add3A_528, %mul3A_346 : i32
          %add3A_530 = arith.constant 1 : i32
          %add3A_531 = arith.addi %add3A_529, %add3A_530 : i32
          %swap3A_532 = arith.index_cast %add3A_531 : i32 to index
          %swap3A_533 = arith.constant 48 : index
          %swap3A_534 = tpu.vector_load %arg20[%swap3A_532, %swap3A_533] {strides = array<i32>} : memref<64x128xf32, #tpu.memory_space<vmem>>, vector<16xf32>,
          tpu.vector_store %arg20[%swap3A_532, %swap3A_533], %mul3A_527 {strides = array<i32>} : memref<64x128xf32, #tpu.memory_space<vmem>>, vector<16xf32>,
          %add3A_535 = arith.constant 32 : i32
          %add3A_536 = arith.addi %add3A_535, %mul3A_346 : i32
          %add3A_537 = arith.constant 1 : i32
          %add3A_538 = arith.addi %add3A_536, %add3A_537 : i32
          %get3A_539 = arith.index_cast %add3A_538 : i32 to index
          %get3A_540 = arith.constant 64 : index
          %get3A_541 = tpu.vector_load %arg20[%get3A_539, %get3A_540] {strides = array<i32>} : memref<64x128xf32, #tpu.memory_space<vmem>>, vector<16xf32>,
          %mul3A_542 = arith.mulf %get3A_541, %gather3A_474 : vector<16xf32>
          %add3A_543 = arith.constant 32 : i32
          %add3A_544 = arith.addi %add3A_543, %mul3A_346 : i32
          %add3A_545 = arith.constant 1 : i32
          %add3A_546 = arith.addi %add3A_544, %add3A_545 : i32
          %swap3A_547 = arith.index_cast %add3A_546 : i32 to index
          %swap3A_548 = arith.constant 64 : index
          %swap3A_549 = tpu.vector_load %arg20[%swap3A_547, %swap3A_548] {strides = array<i32>} : memref<64x128xf32, #tpu.memory_space<vmem>>, vector<16xf32>,
          tpu.vector_store %arg20[%swap3A_547, %swap3A_548], %mul3A_542 {strides = array<i32>} : memref<64x128xf32, #tpu.memory_space<vmem>>, vector<16xf32>,
          %add3A_550 = arith.constant 32 : i32
          %add3A_551 = arith.addi %add3A_550, %mul3A_346 : i32
          %add3A_552 = arith.constant 1 : i32
          %add3A_553 = arith.addi %add3A_551, %add3A_552 : i32
          %get3A_554 = arith.index_cast %add3A_553 : i32 to index
          %get3A_555 = arith.constant 80 : index
          %get3A_556 = tpu.vector_load %arg20[%get3A_554, %get3A_555] {strides = array<i32>} : memref<64x128xf32, #tpu.memory_space<vmem>>, vector<16xf32>,
          %mul3A_557 = arith.mulf %get3A_556, %gather3A_474 : vector<16xf32>
          %add3A_558 = arith.constant 32 : i32
          %add3A_559 = arith.addi %add3A_558, %mul3A_346 : i32
          %add3A_560 = arith.constant 1 : i32
          %add3A_561 = arith.addi %add3A_559, %add3A_560 : i32
          %swap3A_562 = arith.index_cast %add3A_561 : i32 to index
          %swap3A_563 = arith.constant 80 : index
          %swap3A_564 = tpu.vector_load %arg20[%swap3A_562, %swap3A_563] {strides = array<i32>} : memref<64x128xf32, #tpu.memory_space<vmem>>, vector<16xf32>,
          tpu.vector_store %arg20[%swap3A_562, %swap3A_563], %mul3A_557 {strides = array<i32>} : memref<64x128xf32, #tpu.memory_space<vmem>>, vector<16xf32>,
          %add3A_565 = arith.constant 32 : i32
          %add3A_566 = arith.addi %add3A_565, %mul3A_346 : i32
          %add3A_567 = arith.constant 1 : i32
          %add3A_568 = arith.addi %add3A_566, %add3A_567 : i32
          %get3A_569 = arith.index_cast %add3A_568 : i32 to index
          %get3A_570 = arith.constant 96 : index
          %get3A_571 = tpu.vector_load %arg20[%get3A_569, %get3A_570] {strides = array<i32>} : memref<64x128xf32, #tpu.memory_space<vmem>>, vector<16xf32>,
          %mul3A_572 = arith.mulf %get3A_571, %gather3A_474 : vector<16xf32>
          %add3A_573 = arith.constant 32 : i32
          %add3A_574 = arith.addi %add3A_573, %mul3A_346 : i32
          %add3A_575 = arith.constant 1 : i32
          %add3A_576 = arith.addi %add3A_574, %add3A_575 : i32
          %swap3A_577 = arith.index_cast %add3A_576 : i32 to index
          %swap3A_578 = arith.constant 96 : index
          %swap3A_579 = tpu.vector_load %arg20[%swap3A_577, %swap3A_578] {strides = array<i32>} : memref<64x128xf32, #tpu.memory_space<vmem>>, vector<16xf32>,
          tpu.vector_store %arg20[%swap3A_577, %swap3A_578], %mul3A_572 {strides = array<i32>} : memref<64x128xf32, #tpu.memory_space<vmem>>, vector<16xf32>,
          %add3A_580 = arith.constant 32 : i32
          %add3A_581 = arith.addi %add3A_580, %mul3A_346 : i32
          %add3A_582 = arith.constant 1 : i32
          %add3A_583 = arith.addi %add3A_581, %add3A_582 : i32
          %get3A_584 = arith.index_cast %add3A_583 : i32 to index
          %get3A_585 = arith.constant 112 : index
          %get3A_586 = tpu.vector_load %arg20[%get3A_584, %get3A_585] {strides = array<i32>} : memref<64x128xf32, #tpu.memory_space<vmem>>, vector<16xf32>,
          %mul3A_587 = arith.mulf %get3A_586, %gather3A_474 : vector<16xf32>
          %add3A_588 = arith.constant 32 : i32
          %add3A_589 = arith.addi %add3A_588, %mul3A_346 : i32
          %add3A_590 = arith.constant 1 : i32
          %add3A_591 = arith.addi %add3A_589, %add3A_590 : i32
          %swap3A_592 = arith.index_cast %add3A_591 : i32 to index
          %swap3A_593 = arith.constant 112 : index
          %swap3A_594 = tpu.vector_load %arg20[%swap3A_592, %swap3A_593] {strides = array<i32>} : memref<64x128xf32, #tpu.memory_space<vmem>>, vector<16xf32>,
          tpu.vector_store %arg20[%swap3A_592, %swap3A_593], %mul3A_587 {strides = array<i32>} : memref<64x128xf32, #tpu.memory_space<vmem>>, vector<16xf32>,
          %add3A_595 = arith.constant 2 : i32
          %add3A_596 = arith.addi %mul3A_346, %add3A_595 : i32
          %broadcast_in_dim3A_597 = vector.broadcast %add3A_596 : i32 to vector<16xi32>
          %gather3A_598 = tpu.vector_load_idx %arg19[%broadcast_in_dim3A_597] : memref<32xf32, #tpu.memory_space<vmem>>[vector<16xi32>], vector<16xf32>,
          %add3A_599 = arith.constant 32 : i32
          %add3A_600 = arith.addi %add3A_599, %mul3A_346 : i32
          %add3A_601 = arith.constant 2 : i32
          %add3A_602 = arith.addi %add3A_600, %add3A_601 : i32
          %get3A_603 = arith.index_cast %add3A_602 : i32 to index
          %get3A_604 = arith.constant 0 : index
          %get3A_605 = tpu.vector_load %arg20[%get3A_603, %get3A_604] {strides = array<i32>} : memref<64x128xf32, #tpu.memory_space<vmem>>, vector<16xf32>,
          %mul3A_606 = arith.mulf %get3A_605, %gather3A_598 : vector<16xf32>
          %add3A_607 = arith.constant 32 : i32
          %add3A_608 = arith.addi %add3A_607, %mul3A_346 : i32
          %add3A_609 = arith.constant 2 : i32
          %add3A_610 = arith.addi %add3A_608, %add3A_609 : i32
          %swap3A_611 = arith.index_cast %add3A_610 : i32 to index
          %swap3A_612 = arith.constant 0 : index
          %swap3A_613 = tpu.vector_load %arg20[%swap3A_611, %swap3A_612] {strides = array<i32>} : memref<64x128xf32, #tpu.memory_space<vmem>>, vector<16xf32>,
          tpu.vector_store %arg20[%swap3A_611, %swap3A_612], %mul3A_606 {strides = array<i32>} : memref<64x128xf32, #tpu.memory_space<vmem>>, vector<16xf32>,
          %add3A_614 = arith.constant 32 : i32
          %add3A_615 = arith.addi %add3A_614, %mul3A_346 : i32
          %add3A_616 = arith.constant 2 : i32
          %add3A_617 = arith.addi %add3A_615, %add3A_616 : i32
          %get3A_618 = arith.index_cast %add3A_617 : i32 to index
          %get3A_619 = arith.constant 16 : index
          %get3A_620 = tpu.vector_load %arg20[%get3A_618, %get3A_619] {strides = array<i32>} : memref<64x128xf32, #tpu.memory_space<vmem>>, vector<16xf32>,
          %mul3A_621 = arith.mulf %get3A_620, %gather3A_598 : vector<16xf32>
          %add3A_622 = arith.constant 32 : i32
          %add3A_623 = arith.addi %add3A_622, %mul3A_346 : i32
          %add3A_624 = arith.constant 2 : i32
          %add3A_625 = arith.addi %add3A_623, %add3A_624 : i32
          %swap3A_626 = arith.index_cast %add3A_625 : i32 to index
          %swap3A_627 = arith.constant 16 : index
          %swap3A_628 = tpu.vector_load %arg20[%swap3A_626, %swap3A_627] {strides = array<i32>} : memref<64x128xf32, #tpu.memory_space<vmem>>, vector<16xf32>,
          tpu.vector_store %arg20[%swap3A_626, %swap3A_627], %mul3A_621 {strides = array<i32>} : memref<64x128xf32, #tpu.memory_space<vmem>>, vector<16xf32>,
          %add3A_629 = arith.constant 32 : i32
          %add3A_630 = arith.addi %add3A_629, %mul3A_346 : i32
          %add3A_631 = arith.constant 2 : i32
          %add3A_632 = arith.addi %add3A_630, %add3A_631 : i32
          %get3A_633 = arith.index_cast %add3A_632 : i32 to index
          %get3A_634 = arith.constant 32 : index
          %get3A_635 = tpu.vector_load %arg20[%get3A_633, %get3A_634] {strides = array<i32>} : memref<64x128xf32, #tpu.memory_space<vmem>>, vector<16xf32>,
          %mul3A_636 = arith.mulf %get3A_635, %gather3A_598 : vector<16xf32>
          %add3A_637 = arith.constant 32 : i32
          %add3A_638 = arith.addi %add3A_637, %mul3A_346 : i32
          %add3A_639 = arith.constant 2 : i32
          %add3A_640 = arith.addi %add3A_638, %add3A_639 : i32
          %swap3A_641 = arith.index_cast %add3A_640 : i32 to index
          %swap3A_642 = arith.constant 32 : index
          %swap3A_643 = tpu.vector_load %arg20[%swap3A_641, %swap3A_642] {strides = array<i32>} : memref<64x128xf32, #tpu.memory_space<vmem>>, vector<16xf32>,
          tpu.vector_store %arg20[%swap3A_641, %swap3A_642], %mul3A_636 {strides = array<i32>} : memref<64x128xf32, #tpu.memory_space<vmem>>, vector<16xf32>,
          %add3A_644 = arith.constant 32 : i32
          %add3A_645 = arith.addi %add3A_644, %mul3A_346 : i32
          %add3A_646 = arith.constant 2 : i32
          %add3A_647 = arith.addi %add3A_645, %add3A_646 : i32
          %get3A_648 = arith.index_cast %add3A_647 : i32 to index
          %get3A_649 = arith.constant 48 : index
          %get3A_650 = tpu.vector_load %arg20[%get3A_648, %get3A_649] {strides = array<i32>} : memref<64x128xf32, #tpu.memory_space<vmem>>, vector<16xf32>,
          %mul3A_651 = arith.mulf %get3A_650, %gather3A_598 : vector<16xf32>
          %add3A_652 = arith.constant 32 : i32
          %add3A_653 = arith.addi %add3A_652, %mul3A_346 : i32
          %add3A_654 = arith.constant 2 : i32
          %add3A_655 = arith.addi %add3A_653, %add3A_654 : i32
          %swap3A_656 = arith.index_cast %add3A_655 : i32 to index
          %swap3A_657 = arith.constant 48 : index
          %swap3A_658 = tpu.vector_load %arg20[%swap3A_656, %swap3A_657] {strides = array<i32>} : memref<64x128xf32, #tpu.memory_space<vmem>>, vector<16xf32>,
          tpu.vector_store %arg20[%swap3A_656, %swap3A_657], %mul3A_651 {strides = array<i32>} : memref<64x128xf32, #tpu.memory_space<vmem>>, vector<16xf32>,
          %add3A_659 = arith.constant 32 : i32
          %add3A_660 = arith.addi %add3A_659, %mul3A_346 : i32
          %add3A_661 = arith.constant 2 : i32
          %add3A_662 = arith.addi %add3A_660, %add3A_661 : i32
          %get3A_663 = arith.index_cast %add3A_662 : i32 to index
          %get3A_664 = arith.constant 64 : index
          %get3A_665 = tpu.vector_load %arg20[%get3A_663, %get3A_664] {strides = array<i32>} : memref<64x128xf32, #tpu.memory_space<vmem>>, vector<16xf32>,
          %mul3A_666 = arith.mulf %get3A_665, %gather3A_598 : vector<16xf32>
          %add3A_667 = arith.constant 32 : i32
          %add3A_668 = arith.addi %add3A_667, %mul3A_346 : i32
          %add3A_669 = arith.constant 2 : i32
          %add3A_670 = arith.addi %add3A_668, %add3A_669 : i32
          %swap3A_671 = arith.index_cast %add3A_670 : i32 to index
          %swap3A_672 = arith.constant 64 : index
          %swap3A_673 = tpu.vector_load %arg20[%swap3A_671, %swap3A_672] {strides = array<i32>} : memref<64x128xf32, #tpu.memory_space<vmem>>, vector<16xf32>,
          tpu.vector_store %arg20[%swap3A_671, %swap3A_672], %mul3A_666 {strides = array<i32>} : memref<64x128xf32, #tpu.memory_space<vmem>>, vector<16xf32>,
          %add3A_674 = arith.constant 32 : i32
          %add3A_675 = arith.addi %add3A_674, %mul3A_346 : i32
          %add3A_676 = arith.constant 2 : i32
          %add3A_677 = arith.addi %add3A_675, %add3A_676 : i32
          %get3A_678 = arith.index_cast %add3A_677 : i32 to index
          %get3A_679 = arith.constant 80 : index
          %get3A_680 = tpu.vector_load %arg20[%get3A_678, %get3A_679] {strides = array<i32>} : memref<64x128xf32, #tpu.memory_space<vmem>>, vector<16xf32>,
          %mul3A_681 = arith.mulf %get3A_680, %gather3A_598 : vector<16xf32>
          %add3A_682 = arith.constant 32 : i32
          %add3A_683 = arith.addi %add3A_682, %mul3A_346 : i32
          %add3A_684 = arith.constant 2 : i32
          %add3A_685 = arith.addi %add3A_683, %add3A_684 : i32
          %swap3A_686 = arith.index_cast %add3A_685 : i32 to index
          %swap3A_687 = arith.constant 80 : index
          %swap3A_688 = tpu.vector_load %arg20[%swap3A_686, %swap3A_687] {strides = array<i32>} : memref<64x128xf32, #tpu.memory_space<vmem>>, vector<16xf32>,
          tpu.vector_store %arg20[%swap3A_686, %swap3A_687], %mul3A_681 {strides = array<i32>} : memref<64x128xf32, #tpu.memory_space<vmem>>, vector<16xf32>,
          %add3A_689 = arith.constant 32 : i32
          %add3A_690 = arith.addi %add3A_689, %mul3A_346 : i32
          %add3A_691 = arith.constant 2 : i32
          %add3A_692 = arith.addi %add3A_690, %add3A_691 : i32
          %get3A_693 = arith.index_cast %add3A_692 : i32 to index
          %get3A_694 = arith.constant 96 : index
          %get3A_695 = tpu.vector_load %arg20[%get3A_693, %get3A_694] {strides = array<i32>} : memref<64x128xf32, #tpu.memory_space<vmem>>, vector<16xf32>,
          %mul3A_696 = arith.mulf %get3A_695, %gather3A_598 : vector<16xf32>
          %add3A_697 = arith.constant 32 : i32
          %add3A_698 = arith.addi %add3A_697, %mul3A_346 : i32
          %add3A_699 = arith.constant 2 : i32
          %add3A_700 = arith.addi %add3A_698, %add3A_699 : i32
          %swap3A_701 = arith.index_cast %add3A_700 : i32 to index
          %swap3A_702 = arith.constant 96 : index
          %swap3A_703 = tpu.vector_load %arg20[%swap3A_701, %swap3A_702] {strides = array<i32>} : memref<64x128xf32, #tpu.memory_space<vmem>>, vector<16xf32>,
          tpu.vector_store %arg20[%swap3A_701, %swap3A_702], %mul3A_696 {strides = array<i32>} : memref<64x128xf32, #tpu.memory_space<vmem>>, vector<16xf32>,
          %add3A_704 = arith.constant 32 : i32
          %add3A_705 = arith.addi %add3A_704, %mul3A_346 : i32
          %add3A_706 = arith.constant 2 : i32
          %add3A_707 = arith.addi %add3A_705, %add3A_706 : i32
          %get3A_708 = arith.index_cast %add3A_707 : i32 to index
          %get3A_709 = arith.constant 112 : index
          %get3A_710 = tpu.vector_load %arg20[%get3A_708, %get3A_709] {strides = array<i32>} : memref<64x128xf32, #tpu.memory_space<vmem>>, vector<16xf32>,
          %mul3A_711 = arith.mulf %get3A_710, %gather3A_598 : vector<16xf32>
          %add3A_712 = arith.constant 32 : i32
          %add3A_713 = arith.addi %add3A_712, %mul3A_346 : i32
          %add3A_714 = arith.constant 2 : i32
          %add3A_715 = arith.addi %add3A_713, %add3A_714 : i32
          %swap3A_716 = arith.index_cast %add3A_715 : i32 to index
          %swap3A_717 = arith.constant 112 : index
          %swap3A_718 = tpu.vector_load %arg20[%swap3A_716, %swap3A_717] {strides = array<i32>} : memref<64x128xf32, #tpu.memory_space<vmem>>, vector<16xf32>,
          tpu.vector_store %arg20[%swap3A_716, %swap3A_717], %mul3A_711 {strides = array<i32>} : memref<64x128xf32, #tpu.memory_space<vmem>>, vector<16xf32>,
          %add3A_719 = arith.constant 3 : i32
          %add3A_720 = arith.addi %mul3A_346, %add3A_719 : i32
          %broadcast_in_dim3A_721 = vector.broadcast %add3A_720 : i32 to vector<16xi32>
          %gather3A_722 = tpu.vector_load_idx %arg19[%broadcast_in_dim3A_721] : memref<32xf32, #tpu.memory_space<vmem>>[vector<16xi32>], vector<16xf32>,
          %add3A_723 = arith.constant 32 : i32
          %add3A_724 = arith.addi %add3A_723, %mul3A_346 : i32
          %add3A_725 = arith.constant 3 : i32
          %add3A_726 = arith.addi %add3A_724, %add3A_725 : i32
          %get3A_727 = arith.index_cast %add3A_726 : i32 to index
          %get3A_728 = arith.constant 0 : index
          %get3A_729 = tpu.vector_load %arg20[%get3A_727, %get3A_728] {strides = array<i32>} : memref<64x128xf32, #tpu.memory_space<vmem>>, vector<16xf32>,
          %mul3A_730 = arith.mulf %get3A_729, %gather3A_722 : vector<16xf32>
          %add3A_731 = arith.constant 32 : i32
          %add3A_732 = arith.addi %add3A_731, %mul3A_346 : i32
          %add3A_733 = arith.constant 3 : i32
          %add3A_734 = arith.addi %add3A_732, %add3A_733 : i32
          %swap3A_735 = arith.index_cast %add3A_734 : i32 to index
          %swap3A_736 = arith.constant 0 : index
          %swap3A_737 = tpu.vector_load %arg20[%swap3A_735, %swap3A_736] {strides = array<i32>} : memref<64x128xf32, #tpu.memory_space<vmem>>, vector<16xf32>,
          tpu.vector_store %arg20[%swap3A_735, %swap3A_736], %mul3A_730 {strides = array<i32>} : memref<64x128xf32, #tpu.memory_space<vmem>>, vector<16xf32>,
          %add3A_738 = arith.constant 32 : i32
          %add3A_739 = arith.addi %add3A_738, %mul3A_346 : i32
          %add3A_740 = arith.constant 3 : i32
          %add3A_741 = arith.addi %add3A_739, %add3A_740 : i32
          %get3A_742 = arith.index_cast %add3A_741 : i32 to index
          %get3A_743 = arith.constant 16 : index
          %get3A_744 = tpu.vector_load %arg20[%get3A_742, %get3A_743] {strides = array<i32>} : memref<64x128xf32, #tpu.memory_space<vmem>>, vector<16xf32>,
          %mul3A_745 = arith.mulf %get3A_744, %gather3A_722 : vector<16xf32>
          %add3A_746 = arith.constant 32 : i32
          %add3A_747 = arith.addi %add3A_746, %mul3A_346 : i32
          %add3A_748 = arith.constant 3 : i32
          %add3A_749 = arith.addi %add3A_747, %add3A_748 : i32
          %swap3A_750 = arith.index_cast %add3A_749 : i32 to index
          %swap3A_751 = arith.constant 16 : index
          %swap3A_752 = tpu.vector_load %arg20[%swap3A_750, %swap3A_751] {strides = array<i32>} : memref<64x128xf32, #tpu.memory_space<vmem>>, vector<16xf32>,
          tpu.vector_store %arg20[%swap3A_750, %swap3A_751], %mul3A_745 {strides = array<i32>} : memref<64x128xf32, #tpu.memory_space<vmem>>, vector<16xf32>,
          %add3A_753 = arith.constant 32 : i32
          %add3A_754 = arith.addi %add3A_753, %mul3A_346 : i32
          %add3A_755 = arith.constant 3 : i32
          %add3A_756 = arith.addi %add3A_754, %add3A_755 : i32
          %get3A_757 = arith.index_cast %add3A_756 : i32 to index
          %get3A_758 = arith.constant 32 : index
          %get3A_759 = tpu.vector_load %arg20[%get3A_757, %get3A_758] {strides = array<i32>} : memref<64x128xf32, #tpu.memory_space<vmem>>, vector<16xf32>,
          %mul3A_760 = arith.mulf %get3A_759, %gather3A_722 : vector<16xf32>
          %add3A_761 = arith.constant 32 : i32
          %add3A_762 = arith.addi %add3A_761, %mul3A_346 : i32
          %add3A_763 = arith.constant 3 : i32
          %add3A_764 = arith.addi %add3A_762, %add3A_763 : i32
          %swap3A_765 = arith.index_cast %add3A_764 : i32 to index
          %swap3A_766 = arith.constant 32 : index
          %swap3A_767 = tpu.vector_load %arg20[%swap3A_765, %swap3A_766] {strides = array<i32>} : memref<64x128xf32, #tpu.memory_space<vmem>>, vector<16xf32>,
          tpu.vector_store %arg20[%swap3A_765, %swap3A_766], %mul3A_760 {strides = array<i32>} : memref<64x128xf32, #tpu.memory_space<vmem>>, vector<16xf32>,
          %add3A_768 = arith.constant 32 : i32
          %add3A_769 = arith.addi %add3A_768, %mul3A_346 : i32
          %add3A_770 = arith.constant 3 : i32
          %add3A_771 = arith.addi %add3A_769, %add3A_770 : i32
          %get3A_772 = arith.index_cast %add3A_771 : i32 to index
          %get3A_773 = arith.constant 48 : index
          %get3A_774 = tpu.vector_load %arg20[%get3A_772, %get3A_773] {strides = array<i32>} : memref<64x128xf32, #tpu.memory_space<vmem>>, vector<16xf32>,
          %mul3A_775 = arith.mulf %get3A_774, %gather3A_722 : vector<16xf32>
          %add3A_776 = arith.constant 32 : i32
          %add3A_777 = arith.addi %add3A_776, %mul3A_346 : i32
          %add3A_778 = arith.constant 3 : i32
          %add3A_779 = arith.addi %add3A_777, %add3A_778 : i32
          %swap3A_780 = arith.index_cast %add3A_779 : i32 to index
          %swap3A_781 = arith.constant 48 : index
          %swap3A_782 = tpu.vector_load %arg20[%swap3A_780, %swap3A_781] {strides = array<i32>} : memref<64x128xf32, #tpu.memory_space<vmem>>, vector<16xf32>,
          tpu.vector_store %arg20[%swap3A_780, %swap3A_781], %mul3A_775 {strides = array<i32>} : memref<64x128xf32, #tpu.memory_space<vmem>>, vector<16xf32>,
          %add3A_783 = arith.constant 32 : i32
          %add3A_784 = arith.addi %add3A_783, %mul3A_346 : i32
          %add3A_785 = arith.constant 3 : i32
          %add3A_786 = arith.addi %add3A_784, %add3A_785 : i32
          %get3A_787 = arith.index_cast %add3A_786 : i32 to index
          %get3A_788 = arith.constant 64 : index
          %get3A_789 = tpu.vector_load %arg20[%get3A_787, %get3A_788] {strides = array<i32>} : memref<64x128xf32, #tpu.memory_space<vmem>>, vector<16xf32>,
          %mul3A_790 = arith.mulf %get3A_789, %gather3A_722 : vector<16xf32>
          %add3A_791 = arith.constant 32 : i32
          %add3A_792 = arith.addi %add3A_791, %mul3A_346 : i32
          %add3A_793 = arith.constant 3 : i32
          %add3A_794 = arith.addi %add3A_792, %add3A_793 : i32
          %swap3A_795 = arith.index_cast %add3A_794 : i32 to index
          %swap3A_796 = arith.constant 64 : index
          %swap3A_797 = tpu.vector_load %arg20[%swap3A_795, %swap3A_796] {strides = array<i32>} : memref<64x128xf32, #tpu.memory_space<vmem>>, vector<16xf32>,
          tpu.vector_store %arg20[%swap3A_795, %swap3A_796], %mul3A_790 {strides = array<i32>} : memref<64x128xf32, #tpu.memory_space<vmem>>, vector<16xf32>,
          %add3A_798 = arith.constant 32 : i32
          %add3A_799 = arith.addi %add3A_798, %mul3A_346 : i32
          %add3A_800 = arith.constant 3 : i32
          %add3A_801 = arith.addi %add3A_799, %add3A_800 : i32
          %get3A_802 = arith.index_cast %add3A_801 : i32 to index
          %get3A_803 = arith.constant 80 : index
          %get3A_804 = tpu.vector_load %arg20[%get3A_802, %get3A_803] {strides = array<i32>} : memref<64x128xf32, #tpu.memory_space<vmem>>, vector<16xf32>,
          %mul3A_805 = arith.mulf %get3A_804, %gather3A_722 : vector<16xf32>
          %add3A_806 = arith.constant 32 : i32
          %add3A_807 = arith.addi %add3A_806, %mul3A_346 : i32
          %add3A_808 = arith.constant 3 : i32
          %add3A_809 = arith.addi %add3A_807, %add3A_808 : i32
          %swap3A_810 = arith.index_cast %add3A_809 : i32 to index
          %swap3A_811 = arith.constant 80 : index
          %swap3A_812 = tpu.vector_load %arg20[%swap3A_810, %swap3A_811] {strides = array<i32>} : memref<64x128xf32, #tpu.memory_space<vmem>>, vector<16xf32>,
          tpu.vector_store %arg20[%swap3A_810, %swap3A_811], %mul3A_805 {strides = array<i32>} : memref<64x128xf32, #tpu.memory_space<vmem>>, vector<16xf32>,
          %add3A_813 = arith.constant 32 : i32
          %add3A_814 = arith.addi %add3A_813, %mul3A_346 : i32
          %add3A_815 = arith.constant 3 : i32
          %add3A_816 = arith.addi %add3A_814, %add3A_815 : i32
          %get3A_817 = arith.index_cast %add3A_816 : i32 to index
          %get3A_818 = arith.constant 96 : index
          %get3A_819 = tpu.vector_load %arg20[%get3A_817, %get3A_818] {strides = array<i32>} : memref<64x128xf32, #tpu.memory_space<vmem>>, vector<16xf32>,
          %mul3A_820 = arith.mulf %get3A_819, %gather3A_722 : vector<16xf32>
          %add3A_821 = arith.constant 32 : i32
          %add3A_822 = arith.addi %add3A_821, %mul3A_346 : i32
          %add3A_823 = arith.constant 3 : i32
          %add3A_824 = arith.addi %add3A_822, %add3A_823 : i32
          %swap3A_825 = arith.index_cast %add3A_824 : i32 to index
          %swap3A_826 = arith.constant 96 : index
          %swap3A_827 = tpu.vector_load %arg20[%swap3A_825, %swap3A_826] {strides = array<i32>} : memref<64x128xf32, #tpu.memory_space<vmem>>, vector<16xf32>,
          tpu.vector_store %arg20[%swap3A_825, %swap3A_826], %mul3A_820 {strides = array<i32>} : memref<64x128xf32, #tpu.memory_space<vmem>>, vector<16xf32>,
          %add3A_828 = arith.constant 32 : i32
          %add3A_829 = arith.addi %add3A_828, %mul3A_346 : i32
          %add3A_830 = arith.constant 3 : i32
          %add3A_831 = arith.addi %add3A_829, %add3A_830 : i32
          %get3A_832 = arith.index_cast %add3A_831 : i32 to index
          %get3A_833 = arith.constant 112 : index
          %get3A_834 = tpu.vector_load %arg20[%get3A_832, %get3A_833] {strides = array<i32>} : memref<64x128xf32, #tpu.memory_space<vmem>>, vector<16xf32>,
          %mul3A_835 = arith.mulf %get3A_834, %gather3A_722 : vector<16xf32>
          %add3A_836 = arith.constant 32 : i32
          %add3A_837 = arith.addi %add3A_836, %mul3A_346 : i32
          %add3A_838 = arith.constant 3 : i32
          %add3A_839 = arith.addi %add3A_837, %add3A_838 : i32
          %swap3A_840 = arith.index_cast %add3A_839 : i32 to index
          %swap3A_841 = arith.constant 112 : index
          %swap3A_842 = tpu.vector_load %arg20[%swap3A_840, %swap3A_841] {strides = array<i32>} : memref<64x128xf32, #tpu.memory_space<vmem>>, vector<16xf32>,
          tpu.vector_store %arg20[%swap3A_840, %swap3A_841], %mul3A_835 {strides = array<i32>} : memref<64x128xf32, #tpu.memory_space<vmem>>, vector<16xf32>,
        }
        %scan3A_343 = arith.constant 8 : i32
        "tpu.region"() ({
          %run_scoped3A = tpu.sem_alloc : memref<!tpu.dma_semaphore, #tpu.memory_space<semaphore_mem>>
          %dma_start3A_344 = arith.constant 32 : i32
          %dma_start3A_345 = arith.constant 0 : i32
          %dma_start3A_346 = tpu.memref_slice %arg20[%dma_start3A_344, %dma_start3A_345] : memref<64x128xf32, #tpu.memory_space<vmem>> -> memref<32x128xf32, #tpu.memory_space<vmem>>
          %dma_start3A_347 = arith.constant 0 : i32
          %dma_start3A_348 = arith.constant 0 : i32
          %dma_start3A_349 = tpu.memref_slice %arg22[%dma_start3A_347, %dma_start3A_348] : memref<1312x128xf32, #tpu.memory_space<vmem_shared>> -> memref<1312x128xf32, #tpu.memory_space<vmem_shared>>
          tpu.enqueue_indirect_dma source(%dma_start3A_346 : memref<32x128xf32, #tpu.memory_space<vmem>>) target(%dma_start3A_349 : memref<1312x128xf32, #tpu.memory_space<vmem_shared>>) offsets(%arg17 : memref<32xi32, #tpu.memory_space<vmem>>) semaphore(%run_scoped3A : memref<!tpu.dma_semaphore, #tpu.memory_space<semaphore_mem>>) {add = true}
          %dma_wait3A_350 = arith.constant 32 : i32
          %dma_wait3A_351 = arith.constant 0 : i32
          %dma_wait3A_352 = tpu.memref_slice %arg20[%dma_wait3A_350, %dma_wait3A_351] : memref<64x128xf32, #tpu.memory_space<vmem>> -> memref<32x128xf32, #tpu.memory_space<vmem>>
          %dma_wait3A_353 = arith.constant 0 : i32
          %dma_wait3A_354 = arith.constant 0 : i32
          %dma_wait3A_355 = tpu.memref_slice %arg22[%dma_wait3A_353, %dma_wait3A_354] : memref<1312x128xf32, #tpu.memory_space<vmem_shared>> -> memref<1312x128xf32, #tpu.memory_space<vmem_shared>>
          tpu.wait_indirect_dma semaphore(%run_scoped3A : memref<!tpu.dma_semaphore, #tpu.memory_space<semaphore_mem>>) src(%dma_wait3A_352 : memref<32x128xf32, #tpu.memory_space<vmem>>) dst(%dma_wait3A_355 : memref<1312x128xf32, #tpu.memory_space<vmem_shared>>)
          tpu.yield
        }) : () -> ()
      }
      %scan3A_173 = arith.constant 324 : i32
      %barrier3A_174 = arith.constant 0 : index
      tpu.barrier barrier_id(%barrier3A_174)
      %mul3A_175 = arith.constant 10240 : i32
      %mul3A_176 = arith.muli %arg0, %mul3A_175 : i32
      %add3A_177 = arith.addi %mul3A_176, %mul3A_36 : i32
      %mul3A_178 = arith.constant 80 : i32
      %mul3A_179 = arith.muli %arg1, %mul3A_178 : i32
      %add3A_180 = arith.addi %add3A_177, %mul3A_179 : i32
      %multiple_of3A_181 = tpu.assume_multiple %add3A_180, 8 : i32
      %mul3A_182 = arith.constant 80 : i32
      %mul3A_183 = arith.muli %arg1, %mul3A_182 : i32
      "tpu.region"() ({
        %run_scoped3A = tpu.sem_alloc : memref<!tpu.dma_semaphore, #tpu.memory_space<semaphore_mem>>
        %dma_start3A_185 = arith.constant 0 : i32
        %dma_start3A_186 = tpu.memref_slice %arg7[%multiple_of3A_181, %dma_start3A_185] : memref<20480x128xf32, #tpu.memory_space<hbm>> -> memref<80x128xf32, #tpu.memory_space<hbm>>
        %dma_start3A_187 = arith.constant 0 : i32
        %dma_start3A_188 = tpu.memref_slice %arg22[%mul3A_183, %dma_start3A_187] : memref<1312x128xf32, #tpu.memory_space<vmem_shared>> -> memref<80x128xf32, #tpu.memory_space<vmem_shared>>
        tpu.enqueue_dma source(%dma_start3A_188 : memref<80x128xf32, #tpu.memory_space<vmem_shared>>) target(%dma_start3A_186 : memref<80x128xf32, #tpu.memory_space<hbm>>) target_semaphore(%run_scoped3A : memref<!tpu.dma_semaphore, #tpu.memory_space<semaphore_mem>>)
        %dma_wait3A = arith.constant 0 : i32
        %dma_wait3A_189 = tpu.memref_slice %arg7[%multiple_of3A_181, %dma_wait3A] : memref<20480x128xf32, #tpu.memory_space<hbm>> -> memref<80x128xf32, #tpu.memory_space<hbm>>
        %dma_wait3A_190 = arith.constant 0 : i32
        %dma_wait3A_191 = tpu.memref_slice %arg22[%mul3A_183, %dma_wait3A_190] : memref<1312x128xf32, #tpu.memory_space<vmem_shared>> -> memref<80x128xf32, #tpu.memory_space<vmem_shared>>
        tpu.wait_dma2 semaphore(%run_scoped3A : memref<!tpu.dma_semaphore, #tpu.memory_space<semaphore_mem>>) src(%dma_wait3A_191 : memref<80x128xf32, #tpu.memory_space<vmem_shared>>) dst(%dma_wait3A_189 : memref<80x128xf32, #tpu.memory_space<hbm>>)
        tpu.yield
      }) : () -> ()
      %barrier3A_184 = arith.constant 0 : index
      tpu.barrier barrier_id(%barrier3A_184)
    }
    %scan3A_33 = arith.constant 8 : i32
    return
  }
}

module attributes {stable_mosaic.version = 14 : i64} {
  func.func @body(%arg0: i32, %arg1: memref<256x1xi32, #tpu.memory_space<vmem>>, %arg2: memref<1024x128xf32, #tpu.memory_space<vmem>>, %arg3: memref<128x128xf32, #tpu.memory_space<vmem>>, %arg4: memref<128x128xf32, #tpu.memory_space<vmem>>, %arg5: memref<4x128xf32, #tpu.memory_space<vmem>>, %arg6: memref<2x256x128xf32, #tpu.memory_space<vmem>>, %arg7: memref<4x256xf32, #tpu.memory_space<vmem>>) attributes {dimension_semantics = [#tpu.dimension_semantics<arbitrary>], iteration_bounds = array<i64: 40>, scalar_prefetch = 0 : i64, scratch_operands = 0 : i64, tpu.core_type = #tpu.core_type<tc>, window_params = [{transform_indices = @transform_0, window_bounds = array<i64: 256, 1>}, {pipeline_mode = #tpu.pipeline_mode<synchronous>, transform_indices = @transform_1, window_bounds = array<i64: 1024, 128>}, {pipeline_mode = #tpu.pipeline_mode<synchronous>, transform_indices = @transform_2, window_bounds = array<i64: 128, 128>}, {pipeline_mode = #tpu.pipeline_mode<synchronous>, transform_indices = @transform_3, window_bounds = array<i64: 128, 128>}, {pipeline_mode = #tpu.pipeline_mode<synchronous>, transform_indices = @transform_4, window_bounds = array<i64: 4, 128>}, {transform_indices = @transform_5, window_bounds = array<i64: 2, 256, 128>}, {transform_indices = @transform_6, window_bounds = array<i64: 4, 256>}]} {
    %get3A = arith.constant 0 : index
    %get3A_0 = arith.constant 0 : index
    %get3A_1 = vector.load %arg1[%get3A, %get3A_0] : memref<256x1xi32, #tpu.memory_space<vmem>>, vector<256x1xi32>
    %iota3A = tpu.iota {dimensions = array<i32: 1>} : vector<256x1024xi32>
    %eq3A = vector.broadcast %get3A_1 : vector<256x1xi32> to vector<256x1024xi32>
    %eq3A_2 = arith.cmpi eq, %eq3A, %iota3A : vector<256x1024xi32>
    %convert_element_type3A = arith.extui %eq3A_2 : vector<256x1024xi1> to vector<256x1024xi32>
    %convert_element_type3A_3 = arith.sitofp %convert_element_type3A : vector<256x1024xi32> to vector<256x1024xf32>
    %get3A_4 = arith.constant 0 : index
    %get3A_5 = arith.constant 0 : index
    %get3A_6 = vector.load %arg2[%get3A_4, %get3A_5] : memref<1024x128xf32, #tpu.memory_space<vmem>>, vector<1024x128xf32>
    %dot_general3A = arith.constant dense<0.000000e+00> : vector<256x128xf32>
    %dot_general3A_7 = tpu.matmul %convert_element_type3A_3, %get3A_6, %dot_general3A {dimension_numbers = #tpu.dot_dimension_numbers<[1], [0], [0], [1], [0, 0, 1, 1], [], []>, precision = #tpu.contract_precision<fp32>, transpose_lhs_hint = false} : vector<256x1024xf32>, vector<1024x128xf32>, vector<256x128xf32> -> vector<256x128xf32>
    %get3A_8 = arith.constant 0 : index
    %get3A_9 = arith.constant 0 : index
    %get3A_10 = vector.load %arg3[%get3A_8, %get3A_9] : memref<128x128xf32, #tpu.memory_space<vmem>>, vector<128x128xf32>
    %dot_general3A_11 = arith.constant dense<0.000000e+00> : vector<256x128xf32>
    %dot_general3A_12 = tpu.matmul %dot_general3A_7, %get3A_10, %dot_general3A_11 {dimension_numbers = #tpu.dot_dimension_numbers<[1], [0], [0], [1], [0, 0, 1, 1], [], []>, precision = #tpu.contract_precision<fp32>, transpose_lhs_hint = false} : vector<256x128xf32>, vector<128x128xf32>, vector<256x128xf32> -> vector<256x128xf32>
    %get3A_13 = arith.constant 0 : index
    %get3A_14 = arith.constant 0 : index
    %get3A_15 = vector.load %arg4[%get3A_13, %get3A_14] : memref<128x128xf32, #tpu.memory_space<vmem>>, vector<128x128xf32>
    %dot_general3A_16 = arith.constant dense<0.000000e+00> : vector<256x128xf32>
    %dot_general3A_17 = tpu.matmul %dot_general3A_7, %get3A_15, %dot_general3A_16 {dimension_numbers = #tpu.dot_dimension_numbers<[1], [0], [0], [1], [0, 0, 1, 1], [], []>, precision = #tpu.contract_precision<fp32>, transpose_lhs_hint = false} : vector<256x128xf32>, vector<128x128xf32>, vector<256x128xf32> -> vector<256x128xf32>
    %swap3A = arith.constant 0 : index
    %swap3A_18 = arith.constant 0 : index
    %swap3A_19 = arith.constant 0 : index
    %swap3A_20 = vector.load %arg6[%swap3A, %swap3A_18, %swap3A_19] : memref<2x256x128xf32, #tpu.memory_space<vmem>>, vector<1x256x128xf32>
    %swap3A_21 = vector.shape_cast %swap3A_20 : vector<1x256x128xf32> to vector<256x128xf32>
    %swap3A_22 = vector.shape_cast %dot_general3A_12 : vector<256x128xf32> to vector<1x256x128xf32>
    tpu.vector_store %arg6[%swap3A, %swap3A_18, %swap3A_19], %swap3A_22 {strides = array<i32>} : memref<2x256x128xf32, #tpu.memory_space<vmem>>, vector<1x256x128xf32>,
    %swap3A_23 = arith.constant 1 : index
    %swap3A_24 = arith.constant 0 : index
    %swap3A_25 = arith.constant 0 : index
    %swap3A_26 = vector.load %arg6[%swap3A_23, %swap3A_24, %swap3A_25] : memref<2x256x128xf32, #tpu.memory_space<vmem>>, vector<1x256x128xf32>
    %swap3A_27 = vector.shape_cast %swap3A_26 : vector<1x256x128xf32> to vector<256x128xf32>
    %swap3A_28 = vector.shape_cast %dot_general3A_17 : vector<256x128xf32> to vector<1x256x128xf32>
    tpu.vector_store %arg6[%swap3A_23, %swap3A_24, %swap3A_25], %swap3A_28 {strides = array<i32>} : memref<2x256x128xf32, #tpu.memory_space<vmem>>, vector<1x256x128xf32>,
    %get3A_29 = arith.constant 0 : index
    %get3A_30 = arith.constant 0 : index
    %get3A_31 = vector.load %arg5[%get3A_29, %get3A_30] : memref<4x128xf32, #tpu.memory_space<vmem>>, vector<4x128xf32>
    %slice3A = vector.extract_strided_slice %get3A_31 {offsets = [0, 0], sizes = [1, 128], strides = [1, 1]} : vector<4x128xf32> to vector<1x128xf32>
    %mul3A = vector.broadcast %slice3A : vector<1x128xf32> to vector<256x128xf32>
    %mul3A_32 = arith.mulf %dot_general3A_12, %mul3A : vector<256x128xf32>
    %reduce_sum3A = arith.constant dense<0.000000e+00> : vector<256xf32>
    %reduce_sum3A_33 = vector.multi_reduction <add>, %mul3A_32, %reduce_sum3A [1] : vector<256x128xf32> to vector<256xf32>
    %slice3A_34 = vector.extract_strided_slice %get3A_31 {offsets = [1, 0], sizes = [1, 128], strides = [1, 1]} : vector<4x128xf32> to vector<1x128xf32>
    %mul3A_35 = vector.broadcast %slice3A_34 : vector<1x128xf32> to vector<256x128xf32>
    %mul3A_36 = arith.mulf %dot_general3A_17, %mul3A_35 : vector<256x128xf32>
    %reduce_sum3A_37 = arith.constant dense<0.000000e+00> : vector<256xf32>
    %reduce_sum3A_38 = vector.multi_reduction <add>, %mul3A_36, %reduce_sum3A_37 [1] : vector<256x128xf32> to vector<256xf32>
    %slice3A_39 = vector.extract_strided_slice %get3A_31 {offsets = [2, 0], sizes = [1, 128], strides = [1, 1]} : vector<4x128xf32> to vector<1x128xf32>
    %mul3A_40 = vector.broadcast %slice3A_39 : vector<1x128xf32> to vector<256x128xf32>
    %mul3A_41 = arith.mulf %dot_general3A_12, %mul3A_40 : vector<256x128xf32>
    %reduce_sum3A_42 = arith.constant dense<0.000000e+00> : vector<256xf32>
    %reduce_sum3A_43 = vector.multi_reduction <add>, %mul3A_41, %reduce_sum3A_42 [1] : vector<256x128xf32> to vector<256xf32>
    %slice3A_44 = vector.extract_strided_slice %get3A_31 {offsets = [3, 0], sizes = [1, 128], strides = [1, 1]} : vector<4x128xf32> to vector<1x128xf32>
    %mul3A_45 = vector.broadcast %slice3A_44 : vector<1x128xf32> to vector<256x128xf32>
    %mul3A_46 = arith.mulf %dot_general3A_17, %mul3A_45 : vector<256x128xf32>
    %reduce_sum3A_47 = arith.constant dense<0.000000e+00> : vector<256xf32>
    %reduce_sum3A_48 = vector.multi_reduction <add>, %mul3A_46, %reduce_sum3A_47 [1] : vector<256x128xf32> to vector<256xf32>
    %broadcast_in_dim3A = vector.shape_cast %reduce_sum3A_33 : vector<256xf32> to vector<1x256xf32>
    %broadcast_in_dim3A_49 = vector.shape_cast %reduce_sum3A_38 : vector<256xf32> to vector<1x256xf32>
    %broadcast_in_dim3A_50 = vector.shape_cast %reduce_sum3A_43 : vector<256xf32> to vector<1x256xf32>
    %broadcast_in_dim3A_51 = vector.shape_cast %reduce_sum3A_48 : vector<256xf32> to vector<1x256xf32>
    %concatenate3A = tpu.concatenate %broadcast_in_dim3A, %broadcast_in_dim3A_49, %broadcast_in_dim3A_50, %broadcast_in_dim3A_51 in 0 : vector<1x256xf32>, vector<1x256xf32>, vector<1x256xf32>, vector<1x256xf32> -> vector<4x256xf32>
    %swap3A_52 = arith.constant 0 : index
    %swap3A_53 = arith.constant 0 : index
    %swap3A_54 = vector.load %arg7[%swap3A_52, %swap3A_53] : memref<4x256xf32, #tpu.memory_space<vmem>>, vector<4x256xf32>
    tpu.vector_store %arg7[%swap3A_52, %swap3A_53], %concatenate3A {strides = array<i32>} : memref<4x256xf32, #tpu.memory_space<vmem>>, vector<4x256xf32>,
    return
  }
  func.func @transform_0(%arg0: i32) -> (i32, i32) {
    %c0_i32 = arith.constant 0 : i32
    %c0_i32_0 = arith.constant 0 : i32
    return %arg0, %c0_i32 : i32, i32
  }
  func.func @transform_1(%arg0: i32) -> (i32, i32) {
    %c0_i32 = arith.constant 0 : i32
    %c0_i32_0 = arith.constant 0 : i32
    %c0_i32_1 = arith.constant 0 : i32
    return %c0_i32, %c0_i32_0 : i32, i32
  }
  func.func @transform_2(%arg0: i32) -> (i32, i32) {
    %c0_i32 = arith.constant 0 : i32
    %c0_i32_0 = arith.constant 0 : i32
    %c0_i32_1 = arith.constant 0 : i32
    return %c0_i32, %c0_i32_0 : i32, i32
  }
  func.func @transform_3(%arg0: i32) -> (i32, i32) {
    %c0_i32 = arith.constant 0 : i32
    %c0_i32_0 = arith.constant 0 : i32
    %c0_i32_1 = arith.constant 0 : i32
    return %c0_i32, %c0_i32_0 : i32, i32
  }
  func.func @transform_4(%arg0: i32) -> (i32, i32) {
    %c0_i32 = arith.constant 0 : i32
    %c0_i32_0 = arith.constant 0 : i32
    %c0_i32_1 = arith.constant 0 : i32
    return %c0_i32, %c0_i32_0 : i32, i32
  }
  func.func @transform_5(%arg0: i32) -> (i32, i32, i32) {
    %c0_i32 = arith.constant 0 : i32
    %c0_i32_0 = arith.constant 0 : i32
    %c0_i32_1 = arith.constant 0 : i32
    return %c0_i32, %arg0, %c0_i32_0 : i32, i32, i32
  }
  func.func @transform_6(%arg0: i32) -> (i32, i32) {
    %c0_i32 = arith.constant 0 : i32
    %c0_i32_0 = arith.constant 0 : i32
    return %c0_i32, %arg0 : i32, i32
  }
}

module attributes {stable_mosaic.version = 14 : i64} {
  func.func @body(%arg0: i32, %arg1: memref<2x256x128xf32, #tpu.memory_space<vmem>>, %arg2: memref<2x128xf32, #tpu.memory_space<vmem>>, %arg3: memref<2x128xf32, #tpu.memory_space<vmem>>, %arg4: memref<2x128xf32, #tpu.memory_space<vmem>>, %arg5: memref<128x128xf32, #tpu.memory_space<vmem>>, %arg6: memref<128x128xf32, #tpu.memory_space<vmem>>, %arg7: memref<128x128xf32, #tpu.memory_space<vmem>>, %arg8: memref<128x128xf32, #tpu.memory_space<vmem>>, %arg9: memref<4x128xf32, #tpu.memory_space<vmem>>, %arg10: memref<2x256x128xf32, #tpu.memory_space<vmem>>, %arg11: memref<4x256xf32, #tpu.memory_space<vmem>>) attributes {dimension_semantics = [#tpu.dimension_semantics<arbitrary>], iteration_bounds = array<i64: 40>, scalar_prefetch = 0 : i64, scratch_operands = 0 : i64, tpu.core_type = #tpu.core_type<tc>, window_params = [{transform_indices = @transform_0, window_bounds = array<i64: 2, 256, 128>}, {pipeline_mode = #tpu.pipeline_mode<synchronous>, transform_indices = @transform_1, window_bounds = array<i64: 2, 128>}, {pipeline_mode = #tpu.pipeline_mode<synchronous>, transform_indices = @transform_2, window_bounds = array<i64: 2, 128>}, {pipeline_mode = #tpu.pipeline_mode<synchronous>, transform_indices = @transform_3, window_bounds = array<i64: 2, 128>}, {pipeline_mode = #tpu.pipeline_mode<synchronous>, transform_indices = @transform_4, window_bounds = array<i64: 128, 128>}, {pipeline_mode = #tpu.pipeline_mode<synchronous>, transform_indices = @transform_5, window_bounds = array<i64: 128, 128>}, {pipeline_mode = #tpu.pipeline_mode<synchronous>, transform_indices = @transform_6, window_bounds = array<i64: 128, 128>}, {pipeline_mode = #tpu.pipeline_mode<synchronous>, transform_indices = @transform_7, window_bounds = array<i64: 128, 128>}, {pipeline_mode = #tpu.pipeline_mode<synchronous>, transform_indices = @transform_8, window_bounds = array<i64: 4, 128>}, {transform_indices = @transform_9, window_bounds = array<i64: 2, 256, 128>}, {transform_indices = @transform_10, window_bounds = array<i64: 4, 256>}]} {
    %get3A = arith.constant 0 : index
    %get3A_0 = arith.constant 0 : index
    %get3A_1 = arith.constant 0 : index
    %get3A_2 = vector.load %arg1[%get3A, %get3A_0, %get3A_1] : memref<2x256x128xf32, #tpu.memory_space<vmem>>, vector<1x256x128xf32>
    %get3A_3 = vector.shape_cast %get3A_2 : vector<1x256x128xf32> to vector<256x128xf32>
    %get3A_4 = arith.constant 0 : index
    %get3A_5 = arith.constant 0 : index
    %get3A_6 = vector.load %arg2[%get3A_4, %get3A_5] : memref<2x128xf32, #tpu.memory_space<vmem>>, vector<1x128xf32>
    %add3A = vector.broadcast %get3A_6 : vector<1x128xf32> to vector<256x128xf32>
    %add3A_7 = arith.addf %get3A_3, %add3A : vector<256x128xf32>
    %get3A_8 = arith.constant 1 : index
    %get3A_9 = arith.constant 0 : index
    %get3A_10 = arith.constant 0 : index
    %get3A_11 = vector.load %arg1[%get3A_8, %get3A_9, %get3A_10] : memref<2x256x128xf32, #tpu.memory_space<vmem>>, vector<1x256x128xf32>
    %get3A_12 = vector.shape_cast %get3A_11 : vector<1x256x128xf32> to vector<256x128xf32>
    %get3A_13 = arith.constant 1 : index
    %get3A_14 = arith.constant 0 : index
    %get3A_15 = vector.load %arg2[%get3A_13, %get3A_14] : memref<2x128xf32, #tpu.memory_space<vmem>>, vector<1x128xf32>
    %add3A_16 = vector.broadcast %get3A_15 : vector<1x128xf32> to vector<256x128xf32>
    %add3A_17 = arith.addf %get3A_12, %add3A_16 : vector<256x128xf32>
    %reduce_sum3A = arith.constant dense<0.000000e+00> : vector<256xf32>
    %reduce_sum3A_18 = vector.multi_reduction <add>, %add3A_7, %reduce_sum3A [1] : vector<256x128xf32> to vector<256xf32>
    %broadcast_in_dim3A = vector.shape_cast %reduce_sum3A_18 : vector<256xf32> to vector<256x1xf32>
    %reduce_sum3A_19 = arith.constant dense<0.000000e+00> : vector<256xf32>
    %reduce_sum3A_20 = vector.multi_reduction <add>, %add3A_17, %reduce_sum3A_19 [1] : vector<256x128xf32> to vector<256xf32>
    %broadcast_in_dim3A_21 = vector.shape_cast %reduce_sum3A_20 : vector<256xf32> to vector<256x1xf32>
    %add3A_22 = arith.addf %broadcast_in_dim3A, %broadcast_in_dim3A_21 : vector<256x1xf32>
    %mul3A = arith.constant 3.906250e-03 : f32
    %mul3A_23 = vector.broadcast %mul3A : f32 to vector<256x1xf32>
    %mul3A_24 = arith.mulf %add3A_22, %mul3A_23 : vector<256x1xf32>
    %mul3A_25 = arith.mulf %add3A_7, %add3A_7 : vector<256x128xf32>
    %reduce_sum3A_26 = arith.constant dense<0.000000e+00> : vector<256xf32>
    %reduce_sum3A_27 = vector.multi_reduction <add>, %mul3A_25, %reduce_sum3A_26 [1] : vector<256x128xf32> to vector<256xf32>
    %broadcast_in_dim3A_28 = vector.shape_cast %reduce_sum3A_27 : vector<256xf32> to vector<256x1xf32>
    %mul3A_29 = arith.mulf %add3A_17, %add3A_17 : vector<256x128xf32>
    %reduce_sum3A_30 = arith.constant dense<0.000000e+00> : vector<256xf32>
    %reduce_sum3A_31 = vector.multi_reduction <add>, %mul3A_29, %reduce_sum3A_30 [1] : vector<256x128xf32> to vector<256xf32>
    %broadcast_in_dim3A_32 = vector.shape_cast %reduce_sum3A_31 : vector<256xf32> to vector<256x1xf32>
    %add3A_33 = arith.addf %broadcast_in_dim3A_28, %broadcast_in_dim3A_32 : vector<256x1xf32>
    %mul3A_34 = arith.constant 3.906250e-03 : f32
    %mul3A_35 = vector.broadcast %mul3A_34 : f32 to vector<256x1xf32>
    %mul3A_36 = arith.mulf %add3A_33, %mul3A_35 : vector<256x1xf32>
    %mul3A_37 = arith.mulf %mul3A_24, %mul3A_24 : vector<256x1xf32>
    %sub3A = arith.subf %mul3A_36, %mul3A_37 : vector<256x1xf32>
    %add3A_38 = arith.constant 9.99999974E-6 : f32
    %add3A_39 = vector.broadcast %add3A_38 : f32 to vector<256x1xf32>
    %add3A_40 = arith.addf %sub3A, %add3A_39 : vector<256x1xf32>
    %rsqrt3A = math.rsqrt %add3A_40 : vector<256x1xf32>
    %sub3A_41 = vector.broadcast %mul3A_24 : vector<256x1xf32> to vector<256x128xf32>
    %sub3A_42 = arith.subf %add3A_7, %sub3A_41 : vector<256x128xf32>
    %mul3A_43 = vector.broadcast %rsqrt3A : vector<256x1xf32> to vector<256x128xf32>
    %mul3A_44 = arith.mulf %sub3A_42, %mul3A_43 : vector<256x128xf32>
    %get3A_45 = arith.constant 0 : index
    %get3A_46 = arith.constant 0 : index
    %get3A_47 = vector.load %arg3[%get3A_45, %get3A_46] : memref<2x128xf32, #tpu.memory_space<vmem>>, vector<1x128xf32>
    %mul3A_48 = vector.broadcast %get3A_47 : vector<1x128xf32> to vector<256x128xf32>
    %mul3A_49 = arith.mulf %mul3A_44, %mul3A_48 : vector<256x128xf32>
    %get3A_50 = arith.constant 0 : index
    %get3A_51 = arith.constant 0 : index
    %get3A_52 = vector.load %arg4[%get3A_50, %get3A_51] : memref<2x128xf32, #tpu.memory_space<vmem>>, vector<1x128xf32>
    %add3A_53 = vector.broadcast %get3A_52 : vector<1x128xf32> to vector<256x128xf32>
    %add3A_54 = arith.addf %mul3A_49, %add3A_53 : vector<256x128xf32>
    %sub3A_55 = vector.broadcast %mul3A_24 : vector<256x1xf32> to vector<256x128xf32>
    %sub3A_56 = arith.subf %add3A_17, %sub3A_55 : vector<256x128xf32>
    %mul3A_57 = vector.broadcast %rsqrt3A : vector<256x1xf32> to vector<256x128xf32>
    %mul3A_58 = arith.mulf %sub3A_56, %mul3A_57 : vector<256x128xf32>
    %get3A_59 = arith.constant 1 : index
    %get3A_60 = arith.constant 0 : index
    %get3A_61 = vector.load %arg3[%get3A_59, %get3A_60] : memref<2x128xf32, #tpu.memory_space<vmem>>, vector<1x128xf32>
    %mul3A_62 = vector.broadcast %get3A_61 : vector<1x128xf32> to vector<256x128xf32>
    %mul3A_63 = arith.mulf %mul3A_58, %mul3A_62 : vector<256x128xf32>
    %get3A_64 = arith.constant 1 : index
    %get3A_65 = arith.constant 0 : index
    %get3A_66 = vector.load %arg4[%get3A_64, %get3A_65] : memref<2x128xf32, #tpu.memory_space<vmem>>, vector<1x128xf32>
    %add3A_67 = vector.broadcast %get3A_66 : vector<1x128xf32> to vector<256x128xf32>
    %add3A_68 = arith.addf %mul3A_63, %add3A_67 : vector<256x128xf32>
    %mul3A_69 = arith.constant 5.000000e-01 : f32
    %mul3A_70 = vector.broadcast %mul3A_69 : f32 to vector<256x128xf32>
    %mul3A_71 = arith.mulf %mul3A_70, %add3A_54 : vector<256x128xf32>
    %mul3A_72 = arith.constant 0.707106769 : f32
    %mul3A_73 = vector.broadcast %mul3A_72 : f32 to vector<256x128xf32>
    %mul3A_74 = arith.mulf %add3A_54, %mul3A_73 : vector<256x128xf32>
    %erf3A = math.erf %mul3A_74 : vector<256x128xf32>
    %add3A_75 = arith.constant 1.000000e+00 : f32
    %add3A_76 = vector.broadcast %add3A_75 : f32 to vector<256x128xf32>
    %add3A_77 = arith.addf %add3A_76, %erf3A : vector<256x128xf32>
    %mul3A_78 = arith.mulf %mul3A_71, %add3A_77 : vector<256x128xf32>
    %mul3A_79 = arith.constant 5.000000e-01 : f32
    %mul3A_80 = vector.broadcast %mul3A_79 : f32 to vector<256x128xf32>
    %mul3A_81 = arith.mulf %mul3A_80, %add3A_68 : vector<256x128xf32>
    %mul3A_82 = arith.constant 0.707106769 : f32
    %mul3A_83 = vector.broadcast %mul3A_82 : f32 to vector<256x128xf32>
    %mul3A_84 = arith.mulf %add3A_68, %mul3A_83 : vector<256x128xf32>
    %erf3A_85 = math.erf %mul3A_84 : vector<256x128xf32>
    %add3A_86 = arith.constant 1.000000e+00 : f32
    %add3A_87 = vector.broadcast %add3A_86 : f32 to vector<256x128xf32>
    %add3A_88 = arith.addf %add3A_87, %erf3A_85 : vector<256x128xf32>
    %mul3A_89 = arith.mulf %mul3A_81, %add3A_88 : vector<256x128xf32>
    %get3A_90 = arith.constant 0 : index
    %get3A_91 = arith.constant 0 : index
    %get3A_92 = vector.load %arg5[%get3A_90, %get3A_91] : memref<128x128xf32, #tpu.memory_space<vmem>>, vector<128x128xf32>
    %dot_general3A = arith.constant dense<0.000000e+00> : vector<256x128xf32>
    %dot_general3A_93 = tpu.matmul %mul3A_78, %get3A_92, %dot_general3A {dimension_numbers = #tpu.dot_dimension_numbers<[1], [0], [0], [1], [0, 0, 1, 1], [], []>, precision = #tpu.contract_precision<fp32>, transpose_lhs_hint = false} : vector<256x128xf32>, vector<128x128xf32>, vector<256x128xf32> -> vector<256x128xf32>
    %get3A_94 = arith.constant 0 : index
    %get3A_95 = arith.constant 0 : index
    %get3A_96 = vector.load %arg6[%get3A_94, %get3A_95] : memref<128x128xf32, #tpu.memory_space<vmem>>, vector<128x128xf32>
    %dot_general3A_97 = arith.constant dense<0.000000e+00> : vector<256x128xf32>
    %dot_general3A_98 = tpu.matmul %mul3A_89, %get3A_96, %dot_general3A_97 {dimension_numbers = #tpu.dot_dimension_numbers<[1], [0], [0], [1], [0, 0, 1, 1], [], []>, precision = #tpu.contract_precision<fp32>, transpose_lhs_hint = false} : vector<256x128xf32>, vector<128x128xf32>, vector<256x128xf32> -> vector<256x128xf32>
    %add3A_99 = arith.addf %dot_general3A_93, %dot_general3A_98 : vector<256x128xf32>
    %get3A_100 = arith.constant 0 : index
    %get3A_101 = arith.constant 0 : index
    %get3A_102 = vector.load %arg7[%get3A_100, %get3A_101] : memref<128x128xf32, #tpu.memory_space<vmem>>, vector<128x128xf32>
    %dot_general3A_103 = arith.constant dense<0.000000e+00> : vector<256x128xf32>
    %dot_general3A_104 = tpu.matmul %mul3A_78, %get3A_102, %dot_general3A_103 {dimension_numbers = #tpu.dot_dimension_numbers<[1], [0], [0], [1], [0, 0, 1, 1], [], []>, precision = #tpu.contract_precision<fp32>, transpose_lhs_hint = false} : vector<256x128xf32>, vector<128x128xf32>, vector<256x128xf32> -> vector<256x128xf32>
    %get3A_105 = arith.constant 0 : index
    %get3A_106 = arith.constant 0 : index
    %get3A_107 = vector.load %arg8[%get3A_105, %get3A_106] : memref<128x128xf32, #tpu.memory_space<vmem>>, vector<128x128xf32>
    %dot_general3A_108 = arith.constant dense<0.000000e+00> : vector<256x128xf32>
    %dot_general3A_109 = tpu.matmul %mul3A_89, %get3A_107, %dot_general3A_108 {dimension_numbers = #tpu.dot_dimension_numbers<[1], [0], [0], [1], [0, 0, 1, 1], [], []>, precision = #tpu.contract_precision<fp32>, transpose_lhs_hint = false} : vector<256x128xf32>, vector<128x128xf32>, vector<256x128xf32> -> vector<256x128xf32>
    %add3A_110 = arith.addf %dot_general3A_104, %dot_general3A_109 : vector<256x128xf32>
    %swap3A = arith.constant 0 : index
    %swap3A_111 = arith.constant 0 : index
    %swap3A_112 = arith.constant 0 : index
    %swap3A_113 = vector.load %arg10[%swap3A, %swap3A_111, %swap3A_112] : memref<2x256x128xf32, #tpu.memory_space<vmem>>, vector<1x256x128xf32>
    %swap3A_114 = vector.shape_cast %swap3A_113 : vector<1x256x128xf32> to vector<256x128xf32>
    %swap3A_115 = vector.shape_cast %add3A_99 : vector<256x128xf32> to vector<1x256x128xf32>
    tpu.vector_store %arg10[%swap3A, %swap3A_111, %swap3A_112], %swap3A_115 {strides = array<i32>} : memref<2x256x128xf32, #tpu.memory_space<vmem>>, vector<1x256x128xf32>,
    %swap3A_116 = arith.constant 1 : index
    %swap3A_117 = arith.constant 0 : index
    %swap3A_118 = arith.constant 0 : index
    %swap3A_119 = vector.load %arg10[%swap3A_116, %swap3A_117, %swap3A_118] : memref<2x256x128xf32, #tpu.memory_space<vmem>>, vector<1x256x128xf32>
    %swap3A_120 = vector.shape_cast %swap3A_119 : vector<1x256x128xf32> to vector<256x128xf32>
    %swap3A_121 = vector.shape_cast %add3A_110 : vector<256x128xf32> to vector<1x256x128xf32>
    tpu.vector_store %arg10[%swap3A_116, %swap3A_117, %swap3A_118], %swap3A_121 {strides = array<i32>} : memref<2x256x128xf32, #tpu.memory_space<vmem>>, vector<1x256x128xf32>,
    %get3A_122 = arith.constant 0 : index
    %get3A_123 = arith.constant 0 : index
    %get3A_124 = vector.load %arg9[%get3A_122, %get3A_123] : memref<4x128xf32, #tpu.memory_space<vmem>>, vector<4x128xf32>
    %slice3A = vector.extract_strided_slice %get3A_124 {offsets = [0, 0], sizes = [1, 128], strides = [1, 1]} : vector<4x128xf32> to vector<1x128xf32>
    %mul3A_125 = vector.broadcast %slice3A : vector<1x128xf32> to vector<256x128xf32>
    %mul3A_126 = arith.mulf %add3A_99, %mul3A_125 : vector<256x128xf32>
    %reduce_sum3A_127 = arith.constant dense<0.000000e+00> : vector<256xf32>
    %reduce_sum3A_128 = vector.multi_reduction <add>, %mul3A_126, %reduce_sum3A_127 [1] : vector<256x128xf32> to vector<256xf32>
    %slice3A_129 = vector.extract_strided_slice %get3A_124 {offsets = [1, 0], sizes = [1, 128], strides = [1, 1]} : vector<4x128xf32> to vector<1x128xf32>
    %mul3A_130 = vector.broadcast %slice3A_129 : vector<1x128xf32> to vector<256x128xf32>
    %mul3A_131 = arith.mulf %add3A_110, %mul3A_130 : vector<256x128xf32>
    %reduce_sum3A_132 = arith.constant dense<0.000000e+00> : vector<256xf32>
    %reduce_sum3A_133 = vector.multi_reduction <add>, %mul3A_131, %reduce_sum3A_132 [1] : vector<256x128xf32> to vector<256xf32>
    %slice3A_134 = vector.extract_strided_slice %get3A_124 {offsets = [2, 0], sizes = [1, 128], strides = [1, 1]} : vector<4x128xf32> to vector<1x128xf32>
    %mul3A_135 = vector.broadcast %slice3A_134 : vector<1x128xf32> to vector<256x128xf32>
    %mul3A_136 = arith.mulf %add3A_99, %mul3A_135 : vector<256x128xf32>
    %reduce_sum3A_137 = arith.constant dense<0.000000e+00> : vector<256xf32>
    %reduce_sum3A_138 = vector.multi_reduction <add>, %mul3A_136, %reduce_sum3A_137 [1] : vector<256x128xf32> to vector<256xf32>
    %slice3A_139 = vector.extract_strided_slice %get3A_124 {offsets = [3, 0], sizes = [1, 128], strides = [1, 1]} : vector<4x128xf32> to vector<1x128xf32>
    %mul3A_140 = vector.broadcast %slice3A_139 : vector<1x128xf32> to vector<256x128xf32>
    %mul3A_141 = arith.mulf %add3A_110, %mul3A_140 : vector<256x128xf32>
    %reduce_sum3A_142 = arith.constant dense<0.000000e+00> : vector<256xf32>
    %reduce_sum3A_143 = vector.multi_reduction <add>, %mul3A_141, %reduce_sum3A_142 [1] : vector<256x128xf32> to vector<256xf32>
    %broadcast_in_dim3A_144 = vector.shape_cast %reduce_sum3A_128 : vector<256xf32> to vector<1x256xf32>
    %broadcast_in_dim3A_145 = vector.shape_cast %reduce_sum3A_133 : vector<256xf32> to vector<1x256xf32>
    %broadcast_in_dim3A_146 = vector.shape_cast %reduce_sum3A_138 : vector<256xf32> to vector<1x256xf32>
    %broadcast_in_dim3A_147 = vector.shape_cast %reduce_sum3A_143 : vector<256xf32> to vector<1x256xf32>
    %concatenate3A = tpu.concatenate %broadcast_in_dim3A_144, %broadcast_in_dim3A_145, %broadcast_in_dim3A_146, %broadcast_in_dim3A_147 in 0 : vector<1x256xf32>, vector<1x256xf32>, vector<1x256xf32>, vector<1x256xf32> -> vector<4x256xf32>
    %swap3A_148 = arith.constant 0 : index
    %swap3A_149 = arith.constant 0 : index
    %swap3A_150 = vector.load %arg11[%swap3A_148, %swap3A_149] : memref<4x256xf32, #tpu.memory_space<vmem>>, vector<4x256xf32>
    tpu.vector_store %arg11[%swap3A_148, %swap3A_149], %concatenate3A {strides = array<i32>} : memref<4x256xf32, #tpu.memory_space<vmem>>, vector<4x256xf32>,
    return
  }
  func.func @transform_0(%arg0: i32) -> (i32, i32, i32) {
    %c0_i32 = arith.constant 0 : i32
    %c0_i32_0 = arith.constant 0 : i32
    %c0_i32_1 = arith.constant 0 : i32
    return %c0_i32, %arg0, %c0_i32_0 : i32, i32, i32
  }
  func.func @transform_1(%arg0: i32) -> (i32, i32) {
    %c0_i32 = arith.constant 0 : i32
    %c0_i32_0 = arith.constant 0 : i32
    %c0_i32_1 = arith.constant 0 : i32
    return %c0_i32, %c0_i32_0 : i32, i32
  }
  func.func @transform_2(%arg0: i32) -> (i32, i32) {
    %c0_i32 = arith.constant 0 : i32
    %c0_i32_0 = arith.constant 0 : i32
    %c0_i32_1 = arith.constant 0 : i32
    return %c0_i32, %c0_i32_0 : i32, i32
  }
  func.func @transform_3(%arg0: i32) -> (i32, i32) {
    %c0_i32 = arith.constant 0 : i32
    %c0_i32_0 = arith.constant 0 : i32
    %c0_i32_1 = arith.constant 0 : i32
    return %c0_i32, %c0_i32_0 : i32, i32
  }
  func.func @transform_4(%arg0: i32) -> (i32, i32) {
    %c0_i32 = arith.constant 0 : i32
    %c0_i32_0 = arith.constant 0 : i32
    %c0_i32_1 = arith.constant 0 : i32
    return %c0_i32, %c0_i32_0 : i32, i32
  }
  func.func @transform_5(%arg0: i32) -> (i32, i32) {
    %c0_i32 = arith.constant 0 : i32
    %c0_i32_0 = arith.constant 0 : i32
    %c0_i32_1 = arith.constant 0 : i32
    return %c0_i32, %c0_i32_0 : i32, i32
  }
  func.func @transform_6(%arg0: i32) -> (i32, i32) {
    %c0_i32 = arith.constant 0 : i32
    %c0_i32_0 = arith.constant 0 : i32
    %c0_i32_1 = arith.constant 0 : i32
    return %c0_i32, %c0_i32_0 : i32, i32
  }
  func.func @transform_7(%arg0: i32) -> (i32, i32) {
    %c0_i32 = arith.constant 0 : i32
    %c0_i32_0 = arith.constant 0 : i32
    %c0_i32_1 = arith.constant 0 : i32
    return %c0_i32, %c0_i32_0 : i32, i32
  }
  func.func @transform_8(%arg0: i32) -> (i32, i32) {
    %c0_i32 = arith.constant 0 : i32
    %c0_i32_0 = arith.constant 0 : i32
    %c0_i32_1 = arith.constant 0 : i32
    return %c0_i32, %c0_i32_0 : i32, i32
  }
  func.func @transform_9(%arg0: i32) -> (i32, i32, i32) {
    %c0_i32 = arith.constant 0 : i32
    %c0_i32_0 = arith.constant 0 : i32
    %c0_i32_1 = arith.constant 0 : i32
    return %c0_i32, %arg0, %c0_i32_0 : i32, i32, i32
  }
  func.func @transform_10(%arg0: i32) -> (i32, i32) {
    %c0_i32 = arith.constant 0 : i32
    %c0_i32_0 = arith.constant 0 : i32
    return %c0_i32, %arg0 : i32, i32
  }
}

module attributes {stable_mosaic.version = 14 : i64} {
  func.func @body(%arg0: i32, %arg1: memref<2x256x128xf32, #tpu.memory_space<vmem>>, %arg2: memref<2x128xf32, #tpu.memory_space<vmem>>, %arg3: memref<128x128xf32, #tpu.memory_space<vmem>>, %arg4: memref<128x128xf32, #tpu.memory_space<vmem>>, %arg5: memref<1x128xf32, #tpu.memory_space<vmem>>, %arg6: memref<256x1xi32, #tpu.memory_space<vmem>>, %arg7: memref<256x128xf32, #tpu.memory_space<vmem>>, %arg8: memref<64x128xf32, #tpu.memory_space<vmem>>, %arg9: memref<64x256xf32, #tpu.memory_space<vmem>>) attributes {dimension_semantics = [#tpu.dimension_semantics<arbitrary>], iteration_bounds = array<i64: 40>, scalar_prefetch = 0 : i64, scratch_operands = 1 : i64, tpu.core_type = #tpu.core_type<tc>, window_params = [{transform_indices = @transform_0, window_bounds = array<i64: 2, 256, 128>}, {pipeline_mode = #tpu.pipeline_mode<synchronous>, transform_indices = @transform_1, window_bounds = array<i64: 2, 128>}, {pipeline_mode = #tpu.pipeline_mode<synchronous>, transform_indices = @transform_2, window_bounds = array<i64: 128, 128>}, {pipeline_mode = #tpu.pipeline_mode<synchronous>, transform_indices = @transform_3, window_bounds = array<i64: 128, 128>}, {pipeline_mode = #tpu.pipeline_mode<synchronous>, transform_indices = @transform_4, window_bounds = array<i64: 1, 128>}, {transform_indices = @transform_5, window_bounds = array<i64: 256, 1>}, {transform_indices = @transform_6, window_bounds = array<i64: 256, 128>}, {pipeline_mode = #tpu.pipeline_mode<synchronous>, transform_indices = @transform_7, window_bounds = array<i64: 64, 128>}]} {
    %get3A = arith.constant 0 : index
    %get3A_0 = arith.constant 0 : index
    %get3A_1 = arith.constant 0 : index
    %get3A_2 = vector.load %arg1[%get3A, %get3A_0, %get3A_1] : memref<2x256x128xf32, #tpu.memory_space<vmem>>, vector<1x256x128xf32>
    %get3A_3 = vector.shape_cast %get3A_2 : vector<1x256x128xf32> to vector<256x128xf32>
    %get3A_4 = arith.constant 0 : index
    %get3A_5 = arith.constant 0 : index
    %get3A_6 = vector.load %arg2[%get3A_4, %get3A_5] : memref<2x128xf32, #tpu.memory_space<vmem>>, vector<1x128xf32>
    %add3A = vector.broadcast %get3A_6 : vector<1x128xf32> to vector<256x128xf32>
    %add3A_7 = arith.addf %get3A_3, %add3A : vector<256x128xf32>
    %get3A_8 = arith.constant 1 : index
    %get3A_9 = arith.constant 0 : index
    %get3A_10 = arith.constant 0 : index
    %get3A_11 = vector.load %arg1[%get3A_8, %get3A_9, %get3A_10] : memref<2x256x128xf32, #tpu.memory_space<vmem>>, vector<1x256x128xf32>
    %get3A_12 = vector.shape_cast %get3A_11 : vector<1x256x128xf32> to vector<256x128xf32>
    %get3A_13 = arith.constant 1 : index
    %get3A_14 = arith.constant 0 : index
    %get3A_15 = vector.load %arg2[%get3A_13, %get3A_14] : memref<2x128xf32, #tpu.memory_space<vmem>>, vector<1x128xf32>
    %add3A_16 = vector.broadcast %get3A_15 : vector<1x128xf32> to vector<256x128xf32>
    %add3A_17 = arith.addf %get3A_12, %add3A_16 : vector<256x128xf32>
    %get3A_18 = arith.constant 0 : index
    %get3A_19 = arith.constant 0 : index
    %get3A_20 = vector.load %arg3[%get3A_18, %get3A_19] : memref<128x128xf32, #tpu.memory_space<vmem>>, vector<128x128xf32>
    %dot_general3A = arith.constant dense<0.000000e+00> : vector<256x128xf32>
    %dot_general3A_21 = tpu.matmul %add3A_7, %get3A_20, %dot_general3A {dimension_numbers = #tpu.dot_dimension_numbers<[1], [0], [0], [1], [0, 0, 1, 1], [], []>, precision = #tpu.contract_precision<fp32>, transpose_lhs_hint = false} : vector<256x128xf32>, vector<128x128xf32>, vector<256x128xf32> -> vector<256x128xf32>
    %get3A_22 = arith.constant 0 : index
    %get3A_23 = arith.constant 0 : index
    %get3A_24 = vector.load %arg4[%get3A_22, %get3A_23] : memref<128x128xf32, #tpu.memory_space<vmem>>, vector<128x128xf32>
    %dot_general3A_25 = arith.constant dense<0.000000e+00> : vector<256x128xf32>
    %dot_general3A_26 = tpu.matmul %add3A_17, %get3A_24, %dot_general3A_25 {dimension_numbers = #tpu.dot_dimension_numbers<[1], [0], [0], [1], [0, 0, 1, 1], [], []>, precision = #tpu.contract_precision<fp32>, transpose_lhs_hint = false} : vector<256x128xf32>, vector<128x128xf32>, vector<256x128xf32> -> vector<256x128xf32>
    %add3A_27 = arith.addf %dot_general3A_21, %dot_general3A_26 : vector<256x128xf32>
    %get3A_28 = arith.constant 0 : index
    %get3A_29 = arith.constant 0 : index
    %get3A_30 = vector.load %arg5[%get3A_28, %get3A_29] : memref<1x128xf32, #tpu.memory_space<vmem>>, vector<1x128xf32>
    %add3A_31 = vector.broadcast %get3A_30 : vector<1x128xf32> to vector<256x128xf32>
    %add3A_32 = arith.addf %add3A_27, %add3A_31 : vector<256x128xf32>
    %swap3A = arith.constant 0 : index
    %swap3A_33 = arith.constant 0 : index
    %swap3A_34 = vector.load %arg7[%swap3A, %swap3A_33] : memref<256x128xf32, #tpu.memory_space<vmem>>, vector<256x128xf32>
    tpu.vector_store %arg7[%swap3A, %swap3A_33], %add3A_32 {strides = array<i32>} : memref<256x128xf32, #tpu.memory_space<vmem>>, vector<256x128xf32>,
    %get3A_35 = arith.constant 0 : index
    %get3A_36 = arith.constant 0 : index
    %get3A_37 = vector.load %arg6[%get3A_35, %get3A_36] : memref<256x1xi32, #tpu.memory_space<vmem>>, vector<256x1xi32>
    %iota3A = tpu.iota {dimensions = array<i32: 1>} : vector<256x64xi32>
    %eq3A = vector.broadcast %get3A_37 : vector<256x1xi32> to vector<256x64xi32>
    %eq3A_38 = arith.cmpi eq, %eq3A, %iota3A : vector<256x64xi32>
    %convert_element_type3A = arith.extui %eq3A_38 : vector<256x64xi1> to vector<256x64xi32>
    %convert_element_type3A_39 = arith.sitofp %convert_element_type3A : vector<256x64xi32> to vector<256x64xf32>
    %broadcast_in_dim3A = arith.constant 1.000000e+00 : f32
    %broadcast_in_dim3A_40 = vector.broadcast %broadcast_in_dim3A : f32 to vector<256x1xf32>
    %broadcast_in_dim3A_41 = arith.constant 0.000000e+00 : f32
    %broadcast_in_dim3A_42 = vector.broadcast %broadcast_in_dim3A_41 : f32 to vector<256x127xf32>
    %concatenate3A = tpu.concatenate %add3A_32, %broadcast_in_dim3A_40, %broadcast_in_dim3A_42 in 1 : vector<256x128xf32>, vector<256x1xf32>, vector<256x127xf32> -> vector<256x256xf32>
    %dot_general3A_43 = arith.constant dense<0.000000e+00> : vector<64x256xf32>
    %dot_general3A_44 = tpu.matmul %convert_element_type3A_39, %concatenate3A, %dot_general3A_43 {dimension_numbers = #tpu.dot_dimension_numbers<[0], [0], [1], [1], [0, 1, 1, 1], [], []>, precision = #tpu.contract_precision<fp32>, transpose_lhs_hint = false} : vector<256x64xf32>, vector<256x256xf32>, vector<64x256xf32> -> vector<64x256xf32>
    %eq3A_45 = arith.constant 0 : i32
    %eq3A_46 = arith.cmpi eq, %arg0, %eq3A_45 : i32
    %convert_element_type3A_47 = arith.extui %eq3A_46 : i1 to i32
    %cond3A = arith.constant 0 : i32
    %cond3A_48 = arith.cmpi ne, %convert_element_type3A_47, %cond3A : i32
    scf.if %cond3A_48 {
      %swap3A_58 = arith.constant 0 : index
      %swap3A_59 = arith.constant 0 : index
      %swap3A_60 = vector.load %arg9[%swap3A_58, %swap3A_59] : memref<64x256xf32, #tpu.memory_space<vmem>>, vector<64x256xf32>
      tpu.vector_store %arg9[%swap3A_58, %swap3A_59], %dot_general3A_44 {strides = array<i32>} : memref<64x256xf32, #tpu.memory_space<vmem>>, vector<64x256xf32>,
    } else {
    }
    %gt3A = arith.constant 0 : i32
    %gt3A_49 = arith.cmpi sgt, %arg0, %gt3A : i32
    %convert_element_type3A_50 = arith.extui %gt3A_49 : i1 to i32
    %cond3A_51 = arith.constant 0 : i32
    %cond3A_52 = arith.cmpi ne, %convert_element_type3A_50, %cond3A_51 : i32
    scf.if %cond3A_52 {
      %get3A_58 = arith.constant 0 : index
      %get3A_59 = arith.constant 0 : index
      %get3A_60 = vector.load %arg9[%get3A_58, %get3A_59] : memref<64x256xf32, #tpu.memory_space<vmem>>, vector<64x256xf32>
      %add3A_61 = arith.addf %get3A_60, %dot_general3A_44 : vector<64x256xf32>
      %swap3A_62 = arith.constant 0 : index
      %swap3A_63 = arith.constant 0 : index
      %swap3A_64 = vector.load %arg9[%swap3A_62, %swap3A_63] : memref<64x256xf32, #tpu.memory_space<vmem>>, vector<64x256xf32>
      tpu.vector_store %arg9[%swap3A_62, %swap3A_63], %add3A_61 {strides = array<i32>} : memref<64x256xf32, #tpu.memory_space<vmem>>, vector<64x256xf32>,
    } else {
    }
    %eq3A_53 = arith.constant 39 : i32
    %eq3A_54 = arith.cmpi eq, %arg0, %eq3A_53 : i32
    %convert_element_type3A_55 = arith.extui %eq3A_54 : i1 to i32
    %cond3A_56 = arith.constant 0 : i32
    %cond3A_57 = arith.cmpi ne, %convert_element_type3A_55, %cond3A_56 : i32
    scf.if %cond3A_57 {
      %get3A_58 = arith.constant 0 : index
      %get3A_59 = arith.constant 0 : index
      %get3A_60 = vector.load %arg9[%get3A_58, %get3A_59] : memref<64x256xf32, #tpu.memory_space<vmem>>, vector<64x256xf32>
      %slice3A = vector.extract_strided_slice %get3A_60 {offsets = [0, 128], sizes = [64, 1], strides = [1, 1]} : vector<64x256xf32> to vector<64x1xf32>
      %max3A = arith.constant 1.000000e+00 : f32
      %max3A_61 = vector.broadcast %max3A : f32 to vector<64x1xf32>
      %max3A_62 = arith.maximumf %slice3A, %max3A_61 : vector<64x1xf32>
      %slice3A_63 = vector.extract_strided_slice %get3A_60 {offsets = [0, 0], sizes = [64, 128], strides = [1, 1]} : vector<64x256xf32> to vector<64x128xf32>
      %div3A = vector.broadcast %max3A_62 : vector<64x1xf32> to vector<64x128xf32>
      %div3A_64 = arith.divf %slice3A_63, %div3A : vector<64x128xf32>
      %swap3A_65 = arith.constant 0 : index
      %swap3A_66 = arith.constant 0 : index
      %swap3A_67 = vector.load %arg8[%swap3A_65, %swap3A_66] : memref<64x128xf32, #tpu.memory_space<vmem>>, vector<64x128xf32>
      tpu.vector_store %arg8[%swap3A_65, %swap3A_66], %div3A_64 {strides = array<i32>} : memref<64x128xf32, #tpu.memory_space<vmem>>, vector<64x128xf32>,
    } else {
    }
    return
  }
  func.func @transform_0(%arg0: i32) -> (i32, i32, i32) {
    %c0_i32 = arith.constant 0 : i32
    %c0_i32_0 = arith.constant 0 : i32
    %c0_i32_1 = arith.constant 0 : i32
    return %c0_i32, %arg0, %c0_i32_0 : i32, i32, i32
  }
  func.func @transform_1(%arg0: i32) -> (i32, i32) {
    %c0_i32 = arith.constant 0 : i32
    %c0_i32_0 = arith.constant 0 : i32
    %c0_i32_1 = arith.constant 0 : i32
    return %c0_i32, %c0_i32_0 : i32, i32
  }
  func.func @transform_2(%arg0: i32) -> (i32, i32) {
    %c0_i32 = arith.constant 0 : i32
    %c0_i32_0 = arith.constant 0 : i32
    %c0_i32_1 = arith.constant 0 : i32
    return %c0_i32, %c0_i32_0 : i32, i32
  }
  func.func @transform_3(%arg0: i32) -> (i32, i32) {
    %c0_i32 = arith.constant 0 : i32
    %c0_i32_0 = arith.constant 0 : i32
    %c0_i32_1 = arith.constant 0 : i32
    return %c0_i32, %c0_i32_0 : i32, i32
  }
  func.func @transform_4(%arg0: i32) -> (i32, i32) {
    %c0_i32 = arith.constant 0 : i32
    %c0_i32_0 = arith.constant 0 : i32
    %c0_i32_1 = arith.constant 0 : i32
    return %c0_i32, %c0_i32_0 : i32, i32
  }
  func.func @transform_5(%arg0: i32) -> (i32, i32) {
    %c0_i32 = arith.constant 0 : i32
    %c0_i32_0 = arith.constant 0 : i32
    return %arg0, %c0_i32 : i32, i32
  }
  func.func @transform_6(%arg0: i32) -> (i32, i32) {
    %c0_i32 = arith.constant 0 : i32
    %c0_i32_0 = arith.constant 0 : i32
    return %arg0, %c0_i32 : i32, i32
  }
  func.func @transform_7(%arg0: i32) -> (i32, i32) {
    %c0_i32 = arith.constant 0 : i32
    %c0_i32_0 = arith.constant 0 : i32
    %c0_i32_1 = arith.constant 0 : i32
    return %c0_i32, %c0_i32_0 : i32, i32
  }
}

</mosaic_0001>

<sc_bundles>
// kernel: kernel.10.cloned.1.call-start
scs
__scs_entry_jumppad:
0x0: {  	(pc) =	sbr.rel $0x88, $3  }
0x1: {  	(tag) =	ssettag $0x0;
	lr =	simm.s32 $0x1  }
0x2: {  	[smem:$0x3F91] =	sst lr;
	_ =	strace $0xD0000000  }
0x3: {  	_ = 	snop  }
0x4: {  	_ = 	snop  }
0x5: {  	_ = 	snop  }
0x6: {  	_ = 	snop  }
0x7: {  	_ = 	snop  }
__scs_overlays_trampoline_lowered:
0x8: {  	[smem:$0x3FA0] =	sst s0  }
0x9: {  	[smem:$0x3FA1] =	sst s1  }
0xa: {  	[smem:$0x3FA2] =	sst s2  }
0xb: {  	[smem:$0x3FA3] =	sst s3  }
0xc: {  	[smem:$0x3FA4] =	sst s4  }
0xd: {  	[smem:$0x3FA5] =	sst s5  }
0xe: {  	[smem:$0x3FA6] =	sst s6  }
0xf: {  	[smem:$0x3FA7] =	sst s7  }
0x10: {  	[smem:$0x3FA8] =	sst s8  }
0x11: {  	[smem:$0x3FA9] =	sst s9;
	s0 =	simm.s32 @!p0 $0x0  }
0x12: {  	s1 =	sld [smem:$0x3F8F];
	s0 =	simm.s32 @p0 $0x1  }
0x13: {  	[smem:$0x3FAA] =	sst s0;
	s0 =	simm.s32 @!p1 $0x0  }
0x14: {  	s2 =	sld [smem:$0x3F8E];
	s0 =	simm.s32 @p1 $0x1  }
0x15: {  	[smem:$0x3FAB] =	sst s0;
	s0 =	simm.s32 @!p2 $0x0  }
0x16: {  	s3 =	sld [smem:$0x3FDB];
	s0 =	simm.s32 @p2 $0x1  }
0x17: {  	s4 =	simm.s32 $0x1BF5;
	[smem:$0x3FAD] =	sst s0  }
0x18: {  	s0 =	sld [smem:$0x3F90];
	_ =	swait.ge [sflag:s4], $0x0  }
0x19: {  	s7 =	sld [smem:$0x3F91]  }
0x1a: {  	s8 =	sadd.s32 $0xFFFFE003, lr  }
0x1b: {  	s9 =	sadd.s32 $0xFFFFFEF7, lr;
	s5 =	simm.s32 $0xFFFFFFFF;
	p2 =	slt.u32 s8, $0xFFFFF086  }
0x1c: {  	p1 =	slt.u32 s9, $0xF7A;
	s5 =	simm.s32 @!p2 $0x0  }
0x1d: {  	s5 =	simm.s32 @p1 $0x1;
	p0 =	seq.s32 s7, s2  }
0x1e: {  	s7 =	smul.u32 @!p0 $0xF7A, s2;
	p2 =	seq.s32 @!p0 s5, $0x0  }
0x1f: {  	s9 =	smul.u32 $0xF7A, s1;
	s8 =	simm.s32 @!p0 $0x1BF5;
	p2 =	por !p2, p0  }
0x20: {  	[sflag:s8] =	ssyncset.s32 @!p0 $0xFFFFF086;
	s6 =	sadd.s32 @!p0 s3, s7;
	s7 =	simm.s32 @!p0 $0x108  }
0x21: {  	s3 =	sadd.s32 s3, s9;
	s6 =	sadd.s32 @!p0 $0x88, s6;
	s7 =	simm.s32 @p2 $0x1082  }
0x22: {  	[simem:s7], [sflag:s8] =	dma.local @!p0 [hbm:s6], $0xF7A  }
0x23: {  	s9 =	sor.u32 $0xD0000000, s2;
	s6 =	simm.s32 $0x108;
	_ =	swait.ge @!p0 [sflag:s8], $0x0  }
0x24: {  	s3 =	sadd.s32 $0x88, s3;
	s6 =	simm.s32 @!p1 $0x1082;
	[sflag:s4] =	ssyncset.s32 $0xFFFFF086  }
0x25: {  	[simem:s6], [sflag:s4] =	dma.local [hbm:s3], $0xF7A  }
0x26: {  	[smem:$0x3F91] =	sst s1;
	(tag) =	ssettag s2;
	_ =	strace s9  }
0x27: {  	s1 =	sld [smem:$0x3FA1]  }
0x28: {  	s2 =	sld [smem:$0x3FA2]  }
0x29: {  	s4 =	sld [smem:$0x3FA4]  }
0x2a: {  	p0 =	seq.s32 s5, $0x0;
	s5 =	sld [smem:$0x3FA5]  }
0x2b: {  	s6 =	sld [smem:$0x3FA6]  }
0x2c: {  	s7 =	sld [smem:$0x3FA7]  }
0x2d: {  	s3 =	simm.s32 $0x108;
	s8 =	sld [smem:$0x3FA8]  }
0x2e: {  	s3 =	simm.s32 @!p0 $0x1082;
	s9 =	sld [smem:$0x3FA9]  }
0x2f: {  	lr =	sadd.s32 s0, s3;
	s0 =	sld [smem:$0x3FA0]  }
0x30: {  	s3 =	sld [smem:$0x3FA3]  }
0x31: {  	[smem:$0x3FAC] =	sst s10  }
0x32: {  	s10 =	sld [smem:$0x3FAA];
	_ =	sdelay $0x3  }
0x33: {  	p0 =	seq.s32 s10, $0x1;
	s10 =	sld [smem:$0x3FAC];
	_ =	sdelay $0x3  }
0x34: {  	[smem:$0x3FAC] =	sst s10  }
0x35: {  	s10 =	sld [smem:$0x3FAB];
	_ =	sdelay $0x3  }
0x36: {  	p1 =	seq.s32 s10, $0x1;
	s10 =	sld [smem:$0x3FAC];
	_ =	sdelay $0x3  }
0x37: {  	[smem:$0x3FAC] =	sst s10  }
0x38: {  	s10 =	sld [smem:$0x3FAD]  }
0x39: {  	_ = 	snop;
	(pc) =	sbr.ind lr, $3  }
0x3a: {  	_ = 	snop  }
0x3b: {  	_ = 	snop  }
0x3c: {  	p2 =	seq.s32 s10, $0x1;
	s10 =	sld [smem:$0x3FAC]  }
0x3d: {  	_ =	shalt  }
0x3e: {  	_ =	shalt  }
0x3f: {  	_ =	shalt  }
0x40: {  	_ =	shalt  }
0x41: {  	_ =	shalt  }
0x42: {  	_ =	shalt  }
0x43: {  	_ =	shalt  }
0x44: {  	_ =	shalt  }
0x45: {  	_ =	shalt  }
0x46: {  	_ =	shalt  }
0x47: {  	_ =	shalt  }
0x48: {  	_ =	shalt  }
0x49: {  	_ =	shalt  }
0x4a: {  	_ =	shalt  }
0x4b: {  	_ =	shalt  }
0x4c: {  	_ =	shalt  }
0x4d: {  	_ =	shalt  }
0x4e: {  	_ =	shalt  }
0x4f: {  	_ =	shalt  }
0x50: {  	_ =	shalt  }
0x51: {  	_ =	shalt  }
0x52: {  	_ =	shalt  }
0x53: {  	_ =	shalt  }
0x54: {  	_ =	shalt  }
0x55: {  	_ =	shalt  }
0x56: {  	_ =	shalt  }
0x57: {  	_ =	shalt  }
0x58: {  	_ =	shalt  }
0x59: {  	_ =	shalt  }
0x5a: {  	_ =	shalt  }
0x5b: {  	_ =	shalt  }
0x5c: {  	_ =	shalt  }
0x5d: {  	_ =	shalt  }
0x5e: {  	_ =	shalt  }
0x5f: {  	_ =	shalt  }
0x60: {  	_ =	shalt  }
0x61: {  	_ =	shalt  }
0x62: {  	_ =	shalt  }
0x63: {  	_ =	shalt  }
0x64: {  	_ =	shalt  }
0x65: {  	_ =	shalt  }
0x66: {  	_ =	shalt  }
0x67: {  	_ =	shalt  }
0x68: {  	_ =	shalt  }
0x69: {  	_ =	shalt  }
0x6a: {  	_ =	shalt  }
0x6b: {  	_ =	shalt  }
0x6c: {  	_ =	shalt  }
0x6d: {  	_ =	shalt  }
0x6e: {  	_ =	shalt  }
0x6f: {  	_ =	shalt  }
0x70: {  	_ =	shalt  }
0x71: {  	_ =	shalt  }
0x72: {  	_ =	shalt  }
0x73: {  	_ =	shalt  }
0x74: {  	_ =	shalt  }
0x75: {  	_ =	shalt  }
0x76: {  	_ =	shalt  }
0x77: {  	_ =	shalt  }
0x78: {  	_ =	shalt  }
0x79: {  	_ =	shalt  }
0x7a: {  	_ =	shalt  }
0x7b: {  	_ =	shalt  }
0x7c: {  	_ =	shalt  }
0x7d: {  	_ =	shalt  }
0x7e: {  	_ =	shalt  }
0x7f: {  	_ =	shalt  }
0x80: {  	_ =	shalt  }
0x81: {  	_ =	shalt  }
0x82: {  	_ =	shalt  }
0x83: {  	_ =	shalt  }
0x84: {  	_ =	shalt  }
0x85: {  	_ =	shalt  }
0x86: {  	_ =	shalt  }
0x87: {  	_ =	shalt  }
.Lfunc_end0:
.L_simem_size_0:
called_computation.1_lowered:
.L_overlay_start_0:
0x88: {  	s2 =	sld [smem:$0x3FD9]  }
0x89: {  	s3 =	sld [smem:$0x3FFE];
	_ =	sdelay $0x1  }
0x8a: {  	s1 =	srdreg.scid  }
0x8b: {  	s0 =	sand.u32 $0x1, s1  }
0x8c: {  	s14 =	sshll.u32 s0, $0xA;
	s2 =	sadd.s32 s3, s2  }
0x8d: {  	s2 =	sadd.s32 s2, s14  }
0x8e: {  	[smem:$0x3FB8] =	sst s2  }
0x8f: {  	_ = 	snop  }
0x90: {  	s2 =	sld [smem:$0x3FD0];
	_ =	sdelay $0x2  }
0x91: {  	s15 =	simm.s32 $0xA;
	s4 =	simm.s32 $0x10  }
0x92: {  	[smem:s4], [sflag:s15] =	dma.local [hbm:s2], $0x1  }
0x93: {  	_ =	swait.eq [sflag:s15], $0x1  }
0x94: {  	[sflag:s15] =	ssyncset.done $0x0  }
0x95: {  	[sflag:s15] =	ssyncadd.s32 $0xFFFFFFFF  }
0x96: {  	s16 =	sld [smem:$0x10];
	(tm) =	ssettm $0x1  }
0x97: {  	s17 =	sld [smem:$0x3FFB];
	_ =	sdelay $0x3  }
0x98: {  	_ =	strace s17  }
0x99: {  	s3 =	sld [smem:$0x3FFC];
	_ =	sdelay $0x3  }
0x9a: {  	_ =	strace s3  }
0x9b: {  	s3 =	sld [smem:$0x3FFD];
	_ =	sdelay $0x3  }
0x9c: {  	_ =	strace s3  }
0x9d: {  	_ =	strace $0x8FFFFFFF  }
0x9e: {  	s18 =	sld [smem:$0x3FDB];
	_ =	sdelay $0x1  }
0x9f: {  	s19 =	simm.s32 $_scs_section_size  }
0xa0: {  	s5 =	simm.s32 $_size__tile_overlayer_lowered;
	s6 =	simm.s32 $_tile_overlayer_lowered  }
0xa1: {  	s22 =	simm.s32 $0x1BFF;
	s21 =	sshll.u32 s6, $0x1;
	s3 =	sadd.s32 s19, s18  }
0xa2: {  	s7 =	simm.s32 $0x0;
	s20 =	sshll.u32 s5, $0x1;
	s5 =	sadd.s32 s21, s3  }
0xa3: {  	[timem:s7], [sflag:s22] =	dma.local [hbm:s5], s20  }
0xa4: {  	_ =	swait.ge [sflag:s22], s20  }
0xa5: {  	s4 =	ssub.s32 $0x0, s20;
	[sflag:s22] =	ssyncset.done $0x0  }
0xa6: {  	[sflag:s22] =	ssyncadd.s32 s4;
	_ =	sdelay $0x1  }
0xa7: {  	s23 =	simm.s32 $0x1B8B  }
0xa8: {  	_ =	swait.ge [sflag:s23], $0x1  }
0xa9: {  	[sflag:s23] =	ssyncset.done $0x0  }
0xaa: {  	s25 =	simm.s32 $0x1B8E;
	s24 =	sld [smem:$0x3FFE];
	[sflag:s23] =	ssyncadd.s32 $0xFFFFFFFF  }
0xab: {  	s26 =	simm.s32 $execute0_lowered;
	[smem:$0x3FD2] =	sst s25  }
0xac: {  	s5 =	sshll.u32 s26, $0x1;
	_ =	strace $0x80000049;
	[dreg:$0x1] =	wrdreg $0xFFFFFFFF  }
0xad: {  	s28 =	simm.s32 $_size_execute0_lowered;
	s3 =	sadd.s32 s3, s5;
	[dreg:$0x0] =	wrdreg $0x0  }
0xae: {  	s5 =	sshll.u32 s28, $0x1;
	[dreg:$0x2] =	wrdreg s3  }
0xaf: {  	[dreg:$0x3] =	wrdreg s5  }
0xb0: {  	[dreg:$0x4] =	wrdreg $0xC0  }
0xb1: {  	_ =	task [dreg:s7], $0x5FFFF  }
0xb2: {  	[dreg:$0x1] =	wrdreg $0xFFFFFFFF  }
0xb3: {  	[dreg:$0x0] =	wrdreg $0x60  }
0xb4: {  	[dreg:$0x2] =	wrdreg s24  }
0xb5: {  	[dreg:$0x3] =	wrdreg s16  }
0xb6: {  	[dreg:$0x4] =	wrdreg $0x1D4000  }
0xb7: {  	[dreg:$0x5] =	wrdreg $0x9  }
0xb8: {  	_ =	task.clear_ibuf [dreg:s7], $0x6FFFF;
	_ =	strace $0x90000049  }
0xb9: {  	s29 =	simm.s32 $0x9;
	_ =	strace $0x8000004B  }
0xba: {  	_ =	swait.ge [sflag:s29], $0x1  }
0xbb: {  	[sflag:s29] =	ssyncadd.s32 $0xFFFFFFFF  }
0xbc: {  	_ =	strace $0x9000004B  }
0xbd: {  	_ =	sfence  }
0xbe: {  	s30 =	sld [smem:$0x0];
	_ =	sdelay $0x2  }
0xbf: {  	s31 =	sshll.u32 s1, $0xD;
	s1 =	sshrl.u32 s1, $0x2  }
0xc0: {  	s3 =	sand.u32 $0x4000, s31;
	s1 =	sadd.s32 s1, s30  }
0xc1: {  	s0 =	sor.u32 s3, s0;
	s1 =	sshll.u32 s1, $0x11  }
0xc2: {  	s0 =	sor.u32 s1, s0  }
0xc3: {  	s0 =	sadd.s32 $0x8F2B, s0  }
0xc4: {  	[sflag:s0] =	ssyncadd.remote.s32 $0x1  }
0xc5: {  	_ =	sfence.sel $0xFFFF  }
0xc6: {  	[dreg:$0x0] =	wrdreg $0xFFFFFFFF;
	(pc) =	sbr.abs _section_cstart, $3  }
0xc7: {  	[dreg:$0x1] =	wrdreg $0xFFFFFFFF  }
0xc8: {  	_ =	task.clear_ibuf [dreg:s7], $0x2FFFF;
	_ =	strace $0x9FFFFFFF  }
0xc9: {  	(tm) =	ssettm $0x7FFFFFFF  }
tec
execute0_lowered:
.L_overlay_start_1:
0x0: {  	(tag) =	ssettag $0x1  }
0x1: {  	s0 =	rddreg [dreg:$0x0]  }
0x2: {  	s1 =	rddreg [dreg:$0x1];
	s13 =	stileid.u32  }
0x3: {  	s3 =	srdreg.scid;
	s20 =	smul.u32 $0xA000, s13  }
0x4: {  	s2 =	rddreg [dreg:$0x2];
	s21 =	smul.u32 $0x288, s13  }
0x5: {  	s28 =	simm.s32 $0x19400;
	s29 =	simm.s32 $0x20;
	s23 =	smul.u32 $0xA20, s13  }
0x6: {  	s5 =	sand.u32 $0x1, s3;
	s3 =	simm.s32 $0x0;
	s25 =	smul.u32 $0x50, s13  }
0x7: {  	s4 =	sadd.s32 $0x3C00, s0;
	s8 =	sadd.s32 $0xAF200, s0;
	s7 =	smul.u32 $0x2800, s5  }
0x8: {  	[smem:$0x7FF] =	sst s3;
	s19 =	ssub.s32 $0x2, s5;
	s9 =	sshll.u32 s5, $0x4  }
0x9: {  	_ =	strace $0x8000004A;
	[dreg:$0x4] =	wrdreg s8;
	s8 =	sadd.s32 $0x5F200, s0  }
0xa: {  	s11 =	sshrl.u32 s19, $0x1;
	s12 =	sor.u32 s13, s9;
	s5 =	sshrl.u32 s20, $0x2  }
0xb: {  	s15 =	sadd.s32 s1, s23;
	s17 =	sor.u32 $0x1, s21;
	s30 =	sor.u32 $0x2, s21  }
0xc: {  	s21 =	simm.s32 $0x3;
	s13 =	simm.s32 $0x1B400;
	s20 =	simm.s32 $0x2  }
0xd: {  	s6 =	sshrl.u32 s7, $0x3;
	s12 =	smul.u32 $0x2800, s12;
	s22 =	sadd.s32 s5, s2  }
0xe: {  	[dreg:$0xa] =	wrdreg s30;
	s31 =	sor.u32 s7, s25;
	s25 =	simm.s32 $0x5000  }
0xf: {  	s5 =	simm.s32 $0x19380;
	s10 =	sadd.s32 s6, s0;
	[dreg:$0x7] =	wrdreg s22  }
0x10: {  	s6 =	sadd.s32 $0x55000, s0;
	s26 =	sadd.s32 $0x2000, s22;
	[dreg:$0xb] =	wrdreg s31  }
0x11: {  	s0 =	ssub.s32 s19, s11;
	s14 =	sadd.s32 $0x53C00, s10;
	[dreg:$0x9] =	wrdreg s26  }
0x12: {  	s22 =	simm.s32 $0x2800;
	s10 =	sadd.s32 $0x54600, s10;
	[dreg:$0x5] =	wrdreg s14  }
0x13: {  	s11 =	simm.s32 $0x19300;
	s24 =	sadd.s32 s8, s12;
	[dreg:$0x6] =	wrdreg s10  }
0x14: {  	s16 =	sadd.s32 s6, s23;
	s0 =	smax.u32 s0, $0x1;
	[dreg:$0x8] =	wrdreg s24  }
0x15: {  	v3 =	vlaneseq.u32;
	v1 =	vimm.f32 $0.0e+00;
	s23 =	simm.s32 $0x19000;
	s12 =	simm.s32 $0x0;
	[dreg:$0xc] =	wrdreg s0  }
0x16: {  	v2 =	vor.u32 $0x500, v3;
	v3 =	vor.u32 $0x510, v3;
	v0 =	vmov s7;
	s24 =	simm.s32 $0x19080;
	s0 =	simm.s32 $0x1A400;
	s10 =	simm.s32 $0x1  }
.LBB2_1:
0x17: {  	[dreg:$0xd] =	wrdreg s12;
	s12 =	simm.s32 $0x200;
	s14 =	simm.s32 $0x0  }
.LBB2_2:
0x18: {  	p0 =	sne.s32 s12, $0x4FE00;
	[tilespmem:s14+$0x5000] =	vst v1;
	s14 =	smov.u32 s12;
	s12 =	sadd.s32 $0x200, s12  }
.Ltmp0:
0x19: {  	(pc) =	sbr.rel @p0 .LBB2_2-.Ltmp0, $2  }
0x1a: {  	_ =	sdelay $0x2  }
0x1b: {  	s14 =	sshra.s32 s14, $0x2  }
0x1c: {  	[tilespmem:s14+$0x5000] =	vst v1;
	s12 =	simm.s32 $0x0;
	s7 =	rddreg [dreg:$0x5]  }
0x1d: {  	[tilespmem:s12], [sflag:$0x3] =	stream.linear.gather [hbm4b:s7+s12], $0x2800, $0x38;
	[tilespmem:$0x1FD00] =	vst v63  }
0x1e: {  	_ =	swait.ge [sflag:s21], $0x2800  }
0x1f: {  	[sflag:s21] =	ssyncset.done $0x0  }
0x20: {  	s26 =	rddreg [dreg:$0x6];
	[sflag:s21] =	ssyncadd.s32 $0xFFFFD800  }
0x21: {  	[tilespmem:s22], [sflag:$0x3] =	stream.linear.gather [hbm4b:s26+s12], $0x2800, $0x38;
	[tilespmem:$0x1FD00] =	vst v63  }
0x22: {  	_ =	swait.ge [sflag:s21], $0x2800  }
0x23: {  	[sflag:s21] =	ssyncset.done $0x0  }
0x24: {  	[sflag:s21] =	ssyncadd.s32 $0xFFFFD800  }
0x25: {  	s30 =	sadd.s32 $0x0, s15;
	[bflag:$0x0] =	sbarrier.arrive $0xFFFF  }
0x26: {  	[tilespmem:s23], [sflag:$0x3] =	stream.linear.gather [hbm4b:s30+s3], $0x20, $0x38;
	[tilespmem:$0x1FD00] =	vst v63  }
0x27: {  	_ =	swait.ge [sflag:s21], $0x20  }
0x28: {  	[sflag:s21] =	ssyncset.done $0x0  }
0x29: {  	s31 =	sadd.s32 $0x0, s16;
	[sflag:s21] =	ssyncadd.s32 $0xFFFFFFE0  }
0x2a: {  	[tilespmem:s24], [sflag:$0x3] =	stream.linear.gather [hbm4b:s31+s3], $0x20, $0x38;
	[tilespmem:$0x1FD00] =	vst v63  }
0x2b: {  	_ =	swait.ge [sflag:s21], $0x20  }
0x2c: {  	[sflag:s21] =	ssyncset.done $0x0  }
0x2d: {  	[sflag:s21] =	ssyncadd.s32 $0xFFFFFFE0  }
0x2e: {  	v4 =	vld [tilespmem:$0x19000]  }
0x2f: {  	v5 =	vld [tilespmem:$0x19080];
	_ =	sdelay $0x6  }
0x30: {  	v4 =	vld.idx.msk [tilespmem:v4+s3+$0x0], $0xffff  }
0x31: {  	v6 =	vld.idx.msk [tilespmem:v5+s22+$0x0], $0xffff;
	_ =	sdelay $0x4  }
0x32: {  	v4 =	vadd.f32 v6, v4;
	_ =	sdelay $0x1  }
0x33: {  	v6 =	vmul.f32 $2.000000030e-01, v4  }
0x34: {  	vm0 =	vge.f32 v4, $0.0e+00  }
0x35: {  	v4 =	vsel vm0, v4, v6  }
0x36: {  	v4 =	vmul.f32 $1.442695020e+00, v4;
	_ =	sdelay $0x1  }
0x37: {  	(erf) = vpow2.f32 v4;
	_ =	sdelay $0x2  }
0x38: {  	v4 =	vshll.u32 v5, $0x3  }
0x39: {  	v5 =	vand.u32 $0xF, v5;
	v4 =	vand.u32 $0xFFFFFF80, v4  }
0x3a: {  	v4 =	vor.u32 v5, v4;
	_ =	sdelay $0x3  }
0x3b: {  	v5 =	vpop (erf)  }
0x3c: {  	[tilespmem:v4+s25+$0x0] =	vst.idx.add.f32.msk $0xffff, v5  }
0x3d: {  	v4 =	vld [tilespmem:$0x19010]  }
0x3e: {  	v5 =	vld [tilespmem:$0x19090];
	_ =	sdelay $0x6  }
0x3f: {  	v4 =	vld.idx.msk [tilespmem:v4+s3+$0x0], $0xffff  }
0x40: {  	v6 =	vld.idx.msk [tilespmem:v5+s22+$0x0], $0xffff;
	_ =	sdelay $0x4  }
0x41: {  	v4 =	vadd.f32 v6, v4;
	_ =	sdelay $0x1  }
0x42: {  	v6 =	vmul.f32 $2.000000030e-01, v4  }
0x43: {  	vm15 =	vge.f32 v4, $0.0e+00  }
0x44: {  	v4 =	vsel vm15, v4, v6  }
0x45: {  	v4 =	vmul.f32 $1.442695020e+00, v4;
	_ =	sdelay $0x1  }
0x46: {  	(erf) = vpow2.f32 v4  }
0x47: {  	v6 =	vshll.u32 v5, $0x3  }
0x48: {  	v5 =	vand.u32 $0xF, v5;
	v6 =	vand.u32 $0xFFFFFF80, v6  }
0x49: {  	s12 =	simm.s32 $0x4;
	v4 =	vor.u32 v5, v6  }
.LBB2_4:
0x4a: {  	_ =	sdelay $0x3  }
0x4b: {  	p0 =	sne.s32 s12, $0xA1C;
	s14 =	smov.u32 s12;
	s12 =	sadd.s32 $0x4, s12  }
0x4c: {  	v5 =	vpop (erf)  }
0x4d: {  	s18 =	sadd.s32 s14, s15;
	[tilespmem:v4+s25+$0x0] =	vst.idx.add.f32.msk $0xffff, v5  }
0x4e: {  	[tilespmem:s23], [sflag:$0x3] =	stream.linear.gather [hbm4b:s18+s3], $0x20, $0x38;
	[tilespmem:$0x1FD00] =	vst v63  }
0x4f: {  	_ =	swait.ge [sflag:s21], $0x20  }
0x50: {  	[sflag:s21] =	ssyncset.done $0x0  }
0x51: {  	s14 =	sadd.s32 s14, s16;
	[sflag:s21] =	ssyncadd.s32 $0xFFFFFFE0  }
0x52: {  	[tilespmem:s24], [sflag:$0x3] =	stream.linear.gather [hbm4b:s14+s3], $0x20, $0x38;
	[tilespmem:$0x1FD00] =	vst v63  }
0x53: {  	_ =	swait.ge [sflag:s21], $0x20  }
0x54: {  	[sflag:s21] =	ssyncset.done $0x0  }
0x55: {  	[sflag:s21] =	ssyncadd.s32 $0xFFFFFFE0  }
0x56: {  	v4 =	vld [tilespmem:$0x19000]  }
0x57: {  	v5 =	vld [tilespmem:$0x19080];
	_ =	sdelay $0x4  }
0x58: {  	v6 =	vshll.u32 v5, $0x3  }
0x59: {  	v6 =	vand.u32 $0xFFFFFF80, v6  }
0x5a: {  	v4 =	vld.idx.msk [tilespmem:v4+s3+$0x0], $0xffff  }
0x5b: {  	v7 =	vld.idx.msk [tilespmem:v5+s22+$0x0], $0xffff;
	_ =	sdelay $0x5  }
0x5c: {  	v4 =	vadd.f32 v7, v4;
	_ =	sdelay $0x1  }
0x5d: {  	vm0 =	vge.f32 v4, $0.0e+00;
	v7 =	vmul.f32 $2.000000030e-01, v4;
	_ =	sdelay $0x1  }
0x5e: {  	v4 =	vsel vm0, v4, v7  }
0x5f: {  	v4 =	vmul.f32 $1.442695020e+00, v4;
	_ =	sdelay $0x1  }
0x60: {  	(erf) = vpow2.f32 v4;
	_ =	sdelay $0x2  }
0x61: {  	v4 =	vand.u32 $0xF, v5  }
0x62: {  	v4 =	vor.u32 v4, v6;
	_ =	sdelay $0x4  }
0x63: {  	v5 =	vpop (erf)  }
0x64: {  	[tilespmem:v4+s25+$0x0] =	vst.idx.add.f32.msk $0xffff, v5  }
0x65: {  	v4 =	vld [tilespmem:$0x19010]  }
0x66: {  	v5 =	vld [tilespmem:$0x19090];
	_ =	sdelay $0x4  }
0x67: {  	v6 =	vshll.u32 v5, $0x3  }
0x68: {  	v6 =	vand.u32 $0xFFFFFF80, v6  }
0x69: {  	v4 =	vld.idx.msk [tilespmem:v4+s3+$0x0], $0xffff  }
0x6a: {  	v7 =	vld.idx.msk [tilespmem:v5+s22+$0x0], $0xffff;
	_ =	sdelay $0x5  }
0x6b: {  	v4 =	vadd.f32 v7, v4;
	_ =	sdelay $0x1  }
0x6c: {  	vm0 =	vge.f32 v4, $0.0e+00;
	v7 =	vmul.f32 $2.000000030e-01, v4;
	_ =	sdelay $0x1  }
0x6d: {  	v4 =	vsel vm0, v4, v7  }
0x6e: {  	v4 =	vmul.f32 $1.442695020e+00, v4  }
.Ltmp1:
0x6f: {  	(pc) =	sbr.rel @p0 .LBB2_4-.Ltmp1, $3  }
0x70: {  	(erf) = vpow2.f32 v4;
	_ =	sdelay $0x1  }
0x71: {  	v4 =	vand.u32 $0xF, v5  }
0x72: {  	v4 =	vor.u32 v4, v6  }
0x73: {  	_ =	sdelay $0x4  }
0x74: {  	v5 =	vpop (erf)  }
0x75: {  	s12 =	simm.s32 $0x0;
	s7 =	rddreg [dreg:$0x8];
	[tilespmem:v4+s25+$0x0] =	vst.idx.add.f32.msk $0xffff, v5  }
0x76: {  	[hbm4b:s7+s12] =	stream.linear.scatter [tilespmem:s25], [sflag:$0x3], $0x14000, $0x38;
	[tilespmem:$0x1FD00] =	vst v63  }
0x77: {  	_ =	swait.ge [sflag:s21], $0x14000  }
0x78: {  	[sflag:s21] =	ssyncset.done $0x0  }
0x79: {  	[sflag:s21] =	ssyncadd.s32 $0xFFFEC000  }
0x7a: {  	s14 =	simm.s32 $0x0;
	[bflag:$0x0] =	sbarrier.arrive $0xFFFF  }
.LBB2_6:
0x7b: {  	p0 =	sne.s32 s14, $0x4FE00  }
.Ltmp2:
0x7c: {  	_ = 	snop;
	(pc) =	sbr.rel @p0 .LBB2_6-.Ltmp2, $3  }
0x7d: {  	_ =	sdelay $0x1  }
0x7e: {  	s18 =	sshra.s32 s14, $0x2  }
0x7f: {  	s14 =	sadd.s32 $0x200, s14;
	[tilespmem:s18+$0x5000] =	vst v1  }
0x80: {  	s14 =	simm.s32 $0x5000  }
.LBB2_8:
0x81: {  	v4 =	vmov s14;
	_ =	sdelay $0x3  }
0x82: {  	s18 =	sshll.u32 s12, $0xD;
	s19 =	simm.s32 $0x0;
	s26 =	simm.s32 $0x0  }
.LBB2_9:
0x83: {  	s30 =	sadd.s32 s9, s26  }
0x84: {  	s30 =	smul.u32 $0x14000, s30;
	_ =	sdelay $0x1  }
0x85: {  	s30 =	sadd.s32 s18, s30  }
0x86: {  	s30 =	sshrl.u32 s30, $0x3  }
0x87: {  	s30 =	sadd.s32 s8, s30  }
0x88: {  	[tilespmem:s13], [sflag:$0x3] =	stream.linear.gather [hbm4b:s30+s19], $0x2000, $0x38;
	[tilespmem:$0x1FD00] =	vst v63  }
0x89: {  	_ =	swait.ge [sflag:s21], $0x2000  }
0x8a: {  	[sflag:s21] =	ssyncset.done $0x0  }
0x8b: {  	s31 =	simm.s32 $0x200;
	s30 =	simm.s32 $0x0;
	[sflag:s21] =	ssyncadd.s32 $0xFFFFE000  }
.LBB2_10:
0x8c: {  	p0 =	sne.s32 s31, $0x7E00;
	v5 =	vld.idx.msk [tilespmem:v4+s30+$0x0 ss:$0x1], $0xffff  }
0x8d: {  	v6 =	vld [tilespmem:s30+$0x1B400];
	_ =	sdelay $0x2  }
.Ltmp3:
0x8e: {  	(pc) =	sbr.rel @p0 .LBB2_10-.Ltmp3, $3  }
0x8f: {  	_ = 	snop  }
0x90: {  	v5 =	vadd.f32 v6, v5;
	_ =	sdelay $0x1  }
0x91: {  	[tilespmem:v4+s30+$0x0 ss:$0x1] =	vst.idx.msk $0xffff, v5;
	s30 =	sshra.s32 s31, $0x2;
	s31 =	sadd.s32 $0x200, s31  }
0x92: {  	_ =	sdelay $0x3  }
0x93: {  	v5 =	vld.idx.msk [tilespmem:v4+s30+$0x0 ss:$0x1], $0xffff  }
0x94: {  	v6 =	vld [tilespmem:s30+$0x1B400]  }
0x95: {  	s26 =	sadd.s32 $0x1, s26  }
0x96: {  	p0 =	sne.s32 s26, $0x10  }
.Ltmp4:
0x97: {  	_ = 	snop;
	(pc) =	sbr.rel @p0 .LBB2_9-.Ltmp4, $3  }
0x98: {  	_ = 	snop  }
0x99: {  	v5 =	vadd.f32 v6, v5;
	_ =	sdelay $0x1  }
0x9a: {  	[tilespmem:v4+s30+$0x0 ss:$0x1] =	vst.idx.msk $0xffff, v5  }
0x9b: {  	s12 =	sadd.s32 $0x1, s12  }
0x9c: {  	p0 =	sne.s32 s12, $0xA  }
.Ltmp5:
0x9d: {  	_ = 	snop;
	(pc) =	sbr.rel @p0 .LBB2_8-.Ltmp5, $2  }
0x9e: {  	_ =	sdelay $0x2  }
0x9f: {  	s14 =	sadd.s32 $0x2000, s14;
	s18 =	simm.s32 $0x0  }
.LBB2_13:
0xa0: {  	s12 =	simm.s32 $0x0;
	s14 =	simm.s32 $0x200  }
.LBB2_14:
0xa1: {  	p0 =	sne.s32 s14, $0x7E00;
	[tilespmem:s12+$0x19470] =	vst v1  }
0xa2: {  	[tilespmem:s12+$0x19400] =	vst v1  }
0xa3: {  	[tilespmem:s12+$0x19410] =	vst v1  }
.Ltmp6:
0xa4: {  	[tilespmem:s12+$0x19420] =	vst v1;
	(pc) =	sbr.rel @p0 .LBB2_14-.Ltmp6, $4  }
0xa5: {  	[tilespmem:s12+$0x19430] =	vst v1  }
0xa6: {  	[tilespmem:s12+$0x19440] =	vst v1  }
0xa7: {  	[tilespmem:s12+$0x19450] =	vst v1  }
0xa8: {  	[tilespmem:s12+$0x19460] =	vst v1;
	s12 =	sshra.s32 s14, $0x2;
	s14 =	sadd.s32 $0x200, s14  }
0xa9: {  	[tilespmem:s12+$0x19470] =	vst v1  }
0xaa: {  	[tilespmem:s12+$0x19400] =	vst v1  }
0xab: {  	[tilespmem:s12+$0x19410] =	vst v1  }
0xac: {  	[tilespmem:s12+$0x19420] =	vst v1  }
0xad: {  	[tilespmem:s12+$0x19430] =	vst v1  }
0xae: {  	[tilespmem:s12+$0x19440] =	vst v1  }
0xaf: {  	[tilespmem:s12+$0x19450] =	vst v1  }
0xb0: {  	[tilespmem:s12+$0x19460] =	vst v1;
	s7 =	rddreg [dreg:$0x7]  }
0xb1: {  	[spmem:s7] =	stream.linear.scatter [tilespmem:s28], [sflag:$0x3], $0x2000, $0x38;
	[tilespmem:$0x1FD00] =	vst v63  }
0xb2: {  	_ =	swait.ge [sflag:s21], $0x2000  }
0xb3: {  	[sflag:s21] =	ssyncset.done $0x0  }
0xb4: {  	s14 =	rddreg [dreg:$0x9];
	[sflag:s21] =	ssyncadd.s32 $0xFFFFE000  }
0xb5: {  	[spmem:s14] =	stream.linear.scatter [tilespmem:s28], [sflag:$0x3], $0x800, $0x38;
	[tilespmem:$0x1FD00] =	vst v63  }
0xb6: {  	_ =	swait.ge [sflag:s21], $0x800  }
0xb7: {  	[sflag:s21] =	ssyncset.done $0x0  }
0xb8: {  	[sflag:s21] =	ssyncadd.s32 $0xFFFFF800  }
0xb9: {  	s19 =	simm.s32 $0x0;
	[bflag:$0x0] =	sbarrier.arrive $0xFFFF  }
0xba: {  	[tilespmem:s23], [sflag:$0x3] =	stream.linear.gather [hbm4b:s15+s19], $0x20, $0x38;
	[tilespmem:$0x1FD00] =	vst v63  }
0xbb: {  	_ =	swait.ge [sflag:s21], $0x20  }
0xbc: {  	[sflag:s21] =	ssyncset.done $0x0  }
0xbd: {  	[sflag:s21] =	ssyncadd.s32 $0xFFFFFFE0  }
0xbe: {  	[tilespmem:s24], [sflag:$0x3] =	stream.linear.gather [hbm4b:s16+s19], $0x20, $0x38;
	[tilespmem:$0x1FD00] =	vst v63  }
0xbf: {  	_ =	swait.ge [sflag:s21], $0x20  }
0xc0: {  	[sflag:s21] =	ssyncset.done $0x0  }
0xc1: {  	[sflag:s21] =	ssyncadd.s32 $0xFFFFFFE0  }
0xc2: {  	v5 =	vld [tilespmem:$0x19000]  }
0xc3: {  	v6 =	vld [tilespmem:$0x19080];
	_ =	sdelay $0x6  }
0xc4: {  	v7 =	vshll.u32 v6, $0x3;
	v4 =	vld.idx.msk [tilespmem:v5+s19+$0x0], $0xffff  }
0xc5: {  	v9 =	vand.u32 $0xF, v6;
	v7 =	vand.u32 $0xFFFFFF80, v7;
	v8 =	vld.idx.msk [tilespmem:v6+s22+$0x0], $0xffff  }
0xc6: {  	v7 =	vor.u32 v9, v7;
	_ =	sdelay $0x3  }
0xc7: {  	v4 =	vadd.f32 v8, v4  }
0xc8: {  	v7 =	vld.idx.msk [tilespmem:v7+s25+$0x0], $0xffff  }
0xc9: {  	v8 =	vmul.f32 $2.000000030e-01, v4  }
0xca: {  	vm0 =	vge.f32 v4, $0.0e+00  }
0xcb: {  	v4 =	vsel vm0, v4, v8  }
0xcc: {  	v4 =	vmul.f32 $1.442695020e+00, v4  }
0xcd: {  	v7 =	vadd.f32 $1.000000020e-16, v7  }
0xce: {  	(erf) = vpow2.f32 v4  }
0xcf: {  	(erf) = vrcp.f32 v7;
	_ =	sdelay $0x6  }
0xd0: {  	[dreg:$0xe] =	wrdreg s18;
	s18 =	smul.u32 $0x500, s18;
	v7 =	vld [tilespmem:$0x19010]  }
0xd1: {  	v63 =	vld [tilespmem:$0x19090];
	v4 =	vpop (erf)  }
0xd2: {  	s26 =	sadd.s32 $0x500, s18;
	v62 =	vpop (erf)  }
0xd3: {  	vm12 =	vge.s32 v6, s18;
	vm1 =	vlt.s32 v6, s26;
	v8 =	vmul.f32 v4, v62  }
0xd4: {  	v5 =	vadd.s32 v0, v5;
	vm0 =	vmand vm12, vm1;
	v4 =	vmov s18  }
0xd5: {  	[tilespmem:$0x19100] =	vst v5;
	v6 =	vsub.s32 v6, v4;
	v8 =	vnsel vm0, $0x0, v8  }
0xd6: {  	v6 =	vsel vm0, v6, v2;
	[tilespmem:$0x19300] =	vst v8  }
0xd7: {  	[tilespmem:$0x19200] =	vst v6  }
0xd8: {  	v6 =	vshll.u32 v63, $0x3;
	v5 =	vld.idx.msk [tilespmem:v7+s19+$0x0], $0xffff  }
0xd9: {  	v10 =	vand.u32 $0xF, v63;
	v8 =	vld.idx.msk [tilespmem:v63+s22+$0x0], $0xffff;
	v6 =	vand.u32 $0xFFFFFF80, v6  }
0xda: {  	v6 =	vor.u32 v10, v6;
	_ =	sdelay $0x3  }
0xdb: {  	v5 =	vadd.f32 v8, v5  }
0xdc: {  	v6 =	vld.idx.msk [tilespmem:v6+s25+$0x0], $0xffff  }
0xdd: {  	v8 =	vmul.f32 $2.000000030e-01, v5  }
0xde: {  	vm13 =	vge.f32 v5, $0.0e+00  }
0xdf: {  	v5 =	vsel vm13, v5, v8  }
0xe0: {  	v5 =	vmul.f32 $1.442695020e+00, v5  }
0xe1: {  	v6 =	vadd.f32 $1.000000020e-16, v6  }
0xe2: {  	(erf) = vpow2.f32 v5  }
0xe3: {  	(erf) = vrcp.f32 v6;
	_ =	sdelay $0x7  }
0xe4: {  	v5 =	vpop (erf)  }
0xe5: {  	v6 =	vpop (erf)  }
0xe6: {  	vm14 =	vge.s32 v63, s18;
	vm15 =	vlt.s32 v63, s26;
	v5 =	vmul.f32 v5, v6  }
0xe7: {  	vm0 =	vmand vm14, vm15  }
0xe8: {  	v6 =	vsub.s32 v63, v4;
	v5 =	vnsel vm0, $0x0, v5  }
0xe9: {  	[tilespmem:$0x19310] =	vst v5;
	v5 =	vsel vm0, v6, v3  }
0xea: {  	[tilespmem:$0x19210] =	vst v5;
	v5 =	vadd.s32 v0, v7  }
0xeb: {  	s31 =	simm.s32 $0x19100;
	s30 =	simm.s32 $0x0;
	[dreg:$0xf] =	wrdreg s18;
	[tilespmem:$0x19110] =	vst v5  }
0xec: {  	v5 =	vmov s26;
	[tilespmem:s28], [sflag:$0x1] =	stream.indirect.gather [hbm4b:s4+s29], $0x80, s31, s29, $0xb8;
	[tilespmem:$0x1FD00] =	vst v63  }
.LBB2_16:
0xed: {  	s12 =	sshll.u32 s30, $0x1  }
0xee: {  	s14 =	sadd.s32 s12, s17  }
0xef: {  	s14 =	sshll.u32 s14, $0x2  }
0xf0: {  	s18 =	sadd.s32 s1, s14  }
0xf1: {  	[tilespmem:s23], [sflag:$0x3] =	stream.linear.gather [hbm4b:s18+s19], $0x20, $0x38;
	[tilespmem:$0x1FD00] =	vst v63  }
0xf2: {  	_ =	swait.ge [sflag:s21], $0x20  }
0xf3: {  	[sflag:s21] =	ssyncset.done $0x0  }
0xf4: {  	s14 =	sadd.s32 s6, s14;
	[sflag:s21] =	ssyncadd.s32 $0xFFFFFFE0  }
0xf5: {  	[tilespmem:s24], [sflag:$0x3] =	stream.linear.gather [hbm4b:s14+s19], $0x20, $0x38;
	[tilespmem:$0x1FD00] =	vst v63  }
0xf6: {  	_ =	swait.ge [sflag:s21], $0x20  }
0xf7: {  	[sflag:s21] =	ssyncset.done $0x0  }
0xf8: {  	[sflag:s21] =	ssyncadd.s32 $0xFFFFFFE0  }
0xf9: {  	v6 =	vld [tilespmem:$0x19000]  }
0xfa: {  	v7 =	vld [tilespmem:$0x19080];
	_ =	sdelay $0x6  }
0xfb: {  	v9 =	vshll.u32 v7, $0x3;
	v8 =	vld.idx.msk [tilespmem:v6+s19+$0x0], $0xffff  }
0xfc: {  	v11 =	vand.u32 $0xF, v7;
	v9 =	vand.u32 $0xFFFFFF80, v9;
	v10 =	vld.idx.msk [tilespmem:v7+s22+$0x0], $0xffff  }
0xfd: {  	v9 =	vor.u32 v11, v9;
	_ =	sdelay $0x3  }
0xfe: {  	v8 =	vadd.f32 v10, v8  }
0xff: {  	v9 =	vld.idx.msk [tilespmem:v9+s25+$0x0], $0xffff  }
0x100: {  	v10 =	vmul.f32 $2.000000030e-01, v8  }
0x101: {  	vm0 =	vge.f32 v8, $0.0e+00  }
0x102: {  	v8 =	vsel vm0, v8, v10  }
0x103: {  	v8 =	vmul.f32 $1.442695020e+00, v8  }
0x104: {  	v9 =	vadd.f32 $1.000000020e-16, v9  }
0x105: {  	(erf) = vpow2.f32 v8  }
0x106: {  	(erf) = vrcp.f32 v9;
	_ =	sdelay $0x5  }
0x107: {  	v9 =	vld [tilespmem:$0x19010]  }
0x108: {  	v11 =	vld [tilespmem:$0x19090]  }
0x109: {  	v8 =	vpop (erf)  }
0x10a: {  	vm12 =	vge.s32 v7, v4;
	vm1 =	vlt.s32 v7, v5;
	v7 =	vsub.s32 v7, v4;
	v10 =	vpop (erf)  }
0x10b: {  	v6 =	vadd.s32 v0, v6;
	vm0 =	vmand vm12, vm1;
	v8 =	vmul.f32 v8, v10  }
0x10c: {  	[tilespmem:$0x19180] =	vst v6;
	v7 =	vsel vm0, v7, v2  }
0x10d: {  	[tilespmem:$0x19280] =	vst v7;
	v8 =	vnsel vm0, $0x0, v8  }
0x10e: {  	[tilespmem:$0x19380] =	vst v8  }
0x10f: {  	v7 =	vshll.u32 v11, $0x3;
	v6 =	vld.idx.msk [tilespmem:v9+s19+$0x0], $0xffff  }
0x110: {  	v7 =	vand.u32 $0xFFFFFF80, v7;
	v10 =	vand.u32 $0xF, v11;
	v8 =	vld.idx.msk [tilespmem:v11+s22+$0x0], $0xffff  }
0x111: {  	v7 =	vor.u32 v10, v7;
	_ =	sdelay $0x3  }
0x112: {  	v6 =	vadd.f32 v8, v6  }
0x113: {  	v7 =	vld.idx.msk [tilespmem:v7+s25+$0x0], $0xffff  }
0x114: {  	v8 =	vmul.f32 $2.000000030e-01, v6  }
0x115: {  	vm13 =	vge.f32 v6, $0.0e+00  }
0x116: {  	v6 =	vsel vm13, v6, v8  }
0x117: {  	v6 =	vmul.f32 $1.442695020e+00, v6  }
0x118: {  	v7 =	vadd.f32 $1.000000020e-16, v7  }
0x119: {  	(erf) = vpow2.f32 v6  }
0x11a: {  	(erf) = vrcp.f32 v7;
	_ =	sdelay $0x7  }
0x11b: {  	v6 =	vpop (erf)  }
0x11c: {  	v7 =	vpop (erf)  }
0x11d: {  	vm14 =	vge.s32 v11, v4;
	vm15 =	vlt.s32 v11, v5;
	v6 =	vmul.f32 v6, v7  }
0x11e: {  	vm0 =	vmand vm14, vm15  }
0x11f: {  	v7 =	vsub.s32 v11, v4;
	v6 =	vnsel vm0, $0x0, v6  }
0x120: {  	[tilespmem:$0x19390] =	vst v6;
	v6 =	vsel vm0, v7, v3;
	v7 =	vmov s19  }
0x121: {  	[tilespmem:$0x19290] =	vst v6;
	v6 =	vadd.s32 v0, v9;
	v7 =	vand.u32 $0xFFFFFFFC, v7  }
0x122: {  	s7 =	simm.s32 $0x19180;
	[tilespmem:$0x19190] =	vst v6;
	v6 =	vbroadcast v7, $0x0  }
0x123: {  	[tilespmem:s0], [sflag:$0x2] =	stream.indirect.gather [hbm4b:s4+s29], $0x80, s7, s29, $0xb8;
	[tilespmem:$0x1FD00] =	vst v63  }
0x124: {  	_ =	swait.ge [sflag:s10], $0x1000  }
0x125: {  	[sflag:s10] =	ssyncset.done $0x0  }
0x126: {  	s14 =	simm.s32 $0x19500;
	[sflag:s10] =	ssyncadd.s32 $0xFFFFF000  }
0x127: {  	v7 =	vld [tilespmem:s14+$0xFFFFFF70]  }
0x128: {  	v6 =	vld.idx.msk [tilespmem:v6+s11+$0x0], $0xffff  }
0x129: {  	v8 =	vld [tilespmem:s14+$0xFFFFFF00]  }
0x12a: {  	v9 =	vld [tilespmem:s14+$0xFFFFFF20]  }
0x12b: {  	v10 =	vld [tilespmem:s14+$0xFFFFFF50]  }
0x12c: {  	v11 =	vld [tilespmem:s14+$0xFFFFFF40]  }
0x12d: {  	v12 =	vld [tilespmem:s14+$0xFFFFFF60];
	v7 =	vmul.f32 v7, v6  }
0x12e: {  	s13 =	simm.s32 $0x1;
	v13 =	vld [tilespmem:s14+$0xFFFFFF30];
	v8 =	vmul.f32 v8, v6  }
0x12f: {  	v14 =	vld [tilespmem:s14+$0xFFFFFF10];
	v9 =	vmul.f32 v9, v6;
	[tilespmem:s14+$0xFFFFFF70] =	vst v7;
	v7 =	vmov s13  }
0x130: {  	v10 =	vmul.f32 v10, v6;
	[tilespmem:s14+$0xFFFFFF00] =	vst v8;
	v7 =	vand.u32 $0xFFFFFFFD, v7  }
0x131: {  	v8 =	vmul.f32 v11, v6;
	[tilespmem:s14+$0xFFFFFF20] =	vst v9;
	v7 =	vbroadcast v7, $0x0  }
0x132: {  	v9 =	vmul.f32 v12, v6;
	[tilespmem:s14+$0xFFFFFF50] =	vst v10  }
0x133: {  	v10 =	vmul.f32 v13, v6;
	[tilespmem:s14+$0xFFFFFF40] =	vst v8  }
0x134: {  	v6 =	vmul.f32 v14, v6;
	[tilespmem:s14+$0xFFFFFF60] =	vst v9  }
0x135: {  	[tilespmem:s14+$0xFFFFFF30] =	vst v10  }
0x136: {  	[tilespmem:s14+$0xFFFFFF10] =	vst v6;
	v6 =	vld [tilespmem:s14+$0xFFFFFF90]  }
0x137: {  	v8 =	vld.idx.msk [tilespmem:v7+s11+$0x0], $0xffff  }
0x138: {  	v7 =	vld [tilespmem:s14+$0xFFFFFFA0]  }
0x139: {  	v9 =	vld [tilespmem:s14+$0xFFFFFF80]  }
0x13a: {  	v10 =	vld [tilespmem:s14+$0xFFFFFFB0]  }
0x13b: {  	v11 =	vld [tilespmem:s14+$0xFFFFFFC0]  }
0x13c: {  	v12 =	vld [tilespmem:s14+$0xFFFFFFD0];
	v6 =	vmul.f32 v6, v8  }
0x13d: {  	s26 =	simm.s32 $0x2;
	v13 =	vld [tilespmem:s14+$0xFFFFFFF0];
	v7 =	vmul.f32 v7, v8  }
0x13e: {  	v14 =	vld [tilespmem:s14+$0xFFFFFFE0];
	v9 =	vmul.f32 v9, v8;
	[tilespmem:s14+$0xFFFFFF90] =	vst v6;
	v6 =	vmov s26  }
0x13f: {  	v10 =	vmul.f32 v10, v8;
	[tilespmem:s14+$0xFFFFFFA0] =	vst v7;
	v6 =	vand.u32 $0xFFFFFFFE, v6  }
0x140: {  	v7 =	vmul.f32 v11, v8;
	[tilespmem:s14+$0xFFFFFF80] =	vst v9;
	v11 =	vld [tilespmem:s14+$0x60];
	v15 =	vbroadcast v6, $0x0  }
0x141: {  	v9 =	vmul.f32 v12, v8;
	[tilespmem:s14+$0xFFFFFFB0] =	vst v10;
	v12 =	vld [tilespmem:s14+$0x0]  }
0x142: {  	v10 =	vmul.f32 v13, v8;
	v6 =	vld [tilespmem:s14+$0x20];
	[tilespmem:s14+$0xFFFFFFC0] =	vst v7  }
0x143: {  	v8 =	vmul.f32 v14, v8;
	v7 =	vld [tilespmem:s14+$0x30];
	[tilespmem:s14+$0xFFFFFFD0] =	vst v9  }
0x144: {  	[tilespmem:s14+$0xFFFFFFF0] =	vst v10;
	v9 =	vld [tilespmem:s14+$0x40]  }
0x145: {  	[tilespmem:s14+$0xFFFFFFE0] =	vst v8;
	v10 =	vld [tilespmem:s14+$0x10]  }
0x146: {  	s31 =	simm.s32 $0x19500;
	s18 =	simm.s32 $0x0;
	s26 =	simm.s32 $0x4;
	v8 =	vld.idx.msk [tilespmem:v15+s11+$0x0], $0xffff  }
.LBB2_17:
0x147: {  	p0 =	sne.s32 s26, $0x1C  }
0x148: {  	v13 =	vld [tilespmem:s14+$0x50];
	s31 =	sadd.s32 $0x200, s31;
	s13 =	smov.u32 s26;
	s26 =	sadd.s32 $0x4, s26  }
0x149: {  	v14 =	vld [tilespmem:s14+$0x70];
	_ =	sdelay $0x1  }
0x14a: {  	v11 =	vmul.f32 v11, v8;
	v12 =	vmul.f32 v12, v8  }
0x14b: {  	v9 =	vmul.f32 v9, v8;
	v10 =	vmul.f32 v10, v8  }
0x14c: {  	v6 =	vmul.f32 v6, v8;
	v7 =	vmul.f32 v7, v8;
	[tilespmem:s14+$0x60] =	vst v11  }
0x14d: {  	[tilespmem:s14+$0x40] =	vst v9;
	v9 =	vmul.f32 v13, v8;
	v8 =	vmul.f32 v14, v8  }
0x14e: {  	s7 =	sadd.s32 $0x3, s18;
	s18 =	smov.u32 s13;
	[tilespmem:s14+$0x20] =	vst v6;
	v11 =	vld [tilespmem:s14+$0x80]  }
0x14f: {  	v6 =	vld [tilespmem:s31+$0x20];
	[tilespmem:s14+$0x0] =	vst v12;
	v12 =	vmov s7  }
0x150: {  	[tilespmem:s14+$0x50] =	vst v9;
	v9 =	vld [tilespmem:s14+$0xE0]  }
0x151: {  	[tilespmem:s14+$0x30] =	vst v7;
	v13 =	vld [tilespmem:s14+$0xC0]  }
0x152: {  	v7 =	vld [tilespmem:s31+$0x30];
	[tilespmem:s14+$0x10] =	vst v10  }
0x153: {  	[tilespmem:s14+$0x70] =	vst v8;
	v8 =	vld [tilespmem:s14+$0xA0]  }
0x154: {  	v10 =	vld.idx.msk [tilespmem:v12+s11+$0x0], $0xffff  }
0x155: {  	v12 =	vld [tilespmem:s14+$0x90]  }
0x156: {  	v14 =	vld [tilespmem:s14+$0xB0]  }
0x157: {  	v15 =	vld [tilespmem:s14+$0xD0]  }
0x158: {  	v16 =	vld [tilespmem:s14+$0xF0];
	_ =	sdelay $0x1  }
0x159: {  	v11 =	vmul.f32 v11, v10;
	v12 =	vmul.f32 v12, v10  }
0x15a: {  	v8 =	vmul.f32 v8, v10;
	v14 =	vmul.f32 v14, v10  }
0x15b: {  	v17 =	vmov s18;
	[tilespmem:s14+$0x80] =	vst v11;
	v11 =	vmul.f32 v13, v10;
	v13 =	vmul.f32 v15, v10  }
0x15c: {  	v15 =	vand.u32 $0xFFFFFFFC, v17;
	[tilespmem:s14+$0xA0] =	vst v8;
	v8 =	vmul.f32 v9, v10;
	v9 =	vmul.f32 v16, v10  }
0x15d: {  	v10 =	vbroadcast v15, $0x0;
	[tilespmem:s14+$0xC0] =	vst v11  }
0x15e: {  	[tilespmem:s14+$0xF0] =	vst v9  }
0x15f: {  	v9 =	vld [tilespmem:s31+$0xFFFFFF40];
	[tilespmem:s14+$0xE0] =	vst v8  }
0x160: {  	v8 =	vld [tilespmem:s31+$0xFFFFFF50];
	[tilespmem:s14+$0x90] =	vst v12  }
0x161: {  	v11 =	vld [tilespmem:s31+$0xFFFFFF60];
	[tilespmem:s14+$0xB0] =	vst v14  }
0x162: {  	v12 =	vld [tilespmem:s31+$0xFFFFFF70];
	[tilespmem:s14+$0xD0] =	vst v13;
	s14 =	smov.u32 s31  }
0x163: {  	v10 =	vld.idx.msk [tilespmem:v10+s11+$0x0], $0xffff  }
0x164: {  	v13 =	vld [tilespmem:s31+$0xFFFFFF00]  }
0x165: {  	v14 =	vld [tilespmem:s31+$0xFFFFFF20]  }
0x166: {  	v15 =	vld [tilespmem:s31+$0xFFFFFF10]  }
0x167: {  	v16 =	vld [tilespmem:s31+$0xFFFFFF30];
	_ =	sdelay $0x1  }
0x168: {  	v12 =	vmul.f32 v12, v10;
	v13 =	vmul.f32 v13, v10  }
0x169: {  	s7 =	sadd.s32 $0x1, s18;
	v11 =	vmul.f32 v11, v10;
	v14 =	vmul.f32 v14, v10  }
0x16a: {  	v8 =	vmul.f32 v8, v10;
	v15 =	vmul.f32 v15, v10;
	[tilespmem:s31+$0xFFFFFF70] =	vst v12;
	v12 =	vmov s7  }
0x16b: {  	v9 =	vmul.f32 v9, v10;
	[tilespmem:s31+$0xFFFFFF00] =	vst v13;
	v13 =	vmul.f32 v16, v10;
	v10 =	vand.u32 $0xFFFFFFFD, v12  }
0x16c: {  	[tilespmem:s31+$0xFFFFFF20] =	vst v14;
	v10 =	vbroadcast v10, $0x0  }
0x16d: {  	[tilespmem:s31+$0xFFFFFF50] =	vst v8  }
0x16e: {  	[tilespmem:s31+$0xFFFFFF40] =	vst v9;
	v8 =	vld [tilespmem:s31+$0xFFFFFFF0]  }
0x16f: {  	[tilespmem:s31+$0xFFFFFF60] =	vst v11;
	v9 =	vld [tilespmem:s31+$0xFFFFFFC0]  }
0x170: {  	[tilespmem:s31+$0xFFFFFF30] =	vst v13;
	v11 =	vld [tilespmem:s31+$0xFFFFFFD0]  }
0x171: {  	[tilespmem:s31+$0xFFFFFF10] =	vst v15;
	v12 =	vld [tilespmem:s31+$0xFFFFFF90]  }
0x172: {  	v10 =	vld.idx.msk [tilespmem:v10+s11+$0x0], $0xffff  }
0x173: {  	v13 =	vld [tilespmem:s31+$0xFFFFFF80]  }
0x174: {  	v14 =	vld [tilespmem:s31+$0xFFFFFFA0]  }
0x175: {  	v15 =	vld [tilespmem:s31+$0xFFFFFFB0]  }
0x176: {  	v16 =	vld [tilespmem:s31+$0xFFFFFFE0];
	_ =	sdelay $0x1  }
0x177: {  	v12 =	vmul.f32 v12, v10;
	v13 =	vmul.f32 v13, v10  }
0x178: {  	s7 =	sadd.s32 $0x2, s18;
	v11 =	vmul.f32 v11, v10;
	v14 =	vmul.f32 v14, v10  }
0x179: {  	v9 =	vmul.f32 v9, v10;
	[tilespmem:s31+$0xFFFFFF90] =	vst v12;
	v12 =	vmul.f32 v15, v10;
	v15 =	vmov s7  }
0x17a: {  	v8 =	vmul.f32 v8, v10;
	[tilespmem:s31+$0xFFFFFFA0] =	vst v14;
	v14 =	vmul.f32 v16, v10;
	v10 =	vand.u32 $0xFFFFFFFE, v15  }
0x17b: {  	[tilespmem:s31+$0xFFFFFF80] =	vst v13;
	v10 =	vbroadcast v10, $0x0  }
0x17c: {  	[tilespmem:s31+$0xFFFFFFB0] =	vst v12  }
0x17d: {  	[tilespmem:s31+$0xFFFFFFC0] =	vst v9  }
0x17e: {  	[tilespmem:s31+$0xFFFFFFD0] =	vst v11  }
.Ltmp7:
0x17f: {  	[tilespmem:s31+$0xFFFFFFF0] =	vst v8;
	v9 =	vld [tilespmem:s31+$0x40];
	(pc) =	sbr.rel @p0 .LBB2_17-.Ltmp7, $4  }
0x180: {  	[tilespmem:s31+$0xFFFFFFE0] =	vst v14;
	v11 =	vld [tilespmem:s31+$0x60]  }
0x181: {  	v8 =	vld.idx.msk [tilespmem:v10+s11+$0x0], $0xffff  }
0x182: {  	v12 =	vld [tilespmem:s31+$0x0]  }
0x183: {  	v10 =	vld [tilespmem:s31+$0x10]  }
0x184: {  	_ =	sdelay $0x1  }
0x185: {  	v11 =	vmul.f32 v11, v8  }
0x186: {  	v13 =	vld [tilespmem:s14+$0x50];
	v9 =	vmul.f32 v9, v8  }
0x187: {  	v14 =	vld [tilespmem:s14+$0x70];
	v6 =	vmul.f32 v6, v8;
	[tilespmem:s14+$0x60] =	vst v11  }
0x188: {  	v50 =	vmul.f32 v12, v8;
	[tilespmem:s14+$0x40] =	vst v9  }
0x189: {  	s7 =	sadd.s32 $0x3, s18;
	[tilespmem:s14+$0x20] =	vst v6;
	v6 =	vmul.f32 v7, v8  }
0x18a: {  	v52 =	vmov s7;
	v10 =	vmul.f32 v10, v8;
	[tilespmem:s14+$0x0] =	vst v50  }
0x18b: {  	v51 =	vmul.f32 v13, v8;
	[tilespmem:s14+$0x30] =	vst v6  }
0x18c: {  	v53 =	vmul.f32 v14, v8;
	[tilespmem:s14+$0x10] =	vst v10  }
0x18d: {  	[tilespmem:s14+$0x50] =	vst v51  }
0x18e: {  	v7 =	vld [tilespmem:s14+$0x80];
	[tilespmem:s14+$0x70] =	vst v53  }
0x18f: {  	v6 =	vld.idx.msk [tilespmem:v52+s11+$0x0], $0xffff  }
0x190: {  	v54 =	vld [tilespmem:s14+$0xA0]  }
0x191: {  	v56 =	vld [tilespmem:s14+$0xF0]  }
0x192: {  	v57 =	vld [tilespmem:s14+$0xE0]  }
0x193: {  	v55 =	vld [tilespmem:s14+$0xC0]  }
0x194: {  	v59 =	vld [tilespmem:s14+$0xB0];
	v7 =	vmul.f32 v7, v6  }
0x195: {  	v58 =	vld [tilespmem:s14+$0x90];
	v8 =	vmul.f32 v54, v6  }
0x196: {  	v60 =	vld [tilespmem:s14+$0xD0];
	v61 =	vmul.f32 v56, v6;
	[tilespmem:s14+$0x80] =	vst v7  }
0x197: {  	v62 =	vmul.f32 v57, v6;
	[tilespmem:s14+$0xA0] =	vst v8  }
0x198: {  	v7 =	vmul.f32 v55, v6;
	[tilespmem:s14+$0xF0] =	vst v61  }
0x199: {  	v63 =	vmul.f32 v59, v6;
	[tilespmem:s14+$0xE0] =	vst v62  }
0x19a: {  	[tilespmem:s14+$0xC0] =	vst v7;
	v7 =	vmul.f32 v58, v6  }
0x19b: {  	[tilespmem:s14+$0xB0] =	vst v63;
	v6 =	vmul.f32 v60, v6  }
0x19c: {  	p0 =	seq.s32 s30, $0x143;
	[tilespmem:s14+$0x90] =	vst v7  }
.Ltmp8:
0x19d: {  	s31 =	simm.s32 $0x19200;
	[tilespmem:s14+$0xD0] =	vst v6;
	(pc) =	sbr.rel @p0 .LBB2_20-.Ltmp8, $4  }
0x19e: {  	[spmem:s2] =	stream.indirect.scatter.add.f32 [tilespmem:s28], [sflag:$0x3], $0x80, s31, s29, $0xb8;
	[tilespmem:$0x1FD00] =	vst v63  }
0x19f: {  	_ =	swait.ge [sflag:s21], $0x1000  }
0x1a0: {  	[sflag:s21] =	ssyncset.done $0x0  }
0x1a1: {  	[sflag:s21] =	ssyncadd.s32 $0xFFFFF000  }
0x1a2: {  	s7 =	rddreg [dreg:$0xa]  }
0x1a3: {  	s7 =	sadd.s32 s12, s7  }
0x1a4: {  	s7 =	sshll.u32 s7, $0x2  }
0x1a5: {  	s26 =	sadd.s32 s1, s7  }
0x1a6: {  	[tilespmem:s23], [sflag:$0x3] =	stream.linear.gather [hbm4b:s26+s3], $0x20, $0x38;
	[tilespmem:$0x1FD00] =	vst v63  }
0x1a7: {  	_ =	swait.ge [sflag:s21], $0x20  }
0x1a8: {  	[sflag:s21] =	ssyncset.done $0x0  }
0x1a9: {  	s7 =	sadd.s32 s6, s7;
	[sflag:s21] =	ssyncadd.s32 $0xFFFFFFE0  }
0x1aa: {  	[tilespmem:s24], [sflag:$0x3] =	stream.linear.gather [hbm4b:s7+s3], $0x20, $0x38;
	[tilespmem:$0x1FD00] =	vst v63  }
0x1ab: {  	_ =	swait.ge [sflag:s21], $0x20  }
0x1ac: {  	[sflag:s21] =	ssyncset.done $0x0  }
0x1ad: {  	[sflag:s21] =	ssyncadd.s32 $0xFFFFFFE0  }
0x1ae: {  	v6 =	vld [tilespmem:$0x19000]  }
0x1af: {  	v7 =	vld [tilespmem:$0x19080];
	_ =	sdelay $0x6  }
0x1b0: {  	v9 =	vshll.u32 v7, $0x3;
	v8 =	vld.idx.msk [tilespmem:v6+s3+$0x0], $0xffff  }
0x1b1: {  	v11 =	vand.u32 $0xF, v7;
	v9 =	vand.u32 $0xFFFFFF80, v9;
	v10 =	vld.idx.msk [tilespmem:v7+s22+$0x0], $0xffff  }
0x1b2: {  	v9 =	vor.u32 v11, v9;
	_ =	sdelay $0x3  }
0x1b3: {  	v8 =	vadd.f32 v10, v8  }
0x1b4: {  	v9 =	vld.idx.msk [tilespmem:v9+s25+$0x0], $0xffff  }
0x1b5: {  	v10 =	vmul.f32 $2.000000030e-01, v8  }
0x1b6: {  	vm0 =	vge.f32 v8, $0.0e+00  }
0x1b7: {  	v8 =	vsel vm0, v8, v10  }
0x1b8: {  	v8 =	vmul.f32 $1.442695020e+00, v8  }
0x1b9: {  	v9 =	vadd.f32 $1.000000020e-16, v9  }
0x1ba: {  	(erf) = vpow2.f32 v8  }
0x1bb: {  	(erf) = vrcp.f32 v9;
	_ =	sdelay $0x5  }
0x1bc: {  	v60 =	vld [tilespmem:$0x19010]  }
0x1bd: {  	v62 =	vld [tilespmem:$0x19090]  }
0x1be: {  	v8 =	vpop (erf)  }
0x1bf: {  	vm12 =	vge.s32 v7, v4;
	vm1 =	vlt.s32 v7, v5;
	v7 =	vsub.s32 v7, v4;
	v61 =	vpop (erf)  }
0x1c0: {  	v6 =	vadd.s32 v0, v6;
	vm0 =	vmand vm12, vm1;
	v8 =	vmul.f32 v8, v61  }
0x1c1: {  	[tilespmem:$0x19100] =	vst v6;
	v7 =	vsel vm0, v7, v2  }
0x1c2: {  	[tilespmem:$0x19200] =	vst v7;
	v8 =	vnsel vm0, $0x0, v8  }
0x1c3: {  	[tilespmem:$0x19300] =	vst v8  }
0x1c4: {  	v7 =	vshll.u32 v62, $0x3;
	v6 =	vld.idx.msk [tilespmem:v60+s3+$0x0], $0xffff  }
0x1c5: {  	v63 =	vand.u32 $0xF, v62;
	v7 =	vand.u32 $0xFFFFFF80, v7;
	v8 =	vld.idx.msk [tilespmem:v62+s22+$0x0], $0xffff  }
0x1c6: {  	v7 =	vor.u32 v63, v7;
	_ =	sdelay $0x3  }
0x1c7: {  	v6 =	vadd.f32 v8, v6  }
0x1c8: {  	v7 =	vld.idx.msk [tilespmem:v7+s25+$0x0], $0xffff  }
0x1c9: {  	v8 =	vmul.f32 $2.000000030e-01, v6  }
0x1ca: {  	vm13 =	vge.f32 v6, $0.0e+00  }
0x1cb: {  	v6 =	vsel vm13, v6, v8  }
0x1cc: {  	v6 =	vmul.f32 $1.442695020e+00, v6  }
0x1cd: {  	v7 =	vadd.f32 $1.000000020e-16, v7  }
0x1ce: {  	(erf) = vpow2.f32 v6  }
0x1cf: {  	(erf) = vrcp.f32 v7;
	_ =	sdelay $0x7  }
0x1d0: {  	v6 =	vpop (erf)  }
0x1d1: {  	v7 =	vpop (erf)  }
0x1d2: {  	vm14 =	vge.s32 v62, v4;
	vm15 =	vlt.s32 v62, v5;
	v6 =	vmul.f32 v6, v7  }
0x1d3: {  	vm0 =	vmand vm14, vm15  }
0x1d4: {  	v7 =	vsub.s32 v62, v4;
	v6 =	vnsel vm0, $0x0, v6  }
0x1d5: {  	[tilespmem:$0x19310] =	vst v6;
	v6 =	vsel vm0, v7, v3  }
0x1d6: {  	[tilespmem:$0x19210] =	vst v6;
	v6 =	vadd.s32 v0, v60  }
0x1d7: {  	s31 =	simm.s32 $0x19100;
	[tilespmem:$0x19110] =	vst v6  }
0x1d8: {  	[tilespmem:s28], [sflag:$0x1] =	stream.indirect.gather [hbm4b:s4+s29], $0x80, s31, s29, $0xb8;
	[tilespmem:$0x1FD00] =	vst v63  }
.LBB2_20:
0x1d9: {  	s14 =	simm.s32 $0x0  }
0x1da: {  	v6 =	vmov s14  }
0x1db: {  	v6 =	vand.u32 $0xFFFFFFFC, v6  }
0x1dc: {  	v6 =	vbroadcast v6, $0x0;
	_ =	sdelay $0x1  }
0x1dd: {  	_ =	swait.ge [sflag:s20], $0x1000  }
0x1de: {  	[sflag:s20] =	ssyncset.done $0x0  }
0x1df: {  	s12 =	simm.s32 $0x1A5F0;
	[sflag:s20] =	ssyncadd.s32 $0xFFFFF000  }
0x1e0: {  	v7 =	vld [tilespmem:s12+$0xFFFFFE80]  }
0x1e1: {  	v6 =	vld.idx.msk [tilespmem:v6+s5+$0x0], $0xffff  }
0x1e2: {  	v8 =	vld [tilespmem:s12+$0xFFFFFE10]  }
0x1e3: {  	v9 =	vld [tilespmem:s12+$0xFFFFFE30]  }
0x1e4: {  	v10 =	vld [tilespmem:s12+$0xFFFFFE60]  }
0x1e5: {  	v11 =	vld [tilespmem:s12+$0xFFFFFE50]  }
0x1e6: {  	v12 =	vld [tilespmem:s12+$0xFFFFFE70];
	v7 =	vmul.f32 v7, v6  }
0x1e7: {  	s7 =	simm.s32 $0x1;
	v13 =	vld [tilespmem:s12+$0xFFFFFE40];
	v8 =	vmul.f32 v8, v6  }
0x1e8: {  	v14 =	vld [tilespmem:s12+$0xFFFFFE20];
	v9 =	vmul.f32 v9, v6;
	[tilespmem:s12+$0xFFFFFE80] =	vst v7;
	v7 =	vmov s7  }
0x1e9: {  	v10 =	vmul.f32 v10, v6;
	[tilespmem:s12+$0xFFFFFE10] =	vst v8;
	v7 =	vand.u32 $0xFFFFFFFD, v7  }
0x1ea: {  	v8 =	vmul.f32 v11, v6;
	[tilespmem:s12+$0xFFFFFE30] =	vst v9;
	v7 =	vbroadcast v7, $0x0  }
0x1eb: {  	v9 =	vmul.f32 v12, v6;
	[tilespmem:s12+$0xFFFFFE60] =	vst v10  }
0x1ec: {  	v10 =	vmul.f32 v13, v6;
	[tilespmem:s12+$0xFFFFFE50] =	vst v8  }
0x1ed: {  	v6 =	vmul.f32 v14, v6;
	[tilespmem:s12+$0xFFFFFE70] =	vst v9  }
0x1ee: {  	[tilespmem:s12+$0xFFFFFE40] =	vst v10  }
0x1ef: {  	[tilespmem:s12+$0xFFFFFE20] =	vst v6;
	v6 =	vld [tilespmem:s12+$0xFFFFFEA0]  }
0x1f0: {  	v8 =	vld.idx.msk [tilespmem:v7+s5+$0x0], $0xffff  }
0x1f1: {  	v7 =	vld [tilespmem:s12+$0xFFFFFEB0]  }
0x1f2: {  	v9 =	vld [tilespmem:s12+$0xFFFFFE90]  }
0x1f3: {  	v10 =	vld [tilespmem:s12+$0xFFFFFEC0]  }
0x1f4: {  	v11 =	vld [tilespmem:s12+$0xFFFFFED0]  }
0x1f5: {  	v12 =	vld [tilespmem:s12+$0xFFFFFEE0];
	v6 =	vmul.f32 v6, v8  }
0x1f6: {  	s31 =	simm.s32 $0x2;
	v13 =	vld [tilespmem:s12+$0xFFFFFF00];
	v7 =	vmul.f32 v7, v8  }
0x1f7: {  	v14 =	vld [tilespmem:s12+$0xFFFFFEF0];
	v9 =	vmul.f32 v9, v8;
	[tilespmem:s12+$0xFFFFFEA0] =	vst v6;
	v6 =	vmov s31  }
0x1f8: {  	v10 =	vmul.f32 v10, v8;
	[tilespmem:s12+$0xFFFFFEB0] =	vst v7;
	v6 =	vand.u32 $0xFFFFFFFE, v6  }
0x1f9: {  	v7 =	vmul.f32 v11, v8;
	[tilespmem:s12+$0xFFFFFE90] =	vst v9;
	v11 =	vld [tilespmem:s12+$0xFFFFFF70];
	v15 =	vbroadcast v6, $0x0  }
0x1fa: {  	v9 =	vmul.f32 v12, v8;
	[tilespmem:s12+$0xFFFFFEC0] =	vst v10;
	v12 =	vld [tilespmem:s12+$0xFFFFFF10]  }
0x1fb: {  	v10 =	vmul.f32 v13, v8;
	v6 =	vld [tilespmem:s12+$0xFFFFFF30];
	[tilespmem:s12+$0xFFFFFED0] =	vst v7  }
0x1fc: {  	v8 =	vmul.f32 v14, v8;
	v7 =	vld [tilespmem:s12+$0xFFFFFF40];
	[tilespmem:s12+$0xFFFFFEE0] =	vst v9  }
0x1fd: {  	[tilespmem:s12+$0xFFFFFF00] =	vst v10;
	v9 =	vld [tilespmem:s12+$0xFFFFFF50]  }
0x1fe: {  	[tilespmem:s12+$0xFFFFFEF0] =	vst v8;
	v10 =	vld [tilespmem:s12+$0xFFFFFF20]  }
0x1ff: {  	s18 =	simm.s32 $0x4;
	s26 =	simm.s32 $0x1A5F0;
	v8 =	vld.idx.msk [tilespmem:v15+s5+$0x0], $0xffff  }
.LBB2_21:
0x200: {  	p0 =	sne.s32 s18, $0x1C  }
0x201: {  	v13 =	vld [tilespmem:s12+$0xFFFFFF60];
	s26 =	sadd.s32 $0x200, s26;
	s7 =	smov.u32 s18;
	s18 =	sadd.s32 $0x4, s18  }
0x202: {  	v14 =	vld [tilespmem:s12+$0xFFFFFF80];
	_ =	sdelay $0x1  }
0x203: {  	v11 =	vmul.f32 v11, v8;
	v12 =	vmul.f32 v12, v8  }
0x204: {  	v9 =	vmul.f32 v9, v8;
	v10 =	vmul.f32 v10, v8  }
0x205: {  	v6 =	vmul.f32 v6, v8;
	v7 =	vmul.f32 v7, v8;
	[tilespmem:s12+$0xFFFFFF70] =	vst v11  }
0x206: {  	[tilespmem:s12+$0xFFFFFF50] =	vst v9;
	v9 =	vmul.f32 v13, v8;
	v8 =	vmul.f32 v14, v8  }
0x207: {  	s13 =	sadd.s32 $0x3, s14;
	s14 =	smov.u32 s7;
	[tilespmem:s12+$0xFFFFFF30] =	vst v6;
	v11 =	vld [tilespmem:s12+$0xFFFFFFF0]  }
0x208: {  	v6 =	vld [tilespmem:s26+$0xFFFFFF30];
	[tilespmem:s12+$0xFFFFFF10] =	vst v12;
	v12 =	vmov s13  }
0x209: {  	[tilespmem:s12+$0xFFFFFF60] =	vst v9;
	v9 =	vld [tilespmem:s12+$0xFFFFFF90]  }
0x20a: {  	[tilespmem:s12+$0xFFFFFF40] =	vst v7;
	v13 =	vld [tilespmem:s12+$0xFFFFFFD0]  }
0x20b: {  	v7 =	vld [tilespmem:s26+$0xFFFFFF40];
	[tilespmem:s12+$0xFFFFFF20] =	vst v10  }
0x20c: {  	[tilespmem:s12+$0xFFFFFF80] =	vst v8;
	v8 =	vld [tilespmem:s12+$0xFFFFFFB0]  }
0x20d: {  	v10 =	vld.idx.msk [tilespmem:v12+s5+$0x0], $0xffff  }
0x20e: {  	v12 =	vld [tilespmem:s12+$0xFFFFFFA0]  }
0x20f: {  	v14 =	vld [tilespmem:s12+$0xFFFFFFC0]  }
0x210: {  	v15 =	vld [tilespmem:s12+$0xFFFFFFE0]  }
0x211: {  	v16 =	vld [tilespmem:s12+$0x0];
	_ =	sdelay $0x1  }
0x212: {  	v9 =	vmul.f32 v9, v10;
	v12 =	vmul.f32 v12, v10  }
0x213: {  	v8 =	vmul.f32 v8, v10;
	v14 =	vmul.f32 v14, v10  }
0x214: {  	v17 =	vmov s14;
	[tilespmem:s12+$0xFFFFFF90] =	vst v9;
	v9 =	vmul.f32 v13, v10;
	v13 =	vmul.f32 v15, v10  }
0x215: {  	v15 =	vand.u32 $0xFFFFFFFC, v17;
	[tilespmem:s12+$0xFFFFFFB0] =	vst v8;
	v8 =	vmul.f32 v11, v10;
	v10 =	vmul.f32 v16, v10  }
0x216: {  	v11 =	vbroadcast v15, $0x0;
	[tilespmem:s12+$0xFFFFFFD0] =	vst v9  }
0x217: {  	[tilespmem:s12+$0x0] =	vst v10  }
0x218: {  	v9 =	vld [tilespmem:s26+$0xFFFFFE50];
	[tilespmem:s12+$0xFFFFFFF0] =	vst v8  }
0x219: {  	v8 =	vld [tilespmem:s26+$0xFFFFFE60];
	[tilespmem:s12+$0xFFFFFFA0] =	vst v12  }
0x21a: {  	v10 =	vld [tilespmem:s26+$0xFFFFFE70];
	[tilespmem:s12+$0xFFFFFFC0] =	vst v14  }
0x21b: {  	v12 =	vld [tilespmem:s26+$0xFFFFFE80];
	[tilespmem:s12+$0xFFFFFFE0] =	vst v13;
	s12 =	smov.u32 s26  }
0x21c: {  	v11 =	vld.idx.msk [tilespmem:v11+s5+$0x0], $0xffff  }
0x21d: {  	v13 =	vld [tilespmem:s26+$0xFFFFFE10]  }
0x21e: {  	v14 =	vld [tilespmem:s26+$0xFFFFFE30]  }
0x21f: {  	v15 =	vld [tilespmem:s26+$0xFFFFFE20]  }
0x220: {  	v16 =	vld [tilespmem:s26+$0xFFFFFE40];
	_ =	sdelay $0x1  }
0x221: {  	v12 =	vmul.f32 v12, v11;
	v13 =	vmul.f32 v13, v11  }
0x222: {  	s7 =	sadd.s32 $0x1, s14;
	v10 =	vmul.f32 v10, v11;
	v14 =	vmul.f32 v14, v11  }
0x223: {  	v8 =	vmul.f32 v8, v11;
	v15 =	vmul.f32 v15, v11;
	[tilespmem:s26+$0xFFFFFE80] =	vst v12;
	v12 =	vmov s7  }
0x224: {  	v9 =	vmul.f32 v9, v11;
	[tilespmem:s26+$0xFFFFFE10] =	vst v13;
	v13 =	vmul.f32 v16, v11;
	v11 =	vand.u32 $0xFFFFFFFD, v12  }
0x225: {  	[tilespmem:s26+$0xFFFFFE30] =	vst v14;
	v11 =	vbroadcast v11, $0x0  }
0x226: {  	[tilespmem:s26+$0xFFFFFE60] =	vst v8  }
0x227: {  	[tilespmem:s26+$0xFFFFFE50] =	vst v9;
	v8 =	vld [tilespmem:s26+$0xFFFFFF00]  }
0x228: {  	[tilespmem:s26+$0xFFFFFE70] =	vst v10;
	v9 =	vld [tilespmem:s26+$0xFFFFFED0]  }
0x229: {  	[tilespmem:s26+$0xFFFFFE40] =	vst v13;
	v10 =	vld [tilespmem:s26+$0xFFFFFEE0]  }
0x22a: {  	[tilespmem:s26+$0xFFFFFE20] =	vst v15;
	v12 =	vld [tilespmem:s26+$0xFFFFFEA0]  }
0x22b: {  	v11 =	vld.idx.msk [tilespmem:v11+s5+$0x0], $0xffff  }
0x22c: {  	v13 =	vld [tilespmem:s26+$0xFFFFFE90]  }
0x22d: {  	v14 =	vld [tilespmem:s26+$0xFFFFFEB0]  }
0x22e: {  	v15 =	vld [tilespmem:s26+$0xFFFFFEC0]  }
0x22f: {  	v16 =	vld [tilespmem:s26+$0xFFFFFEF0];
	_ =	sdelay $0x1  }
0x230: {  	v12 =	vmul.f32 v12, v11;
	v13 =	vmul.f32 v13, v11  }
0x231: {  	s7 =	sadd.s32 $0x2, s14;
	v10 =	vmul.f32 v10, v11;
	v14 =	vmul.f32 v14, v11  }
0x232: {  	v9 =	vmul.f32 v9, v11;
	[tilespmem:s26+$0xFFFFFEA0] =	vst v12;
	v12 =	vmul.f32 v15, v11;
	v15 =	vmov s7  }
0x233: {  	v8 =	vmul.f32 v8, v11;
	[tilespmem:s26+$0xFFFFFEB0] =	vst v14;
	v14 =	vmul.f32 v16, v11;
	v11 =	vand.u32 $0xFFFFFFFE, v15  }
0x234: {  	[tilespmem:s26+$0xFFFFFE90] =	vst v13;
	v13 =	vbroadcast v11, $0x0  }
0x235: {  	[tilespmem:s26+$0xFFFFFEC0] =	vst v12  }
0x236: {  	[tilespmem:s26+$0xFFFFFED0] =	vst v9  }
0x237: {  	[tilespmem:s26+$0xFFFFFEE0] =	vst v10  }
.Ltmp9:
0x238: {  	[tilespmem:s26+$0xFFFFFF00] =	vst v8;
	v9 =	vld [tilespmem:s26+$0xFFFFFF50];
	(pc) =	sbr.rel @p0 .LBB2_21-.Ltmp9, $4  }
0x239: {  	[tilespmem:s26+$0xFFFFFEF0] =	vst v14;
	v11 =	vld [tilespmem:s26+$0xFFFFFF70]  }
0x23a: {  	v8 =	vld.idx.msk [tilespmem:v13+s5+$0x0], $0xffff  }
0x23b: {  	v12 =	vld [tilespmem:s26+$0xFFFFFF10]  }
0x23c: {  	v10 =	vld [tilespmem:s26+$0xFFFFFF20]  }
0x23d: {  	_ =	sdelay $0x1  }
0x23e: {  	v11 =	vmul.f32 v11, v8  }
0x23f: {  	v13 =	vld [tilespmem:s12+$0xFFFFFF60];
	v9 =	vmul.f32 v9, v8  }
0x240: {  	v14 =	vld [tilespmem:s12+$0xFFFFFF80];
	v6 =	vmul.f32 v6, v8;
	[tilespmem:s12+$0xFFFFFF70] =	vst v11  }
0x241: {  	v51 =	vmul.f32 v12, v8;
	[tilespmem:s12+$0xFFFFFF50] =	vst v9  }
0x242: {  	s7 =	sadd.s32 $0x3, s14;
	[tilespmem:s12+$0xFFFFFF30] =	vst v6;
	v6 =	vmul.f32 v7, v8  }
0x243: {  	v7 =	vmov s7;
	v10 =	vmul.f32 v10, v8;
	[tilespmem:s12+$0xFFFFFF10] =	vst v51  }
0x244: {  	v52 =	vmul.f32 v13, v8;
	[tilespmem:s12+$0xFFFFFF40] =	vst v6  }
0x245: {  	v53 =	vmul.f32 v14, v8;
	[tilespmem:s12+$0xFFFFFF20] =	vst v10  }
0x246: {  	[tilespmem:s12+$0xFFFFFF60] =	vst v52  }
0x247: {  	v6 =	vld [tilespmem:s12+$0xFFFFFF90];
	[tilespmem:s12+$0xFFFFFF80] =	vst v53  }
0x248: {  	v7 =	vld.idx.msk [tilespmem:v7+s5+$0x0], $0xffff  }
0x249: {  	v54 =	vld [tilespmem:s12+$0xFFFFFFB0]  }
0x24a: {  	v56 =	vld [tilespmem:s12+$0x0]  }
0x24b: {  	v57 =	vld [tilespmem:s12+$0xFFFFFFF0]  }
0x24c: {  	v55 =	vld [tilespmem:s12+$0xFFFFFFD0]  }
0x24d: {  	v59 =	vld [tilespmem:s12+$0xFFFFFFC0];
	v6 =	vmul.f32 v6, v7  }
0x24e: {  	v58 =	vld [tilespmem:s12+$0xFFFFFFA0];
	v8 =	vmul.f32 v54, v7  }
0x24f: {  	v60 =	vld [tilespmem:s12+$0xFFFFFFE0];
	v61 =	vmul.f32 v56, v7;
	[tilespmem:s12+$0xFFFFFF90] =	vst v6  }
0x250: {  	v62 =	vmul.f32 v57, v7;
	[tilespmem:s12+$0xFFFFFFB0] =	vst v8  }
0x251: {  	v6 =	vmul.f32 v55, v7;
	[tilespmem:s12+$0x0] =	vst v61  }
0x252: {  	v63 =	vmul.f32 v59, v7;
	[tilespmem:s12+$0xFFFFFFF0] =	vst v62  }
0x253: {  	[tilespmem:s12+$0xFFFFFFD0] =	vst v6;
	v6 =	vmul.f32 v58, v7  }
0x254: {  	s30 =	sadd.s32 $0x1, s30;
	[tilespmem:s12+$0xFFFFFFC0] =	vst v63;
	v7 =	vmul.f32 v60, v7  }
0x255: {  	p0 =	sne.s32 s30, $0x144;
	[tilespmem:s12+$0xFFFFFFA0] =	vst v6  }
.Ltmp10:
0x256: {  	s31 =	simm.s32 $0x19280;
	[tilespmem:s12+$0xFFFFFFE0] =	vst v7;
	(pc) =	sbr.rel @p0 .LBB2_16-.Ltmp10, $4  }
0x257: {  	[spmem:s2] =	stream.indirect.scatter.add.f32 [tilespmem:s0], [sflag:$0x3], $0x80, s31, s29, $0xb8;
	[tilespmem:$0x1FD00] =	vst v63  }
0x258: {  	_ =	swait.ge [sflag:s21], $0x1000  }
0x259: {  	[sflag:s21] =	ssyncset.done $0x0  }
0x25a: {  	[sflag:s21] =	ssyncadd.s32 $0xFFFFF000  }
0x25b: {  	s7 =	rddreg [dreg:$0xb]  }
0x25c: {  	s12 =	rddreg [dreg:$0xf];
	[bflag:$0x0] =	sbarrier.arrive $0xFFFF  }
0x25d: {  	s30 =	stileid.u32;
	s7 =	sadd.s32 s12, s7;
	s13 =	rddreg [dreg:$0x4]  }
0x25e: {  	s12 =	sshll.u32 s30, $0x6;
	s31 =	rddreg [dreg:$0x7];
	s7 =	sshll.u32 s7, $0x4  }
0x25f: {  	s12 =	sor.u32 $0x1C03, s12;
	s7 =	sadd.s32 s13, s7;
	s13 =	sshrl.u32 s31, $0x3  }
0x260: {  	[hbm:s7], [sflag:s12] =	dma.local [spmem:s13], $0x500  }
0x261: {  	_ =	swait.ge [sflag:s21], $0x500  }
0x262: {  	s18 =	rddreg [dreg:$0xe]  }
0x263: {  	s18 =	sadd.s32 $0x1, s18  }
0x264: {  	p0 =	sne.s32 s18, $0x8  }
.Ltmp11:
0x265: {  	_ = 	snop;
	(pc) =	sbr.rel @p0 .LBB2_13-.Ltmp11, $4  }
0x266: {  	[sflag:s21] =	ssyncset.done $0x0  }
0x267: {  	[sflag:s21] =	ssyncadd.s32 $0xFFFFFB00  }
0x268: {  	[bflag:$0x0] =	sbarrier.arrive $0xFFFF  }
0x269: {  	s13 =	simm.s32 $0x1B400  }
0x26a: {  	s12 =	rddreg [dreg:$0xd]  }
0x26b: {  	s7 =	rddreg [dreg:$0xc];
	s12 =	sadd.s32 $0x1, s12  }
0x26c: {  	p0 =	sne.s32 s12, s7  }
.Ltmp12:
0x26d: {  	_ = 	snop;
	(pc) =	sbr.rel @p0 .LBB2_1-.Ltmp12, $1  }
0x26e: {  	_ =	sdelay $0x3  }
0x26f: {  	_ =	sfence.sel $0x180000  }
0x270: {  	[bflag:$0x0] =	sbarrier.arrive $0xFFFF  }
0x271: {  	_ =	strace $0x9000004A  }
0x272: {  	s0 =	stileid.u32;
	[bflag:$0x2] =	sbarrier.arrive $0xFFFF  }
0x273: {  	p0 =	sne.s32 s0, $0x0;
	s0 =	rddreg [dreg:$0x3]  }
0x274: {  	s0 =	sadd.s32 @!p0 $0x100000, s0  }
0x275: {  	[sflag:s0] =	ssyncadd.tile.s32 @!p0 $0x1;
	_ =	shalt  }
.Lfunc_end2:
_tile_overlayer_lowered:
.L_overlay_start_2:
0x276: {  	(tag) =	ssettag $0x2  }
0x277: {  	s0 =	rddreg [dreg:$0x0];
	s2 =	stileid.u32  }
0x278: {  	s1 =	rddreg [dreg:$0x1];
	p0 =	sne.s32 s2, $0x0  }
0x279: {  	s3 =	rddreg [dreg:$0x2];
	[bflag:$0x3] =	sbarrier.arrive $0xFFFF;
	s2 =	simm.s32 @!p0 $0x1C03  }
0x27a: {  	[timem:s3], [sflag:s2] =	dma.local @!p0 [hbm:s0], s1  }
0x27b: {  	s0 =	simm.s32 @!p0 $0x3  }
0x27c: {  	_ =	swait.ge @!p0 [sflag:s0], s1  }
0x27d: {  	s1 =	ssub.s32 @!p0 $0x0, s1;
	[sflag:s0] =	ssyncset.done @!p0 $0x0  }
0x27e: {  	[sflag:s0] =	ssyncadd.s32 @!p0 s1  }
0x27f: {  	[bflag:$0x3] =	sbarrier.arrive $0xFFFF  }
0x280: {  	_ =	shalt  }

// kernel: kernel.7.cloned.1.call-start
scs
__scs_entry_jumppad:
0x0: {  	(pc) =	sbr.rel $0x88, $3  }
0x1: {  	(tag) =	ssettag $0x0;
	lr =	simm.s32 $0x1  }
0x2: {  	[smem:$0x3F91] =	sst lr;
	_ =	strace $0xD0000000  }
0x3: {  	_ = 	snop  }
0x4: {  	_ = 	snop  }
0x5: {  	_ = 	snop  }
0x6: {  	_ = 	snop  }
0x7: {  	_ = 	snop  }
__scs_overlays_trampoline_lowered:
0x8: {  	[smem:$0x3FA0] =	sst s0  }
0x9: {  	[smem:$0x3FA1] =	sst s1  }
0xa: {  	[smem:$0x3FA2] =	sst s2  }
0xb: {  	[smem:$0x3FA3] =	sst s3  }
0xc: {  	[smem:$0x3FA4] =	sst s4  }
0xd: {  	[smem:$0x3FA5] =	sst s5  }
0xe: {  	[smem:$0x3FA6] =	sst s6  }
0xf: {  	[smem:$0x3FA7] =	sst s7  }
0x10: {  	[smem:$0x3FA8] =	sst s8  }
0x11: {  	[smem:$0x3FA9] =	sst s9;
	s0 =	simm.s32 @!p0 $0x0  }
0x12: {  	s1 =	sld [smem:$0x3F8F];
	s0 =	simm.s32 @p0 $0x1  }
0x13: {  	[smem:$0x3FAA] =	sst s0;
	s0 =	simm.s32 @!p1 $0x0  }
0x14: {  	s2 =	sld [smem:$0x3F8E];
	s0 =	simm.s32 @p1 $0x1  }
0x15: {  	[smem:$0x3FAB] =	sst s0;
	s0 =	simm.s32 @!p2 $0x0  }
0x16: {  	s3 =	sld [smem:$0x3FDB];
	s0 =	simm.s32 @p2 $0x1  }
0x17: {  	s4 =	simm.s32 $0x1BF5;
	[smem:$0x3FAD] =	sst s0  }
0x18: {  	s0 =	sld [smem:$0x3F90];
	_ =	swait.ge [sflag:s4], $0x0  }
0x19: {  	s7 =	sld [smem:$0x3F91]  }
0x1a: {  	s8 =	sadd.s32 $0xFFFFE003, lr  }
0x1b: {  	s9 =	sadd.s32 $0xFFFFFEF7, lr;
	s5 =	simm.s32 $0xFFFFFFFF;
	p2 =	slt.u32 s8, $0xFFFFF086  }
0x1c: {  	p1 =	slt.u32 s9, $0xF7A;
	s5 =	simm.s32 @!p2 $0x0  }
0x1d: {  	s5 =	simm.s32 @p1 $0x1;
	p0 =	seq.s32 s7, s2  }
0x1e: {  	s7 =	smul.u32 @!p0 $0xF7A, s2;
	p2 =	seq.s32 @!p0 s5, $0x0  }
0x1f: {  	s9 =	smul.u32 $0xF7A, s1;
	s8 =	simm.s32 @!p0 $0x1BF5;
	p2 =	por !p2, p0  }
0x20: {  	[sflag:s8] =	ssyncset.s32 @!p0 $0xFFFFF086;
	s6 =	sadd.s32 @!p0 s3, s7;
	s7 =	simm.s32 @!p0 $0x108  }
0x21: {  	s3 =	sadd.s32 s3, s9;
	s6 =	sadd.s32 @!p0 $0x88, s6;
	s7 =	simm.s32 @p2 $0x1082  }
0x22: {  	[simem:s7], [sflag:s8] =	dma.local @!p0 [hbm:s6], $0xF7A  }
0x23: {  	s9 =	sor.u32 $0xD0000000, s2;
	s6 =	simm.s32 $0x108;
	_ =	swait.ge @!p0 [sflag:s8], $0x0  }
0x24: {  	s3 =	sadd.s32 $0x88, s3;
	s6 =	simm.s32 @!p1 $0x1082;
	[sflag:s4] =	ssyncset.s32 $0xFFFFF086  }
0x25: {  	[simem:s6], [sflag:s4] =	dma.local [hbm:s3], $0xF7A  }
0x26: {  	[smem:$0x3F91] =	sst s1;
	(tag) =	ssettag s2;
	_ =	strace s9  }
0x27: {  	s1 =	sld [smem:$0x3FA1]  }
0x28: {  	s2 =	sld [smem:$0x3FA2]  }
0x29: {  	s4 =	sld [smem:$0x3FA4]  }
0x2a: {  	p0 =	seq.s32 s5, $0x0;
	s5 =	sld [smem:$0x3FA5]  }
0x2b: {  	s6 =	sld [smem:$0x3FA6]  }
0x2c: {  	s7 =	sld [smem:$0x3FA7]  }
0x2d: {  	s3 =	simm.s32 $0x108;
	s8 =	sld [smem:$0x3FA8]  }
0x2e: {  	s3 =	simm.s32 @!p0 $0x1082;
	s9 =	sld [smem:$0x3FA9]  }
0x2f: {  	lr =	sadd.s32 s0, s3;
	s0 =	sld [smem:$0x3FA0]  }
0x30: {  	s3 =	sld [smem:$0x3FA3]  }
0x31: {  	[smem:$0x3FAC] =	sst s10  }
0x32: {  	s10 =	sld [smem:$0x3FAA];
	_ =	sdelay $0x3  }
0x33: {  	p0 =	seq.s32 s10, $0x1;
	s10 =	sld [smem:$0x3FAC];
	_ =	sdelay $0x3  }
0x34: {  	[smem:$0x3FAC] =	sst s10  }
0x35: {  	s10 =	sld [smem:$0x3FAB];
	_ =	sdelay $0x3  }
0x36: {  	p1 =	seq.s32 s10, $0x1;
	s10 =	sld [smem:$0x3FAC];
	_ =	sdelay $0x3  }
0x37: {  	[smem:$0x3FAC] =	sst s10  }
0x38: {  	s10 =	sld [smem:$0x3FAD]  }
0x39: {  	_ = 	snop;
	(pc) =	sbr.ind lr, $3  }
0x3a: {  	_ = 	snop  }
0x3b: {  	_ = 	snop  }
0x3c: {  	p2 =	seq.s32 s10, $0x1;
	s10 =	sld [smem:$0x3FAC]  }
0x3d: {  	_ =	shalt  }
0x3e: {  	_ =	shalt  }
0x3f: {  	_ =	shalt  }
0x40: {  	_ =	shalt  }
0x41: {  	_ =	shalt  }
0x42: {  	_ =	shalt  }
0x43: {  	_ =	shalt  }
0x44: {  	_ =	shalt  }
0x45: {  	_ =	shalt  }
0x46: {  	_ =	shalt  }
0x47: {  	_ =	shalt  }
0x48: {  	_ =	shalt  }
0x49: {  	_ =	shalt  }
0x4a: {  	_ =	shalt  }
0x4b: {  	_ =	shalt  }
0x4c: {  	_ =	shalt  }
0x4d: {  	_ =	shalt  }
0x4e: {  	_ =	shalt  }
0x4f: {  	_ =	shalt  }
0x50: {  	_ =	shalt  }
0x51: {  	_ =	shalt  }
0x52: {  	_ =	shalt  }
0x53: {  	_ =	shalt  }
0x54: {  	_ =	shalt  }
0x55: {  	_ =	shalt  }
0x56: {  	_ =	shalt  }
0x57: {  	_ =	shalt  }
0x58: {  	_ =	shalt  }
0x59: {  	_ =	shalt  }
0x5a: {  	_ =	shalt  }
0x5b: {  	_ =	shalt  }
0x5c: {  	_ =	shalt  }
0x5d: {  	_ =	shalt  }
0x5e: {  	_ =	shalt  }
0x5f: {  	_ =	shalt  }
0x60: {  	_ =	shalt  }
0x61: {  	_ =	shalt  }
0x62: {  	_ =	shalt  }
0x63: {  	_ =	shalt  }
0x64: {  	_ =	shalt  }
0x65: {  	_ =	shalt  }
0x66: {  	_ =	shalt  }
0x67: {  	_ =	shalt  }
0x68: {  	_ =	shalt  }
0x69: {  	_ =	shalt  }
0x6a: {  	_ =	shalt  }
0x6b: {  	_ =	shalt  }
0x6c: {  	_ =	shalt  }
0x6d: {  	_ =	shalt  }
0x6e: {  	_ =	shalt  }
0x6f: {  	_ =	shalt  }
0x70: {  	_ =	shalt  }
0x71: {  	_ =	shalt  }
0x72: {  	_ =	shalt  }
0x73: {  	_ =	shalt  }
0x74: {  	_ =	shalt  }
0x75: {  	_ =	shalt  }
0x76: {  	_ =	shalt  }
0x77: {  	_ =	shalt  }
0x78: {  	_ =	shalt  }
0x79: {  	_ =	shalt  }
0x7a: {  	_ =	shalt  }
0x7b: {  	_ =	shalt  }
0x7c: {  	_ =	shalt  }
0x7d: {  	_ =	shalt  }
0x7e: {  	_ =	shalt  }
0x7f: {  	_ =	shalt  }
0x80: {  	_ =	shalt  }
0x81: {  	_ =	shalt  }
0x82: {  	_ =	shalt  }
0x83: {  	_ =	shalt  }
0x84: {  	_ =	shalt  }
0x85: {  	_ =	shalt  }
0x86: {  	_ =	shalt  }
0x87: {  	_ =	shalt  }
.Lfunc_end0:
.L_simem_size_0:
called_computation_lowered:
.L_overlay_start_0:
0x88: {  	s2 =	sld [smem:$0x3FD9]  }
0x89: {  	s3 =	sld [smem:$0x3FFE];
	_ =	sdelay $0x1  }
0x8a: {  	s1 =	srdreg.scid  }
0x8b: {  	s0 =	sand.u32 $0x1, s1  }
0x8c: {  	s14 =	sshll.u32 s0, $0xA;
	s2 =	sadd.s32 s3, s2  }
0x8d: {  	s2 =	sadd.s32 s2, s14  }
0x8e: {  	[smem:$0x3FB8] =	sst s2  }
0x8f: {  	_ = 	snop  }
0x90: {  	s2 =	sld [smem:$0x3FD0];
	_ =	sdelay $0x2  }
0x91: {  	s15 =	simm.s32 $0xA;
	s4 =	simm.s32 $0x10  }
0x92: {  	[smem:s4], [sflag:s15] =	dma.local [hbm:s2], $0x1  }
0x93: {  	_ =	swait.eq [sflag:s15], $0x1  }
0x94: {  	[sflag:s15] =	ssyncset.done $0x0  }
0x95: {  	[sflag:s15] =	ssyncadd.s32 $0xFFFFFFFF  }
0x96: {  	s16 =	sld [smem:$0x10];
	(tm) =	ssettm $0x1  }
0x97: {  	s17 =	sld [smem:$0x3FFB];
	_ =	sdelay $0x3  }
0x98: {  	_ =	strace s17  }
0x99: {  	s3 =	sld [smem:$0x3FFC];
	_ =	sdelay $0x3  }
0x9a: {  	_ =	strace s3  }
0x9b: {  	s3 =	sld [smem:$0x3FFD];
	_ =	sdelay $0x3  }
0x9c: {  	_ =	strace s3  }
0x9d: {  	_ =	strace $0x8FFFFFFF  }
0x9e: {  	s18 =	sld [smem:$0x3FDB];
	_ =	sdelay $0x1  }
0x9f: {  	s19 =	simm.s32 $_scs_section_size  }
0xa0: {  	s5 =	simm.s32 $_size__tile_overlayer_lowered;
	s6 =	simm.s32 $_tile_overlayer_lowered  }
0xa1: {  	s22 =	simm.s32 $0x1BFF;
	s21 =	sshll.u32 s6, $0x1;
	s3 =	sadd.s32 s19, s18  }
0xa2: {  	s7 =	simm.s32 $0x0;
	s20 =	sshll.u32 s5, $0x1;
	s5 =	sadd.s32 s21, s3  }
0xa3: {  	[timem:s7], [sflag:s22] =	dma.local [hbm:s5], s20  }
0xa4: {  	_ =	swait.ge [sflag:s22], s20  }
0xa5: {  	s4 =	ssub.s32 $0x0, s20;
	[sflag:s22] =	ssyncset.done $0x0  }
0xa6: {  	[sflag:s22] =	ssyncadd.s32 s4;
	_ =	sdelay $0x1  }
0xa7: {  	s23 =	simm.s32 $0x1B8B  }
0xa8: {  	_ =	swait.ge [sflag:s23], $0x1  }
0xa9: {  	[sflag:s23] =	ssyncset.done $0x0  }
0xaa: {  	s25 =	simm.s32 $0x1B8E;
	s24 =	sld [smem:$0x3FFE];
	[sflag:s23] =	ssyncadd.s32 $0xFFFFFFFF  }
0xab: {  	s26 =	simm.s32 $execute0_lowered;
	[smem:$0x3FD2] =	sst s25  }
0xac: {  	s5 =	sshll.u32 s26, $0x1;
	_ =	strace $0x80000046;
	[dreg:$0x1] =	wrdreg $0xFFFFFFFF  }
0xad: {  	s28 =	simm.s32 $_size_execute0_lowered;
	s3 =	sadd.s32 s3, s5;
	[dreg:$0x0] =	wrdreg $0x0  }
0xae: {  	s5 =	sshll.u32 s28, $0x1;
	[dreg:$0x2] =	wrdreg s3  }
0xaf: {  	[dreg:$0x3] =	wrdreg s5  }
0xb0: {  	[dreg:$0x4] =	wrdreg $0xC0  }
0xb1: {  	_ =	task [dreg:s7], $0x5FFFF  }
0xb2: {  	[dreg:$0x1] =	wrdreg $0xFFFFFFFF  }
0xb3: {  	[dreg:$0x0] =	wrdreg $0x60  }
0xb4: {  	[dreg:$0x2] =	wrdreg s24  }
0xb5: {  	[dreg:$0x3] =	wrdreg s16  }
0xb6: {  	[dreg:$0x4] =	wrdreg $0x1D4000  }
0xb7: {  	[dreg:$0x5] =	wrdreg $0x9  }
0xb8: {  	_ =	task.clear_ibuf [dreg:s7], $0x6FFFF;
	_ =	strace $0x90000046  }
0xb9: {  	s29 =	simm.s32 $0x9;
	_ =	strace $0x80000048  }
0xba: {  	_ =	swait.ge [sflag:s29], $0x1  }
0xbb: {  	[sflag:s29] =	ssyncadd.s32 $0xFFFFFFFF  }
0xbc: {  	_ =	strace $0x90000048  }
0xbd: {  	_ =	sfence  }
0xbe: {  	s30 =	sld [smem:$0x0];
	_ =	sdelay $0x2  }
0xbf: {  	s31 =	sshll.u32 s1, $0xD;
	s1 =	sshrl.u32 s1, $0x2  }
0xc0: {  	s3 =	sand.u32 $0x4000, s31;
	s1 =	sadd.s32 s1, s30  }
0xc1: {  	s0 =	sor.u32 s3, s0;
	s1 =	sshll.u32 s1, $0x11  }
0xc2: {  	s0 =	sor.u32 s1, s0  }
0xc3: {  	s0 =	sadd.s32 $0x8F2B, s0  }
0xc4: {  	[sflag:s0] =	ssyncadd.remote.s32 $0x1  }
0xc5: {  	_ =	sfence.sel $0xFFFF  }
0xc6: {  	[dreg:$0x0] =	wrdreg $0xFFFFFFFF;
	(pc) =	sbr.abs _section_cstart, $3  }
0xc7: {  	[dreg:$0x1] =	wrdreg $0xFFFFFFFF  }
0xc8: {  	_ =	task.clear_ibuf [dreg:s7], $0x2FFFF;
	_ =	strace $0x9FFFFFFF  }
0xc9: {  	(tm) =	ssettm $0x7FFFFFFF  }
tec
execute0_lowered:
.L_overlay_start_1:
0x0: {  	(tag) =	ssettag $0x1  }
0x1: {  	s0 =	rddreg [dreg:$0x0]  }
0x2: {  	s1 =	rddreg [dreg:$0x1];
	s13 =	stileid.u32  }
0x3: {  	s3 =	srdreg.scid;
	s20 =	smul.u32 $0xA000, s13  }
0x4: {  	s2 =	rddreg [dreg:$0x2];
	s21 =	smul.u32 $0x288, s13  }
0x5: {  	s28 =	simm.s32 $0x19400;
	s29 =	simm.s32 $0x20;
	s23 =	smul.u32 $0xA20, s13  }
0x6: {  	s5 =	sand.u32 $0x1, s3;
	s3 =	simm.s32 $0x0;
	s25 =	smul.u32 $0x50, s13  }
0x7: {  	s4 =	sadd.s32 $0x3C00, s0;
	s8 =	sadd.s32 $0xAF200, s0;
	s7 =	smul.u32 $0x2800, s5  }
0x8: {  	[smem:$0x7FF] =	sst s3;
	s19 =	ssub.s32 $0x2, s5;
	s9 =	sshll.u32 s5, $0x4  }
0x9: {  	_ =	strace $0x80000047;
	[dreg:$0x4] =	wrdreg s8;
	s8 =	sadd.s32 $0x5F200, s0  }
0xa: {  	s11 =	sshrl.u32 s19, $0x1;
	s12 =	sor.u32 s13, s9;
	s5 =	sshrl.u32 s20, $0x2  }
0xb: {  	s15 =	sadd.s32 s1, s23;
	s17 =	sor.u32 $0x1, s21;
	s30 =	sor.u32 $0x2, s21  }
0xc: {  	s21 =	simm.s32 $0x3;
	s13 =	simm.s32 $0x1B400;
	s20 =	simm.s32 $0x2  }
0xd: {  	s6 =	sshrl.u32 s7, $0x3;
	s12 =	smul.u32 $0x2800, s12;
	s22 =	sadd.s32 s5, s2  }
0xe: {  	[dreg:$0xa] =	wrdreg s30;
	s31 =	sor.u32 s7, s25;
	s25 =	simm.s32 $0x5000  }
0xf: {  	s5 =	simm.s32 $0x19380;
	s10 =	sadd.s32 s6, s0;
	[dreg:$0x7] =	wrdreg s22  }
0x10: {  	s6 =	sadd.s32 $0x55000, s0;
	s26 =	sadd.s32 $0x2000, s22;
	[dreg:$0xb] =	wrdreg s31  }
0x11: {  	s0 =	ssub.s32 s19, s11;
	s14 =	sadd.s32 $0x53C00, s10;
	[dreg:$0x9] =	wrdreg s26  }
0x12: {  	s22 =	simm.s32 $0x2800;
	s10 =	sadd.s32 $0x54600, s10;
	[dreg:$0x5] =	wrdreg s14  }
0x13: {  	s11 =	simm.s32 $0x19300;
	s24 =	sadd.s32 s8, s12;
	[dreg:$0x6] =	wrdreg s10  }
0x14: {  	s16 =	sadd.s32 s6, s23;
	s0 =	smax.u32 s0, $0x1;
	[dreg:$0x8] =	wrdreg s24  }
0x15: {  	v3 =	vlaneseq.u32;
	v1 =	vimm.f32 $0.0e+00;
	s23 =	simm.s32 $0x19000;
	s12 =	simm.s32 $0x0;
	[dreg:$0xc] =	wrdreg s0  }
0x16: {  	v2 =	vor.u32 $0x500, v3;
	v3 =	vor.u32 $0x510, v3;
	v0 =	vmov s7;
	s24 =	simm.s32 $0x19080;
	s0 =	simm.s32 $0x1A400;
	s10 =	simm.s32 $0x1  }
.LBB2_1:
0x17: {  	[dreg:$0xd] =	wrdreg s12;
	s12 =	simm.s32 $0x200;
	s14 =	simm.s32 $0x0  }
.LBB2_2:
0x18: {  	p0 =	sne.s32 s12, $0x4FE00;
	[tilespmem:s14+$0x5000] =	vst v1;
	s14 =	smov.u32 s12;
	s12 =	sadd.s32 $0x200, s12  }
.Ltmp0:
0x19: {  	(pc) =	sbr.rel @p0 .LBB2_2-.Ltmp0, $2  }
0x1a: {  	_ =	sdelay $0x2  }
0x1b: {  	s14 =	sshra.s32 s14, $0x2  }
0x1c: {  	[tilespmem:s14+$0x5000] =	vst v1;
	s12 =	simm.s32 $0x0;
	s7 =	rddreg [dreg:$0x5]  }
0x1d: {  	[tilespmem:s12], [sflag:$0x3] =	stream.linear.gather [hbm4b:s7+s12], $0x2800, $0x38;
	[tilespmem:$0x1FD00] =	vst v63  }
0x1e: {  	_ =	swait.ge [sflag:s21], $0x2800  }
0x1f: {  	[sflag:s21] =	ssyncset.done $0x0  }
0x20: {  	s26 =	rddreg [dreg:$0x6];
	[sflag:s21] =	ssyncadd.s32 $0xFFFFD800  }
0x21: {  	[tilespmem:s22], [sflag:$0x3] =	stream.linear.gather [hbm4b:s26+s12], $0x2800, $0x38;
	[tilespmem:$0x1FD00] =	vst v63  }
0x22: {  	_ =	swait.ge [sflag:s21], $0x2800  }
0x23: {  	[sflag:s21] =	ssyncset.done $0x0  }
0x24: {  	[sflag:s21] =	ssyncadd.s32 $0xFFFFD800  }
0x25: {  	s30 =	sadd.s32 $0x0, s15;
	[bflag:$0x0] =	sbarrier.arrive $0xFFFF  }
0x26: {  	[tilespmem:s23], [sflag:$0x3] =	stream.linear.gather [hbm4b:s30+s3], $0x20, $0x38;
	[tilespmem:$0x1FD00] =	vst v63  }
0x27: {  	_ =	swait.ge [sflag:s21], $0x20  }
0x28: {  	[sflag:s21] =	ssyncset.done $0x0  }
0x29: {  	s31 =	sadd.s32 $0x0, s16;
	[sflag:s21] =	ssyncadd.s32 $0xFFFFFFE0  }
0x2a: {  	[tilespmem:s24], [sflag:$0x3] =	stream.linear.gather [hbm4b:s31+s3], $0x20, $0x38;
	[tilespmem:$0x1FD00] =	vst v63  }
0x2b: {  	_ =	swait.ge [sflag:s21], $0x20  }
0x2c: {  	[sflag:s21] =	ssyncset.done $0x0  }
0x2d: {  	[sflag:s21] =	ssyncadd.s32 $0xFFFFFFE0  }
0x2e: {  	v4 =	vld [tilespmem:$0x19000]  }
0x2f: {  	v5 =	vld [tilespmem:$0x19080];
	_ =	sdelay $0x6  }
0x30: {  	v4 =	vld.idx.msk [tilespmem:v4+s3+$0x0], $0xffff  }
0x31: {  	v6 =	vld.idx.msk [tilespmem:v5+s22+$0x0], $0xffff;
	_ =	sdelay $0x4  }
0x32: {  	v4 =	vadd.f32 v6, v4;
	_ =	sdelay $0x1  }
0x33: {  	v6 =	vmul.f32 $2.000000030e-01, v4  }
0x34: {  	vm0 =	vge.f32 v4, $0.0e+00  }
0x35: {  	v4 =	vsel vm0, v4, v6  }
0x36: {  	v4 =	vmul.f32 $1.442695020e+00, v4;
	_ =	sdelay $0x1  }
0x37: {  	(erf) = vpow2.f32 v4;
	_ =	sdelay $0x2  }
0x38: {  	v4 =	vshll.u32 v5, $0x3  }
0x39: {  	v5 =	vand.u32 $0xF, v5;
	v4 =	vand.u32 $0xFFFFFF80, v4  }
0x3a: {  	v4 =	vor.u32 v5, v4;
	_ =	sdelay $0x3  }
0x3b: {  	v5 =	vpop (erf)  }
0x3c: {  	[tilespmem:v4+s25+$0x0] =	vst.idx.add.f32.msk $0xffff, v5  }
0x3d: {  	v4 =	vld [tilespmem:$0x19010]  }
0x3e: {  	v5 =	vld [tilespmem:$0x19090];
	_ =	sdelay $0x6  }
0x3f: {  	v4 =	vld.idx.msk [tilespmem:v4+s3+$0x0], $0xffff  }
0x40: {  	v6 =	vld.idx.msk [tilespmem:v5+s22+$0x0], $0xffff;
	_ =	sdelay $0x4  }
0x41: {  	v4 =	vadd.f32 v6, v4;
	_ =	sdelay $0x1  }
0x42: {  	v6 =	vmul.f32 $2.000000030e-01, v4  }
0x43: {  	vm15 =	vge.f32 v4, $0.0e+00  }
0x44: {  	v4 =	vsel vm15, v4, v6  }
0x45: {  	v4 =	vmul.f32 $1.442695020e+00, v4;
	_ =	sdelay $0x1  }
0x46: {  	(erf) = vpow2.f32 v4  }
0x47: {  	v6 =	vshll.u32 v5, $0x3  }
0x48: {  	v5 =	vand.u32 $0xF, v5;
	v6 =	vand.u32 $0xFFFFFF80, v6  }
0x49: {  	s12 =	simm.s32 $0x4;
	v4 =	vor.u32 v5, v6  }
.LBB2_4:
0x4a: {  	_ =	sdelay $0x3  }
0x4b: {  	p0 =	sne.s32 s12, $0xA1C;
	s14 =	smov.u32 s12;
	s12 =	sadd.s32 $0x4, s12  }
0x4c: {  	v5 =	vpop (erf)  }
0x4d: {  	s18 =	sadd.s32 s14, s15;
	[tilespmem:v4+s25+$0x0] =	vst.idx.add.f32.msk $0xffff, v5  }
0x4e: {  	[tilespmem:s23], [sflag:$0x3] =	stream.linear.gather [hbm4b:s18+s3], $0x20, $0x38;
	[tilespmem:$0x1FD00] =	vst v63  }
0x4f: {  	_ =	swait.ge [sflag:s21], $0x20  }
0x50: {  	[sflag:s21] =	ssyncset.done $0x0  }
0x51: {  	s14 =	sadd.s32 s14, s16;
	[sflag:s21] =	ssyncadd.s32 $0xFFFFFFE0  }
0x52: {  	[tilespmem:s24], [sflag:$0x3] =	stream.linear.gather [hbm4b:s14+s3], $0x20, $0x38;
	[tilespmem:$0x1FD00] =	vst v63  }
0x53: {  	_ =	swait.ge [sflag:s21], $0x20  }
0x54: {  	[sflag:s21] =	ssyncset.done $0x0  }
0x55: {  	[sflag:s21] =	ssyncadd.s32 $0xFFFFFFE0  }
0x56: {  	v4 =	vld [tilespmem:$0x19000]  }
0x57: {  	v5 =	vld [tilespmem:$0x19080];
	_ =	sdelay $0x4  }
0x58: {  	v6 =	vshll.u32 v5, $0x3  }
0x59: {  	v6 =	vand.u32 $0xFFFFFF80, v6  }
0x5a: {  	v4 =	vld.idx.msk [tilespmem:v4+s3+$0x0], $0xffff  }
0x5b: {  	v7 =	vld.idx.msk [tilespmem:v5+s22+$0x0], $0xffff;
	_ =	sdelay $0x5  }
0x5c: {  	v4 =	vadd.f32 v7, v4;
	_ =	sdelay $0x1  }
0x5d: {  	vm0 =	vge.f32 v4, $0.0e+00;
	v7 =	vmul.f32 $2.000000030e-01, v4;
	_ =	sdelay $0x1  }
0x5e: {  	v4 =	vsel vm0, v4, v7  }
0x5f: {  	v4 =	vmul.f32 $1.442695020e+00, v4;
	_ =	sdelay $0x1  }
0x60: {  	(erf) = vpow2.f32 v4;
	_ =	sdelay $0x2  }
0x61: {  	v4 =	vand.u32 $0xF, v5  }
0x62: {  	v4 =	vor.u32 v4, v6;
	_ =	sdelay $0x4  }
0x63: {  	v5 =	vpop (erf)  }
0x64: {  	[tilespmem:v4+s25+$0x0] =	vst.idx.add.f32.msk $0xffff, v5  }
0x65: {  	v4 =	vld [tilespmem:$0x19010]  }
0x66: {  	v5 =	vld [tilespmem:$0x19090];
	_ =	sdelay $0x4  }
0x67: {  	v6 =	vshll.u32 v5, $0x3  }
0x68: {  	v6 =	vand.u32 $0xFFFFFF80, v6  }
0x69: {  	v4 =	vld.idx.msk [tilespmem:v4+s3+$0x0], $0xffff  }
0x6a: {  	v7 =	vld.idx.msk [tilespmem:v5+s22+$0x0], $0xffff;
	_ =	sdelay $0x5  }
0x6b: {  	v4 =	vadd.f32 v7, v4;
	_ =	sdelay $0x1  }
0x6c: {  	vm0 =	vge.f32 v4, $0.0e+00;
	v7 =	vmul.f32 $2.000000030e-01, v4;
	_ =	sdelay $0x1  }
0x6d: {  	v4 =	vsel vm0, v4, v7  }
0x6e: {  	v4 =	vmul.f32 $1.442695020e+00, v4  }
.Ltmp1:
0x6f: {  	(pc) =	sbr.rel @p0 .LBB2_4-.Ltmp1, $3  }
0x70: {  	(erf) = vpow2.f32 v4;
	_ =	sdelay $0x1  }
0x71: {  	v4 =	vand.u32 $0xF, v5  }
0x72: {  	v4 =	vor.u32 v4, v6  }
0x73: {  	_ =	sdelay $0x4  }
0x74: {  	v5 =	vpop (erf)  }
0x75: {  	s12 =	simm.s32 $0x0;
	s7 =	rddreg [dreg:$0x8];
	[tilespmem:v4+s25+$0x0] =	vst.idx.add.f32.msk $0xffff, v5  }
0x76: {  	[hbm4b:s7+s12] =	stream.linear.scatter [tilespmem:s25], [sflag:$0x3], $0x14000, $0x38;
	[tilespmem:$0x1FD00] =	vst v63  }
0x77: {  	_ =	swait.ge [sflag:s21], $0x14000  }
0x78: {  	[sflag:s21] =	ssyncset.done $0x0  }
0x79: {  	[sflag:s21] =	ssyncadd.s32 $0xFFFEC000  }
0x7a: {  	s14 =	simm.s32 $0x0;
	[bflag:$0x0] =	sbarrier.arrive $0xFFFF  }
.LBB2_6:
0x7b: {  	p0 =	sne.s32 s14, $0x4FE00  }
.Ltmp2:
0x7c: {  	_ = 	snop;
	(pc) =	sbr.rel @p0 .LBB2_6-.Ltmp2, $3  }
0x7d: {  	_ =	sdelay $0x1  }
0x7e: {  	s18 =	sshra.s32 s14, $0x2  }
0x7f: {  	s14 =	sadd.s32 $0x200, s14;
	[tilespmem:s18+$0x5000] =	vst v1  }
0x80: {  	s14 =	simm.s32 $0x5000  }
.LBB2_8:
0x81: {  	v4 =	vmov s14;
	_ =	sdelay $0x3  }
0x82: {  	s18 =	sshll.u32 s12, $0xD;
	s19 =	simm.s32 $0x0;
	s26 =	simm.s32 $0x0  }
.LBB2_9:
0x83: {  	s30 =	sadd.s32 s9, s26  }
0x84: {  	s30 =	smul.u32 $0x14000, s30;
	_ =	sdelay $0x1  }
0x85: {  	s30 =	sadd.s32 s18, s30  }
0x86: {  	s30 =	sshrl.u32 s30, $0x3  }
0x87: {  	s30 =	sadd.s32 s8, s30  }
0x88: {  	[tilespmem:s13], [sflag:$0x3] =	stream.linear.gather [hbm4b:s30+s19], $0x2000, $0x38;
	[tilespmem:$0x1FD00] =	vst v63  }
0x89: {  	_ =	swait.ge [sflag:s21], $0x2000  }
0x8a: {  	[sflag:s21] =	ssyncset.done $0x0  }
0x8b: {  	s31 =	simm.s32 $0x200;
	s30 =	simm.s32 $0x0;
	[sflag:s21] =	ssyncadd.s32 $0xFFFFE000  }
.LBB2_10:
0x8c: {  	p0 =	sne.s32 s31, $0x7E00;
	v5 =	vld.idx.msk [tilespmem:v4+s30+$0x0 ss:$0x1], $0xffff  }
0x8d: {  	v6 =	vld [tilespmem:s30+$0x1B400];
	_ =	sdelay $0x2  }
.Ltmp3:
0x8e: {  	(pc) =	sbr.rel @p0 .LBB2_10-.Ltmp3, $3  }
0x8f: {  	_ = 	snop  }
0x90: {  	v5 =	vadd.f32 v6, v5;
	_ =	sdelay $0x1  }
0x91: {  	[tilespmem:v4+s30+$0x0 ss:$0x1] =	vst.idx.msk $0xffff, v5;
	s30 =	sshra.s32 s31, $0x2;
	s31 =	sadd.s32 $0x200, s31  }
0x92: {  	_ =	sdelay $0x3  }
0x93: {  	v5 =	vld.idx.msk [tilespmem:v4+s30+$0x0 ss:$0x1], $0xffff  }
0x94: {  	v6 =	vld [tilespmem:s30+$0x1B400]  }
0x95: {  	s26 =	sadd.s32 $0x1, s26  }
0x96: {  	p0 =	sne.s32 s26, $0x10  }
.Ltmp4:
0x97: {  	_ = 	snop;
	(pc) =	sbr.rel @p0 .LBB2_9-.Ltmp4, $3  }
0x98: {  	_ = 	snop  }
0x99: {  	v5 =	vadd.f32 v6, v5;
	_ =	sdelay $0x1  }
0x9a: {  	[tilespmem:v4+s30+$0x0 ss:$0x1] =	vst.idx.msk $0xffff, v5  }
0x9b: {  	s12 =	sadd.s32 $0x1, s12  }
0x9c: {  	p0 =	sne.s32 s12, $0xA  }
.Ltmp5:
0x9d: {  	_ = 	snop;
	(pc) =	sbr.rel @p0 .LBB2_8-.Ltmp5, $2  }
0x9e: {  	_ =	sdelay $0x2  }
0x9f: {  	s14 =	sadd.s32 $0x2000, s14;
	s18 =	simm.s32 $0x0  }
.LBB2_13:
0xa0: {  	s12 =	simm.s32 $0x0;
	s14 =	simm.s32 $0x200  }
.LBB2_14:
0xa1: {  	p0 =	sne.s32 s14, $0x7E00;
	[tilespmem:s12+$0x19470] =	vst v1  }
0xa2: {  	[tilespmem:s12+$0x19400] =	vst v1  }
0xa3: {  	[tilespmem:s12+$0x19410] =	vst v1  }
.Ltmp6:
0xa4: {  	[tilespmem:s12+$0x19420] =	vst v1;
	(pc) =	sbr.rel @p0 .LBB2_14-.Ltmp6, $4  }
0xa5: {  	[tilespmem:s12+$0x19430] =	vst v1  }
0xa6: {  	[tilespmem:s12+$0x19440] =	vst v1  }
0xa7: {  	[tilespmem:s12+$0x19450] =	vst v1  }
0xa8: {  	[tilespmem:s12+$0x19460] =	vst v1;
	s12 =	sshra.s32 s14, $0x2;
	s14 =	sadd.s32 $0x200, s14  }
0xa9: {  	[tilespmem:s12+$0x19470] =	vst v1  }
0xaa: {  	[tilespmem:s12+$0x19400] =	vst v1  }
0xab: {  	[tilespmem:s12+$0x19410] =	vst v1  }
0xac: {  	[tilespmem:s12+$0x19420] =	vst v1  }
0xad: {  	[tilespmem:s12+$0x19430] =	vst v1  }
0xae: {  	[tilespmem:s12+$0x19440] =	vst v1  }
0xaf: {  	[tilespmem:s12+$0x19450] =	vst v1  }
0xb0: {  	[tilespmem:s12+$0x19460] =	vst v1;
	s7 =	rddreg [dreg:$0x7]  }
0xb1: {  	[spmem:s7] =	stream.linear.scatter [tilespmem:s28], [sflag:$0x3], $0x2000, $0x38;
	[tilespmem:$0x1FD00] =	vst v63  }
0xb2: {  	_ =	swait.ge [sflag:s21], $0x2000  }
0xb3: {  	[sflag:s21] =	ssyncset.done $0x0  }
0xb4: {  	s14 =	rddreg [dreg:$0x9];
	[sflag:s21] =	ssyncadd.s32 $0xFFFFE000  }
0xb5: {  	[spmem:s14] =	stream.linear.scatter [tilespmem:s28], [sflag:$0x3], $0x800, $0x38;
	[tilespmem:$0x1FD00] =	vst v63  }
0xb6: {  	_ =	swait.ge [sflag:s21], $0x800  }
0xb7: {  	[sflag:s21] =	ssyncset.done $0x0  }
0xb8: {  	[sflag:s21] =	ssyncadd.s32 $0xFFFFF800  }
0xb9: {  	s19 =	simm.s32 $0x0;
	[bflag:$0x0] =	sbarrier.arrive $0xFFFF  }
0xba: {  	[tilespmem:s23], [sflag:$0x3] =	stream.linear.gather [hbm4b:s15+s19], $0x20, $0x38;
	[tilespmem:$0x1FD00] =	vst v63  }
0xbb: {  	_ =	swait.ge [sflag:s21], $0x20  }
0xbc: {  	[sflag:s21] =	ssyncset.done $0x0  }
0xbd: {  	[sflag:s21] =	ssyncadd.s32 $0xFFFFFFE0  }
0xbe: {  	[tilespmem:s24], [sflag:$0x3] =	stream.linear.gather [hbm4b:s16+s19], $0x20, $0x38;
	[tilespmem:$0x1FD00] =	vst v63  }
0xbf: {  	_ =	swait.ge [sflag:s21], $0x20  }
0xc0: {  	[sflag:s21] =	ssyncset.done $0x0  }
0xc1: {  	[sflag:s21] =	ssyncadd.s32 $0xFFFFFFE0  }
0xc2: {  	v5 =	vld [tilespmem:$0x19000]  }
0xc3: {  	v6 =	vld [tilespmem:$0x19080];
	_ =	sdelay $0x6  }
0xc4: {  	v7 =	vshll.u32 v6, $0x3;
	v4 =	vld.idx.msk [tilespmem:v5+s19+$0x0], $0xffff  }
0xc5: {  	v9 =	vand.u32 $0xF, v6;
	v7 =	vand.u32 $0xFFFFFF80, v7;
	v8 =	vld.idx.msk [tilespmem:v6+s22+$0x0], $0xffff  }
0xc6: {  	v7 =	vor.u32 v9, v7;
	_ =	sdelay $0x3  }
0xc7: {  	v4 =	vadd.f32 v8, v4  }
0xc8: {  	v7 =	vld.idx.msk [tilespmem:v7+s25+$0x0], $0xffff  }
0xc9: {  	v8 =	vmul.f32 $2.000000030e-01, v4  }
0xca: {  	vm0 =	vge.f32 v4, $0.0e+00  }
0xcb: {  	v4 =	vsel vm0, v4, v8  }
0xcc: {  	v4 =	vmul.f32 $1.442695020e+00, v4  }
0xcd: {  	v7 =	vadd.f32 $1.000000020e-16, v7  }
0xce: {  	(erf) = vpow2.f32 v4  }
0xcf: {  	(erf) = vrcp.f32 v7;
	_ =	sdelay $0x6  }
0xd0: {  	[dreg:$0xe] =	wrdreg s18;
	s18 =	smul.u32 $0x500, s18;
	v7 =	vld [tilespmem:$0x19010]  }
0xd1: {  	v63 =	vld [tilespmem:$0x19090];
	v4 =	vpop (erf)  }
0xd2: {  	s26 =	sadd.s32 $0x500, s18;
	v62 =	vpop (erf)  }
0xd3: {  	vm12 =	vge.s32 v6, s18;
	vm1 =	vlt.s32 v6, s26;
	v8 =	vmul.f32 v4, v62  }
0xd4: {  	v5 =	vadd.s32 v0, v5;
	vm0 =	vmand vm12, vm1;
	v4 =	vmov s18  }
0xd5: {  	[tilespmem:$0x19100] =	vst v5;
	v6 =	vsub.s32 v6, v4;
	v8 =	vnsel vm0, $0x0, v8  }
0xd6: {  	v6 =	vsel vm0, v6, v2;
	[tilespmem:$0x19300] =	vst v8  }
0xd7: {  	[tilespmem:$0x19200] =	vst v6  }
0xd8: {  	v6 =	vshll.u32 v63, $0x3;
	v5 =	vld.idx.msk [tilespmem:v7+s19+$0x0], $0xffff  }
0xd9: {  	v10 =	vand.u32 $0xF, v63;
	v8 =	vld.idx.msk [tilespmem:v63+s22+$0x0], $0xffff;
	v6 =	vand.u32 $0xFFFFFF80, v6  }
0xda: {  	v6 =	vor.u32 v10, v6;
	_ =	sdelay $0x3  }
0xdb: {  	v5 =	vadd.f32 v8, v5  }
0xdc: {  	v6 =	vld.idx.msk [tilespmem:v6+s25+$0x0], $0xffff  }
0xdd: {  	v8 =	vmul.f32 $2.000000030e-01, v5  }
0xde: {  	vm13 =	vge.f32 v5, $0.0e+00  }
0xdf: {  	v5 =	vsel vm13, v5, v8  }
0xe0: {  	v5 =	vmul.f32 $1.442695020e+00, v5  }
0xe1: {  	v6 =	vadd.f32 $1.000000020e-16, v6  }
0xe2: {  	(erf) = vpow2.f32 v5  }
0xe3: {  	(erf) = vrcp.f32 v6;
	_ =	sdelay $0x7  }
0xe4: {  	v5 =	vpop (erf)  }
0xe5: {  	v6 =	vpop (erf)  }
0xe6: {  	vm14 =	vge.s32 v63, s18;
	vm15 =	vlt.s32 v63, s26;
	v5 =	vmul.f32 v5, v6  }
0xe7: {  	vm0 =	vmand vm14, vm15  }
0xe8: {  	v6 =	vsub.s32 v63, v4;
	v5 =	vnsel vm0, $0x0, v5  }
0xe9: {  	[tilespmem:$0x19310] =	vst v5;
	v5 =	vsel vm0, v6, v3  }
0xea: {  	[tilespmem:$0x19210] =	vst v5;
	v5 =	vadd.s32 v0, v7  }
0xeb: {  	s31 =	simm.s32 $0x19100;
	s30 =	simm.s32 $0x0;
	[dreg:$0xf] =	wrdreg s18;
	[tilespmem:$0x19110] =	vst v5  }
0xec: {  	v5 =	vmov s26;
	[tilespmem:s28], [sflag:$0x1] =	stream.indirect.gather [hbm4b:s4+s29], $0x80, s31, s29, $0xb8;
	[tilespmem:$0x1FD00] =	vst v63  }
.LBB2_16:
0xed: {  	s12 =	sshll.u32 s30, $0x1  }
0xee: {  	s14 =	sadd.s32 s12, s17  }
0xef: {  	s14 =	sshll.u32 s14, $0x2  }
0xf0: {  	s18 =	sadd.s32 s1, s14  }
0xf1: {  	[tilespmem:s23], [sflag:$0x3] =	stream.linear.gather [hbm4b:s18+s19], $0x20, $0x38;
	[tilespmem:$0x1FD00] =	vst v63  }
0xf2: {  	_ =	swait.ge [sflag:s21], $0x20  }
0xf3: {  	[sflag:s21] =	ssyncset.done $0x0  }
0xf4: {  	s14 =	sadd.s32 s6, s14;
	[sflag:s21] =	ssyncadd.s32 $0xFFFFFFE0  }
0xf5: {  	[tilespmem:s24], [sflag:$0x3] =	stream.linear.gather [hbm4b:s14+s19], $0x20, $0x38;
	[tilespmem:$0x1FD00] =	vst v63  }
0xf6: {  	_ =	swait.ge [sflag:s21], $0x20  }
0xf7: {  	[sflag:s21] =	ssyncset.done $0x0  }
0xf8: {  	[sflag:s21] =	ssyncadd.s32 $0xFFFFFFE0  }
0xf9: {  	v6 =	vld [tilespmem:$0x19000]  }
0xfa: {  	v7 =	vld [tilespmem:$0x19080];
	_ =	sdelay $0x6  }
0xfb: {  	v9 =	vshll.u32 v7, $0x3;
	v8 =	vld.idx.msk [tilespmem:v6+s19+$0x0], $0xffff  }
0xfc: {  	v11 =	vand.u32 $0xF, v7;
	v9 =	vand.u32 $0xFFFFFF80, v9;
	v10 =	vld.idx.msk [tilespmem:v7+s22+$0x0], $0xffff  }
0xfd: {  	v9 =	vor.u32 v11, v9;
	_ =	sdelay $0x3  }
0xfe: {  	v8 =	vadd.f32 v10, v8  }
0xff: {  	v9 =	vld.idx.msk [tilespmem:v9+s25+$0x0], $0xffff  }
0x100: {  	v10 =	vmul.f32 $2.000000030e-01, v8  }
0x101: {  	vm0 =	vge.f32 v8, $0.0e+00  }
0x102: {  	v8 =	vsel vm0, v8, v10  }
0x103: {  	v8 =	vmul.f32 $1.442695020e+00, v8  }
0x104: {  	v9 =	vadd.f32 $1.000000020e-16, v9  }
0x105: {  	(erf) = vpow2.f32 v8  }
0x106: {  	(erf) = vrcp.f32 v9;
	_ =	sdelay $0x5  }
0x107: {  	v9 =	vld [tilespmem:$0x19010]  }
0x108: {  	v11 =	vld [tilespmem:$0x19090]  }
0x109: {  	v8 =	vpop (erf)  }
0x10a: {  	vm12 =	vge.s32 v7, v4;
	vm1 =	vlt.s32 v7, v5;
	v7 =	vsub.s32 v7, v4;
	v10 =	vpop (erf)  }
0x10b: {  	v6 =	vadd.s32 v0, v6;
	vm0 =	vmand vm12, vm1;
	v8 =	vmul.f32 v8, v10  }
0x10c: {  	[tilespmem:$0x19180] =	vst v6;
	v7 =	vsel vm0, v7, v2  }
0x10d: {  	[tilespmem:$0x19280] =	vst v7;
	v8 =	vnsel vm0, $0x0, v8  }
0x10e: {  	[tilespmem:$0x19380] =	vst v8  }
0x10f: {  	v7 =	vshll.u32 v11, $0x3;
	v6 =	vld.idx.msk [tilespmem:v9+s19+$0x0], $0xffff  }
0x110: {  	v7 =	vand.u32 $0xFFFFFF80, v7;
	v10 =	vand.u32 $0xF, v11;
	v8 =	vld.idx.msk [tilespmem:v11+s22+$0x0], $0xffff  }
0x111: {  	v7 =	vor.u32 v10, v7;
	_ =	sdelay $0x3  }
0x112: {  	v6 =	vadd.f32 v8, v6  }
0x113: {  	v7 =	vld.idx.msk [tilespmem:v7+s25+$0x0], $0xffff  }
0x114: {  	v8 =	vmul.f32 $2.000000030e-01, v6  }
0x115: {  	vm13 =	vge.f32 v6, $0.0e+00  }
0x116: {  	v6 =	vsel vm13, v6, v8  }
0x117: {  	v6 =	vmul.f32 $1.442695020e+00, v6  }
0x118: {  	v7 =	vadd.f32 $1.000000020e-16, v7  }
0x119: {  	(erf) = vpow2.f32 v6  }
0x11a: {  	(erf) = vrcp.f32 v7;
	_ =	sdelay $0x7  }
0x11b: {  	v6 =	vpop (erf)  }
0x11c: {  	v7 =	vpop (erf)  }
0x11d: {  	vm14 =	vge.s32 v11, v4;
	vm15 =	vlt.s32 v11, v5;
	v6 =	vmul.f32 v6, v7  }
0x11e: {  	vm0 =	vmand vm14, vm15  }
0x11f: {  	v7 =	vsub.s32 v11, v4;
	v6 =	vnsel vm0, $0x0, v6  }
0x120: {  	[tilespmem:$0x19390] =	vst v6;
	v6 =	vsel vm0, v7, v3;
	v7 =	vmov s19  }
0x121: {  	[tilespmem:$0x19290] =	vst v6;
	v6 =	vadd.s32 v0, v9;
	v7 =	vand.u32 $0xFFFFFFFC, v7  }
0x122: {  	s7 =	simm.s32 $0x19180;
	[tilespmem:$0x19190] =	vst v6;
	v6 =	vbroadcast v7, $0x0  }
0x123: {  	[tilespmem:s0], [sflag:$0x2] =	stream.indirect.gather [hbm4b:s4+s29], $0x80, s7, s29, $0xb8;
	[tilespmem:$0x1FD00] =	vst v63  }
0x124: {  	_ =	swait.ge [sflag:s10], $0x1000  }
0x125: {  	[sflag:s10] =	ssyncset.done $0x0  }
0x126: {  	s14 =	simm.s32 $0x19500;
	[sflag:s10] =	ssyncadd.s32 $0xFFFFF000  }
0x127: {  	v7 =	vld [tilespmem:s14+$0xFFFFFF70]  }
0x128: {  	v6 =	vld.idx.msk [tilespmem:v6+s11+$0x0], $0xffff  }
0x129: {  	v8 =	vld [tilespmem:s14+$0xFFFFFF00]  }
0x12a: {  	v9 =	vld [tilespmem:s14+$0xFFFFFF20]  }
0x12b: {  	v10 =	vld [tilespmem:s14+$0xFFFFFF50]  }
0x12c: {  	v11 =	vld [tilespmem:s14+$0xFFFFFF40]  }
0x12d: {  	v12 =	vld [tilespmem:s14+$0xFFFFFF60];
	v7 =	vmul.f32 v7, v6  }
0x12e: {  	s13 =	simm.s32 $0x1;
	v13 =	vld [tilespmem:s14+$0xFFFFFF30];
	v8 =	vmul.f32 v8, v6  }
0x12f: {  	v14 =	vld [tilespmem:s14+$0xFFFFFF10];
	v9 =	vmul.f32 v9, v6;
	[tilespmem:s14+$0xFFFFFF70] =	vst v7;
	v7 =	vmov s13  }
0x130: {  	v10 =	vmul.f32 v10, v6;
	[tilespmem:s14+$0xFFFFFF00] =	vst v8;
	v7 =	vand.u32 $0xFFFFFFFD, v7  }
0x131: {  	v8 =	vmul.f32 v11, v6;
	[tilespmem:s14+$0xFFFFFF20] =	vst v9;
	v7 =	vbroadcast v7, $0x0  }
0x132: {  	v9 =	vmul.f32 v12, v6;
	[tilespmem:s14+$0xFFFFFF50] =	vst v10  }
0x133: {  	v10 =	vmul.f32 v13, v6;
	[tilespmem:s14+$0xFFFFFF40] =	vst v8  }
0x134: {  	v6 =	vmul.f32 v14, v6;
	[tilespmem:s14+$0xFFFFFF60] =	vst v9  }
0x135: {  	[tilespmem:s14+$0xFFFFFF30] =	vst v10  }
0x136: {  	[tilespmem:s14+$0xFFFFFF10] =	vst v6;
	v6 =	vld [tilespmem:s14+$0xFFFFFF90]  }
0x137: {  	v8 =	vld.idx.msk [tilespmem:v7+s11+$0x0], $0xffff  }
0x138: {  	v7 =	vld [tilespmem:s14+$0xFFFFFFA0]  }
0x139: {  	v9 =	vld [tilespmem:s14+$0xFFFFFF80]  }
0x13a: {  	v10 =	vld [tilespmem:s14+$0xFFFFFFB0]  }
0x13b: {  	v11 =	vld [tilespmem:s14+$0xFFFFFFC0]  }
0x13c: {  	v12 =	vld [tilespmem:s14+$0xFFFFFFD0];
	v6 =	vmul.f32 v6, v8  }
0x13d: {  	s26 =	simm.s32 $0x2;
	v13 =	vld [tilespmem:s14+$0xFFFFFFF0];
	v7 =	vmul.f32 v7, v8  }
0x13e: {  	v14 =	vld [tilespmem:s14+$0xFFFFFFE0];
	v9 =	vmul.f32 v9, v8;
	[tilespmem:s14+$0xFFFFFF90] =	vst v6;
	v6 =	vmov s26  }
0x13f: {  	v10 =	vmul.f32 v10, v8;
	[tilespmem:s14+$0xFFFFFFA0] =	vst v7;
	v6 =	vand.u32 $0xFFFFFFFE, v6  }
0x140: {  	v7 =	vmul.f32 v11, v8;
	[tilespmem:s14+$0xFFFFFF80] =	vst v9;
	v11 =	vld [tilespmem:s14+$0x60];
	v15 =	vbroadcast v6, $0x0  }
0x141: {  	v9 =	vmul.f32 v12, v8;
	[tilespmem:s14+$0xFFFFFFB0] =	vst v10;
	v12 =	vld [tilespmem:s14+$0x0]  }
0x142: {  	v10 =	vmul.f32 v13, v8;
	v6 =	vld [tilespmem:s14+$0x20];
	[tilespmem:s14+$0xFFFFFFC0] =	vst v7  }
0x143: {  	v8 =	vmul.f32 v14, v8;
	v7 =	vld [tilespmem:s14+$0x30];
	[tilespmem:s14+$0xFFFFFFD0] =	vst v9  }
0x144: {  	[tilespmem:s14+$0xFFFFFFF0] =	vst v10;
	v9 =	vld [tilespmem:s14+$0x40]  }
0x145: {  	[tilespmem:s14+$0xFFFFFFE0] =	vst v8;
	v10 =	vld [tilespmem:s14+$0x10]  }
0x146: {  	s31 =	simm.s32 $0x19500;
	s18 =	simm.s32 $0x0;
	s26 =	simm.s32 $0x4;
	v8 =	vld.idx.msk [tilespmem:v15+s11+$0x0], $0xffff  }
.LBB2_17:
0x147: {  	p0 =	sne.s32 s26, $0x1C  }
0x148: {  	v13 =	vld [tilespmem:s14+$0x50];
	s31 =	sadd.s32 $0x200, s31;
	s13 =	smov.u32 s26;
	s26 =	sadd.s32 $0x4, s26  }
0x149: {  	v14 =	vld [tilespmem:s14+$0x70];
	_ =	sdelay $0x1  }
0x14a: {  	v11 =	vmul.f32 v11, v8;
	v12 =	vmul.f32 v12, v8  }
0x14b: {  	v9 =	vmul.f32 v9, v8;
	v10 =	vmul.f32 v10, v8  }
0x14c: {  	v6 =	vmul.f32 v6, v8;
	v7 =	vmul.f32 v7, v8;
	[tilespmem:s14+$0x60] =	vst v11  }
0x14d: {  	[tilespmem:s14+$0x40] =	vst v9;
	v9 =	vmul.f32 v13, v8;
	v8 =	vmul.f32 v14, v8  }
0x14e: {  	s7 =	sadd.s32 $0x3, s18;
	s18 =	smov.u32 s13;
	[tilespmem:s14+$0x20] =	vst v6;
	v11 =	vld [tilespmem:s14+$0x80]  }
0x14f: {  	v6 =	vld [tilespmem:s31+$0x20];
	[tilespmem:s14+$0x0] =	vst v12;
	v12 =	vmov s7  }
0x150: {  	[tilespmem:s14+$0x50] =	vst v9;
	v9 =	vld [tilespmem:s14+$0xE0]  }
0x151: {  	[tilespmem:s14+$0x30] =	vst v7;
	v13 =	vld [tilespmem:s14+$0xC0]  }
0x152: {  	v7 =	vld [tilespmem:s31+$0x30];
	[tilespmem:s14+$0x10] =	vst v10  }
0x153: {  	[tilespmem:s14+$0x70] =	vst v8;
	v8 =	vld [tilespmem:s14+$0xA0]  }
0x154: {  	v10 =	vld.idx.msk [tilespmem:v12+s11+$0x0], $0xffff  }
0x155: {  	v12 =	vld [tilespmem:s14+$0x90]  }
0x156: {  	v14 =	vld [tilespmem:s14+$0xB0]  }
0x157: {  	v15 =	vld [tilespmem:s14+$0xD0]  }
0x158: {  	v16 =	vld [tilespmem:s14+$0xF0];
	_ =	sdelay $0x1  }
0x159: {  	v11 =	vmul.f32 v11, v10;
	v12 =	vmul.f32 v12, v10  }
0x15a: {  	v8 =	vmul.f32 v8, v10;
	v14 =	vmul.f32 v14, v10  }
0x15b: {  	v17 =	vmov s18;
	[tilespmem:s14+$0x80] =	vst v11;
	v11 =	vmul.f32 v13, v10;
	v13 =	vmul.f32 v15, v10  }
0x15c: {  	v15 =	vand.u32 $0xFFFFFFFC, v17;
	[tilespmem:s14+$0xA0] =	vst v8;
	v8 =	vmul.f32 v9, v10;
	v9 =	vmul.f32 v16, v10  }
0x15d: {  	v10 =	vbroadcast v15, $0x0;
	[tilespmem:s14+$0xC0] =	vst v11  }
0x15e: {  	[tilespmem:s14+$0xF0] =	vst v9  }
0x15f: {  	v9 =	vld [tilespmem:s31+$0xFFFFFF40];
	[tilespmem:s14+$0xE0] =	vst v8  }
0x160: {  	v8 =	vld [tilespmem:s31+$0xFFFFFF50];
	[tilespmem:s14+$0x90] =	vst v12  }
0x161: {  	v11 =	vld [tilespmem:s31+$0xFFFFFF60];
	[tilespmem:s14+$0xB0] =	vst v14  }
0x162: {  	v12 =	vld [tilespmem:s31+$0xFFFFFF70];
	[tilespmem:s14+$0xD0] =	vst v13;
	s14 =	smov.u32 s31  }
0x163: {  	v10 =	vld.idx.msk [tilespmem:v10+s11+$0x0], $0xffff  }
0x164: {  	v13 =	vld [tilespmem:s31+$0xFFFFFF00]  }
0x165: {  	v14 =	vld [tilespmem:s31+$0xFFFFFF20]  }
0x166: {  	v15 =	vld [tilespmem:s31+$0xFFFFFF10]  }
0x167: {  	v16 =	vld [tilespmem:s31+$0xFFFFFF30];
	_ =	sdelay $0x1  }
0x168: {  	v12 =	vmul.f32 v12, v10;
	v13 =	vmul.f32 v13, v10  }
0x169: {  	s7 =	sadd.s32 $0x1, s18;
	v11 =	vmul.f32 v11, v10;
	v14 =	vmul.f32 v14, v10  }
0x16a: {  	v8 =	vmul.f32 v8, v10;
	v15 =	vmul.f32 v15, v10;
	[tilespmem:s31+$0xFFFFFF70] =	vst v12;
	v12 =	vmov s7  }
0x16b: {  	v9 =	vmul.f32 v9, v10;
	[tilespmem:s31+$0xFFFFFF00] =	vst v13;
	v13 =	vmul.f32 v16, v10;
	v10 =	vand.u32 $0xFFFFFFFD, v12  }
0x16c: {  	[tilespmem:s31+$0xFFFFFF20] =	vst v14;
	v10 =	vbroadcast v10, $0x0  }
0x16d: {  	[tilespmem:s31+$0xFFFFFF50] =	vst v8  }
0x16e: {  	[tilespmem:s31+$0xFFFFFF40] =	vst v9;
	v8 =	vld [tilespmem:s31+$0xFFFFFFF0]  }
0x16f: {  	[tilespmem:s31+$0xFFFFFF60] =	vst v11;
	v9 =	vld [tilespmem:s31+$0xFFFFFFC0]  }
0x170: {  	[tilespmem:s31+$0xFFFFFF30] =	vst v13;
	v11 =	vld [tilespmem:s31+$0xFFFFFFD0]  }
0x171: {  	[tilespmem:s31+$0xFFFFFF10] =	vst v15;
	v12 =	vld [tilespmem:s31+$0xFFFFFF90]  }
0x172: {  	v10 =	vld.idx.msk [tilespmem:v10+s11+$0x0], $0xffff  }
0x173: {  	v13 =	vld [tilespmem:s31+$0xFFFFFF80]  }
0x174: {  	v14 =	vld [tilespmem:s31+$0xFFFFFFA0]  }
0x175: {  	v15 =	vld [tilespmem:s31+$0xFFFFFFB0]  }
0x176: {  	v16 =	vld [tilespmem:s31+$0xFFFFFFE0];
	_ =	sdelay $0x1  }
0x177: {  	v12 =	vmul.f32 v12, v10;
	v13 =	vmul.f32 v13, v10  }
0x178: {  	s7 =	sadd.s32 $0x2, s18;
	v11 =	vmul.f32 v11, v10;
	v14 =	vmul.f32 v14, v10  }
0x179: {  	v9 =	vmul.f32 v9, v10;
	[tilespmem:s31+$0xFFFFFF90] =	vst v12;
	v12 =	vmul.f32 v15, v10;
	v15 =	vmov s7  }
0x17a: {  	v8 =	vmul.f32 v8, v10;
	[tilespmem:s31+$0xFFFFFFA0] =	vst v14;
	v14 =	vmul.f32 v16, v10;
	v10 =	vand.u32 $0xFFFFFFFE, v15  }
0x17b: {  	[tilespmem:s31+$0xFFFFFF80] =	vst v13;
	v10 =	vbroadcast v10, $0x0  }
0x17c: {  	[tilespmem:s31+$0xFFFFFFB0] =	vst v12  }
0x17d: {  	[tilespmem:s31+$0xFFFFFFC0] =	vst v9  }
0x17e: {  	[tilespmem:s31+$0xFFFFFFD0] =	vst v11  }
.Ltmp7:
0x17f: {  	[tilespmem:s31+$0xFFFFFFF0] =	vst v8;
	v9 =	vld [tilespmem:s31+$0x40];
	(pc) =	sbr.rel @p0 .LBB2_17-.Ltmp7, $4  }
0x180: {  	[tilespmem:s31+$0xFFFFFFE0] =	vst v14;
	v11 =	vld [tilespmem:s31+$0x60]  }
0x181: {  	v8 =	vld.idx.msk [tilespmem:v10+s11+$0x0], $0xffff  }
0x182: {  	v12 =	vld [tilespmem:s31+$0x0]  }
0x183: {  	v10 =	vld [tilespmem:s31+$0x10]  }
0x184: {  	_ =	sdelay $0x1  }
0x185: {  	v11 =	vmul.f32 v11, v8  }
0x186: {  	v13 =	vld [tilespmem:s14+$0x50];
	v9 =	vmul.f32 v9, v8  }
0x187: {  	v14 =	vld [tilespmem:s14+$0x70];
	v6 =	vmul.f32 v6, v8;
	[tilespmem:s14+$0x60] =	vst v11  }
0x188: {  	v50 =	vmul.f32 v12, v8;
	[tilespmem:s14+$0x40] =	vst v9  }
0x189: {  	s7 =	sadd.s32 $0x3, s18;
	[tilespmem:s14+$0x20] =	vst v6;
	v6 =	vmul.f32 v7, v8  }
0x18a: {  	v52 =	vmov s7;
	v10 =	vmul.f32 v10, v8;
	[tilespmem:s14+$0x0] =	vst v50  }
0x18b: {  	v51 =	vmul.f32 v13, v8;
	[tilespmem:s14+$0x30] =	vst v6  }
0x18c: {  	v53 =	vmul.f32 v14, v8;
	[tilespmem:s14+$0x10] =	vst v10  }
0x18d: {  	[tilespmem:s14+$0x50] =	vst v51  }
0x18e: {  	v7 =	vld [tilespmem:s14+$0x80];
	[tilespmem:s14+$0x70] =	vst v53  }
0x18f: {  	v6 =	vld.idx.msk [tilespmem:v52+s11+$0x0], $0xffff  }
0x190: {  	v54 =	vld [tilespmem:s14+$0xA0]  }
0x191: {  	v56 =	vld [tilespmem:s14+$0xF0]  }
0x192: {  	v57 =	vld [tilespmem:s14+$0xE0]  }
0x193: {  	v55 =	vld [tilespmem:s14+$0xC0]  }
0x194: {  	v59 =	vld [tilespmem:s14+$0xB0];
	v7 =	vmul.f32 v7, v6  }
0x195: {  	v58 =	vld [tilespmem:s14+$0x90];
	v8 =	vmul.f32 v54, v6  }
0x196: {  	v60 =	vld [tilespmem:s14+$0xD0];
	v61 =	vmul.f32 v56, v6;
	[tilespmem:s14+$0x80] =	vst v7  }
0x197: {  	v62 =	vmul.f32 v57, v6;
	[tilespmem:s14+$0xA0] =	vst v8  }
0x198: {  	v7 =	vmul.f32 v55, v6;
	[tilespmem:s14+$0xF0] =	vst v61  }
0x199: {  	v63 =	vmul.f32 v59, v6;
	[tilespmem:s14+$0xE0] =	vst v62  }
0x19a: {  	[tilespmem:s14+$0xC0] =	vst v7;
	v7 =	vmul.f32 v58, v6  }
0x19b: {  	[tilespmem:s14+$0xB0] =	vst v63;
	v6 =	vmul.f32 v60, v6  }
0x19c: {  	p0 =	seq.s32 s30, $0x143;
	[tilespmem:s14+$0x90] =	vst v7  }
.Ltmp8:
0x19d: {  	s31 =	simm.s32 $0x19200;
	[tilespmem:s14+$0xD0] =	vst v6;
	(pc) =	sbr.rel @p0 .LBB2_20-.Ltmp8, $4  }
0x19e: {  	[spmem:s2] =	stream.indirect.scatter.add.f32 [tilespmem:s28], [sflag:$0x3], $0x80, s31, s29, $0xb8;
	[tilespmem:$0x1FD00] =	vst v63  }
0x19f: {  	_ =	swait.ge [sflag:s21], $0x1000  }
0x1a0: {  	[sflag:s21] =	ssyncset.done $0x0  }
0x1a1: {  	[sflag:s21] =	ssyncadd.s32 $0xFFFFF000  }
0x1a2: {  	s7 =	rddreg [dreg:$0xa]  }
0x1a3: {  	s7 =	sadd.s32 s12, s7  }
0x1a4: {  	s7 =	sshll.u32 s7, $0x2  }
0x1a5: {  	s26 =	sadd.s32 s1, s7  }
0x1a6: {  	[tilespmem:s23], [sflag:$0x3] =	stream.linear.gather [hbm4b:s26+s3], $0x20, $0x38;
	[tilespmem:$0x1FD00] =	vst v63  }
0x1a7: {  	_ =	swait.ge [sflag:s21], $0x20  }
0x1a8: {  	[sflag:s21] =	ssyncset.done $0x0  }
0x1a9: {  	s7 =	sadd.s32 s6, s7;
	[sflag:s21] =	ssyncadd.s32 $0xFFFFFFE0  }
0x1aa: {  	[tilespmem:s24], [sflag:$0x3] =	stream.linear.gather [hbm4b:s7+s3], $0x20, $0x38;
	[tilespmem:$0x1FD00] =	vst v63  }
0x1ab: {  	_ =	swait.ge [sflag:s21], $0x20  }
0x1ac: {  	[sflag:s21] =	ssyncset.done $0x0  }
0x1ad: {  	[sflag:s21] =	ssyncadd.s32 $0xFFFFFFE0  }
0x1ae: {  	v6 =	vld [tilespmem:$0x19000]  }
0x1af: {  	v7 =	vld [tilespmem:$0x19080];
	_ =	sdelay $0x6  }
0x1b0: {  	v9 =	vshll.u32 v7, $0x3;
	v8 =	vld.idx.msk [tilespmem:v6+s3+$0x0], $0xffff  }
0x1b1: {  	v11 =	vand.u32 $0xF, v7;
	v9 =	vand.u32 $0xFFFFFF80, v9;
	v10 =	vld.idx.msk [tilespmem:v7+s22+$0x0], $0xffff  }
0x1b2: {  	v9 =	vor.u32 v11, v9;
	_ =	sdelay $0x3  }
0x1b3: {  	v8 =	vadd.f32 v10, v8  }
0x1b4: {  	v9 =	vld.idx.msk [tilespmem:v9+s25+$0x0], $0xffff  }
0x1b5: {  	v10 =	vmul.f32 $2.000000030e-01, v8  }
0x1b6: {  	vm0 =	vge.f32 v8, $0.0e+00  }
0x1b7: {  	v8 =	vsel vm0, v8, v10  }
0x1b8: {  	v8 =	vmul.f32 $1.442695020e+00, v8  }
0x1b9: {  	v9 =	vadd.f32 $1.000000020e-16, v9  }
0x1ba: {  	(erf) = vpow2.f32 v8  }
0x1bb: {  	(erf) = vrcp.f32 v9;
	_ =	sdelay $0x5  }
0x1bc: {  	v60 =	vld [tilespmem:$0x19010]  }
0x1bd: {  	v62 =	vld [tilespmem:$0x19090]  }
0x1be: {  	v8 =	vpop (erf)  }
0x1bf: {  	vm12 =	vge.s32 v7, v4;
	vm1 =	vlt.s32 v7, v5;
	v7 =	vsub.s32 v7, v4;
	v61 =	vpop (erf)  }
0x1c0: {  	v6 =	vadd.s32 v0, v6;
	vm0 =	vmand vm12, vm1;
	v8 =	vmul.f32 v8, v61  }
0x1c1: {  	[tilespmem:$0x19100] =	vst v6;
	v7 =	vsel vm0, v7, v2  }
0x1c2: {  	[tilespmem:$0x19200] =	vst v7;
	v8 =	vnsel vm0, $0x0, v8  }
0x1c3: {  	[tilespmem:$0x19300] =	vst v8  }
0x1c4: {  	v7 =	vshll.u32 v62, $0x3;
	v6 =	vld.idx.msk [tilespmem:v60+s3+$0x0], $0xffff  }
0x1c5: {  	v63 =	vand.u32 $0xF, v62;
	v7 =	vand.u32 $0xFFFFFF80, v7;
	v8 =	vld.idx.msk [tilespmem:v62+s22+$0x0], $0xffff  }
0x1c6: {  	v7 =	vor.u32 v63, v7;
	_ =	sdelay $0x3  }
0x1c7: {  	v6 =	vadd.f32 v8, v6  }
0x1c8: {  	v7 =	vld.idx.msk [tilespmem:v7+s25+$0x0], $0xffff  }
0x1c9: {  	v8 =	vmul.f32 $2.000000030e-01, v6  }
0x1ca: {  	vm13 =	vge.f32 v6, $0.0e+00  }
0x1cb: {  	v6 =	vsel vm13, v6, v8  }
0x1cc: {  	v6 =	vmul.f32 $1.442695020e+00, v6  }
0x1cd: {  	v7 =	vadd.f32 $1.000000020e-16, v7  }
0x1ce: {  	(erf) = vpow2.f32 v6  }
0x1cf: {  	(erf) = vrcp.f32 v7;
	_ =	sdelay $0x7  }
0x1d0: {  	v6 =	vpop (erf)  }
0x1d1: {  	v7 =	vpop (erf)  }
0x1d2: {  	vm14 =	vge.s32 v62, v4;
	vm15 =	vlt.s32 v62, v5;
	v6 =	vmul.f32 v6, v7  }
0x1d3: {  	vm0 =	vmand vm14, vm15  }
0x1d4: {  	v7 =	vsub.s32 v62, v4;
	v6 =	vnsel vm0, $0x0, v6  }
0x1d5: {  	[tilespmem:$0x19310] =	vst v6;
	v6 =	vsel vm0, v7, v3  }
0x1d6: {  	[tilespmem:$0x19210] =	vst v6;
	v6 =	vadd.s32 v0, v60  }
0x1d7: {  	s31 =	simm.s32 $0x19100;
	[tilespmem:$0x19110] =	vst v6  }
0x1d8: {  	[tilespmem:s28], [sflag:$0x1] =	stream.indirect.gather [hbm4b:s4+s29], $0x80, s31, s29, $0xb8;
	[tilespmem:$0x1FD00] =	vst v63  }
.LBB2_20:
0x1d9: {  	s14 =	simm.s32 $0x0  }
0x1da: {  	v6 =	vmov s14  }
0x1db: {  	v6 =	vand.u32 $0xFFFFFFFC, v6  }
0x1dc: {  	v6 =	vbroadcast v6, $0x0;
	_ =	sdelay $0x1  }
0x1dd: {  	_ =	swait.ge [sflag:s20], $0x1000  }
0x1de: {  	[sflag:s20] =	ssyncset.done $0x0  }
0x1df: {  	s12 =	simm.s32 $0x1A5F0;
	[sflag:s20] =	ssyncadd.s32 $0xFFFFF000  }
0x1e0: {  	v7 =	vld [tilespmem:s12+$0xFFFFFE80]  }
0x1e1: {  	v6 =	vld.idx.msk [tilespmem:v6+s5+$0x0], $0xffff  }
0x1e2: {  	v8 =	vld [tilespmem:s12+$0xFFFFFE10]  }
0x1e3: {  	v9 =	vld [tilespmem:s12+$0xFFFFFE30]  }
0x1e4: {  	v10 =	vld [tilespmem:s12+$0xFFFFFE60]  }
0x1e5: {  	v11 =	vld [tilespmem:s12+$0xFFFFFE50]  }
0x1e6: {  	v12 =	vld [tilespmem:s12+$0xFFFFFE70];
	v7 =	vmul.f32 v7, v6  }
0x1e7: {  	s7 =	simm.s32 $0x1;
	v13 =	vld [tilespmem:s12+$0xFFFFFE40];
	v8 =	vmul.f32 v8, v6  }
0x1e8: {  	v14 =	vld [tilespmem:s12+$0xFFFFFE20];
	v9 =	vmul.f32 v9, v6;
	[tilespmem:s12+$0xFFFFFE80] =	vst v7;
	v7 =	vmov s7  }
0x1e9: {  	v10 =	vmul.f32 v10, v6;
	[tilespmem:s12+$0xFFFFFE10] =	vst v8;
	v7 =	vand.u32 $0xFFFFFFFD, v7  }
0x1ea: {  	v8 =	vmul.f32 v11, v6;
	[tilespmem:s12+$0xFFFFFE30] =	vst v9;
	v7 =	vbroadcast v7, $0x0  }
0x1eb: {  	v9 =	vmul.f32 v12, v6;
	[tilespmem:s12+$0xFFFFFE60] =	vst v10  }
0x1ec: {  	v10 =	vmul.f32 v13, v6;
	[tilespmem:s12+$0xFFFFFE50] =	vst v8  }
0x1ed: {  	v6 =	vmul.f32 v14, v6;
	[tilespmem:s12+$0xFFFFFE70] =	vst v9  }
0x1ee: {  	[tilespmem:s12+$0xFFFFFE40] =	vst v10  }
0x1ef: {  	[tilespmem:s12+$0xFFFFFE20] =	vst v6;
	v6 =	vld [tilespmem:s12+$0xFFFFFEA0]  }
0x1f0: {  	v8 =	vld.idx.msk [tilespmem:v7+s5+$0x0], $0xffff  }
0x1f1: {  	v7 =	vld [tilespmem:s12+$0xFFFFFEB0]  }
0x1f2: {  	v9 =	vld [tilespmem:s12+$0xFFFFFE90]  }
0x1f3: {  	v10 =	vld [tilespmem:s12+$0xFFFFFEC0]  }
0x1f4: {  	v11 =	vld [tilespmem:s12+$0xFFFFFED0]  }
0x1f5: {  	v12 =	vld [tilespmem:s12+$0xFFFFFEE0];
	v6 =	vmul.f32 v6, v8  }
0x1f6: {  	s31 =	simm.s32 $0x2;
	v13 =	vld [tilespmem:s12+$0xFFFFFF00];
	v7 =	vmul.f32 v7, v8  }
0x1f7: {  	v14 =	vld [tilespmem:s12+$0xFFFFFEF0];
	v9 =	vmul.f32 v9, v8;
	[tilespmem:s12+$0xFFFFFEA0] =	vst v6;
	v6 =	vmov s31  }
0x1f8: {  	v10 =	vmul.f32 v10, v8;
	[tilespmem:s12+$0xFFFFFEB0] =	vst v7;
	v6 =	vand.u32 $0xFFFFFFFE, v6  }
0x1f9: {  	v7 =	vmul.f32 v11, v8;
	[tilespmem:s12+$0xFFFFFE90] =	vst v9;
	v11 =	vld [tilespmem:s12+$0xFFFFFF70];
	v15 =	vbroadcast v6, $0x0  }
0x1fa: {  	v9 =	vmul.f32 v12, v8;
	[tilespmem:s12+$0xFFFFFEC0] =	vst v10;
	v12 =	vld [tilespmem:s12+$0xFFFFFF10]  }
0x1fb: {  	v10 =	vmul.f32 v13, v8;
	v6 =	vld [tilespmem:s12+$0xFFFFFF30];
	[tilespmem:s12+$0xFFFFFED0] =	vst v7  }
0x1fc: {  	v8 =	vmul.f32 v14, v8;
	v7 =	vld [tilespmem:s12+$0xFFFFFF40];
	[tilespmem:s12+$0xFFFFFEE0] =	vst v9  }
0x1fd: {  	[tilespmem:s12+$0xFFFFFF00] =	vst v10;
	v9 =	vld [tilespmem:s12+$0xFFFFFF50]  }
0x1fe: {  	[tilespmem:s12+$0xFFFFFEF0] =	vst v8;
	v10 =	vld [tilespmem:s12+$0xFFFFFF20]  }
0x1ff: {  	s18 =	simm.s32 $0x4;
	s26 =	simm.s32 $0x1A5F0;
	v8 =	vld.idx.msk [tilespmem:v15+s5+$0x0], $0xffff  }
.LBB2_21:
0x200: {  	p0 =	sne.s32 s18, $0x1C  }
0x201: {  	v13 =	vld [tilespmem:s12+$0xFFFFFF60];
	s26 =	sadd.s32 $0x200, s26;
	s7 =	smov.u32 s18;
	s18 =	sadd.s32 $0x4, s18  }
0x202: {  	v14 =	vld [tilespmem:s12+$0xFFFFFF80];
	_ =	sdelay $0x1  }
0x203: {  	v11 =	vmul.f32 v11, v8;
	v12 =	vmul.f32 v12, v8  }
0x204: {  	v9 =	vmul.f32 v9, v8;
	v10 =	vmul.f32 v10, v8  }
0x205: {  	v6 =	vmul.f32 v6, v8;
	v7 =	vmul.f32 v7, v8;
	[tilespmem:s12+$0xFFFFFF70] =	vst v11  }
0x206: {  	[tilespmem:s12+$0xFFFFFF50] =	vst v9;
	v9 =	vmul.f32 v13, v8;
	v8 =	vmul.f32 v14, v8  }
0x207: {  	s13 =	sadd.s32 $0x3, s14;
	s14 =	smov.u32 s7;
	[tilespmem:s12+$0xFFFFFF30] =	vst v6;
	v11 =	vld [tilespmem:s12+$0xFFFFFFF0]  }
0x208: {  	v6 =	vld [tilespmem:s26+$0xFFFFFF30];
	[tilespmem:s12+$0xFFFFFF10] =	vst v12;
	v12 =	vmov s13  }
0x209: {  	[tilespmem:s12+$0xFFFFFF60] =	vst v9;
	v9 =	vld [tilespmem:s12+$0xFFFFFF90]  }
0x20a: {  	[tilespmem:s12+$0xFFFFFF40] =	vst v7;
	v13 =	vld [tilespmem:s12+$0xFFFFFFD0]  }
0x20b: {  	v7 =	vld [tilespmem:s26+$0xFFFFFF40];
	[tilespmem:s12+$0xFFFFFF20] =	vst v10  }
0x20c: {  	[tilespmem:s12+$0xFFFFFF80] =	vst v8;
	v8 =	vld [tilespmem:s12+$0xFFFFFFB0]  }
0x20d: {  	v10 =	vld.idx.msk [tilespmem:v12+s5+$0x0], $0xffff  }
0x20e: {  	v12 =	vld [tilespmem:s12+$0xFFFFFFA0]  }
0x20f: {  	v14 =	vld [tilespmem:s12+$0xFFFFFFC0]  }
0x210: {  	v15 =	vld [tilespmem:s12+$0xFFFFFFE0]  }
0x211: {  	v16 =	vld [tilespmem:s12+$0x0];
	_ =	sdelay $0x1  }
0x212: {  	v9 =	vmul.f32 v9, v10;
	v12 =	vmul.f32 v12, v10  }
0x213: {  	v8 =	vmul.f32 v8, v10;
	v14 =	vmul.f32 v14, v10  }
0x214: {  	v17 =	vmov s14;
	[tilespmem:s12+$0xFFFFFF90] =	vst v9;
	v9 =	vmul.f32 v13, v10;
	v13 =	vmul.f32 v15, v10  }
0x215: {  	v15 =	vand.u32 $0xFFFFFFFC, v17;
	[tilespmem:s12+$0xFFFFFFB0] =	vst v8;
	v8 =	vmul.f32 v11, v10;
	v10 =	vmul.f32 v16, v10  }
0x216: {  	v11 =	vbroadcast v15, $0x0;
	[tilespmem:s12+$0xFFFFFFD0] =	vst v9  }
0x217: {  	[tilespmem:s12+$0x0] =	vst v10  }
0x218: {  	v9 =	vld [tilespmem:s26+$0xFFFFFE50];
	[tilespmem:s12+$0xFFFFFFF0] =	vst v8  }
0x219: {  	v8 =	vld [tilespmem:s26+$0xFFFFFE60];
	[tilespmem:s12+$0xFFFFFFA0] =	vst v12  }
0x21a: {  	v10 =	vld [tilespmem:s26+$0xFFFFFE70];
	[tilespmem:s12+$0xFFFFFFC0] =	vst v14  }
0x21b: {  	v12 =	vld [tilespmem:s26+$0xFFFFFE80];
	[tilespmem:s12+$0xFFFFFFE0] =	vst v13;
	s12 =	smov.u32 s26  }
0x21c: {  	v11 =	vld.idx.msk [tilespmem:v11+s5+$0x0], $0xffff  }
0x21d: {  	v13 =	vld [tilespmem:s26+$0xFFFFFE10]  }
0x21e: {  	v14 =	vld [tilespmem:s26+$0xFFFFFE30]  }
0x21f: {  	v15 =	vld [tilespmem:s26+$0xFFFFFE20]  }
0x220: {  	v16 =	vld [tilespmem:s26+$0xFFFFFE40];
	_ =	sdelay $0x1  }
0x221: {  	v12 =	vmul.f32 v12, v11;
	v13 =	vmul.f32 v13, v11  }
0x222: {  	s7 =	sadd.s32 $0x1, s14;
	v10 =	vmul.f32 v10, v11;
	v14 =	vmul.f32 v14, v11  }
0x223: {  	v8 =	vmul.f32 v8, v11;
	v15 =	vmul.f32 v15, v11;
	[tilespmem:s26+$0xFFFFFE80] =	vst v12;
	v12 =	vmov s7  }
0x224: {  	v9 =	vmul.f32 v9, v11;
	[tilespmem:s26+$0xFFFFFE10] =	vst v13;
	v13 =	vmul.f32 v16, v11;
	v11 =	vand.u32 $0xFFFFFFFD, v12  }
0x225: {  	[tilespmem:s26+$0xFFFFFE30] =	vst v14;
	v11 =	vbroadcast v11, $0x0  }
0x226: {  	[tilespmem:s26+$0xFFFFFE60] =	vst v8  }
0x227: {  	[tilespmem:s26+$0xFFFFFE50] =	vst v9;
	v8 =	vld [tilespmem:s26+$0xFFFFFF00]  }
0x228: {  	[tilespmem:s26+$0xFFFFFE70] =	vst v10;
	v9 =	vld [tilespmem:s26+$0xFFFFFED0]  }
0x229: {  	[tilespmem:s26+$0xFFFFFE40] =	vst v13;
	v10 =	vld [tilespmem:s26+$0xFFFFFEE0]  }
0x22a: {  	[tilespmem:s26+$0xFFFFFE20] =	vst v15;
	v12 =	vld [tilespmem:s26+$0xFFFFFEA0]  }
0x22b: {  	v11 =	vld.idx.msk [tilespmem:v11+s5+$0x0], $0xffff  }
0x22c: {  	v13 =	vld [tilespmem:s26+$0xFFFFFE90]  }
0x22d: {  	v14 =	vld [tilespmem:s26+$0xFFFFFEB0]  }
0x22e: {  	v15 =	vld [tilespmem:s26+$0xFFFFFEC0]  }
0x22f: {  	v16 =	vld [tilespmem:s26+$0xFFFFFEF0];
	_ =	sdelay $0x1  }
0x230: {  	v12 =	vmul.f32 v12, v11;
	v13 =	vmul.f32 v13, v11  }
0x231: {  	s7 =	sadd.s32 $0x2, s14;
	v10 =	vmul.f32 v10, v11;
	v14 =	vmul.f32 v14, v11  }
0x232: {  	v9 =	vmul.f32 v9, v11;
	[tilespmem:s26+$0xFFFFFEA0] =	vst v12;
	v12 =	vmul.f32 v15, v11;
	v15 =	vmov s7  }
0x233: {  	v8 =	vmul.f32 v8, v11;
	[tilespmem:s26+$0xFFFFFEB0] =	vst v14;
	v14 =	vmul.f32 v16, v11;
	v11 =	vand.u32 $0xFFFFFFFE, v15  }
0x234: {  	[tilespmem:s26+$0xFFFFFE90] =	vst v13;
	v13 =	vbroadcast v11, $0x0  }
0x235: {  	[tilespmem:s26+$0xFFFFFEC0] =	vst v12  }
0x236: {  	[tilespmem:s26+$0xFFFFFED0] =	vst v9  }
0x237: {  	[tilespmem:s26+$0xFFFFFEE0] =	vst v10  }
.Ltmp9:
0x238: {  	[tilespmem:s26+$0xFFFFFF00] =	vst v8;
	v9 =	vld [tilespmem:s26+$0xFFFFFF50];
	(pc) =	sbr.rel @p0 .LBB2_21-.Ltmp9, $4  }
0x239: {  	[tilespmem:s26+$0xFFFFFEF0] =	vst v14;
	v11 =	vld [tilespmem:s26+$0xFFFFFF70]  }
0x23a: {  	v8 =	vld.idx.msk [tilespmem:v13+s5+$0x0], $0xffff  }
0x23b: {  	v12 =	vld [tilespmem:s26+$0xFFFFFF10]  }
0x23c: {  	v10 =	vld [tilespmem:s26+$0xFFFFFF20]  }
0x23d: {  	_ =	sdelay $0x1  }
0x23e: {  	v11 =	vmul.f32 v11, v8  }
0x23f: {  	v13 =	vld [tilespmem:s12+$0xFFFFFF60];
	v9 =	vmul.f32 v9, v8  }
0x240: {  	v14 =	vld [tilespmem:s12+$0xFFFFFF80];
	v6 =	vmul.f32 v6, v8;
	[tilespmem:s12+$0xFFFFFF70] =	vst v11  }
0x241: {  	v51 =	vmul.f32 v12, v8;
	[tilespmem:s12+$0xFFFFFF50] =	vst v9  }
0x242: {  	s7 =	sadd.s32 $0x3, s14;
	[tilespmem:s12+$0xFFFFFF30] =	vst v6;
	v6 =	vmul.f32 v7, v8  }
0x243: {  	v7 =	vmov s7;
	v10 =	vmul.f32 v10, v8;
	[tilespmem:s12+$0xFFFFFF10] =	vst v51  }
0x244: {  	v52 =	vmul.f32 v13, v8;
	[tilespmem:s12+$0xFFFFFF40] =	vst v6  }
0x245: {  	v53 =	vmul.f32 v14, v8;
	[tilespmem:s12+$0xFFFFFF20] =	vst v10  }
0x246: {  	[tilespmem:s12+$0xFFFFFF60] =	vst v52  }
0x247: {  	v6 =	vld [tilespmem:s12+$0xFFFFFF90];
	[tilespmem:s12+$0xFFFFFF80] =	vst v53  }
0x248: {  	v7 =	vld.idx.msk [tilespmem:v7+s5+$0x0], $0xffff  }
0x249: {  	v54 =	vld [tilespmem:s12+$0xFFFFFFB0]  }
0x24a: {  	v56 =	vld [tilespmem:s12+$0x0]  }
0x24b: {  	v57 =	vld [tilespmem:s12+$0xFFFFFFF0]  }
0x24c: {  	v55 =	vld [tilespmem:s12+$0xFFFFFFD0]  }
0x24d: {  	v59 =	vld [tilespmem:s12+$0xFFFFFFC0];
	v6 =	vmul.f32 v6, v7  }
0x24e: {  	v58 =	vld [tilespmem:s12+$0xFFFFFFA0];
	v8 =	vmul.f32 v54, v7  }
0x24f: {  	v60 =	vld [tilespmem:s12+$0xFFFFFFE0];
	v61 =	vmul.f32 v56, v7;
	[tilespmem:s12+$0xFFFFFF90] =	vst v6  }
0x250: {  	v62 =	vmul.f32 v57, v7;
	[tilespmem:s12+$0xFFFFFFB0] =	vst v8  }
0x251: {  	v6 =	vmul.f32 v55, v7;
	[tilespmem:s12+$0x0] =	vst v61  }
0x252: {  	v63 =	vmul.f32 v59, v7;
	[tilespmem:s12+$0xFFFFFFF0] =	vst v62  }
0x253: {  	[tilespmem:s12+$0xFFFFFFD0] =	vst v6;
	v6 =	vmul.f32 v58, v7  }
0x254: {  	s30 =	sadd.s32 $0x1, s30;
	[tilespmem:s12+$0xFFFFFFC0] =	vst v63;
	v7 =	vmul.f32 v60, v7  }
0x255: {  	p0 =	sne.s32 s30, $0x144;
	[tilespmem:s12+$0xFFFFFFA0] =	vst v6  }
.Ltmp10:
0x256: {  	s31 =	simm.s32 $0x19280;
	[tilespmem:s12+$0xFFFFFFE0] =	vst v7;
	(pc) =	sbr.rel @p0 .LBB2_16-.Ltmp10, $4  }
0x257: {  	[spmem:s2] =	stream.indirect.scatter.add.f32 [tilespmem:s0], [sflag:$0x3], $0x80, s31, s29, $0xb8;
	[tilespmem:$0x1FD00] =	vst v63  }
0x258: {  	_ =	swait.ge [sflag:s21], $0x1000  }
0x259: {  	[sflag:s21] =	ssyncset.done $0x0  }
0x25a: {  	[sflag:s21] =	ssyncadd.s32 $0xFFFFF000  }
0x25b: {  	s7 =	rddreg [dreg:$0xb]  }
0x25c: {  	s12 =	rddreg [dreg:$0xf];
	[bflag:$0x0] =	sbarrier.arrive $0xFFFF  }
0x25d: {  	s30 =	stileid.u32;
	s7 =	sadd.s32 s12, s7;
	s13 =	rddreg [dreg:$0x4]  }
0x25e: {  	s12 =	sshll.u32 s30, $0x6;
	s31 =	rddreg [dreg:$0x7];
	s7 =	sshll.u32 s7, $0x4  }
0x25f: {  	s12 =	sor.u32 $0x1C03, s12;
	s7 =	sadd.s32 s13, s7;
	s13 =	sshrl.u32 s31, $0x3  }
0x260: {  	[hbm:s7], [sflag:s12] =	dma.local [spmem:s13], $0x500  }
0x261: {  	_ =	swait.ge [sflag:s21], $0x500  }
0x262: {  	s18 =	rddreg [dreg:$0xe]  }
0x263: {  	s18 =	sadd.s32 $0x1, s18  }
0x264: {  	p0 =	sne.s32 s18, $0x8  }
.Ltmp11:
0x265: {  	_ = 	snop;
	(pc) =	sbr.rel @p0 .LBB2_13-.Ltmp11, $4  }
0x266: {  	[sflag:s21] =	ssyncset.done $0x0  }
0x267: {  	[sflag:s21] =	ssyncadd.s32 $0xFFFFFB00  }
0x268: {  	[bflag:$0x0] =	sbarrier.arrive $0xFFFF  }
0x269: {  	s13 =	simm.s32 $0x1B400  }
0x26a: {  	s12 =	rddreg [dreg:$0xd]  }
0x26b: {  	s7 =	rddreg [dreg:$0xc];
	s12 =	sadd.s32 $0x1, s12  }
0x26c: {  	p0 =	sne.s32 s12, s7  }
.Ltmp12:
0x26d: {  	_ = 	snop;
	(pc) =	sbr.rel @p0 .LBB2_1-.Ltmp12, $1  }
0x26e: {  	_ =	sdelay $0x3  }
0x26f: {  	_ =	sfence.sel $0x180000  }
0x270: {  	[bflag:$0x0] =	sbarrier.arrive $0xFFFF  }
0x271: {  	_ =	strace $0x90000047  }
0x272: {  	s0 =	stileid.u32;
	[bflag:$0x2] =	sbarrier.arrive $0xFFFF  }
0x273: {  	p0 =	sne.s32 s0, $0x0;
	s0 =	rddreg [dreg:$0x3]  }
0x274: {  	s0 =	sadd.s32 @!p0 $0x100000, s0  }
0x275: {  	[sflag:s0] =	ssyncadd.tile.s32 @!p0 $0x1;
	_ =	shalt  }
.Lfunc_end2:
_tile_overlayer_lowered:
.L_overlay_start_2:
0x276: {  	(tag) =	ssettag $0x2  }
0x277: {  	s0 =	rddreg [dreg:$0x0];
	s2 =	stileid.u32  }
0x278: {  	s1 =	rddreg [dreg:$0x1];
	p0 =	sne.s32 s2, $0x0  }
0x279: {  	s3 =	rddreg [dreg:$0x2];
	[bflag:$0x3] =	sbarrier.arrive $0xFFFF;
	s2 =	simm.s32 @!p0 $0x1C03  }
0x27a: {  	[timem:s3], [sflag:s2] =	dma.local @!p0 [hbm:s0], s1  }
0x27b: {  	s0 =	simm.s32 @!p0 $0x3  }
0x27c: {  	_ =	swait.ge @!p0 [sflag:s0], s1  }
0x27d: {  	s1 =	ssub.s32 @!p0 $0x0, s1;
	[sflag:s0] =	ssyncset.done @!p0 $0x0  }
0x27e: {  	[sflag:s0] =	ssyncadd.s32 @!p0 s1  }
0x27f: {  	[bflag:$0x3] =	sbarrier.arrive $0xFFFF  }
0x280: {  	_ =	shalt  }

</sc_bundles>
